<compile_context>
chip_gen: v7x
topology: tpu7x:2x2x1
jax: 0.10.2.dev20260603
libtpu: 0.0.44.dev20260713+nightly
codegen_flags: <defaults>
</compile_context>

<pallas_src>
import functools

import jax
import jax.numpy as jnp
from jax import lax
from jax.experimental import pallas as pl
from jax.experimental.pallas import tpu as pltpu
from jax.experimental.pallas import tpu_sc as plsc

NCORE = 2
NSUB = 16
NWORK = NCORE * NSUB


def _mesh():
    return plsc.VectorSubcoreMesh(core_axis_name="c", subcore_axis_name="s")


def _make_deg(NP, E):
    EW = E // NWORK
    K = 2000
    G = EW // K
    RPS = NP // NSUB

    @functools.partial(
        pl.kernel,
        out_type=(jax.ShapeDtypeStruct((NP,), jnp.float32),
                  jax.ShapeDtypeStruct((NP,), jnp.float32)),
        mesh=_mesh(),
        scratch_types=[
            pltpu.VMEM((K,), jnp.int32),
            pltpu.VMEM((K,), jnp.float32),
            pltpu.VMEM_SHARED((NP,), jnp.float32),
        ],
    )
    def deg_kernel(dst_hbm, out0_hbm, out1_hbm, idx_v, ones_v, acc):
        c = lax.axis_index("c")
        s = lax.axis_index("s")
        wid = c * NSUB + s
        one16 = jnp.ones((16,), jnp.float32)
        z16 = jnp.zeros((16,), jnp.float32)

        def fill(i, carry):
            ones_v[pl.ds(i * 16, 16)] = jnp.where(i * 16 < RPS, z16, one16)
            return carry

        lax.fori_loop(0, K // 16, fill, 0)
        pltpu.sync_copy(ones_v.at[pl.ds(0, RPS)], acc.at[pl.ds(s * RPS, RPS)])
        plsc.subcore_barrier()

        def refill(i, carry):
            ones_v[pl.ds(i * 16, 16)] = one16
            return carry

        lax.fori_loop(0, RPS // 16, refill, 0)

        base = wid * EW

        def body(g, carry):
            pltpu.sync_copy(dst_hbm.at[pl.ds(base + g * K, K)], idx_v)
            pltpu.sync_copy(ones_v, acc.at[idx_v], add=True)
            return carry

        lax.fori_loop(0, G, body, 0)
        plsc.subcore_barrier()

        @pl.when(c == 0)
        def _():
            pltpu.sync_copy(acc.at[pl.ds(s * RPS, RPS)],
                            out0_hbm.at[pl.ds(s * RPS, RPS)])

        @pl.when(c == 1)
        def _():
            pltpu.sync_copy(acc.at[pl.ds(s * RPS, RPS)],
                            out1_hbm.at[pl.ds(s * RPS, RPS)])

    return deg_kernel


def _make_edge(NP, E, D, K, tc_tiling=True):
    EW = E // NWORK
    G = EW // K
    T = EW - G * K
    GS = ((G - 2) // 4) * 4
    RPS = NP // NSUB
    RC = RPS // 5
    DW = D // 16

    @functools.partial(
        pl.kernel,
        out_type=jax.ShapeDtypeStruct((NCORE, NP, D), jnp.float32),
        mesh=_mesh(),
        compiler_params=None if tc_tiling else pltpu.CompilerParams(
            use_tc_tiling_on_sc=False),
        scratch_types=[
            pltpu.VMEM((2, K), jnp.int32),
            pltpu.VMEM((2, K), jnp.int32),
            pltpu.VMEM((2, K), jnp.int32),
            pltpu.VMEM((2, K), jnp.int32),
            pltpu.VMEM((K, D), jnp.float32),
            pltpu.VMEM((K, D), jnp.float32),
            pltpu.SemaphoreType.DMA,
            pltpu.SemaphoreType.DMA,
            pltpu.SemaphoreType.DMA,
            pltpu.SemaphoreType.DMA,
            pltpu.SemaphoreType.DMA,
            pltpu.SemaphoreType.DMA,
            pltpu.VMEM((T if T > 0 else 16,), jnp.int32),
            pltpu.VMEM((T if T > 0 else 16,), jnp.int32),
            pltpu.VMEM_SHARED((NP, D), jnp.float32),
        ],
    )
    def edge_kernel(e3_hbm, tails_hbm, xs_hbm, out_hbm, eb0, eb1, eb2, eb3,
                    rows0, rows1, semg0, semg1, semi0, semi1, semi2, semi3,
                    tsrc, tdst, acc):
        c = lax.axis_index("c")
        s = lax.axis_index("s")
        wid = c * NSUB + s
        z16 = jnp.zeros((16,), jnp.float32)
        ebuf = (eb0, eb1, eb2, eb3)
        semi = (semi0, semi1, semi2, semi3)
        rows = (rows0, rows1)
        semg = (semg0, semg1)

        cbase = wid * G

        def idx_start(g, ib):
            pltpu.async_copy(e3_hbm.at[cbase + g], ebuf[ib], semi[ib])

        def idx_wait(g, ib):
            pltpu.make_async_copy(e3_hbm.at[cbase + g], ebuf[ib],
                                  semi[ib]).wait()

        def gat_start(g, ib, b):
            pltpu.async_copy(xs_hbm.at[ebuf[ib].at[0]], rows[b], semg[b])

        def gat_wait(g, ib, b):
            pltpu.make_async_copy(xs_hbm.at[ebuf[ib].at[0]], rows[b],
                                  semg[b]).wait()

        for g in range(4):
            idx_start(g, g)

        def zrow(i, carry):
            for j in range(DW):
                rows1[i, pl.ds(j * 16, 16)] = z16
            return carry

        lax.fori_loop(0, RC, zrow, 0)
        idx_wait(0, 0)
        gat_start(0, 0, 0)
        for t in range(5):
            pltpu.sync_copy(rows1.at[pl.ds(0, RC)],
                            acc.at[pl.ds(s * RPS + t * RC, RC)])
        plsc.subcore_barrier()
        idx_wait(1, 1)
        gat_start(1, 1, 1)

        def body(t, carry):
            for j in range(4):
                g = 4 * t + j
                b = j % 2
                ib = j % 4
                gat_wait(g, ib, b)
                pltpu.sync_copy(rows[b], acc.at[ebuf[ib].at[1]], add=True)

                @pl.when(g + 4 < G)
                def _():
                    idx_start(g + 4, ib)

                idx_wait(g + 2, (j + 2) % 4)
                gat_start(g + 2, (j + 2) % 4, b)
            return carry

        lax.fori_loop(0, GS // 4, body, 0)

        for g in range(GS, G):
            j = g % 4
            b = j % 2
            ib = j % 4
            gat_wait(g, ib, b)
            pltpu.sync_copy(rows[b], acc.at[ebuf[ib].at[1]], add=True)
            if g + 2 < G:
                idx_wait(g + 2, (j + 2) % 4)
                gat_start(g + 2, (j + 2) % 4, b)

        if T > 0:
            pltpu.sync_copy(tails_hbm.at[wid, 0], tsrc)
            pltpu.sync_copy(tails_hbm.at[wid, 1], tdst)
            pltpu.async_copy(xs_hbm.at[tsrc], rows0.at[pl.ds(0, T)],
                             semg0).wait()
            pltpu.sync_copy(rows0.at[pl.ds(0, T)], acc.at[tdst], add=True)
        plsc.subcore_barrier()
        for t in range(5):
            r0 = s * RPS + t * RC
            pltpu.sync_copy(acc.at[pl.ds(r0, RC)], out_hbm.at[c, pl.ds(r0, RC)])

    return edge_kernel


def _tc_prescale(x, dp0, dp1):
    N, Din = x.shape

    def body(x_ref, dp0_ref, dp1_ref, xs_ref, dis_ref):
        d = 1.0 + dp0_ref[:N, :] + dp1_ref[:N, :]
        dis = lax.rsqrt(d)
        dis_ref[...] = dis
        xs_ref[...] = x_ref[...] * dis

    return pl.pallas_call(
        body,
        out_shape=(jax.ShapeDtypeStruct((N, Din), jnp.float32),
                   jax.ShapeDtypeStruct((N, 1), jnp.float32)),
    )(x, dp0, dp1)


def _tc_layer(segp, xs, dis, W, b, g, be, W_next):
    N, D = xs.shape
    Dout = W_next.shape[1] if W_next is not None else W.shape[1]

    def body(*refs):
        if W_next is None:
            segp_ref, xs_ref, dis_ref, W_ref, b_ref, g_ref, be_ref, out_ref = refs
        else:
            segp_ref, xs_ref, dis_ref, W_ref, b_ref, g_ref, be_ref, Wn_ref, out_ref = refs
        dis_v = dis_ref[...]
        agg = (segp_ref[0, :N, :] + segp_ref[1, :N, :] + xs_ref[...]) * dis_v
        h = jnp.dot(agg, W_ref[...], preferred_element_type=jnp.float32) + b_ref[...]
        mu = jnp.mean(h, axis=0, keepdims=True)
        cen = h - mu
        var = jnp.mean(cen * cen, axis=0, keepdims=True)
        r = jnp.maximum(cen * lax.rsqrt(var + 1e-5) * g_ref[...] + be_ref[...], 0.0)
        if W_next is not None:
            r = jnp.dot(r, Wn_ref[...], preferred_element_type=jnp.float32)
        out_ref[...] = r * dis_v

    args = (segp, xs, dis, W, b, g, be) + (() if W_next is None else (W_next,))
    return pl.pallas_call(
        body,
        out_shape=jax.ShapeDtypeStruct((N, Dout), jnp.float32),
    )(*args)


def _tc_final(segp, zs, dis, b3p, D_OUT):
    N, Dp = zs.shape

    def body(segp_ref, zs_ref, dis_ref, b3_ref, out_ref):
        agg = (segp_ref[0, :N, :] + segp_ref[1, :N, :] + zs_ref[...]) * dis_ref[...] \
              + b3_ref[...]
        col = lax.broadcasted_iota(jnp.int32, agg.shape, 1)
        valid = col < D_OUT
        hm = jnp.where(valid, agg, -1e30)
        m = jnp.max(hm, axis=-1, keepdims=True)
        e = jnp.where(valid, jnp.exp(agg - m), 0.0)
        lse = jnp.log(jnp.sum(e, axis=-1, keepdims=True)) + m
        out_ref[...] = (agg - lse)[:, :D_OUT]

    return pl.pallas_call(
        body,
        out_shape=jax.ShapeDtypeStruct((N, D_OUT), jnp.float32),
    )(segp, zs, dis, b3p)


def kernel(x, edge_index, W1, b1, g1, be1, W2, b2, g2, be2, W3, b3):
    N, D = x.shape
    E = edge_index.shape[1]
    D_OUT = W3.shape[1]
    DP = 64
    NP = 10240

    src = edge_index[0]
    dst = edge_index[1]

    K = 128
    EW = E // NWORK
    G = EW // K
    T = EW - G * K
    ei_w = edge_index.reshape(2, NWORK, EW)
    main = ei_w[:, :, :G * K].reshape(2, NWORK * G, K).transpose(1, 0, 2)
    tails = ei_w[:, :, G * K:].transpose(1, 0, 2)
    K3 = 256
    G3 = EW // K3
    main3 = ei_w[:, :, :G3 * K3].reshape(2, NWORK * G3, K3).transpose(1, 0, 2)

    deg_call = _make_deg(NP, E)
    edge128 = _make_edge(NP, E, D, K)
    edge64 = _make_edge(NP, E, DP, K3, tc_tiling=False)

    dp0, dp1 = deg_call(dst)
    xs1, dis = _tc_prescale(x, dp0.reshape(NP, 1), dp1.reshape(NP, 1))
    seg1 = edge128(main, tails, xs1)
    xs2 = _tc_layer(seg1, xs1, dis, W1, b1, g1, be1, None)
    seg2 = edge128(main, tails, xs2)
    W3p = jnp.pad(W3, ((0, 0), (0, DP - D_OUT)))
    zs = _tc_layer(seg2, xs2, dis, W2, b2, g2, be2, W3p)
    seg3 = edge64(main3, tails, zs)
    b3p = jnp.pad(b3, (0, DP - D_OUT))
    return _tc_final(seg3, zs, dis, b3p, D_OUT)

# --- scband reference (transcript-rebuilt; emitter-appended) ---
"""Pipeline reference for scband-gnn-36318243455158 (READ-ONLY COPY).

The authoritative reference and input builder live on the scoring server;
editing this copy changes nothing except your own understanding.
"""

import jax, jax.numpy as jnp
import numpy as np

N = 10000
E = 320000
D_IN = 128
D_HID = 128
D_OUT = 40


def setup_inputs(seed: int = 0) -> dict:
    key = jax.random.key(seed)
    ks = jax.random.split(key, 12)
    x = jax.random.normal(ks[0], (N, D_IN), dtype=jnp.float32)
    edge_index = jax.random.randint(ks[1], (2, E), 0, N, dtype=jnp.int32)
    s_in = 1.0 / np.sqrt(D_IN)
    s_hid = 1.0 / np.sqrt(D_HID)
    W1 = jax.random.normal(ks[2], (D_IN, D_HID), dtype=jnp.float32) * s_in
    b1 = jnp.zeros((D_HID,), dtype=jnp.float32)
    g1 = jnp.ones((D_HID,), dtype=jnp.float32)
    be1 = jnp.zeros((D_HID,), dtype=jnp.float32)
    W2 = jax.random.normal(ks[3], (D_HID, D_HID), dtype=jnp.float32) * s_hid
    b2 = jnp.zeros((D_HID,), dtype=jnp.float32)
    g2 = jnp.ones((D_HID,), dtype=jnp.float32)
    be2 = jnp.zeros((D_HID,), dtype=jnp.float32)
    W3 = jax.random.normal(ks[4], (D_HID, D_OUT), dtype=jnp.float32) * s_hid
    b3 = jnp.zeros((D_OUT,), dtype=jnp.float32)
    return {"x": x, "edge_index": edge_index, "W1": W1, "b1": b1, "g1": g1, "be1": be1,
            "W2": W2, "b2": b2, "g2": g2, "be2": be2, "W3": W3, "b3": b3}


def gcn_layer(x, edge_index, W, b):
    # GCNConv-style symmetric-normalized message passing with implicit self-loops
    src = edge_index[0]
    dst = edge_index[1]
    n = x.shape[0]
    deg = jnp.ones((n,), dtype=jnp.float32).at[dst].add(jnp.ones((src.shape[0],), dtype=jnp.float32))
    dis = jax.lax.rsqrt(deg)
    norm = dis[src] * dis[dst]
    msg = x[src] * norm[:, None]
    agg = jnp.zeros_like(x).at[dst].add(msg)
    agg = agg + x * (dis * dis)[:, None]  # self-loop term
    return agg @ W + b


def batchnorm(h, g, b, eps=1e-5):
    mu = h.mean(axis=0)
    var = h.var(axis=0)
    return (h - mu) * jax.lax.rsqrt(var + eps) * g + b


def reference(x, edge_index, W1, b1, g1, be1, W2, b2, g2, be2, W3, b3):
    h = gcn_layer(x, edge_index, W1, b1)
    h = jax.nn.relu(batchnorm(h, g1, be1))
    # dropout is identity at inference (training=False)
    h = gcn_layer(h, edge_index, W2, b2)
    h = jax.nn.relu(batchnorm(h, g2, be2))
    h = gcn_layer(h, edge_index, W3, b3)
    return jax.nn.log_softmax(h, axis=-1)

if __name__ == "__main__":
    import jax
    _d = setup_inputs()
    print(jax.jit(kernel)(*tuple(_d.values())))

</pallas_src>

<mosaic_0001>
#map = affine_map<(d0, d1) -> (0, 0, 0)>
#map1 = affine_map<(d0, d1) -> (0, 0)>
module attributes {stable_mosaic.version = 14 : i64} {
  func.func @edge_kernel(%arg0: i32, %arg1: i32, %arg2: memref<2496x2x128xi32, #tpu.memory_space<hbm>>, %arg3: memref<32x2x16xi32, #tpu.memory_space<hbm>>, %arg4: memref<10000x128xf32, #tpu.memory_space<hbm>>, %arg5: memref<2x10240x128xf32, #tpu.memory_space<hbm>>, %arg6: memref<2x128xi32, #tpu.memory_space<vmem>>, %arg7: memref<2x128xi32, #tpu.memory_space<vmem>>, %arg8: memref<2x128xi32, #tpu.memory_space<vmem>>, %arg9: memref<2x128xi32, #tpu.memory_space<vmem>>, %arg10: memref<128x128xf32, #tpu.memory_space<vmem>>, %arg11: memref<128x128xf32, #tpu.memory_space<vmem>>, %arg12: memref<!tpu.dma_semaphore, #tpu.memory_space<semaphore_mem>>, %arg13: memref<!tpu.dma_semaphore, #tpu.memory_space<semaphore_mem>>, %arg14: memref<!tpu.dma_semaphore, #tpu.memory_space<semaphore_mem>>, %arg15: memref<!tpu.dma_semaphore, #tpu.memory_space<semaphore_mem>>, %arg16: memref<!tpu.dma_semaphore, #tpu.memory_space<semaphore_mem>>, %arg17: memref<!tpu.dma_semaphore, #tpu.memory_space<semaphore_mem>>, %arg18: memref<16xi32, #tpu.memory_space<vmem>>, %arg19: memref<16xi32, #tpu.memory_space<vmem>>, %arg20: memref<10240x128xf32, #tpu.memory_space<vmem_shared>>) attributes {dimension_semantics = [#tpu.dimension_semantics<core_parallel>, #tpu.dimension_semantics<subcore_parallel>], iteration_bounds = array<i64: 2, 16>, scalar_prefetch = 0 : i64, scratch_operands = 15 : i64, tpu.core_type = #tpu.core_type<sc_vector_subcore>, window_params = [{transform_indices = #map}, {transform_indices = #map}, {transform_indices = #map1}, {transform_indices = #map}]} {
    %mul3A = arith.constant 16 : i32
    %mul3A_0 = arith.muli %arg0, %mul3A : i32
    %add3A = arith.addi %mul3A_0, %arg1 : i32
    %broadcast_in_dim3A = arith.constant 0.000000e+00 : f32
    %broadcast_in_dim3A_1 = vector.broadcast %broadcast_in_dim3A : f32 to vector<16xf32>
    %mul3A_2 = arith.constant 78 : i32
    %mul3A_3 = arith.muli %add3A, %mul3A_2 : i32
    %add3A_4 = arith.constant 0 : i32
    %add3A_5 = arith.addi %mul3A_3, %add3A_4 : i32
    %dma_start3A = arith.constant 0 : i32
    %dma_start3A_6 = arith.constant 0 : i32
    %dma_start3A_7 = tpu.memref_slice %arg2[%add3A_5, %dma_start3A, %dma_start3A_6] : memref<2496x2x128xi32, #tpu.memory_space<hbm>> -> memref<1x2x128xi32, #tpu.memory_space<hbm>>
    %dma_start3A_8 = tpu.memref_squeeze %dma_start3A_7 : memref<1x2x128xi32, #tpu.memory_space<hbm>> -> memref<2x128xi32, #tpu.memory_space<hbm>>
    %dma_start3A_9 = arith.constant 0 : i32
    %dma_start3A_10 = arith.constant 0 : i32
    %dma_start3A_11 = tpu.memref_slice %arg2[%add3A_5, %dma_start3A_9, %dma_start3A_10] : memref<2496x2x128xi32, #tpu.memory_space<hbm>> -> memref<1x2x128xi32, #tpu.memory_space<hbm>>
    %dma_start3A_12 = tpu.memref_squeeze %dma_start3A_11 : memref<1x2x128xi32, #tpu.memory_space<hbm>> -> memref<2x128xi32, #tpu.memory_space<hbm>>
    tpu.enqueue_dma source(%dma_start3A_12 : memref<2x128xi32, #tpu.memory_space<hbm>>) target(%arg6 : memref<2x128xi32, #tpu.memory_space<vmem>>) target_semaphore(%arg14 : memref<!tpu.dma_semaphore, #tpu.memory_space<semaphore_mem>>)
    %add3A_13 = arith.constant 1 : i32
    %add3A_14 = arith.addi %mul3A_3, %add3A_13 : i32
    %dma_start3A_15 = arith.constant 0 : i32
    %dma_start3A_16 = arith.constant 0 : i32
    %dma_start3A_17 = tpu.memref_slice %arg2[%add3A_14, %dma_start3A_15, %dma_start3A_16] : memref<2496x2x128xi32, #tpu.memory_space<hbm>> -> memref<1x2x128xi32, #tpu.memory_space<hbm>>
    %dma_start3A_18 = tpu.memref_squeeze %dma_start3A_17 : memref<1x2x128xi32, #tpu.memory_space<hbm>> -> memref<2x128xi32, #tpu.memory_space<hbm>>
    %dma_start3A_19 = arith.constant 0 : i32
    %dma_start3A_20 = arith.constant 0 : i32
    %dma_start3A_21 = tpu.memref_slice %arg2[%add3A_14, %dma_start3A_19, %dma_start3A_20] : memref<2496x2x128xi32, #tpu.memory_space<hbm>> -> memref<1x2x128xi32, #tpu.memory_space<hbm>>
    %dma_start3A_22 = tpu.memref_squeeze %dma_start3A_21 : memref<1x2x128xi32, #tpu.memory_space<hbm>> -> memref<2x128xi32, #tpu.memory_space<hbm>>
    tpu.enqueue_dma source(%dma_start3A_22 : memref<2x128xi32, #tpu.memory_space<hbm>>) target(%arg7 : memref<2x128xi32, #tpu.memory_space<vmem>>) target_semaphore(%arg15 : memref<!tpu.dma_semaphore, #tpu.memory_space<semaphore_mem>>)
    %add3A_23 = arith.constant 2 : i32
    %add3A_24 = arith.addi %mul3A_3, %add3A_23 : i32
    %dma_start3A_25 = arith.constant 0 : i32
    %dma_start3A_26 = arith.constant 0 : i32
    %dma_start3A_27 = tpu.memref_slice %arg2[%add3A_24, %dma_start3A_25, %dma_start3A_26] : memref<2496x2x128xi32, #tpu.memory_space<hbm>> -> memref<1x2x128xi32, #tpu.memory_space<hbm>>
    %dma_start3A_28 = tpu.memref_squeeze %dma_start3A_27 : memref<1x2x128xi32, #tpu.memory_space<hbm>> -> memref<2x128xi32, #tpu.memory_space<hbm>>
    %dma_start3A_29 = arith.constant 0 : i32
    %dma_start3A_30 = arith.constant 0 : i32
    %dma_start3A_31 = tpu.memref_slice %arg2[%add3A_24, %dma_start3A_29, %dma_start3A_30] : memref<2496x2x128xi32, #tpu.memory_space<hbm>> -> memref<1x2x128xi32, #tpu.memory_space<hbm>>
    %dma_start3A_32 = tpu.memref_squeeze %dma_start3A_31 : memref<1x2x128xi32, #tpu.memory_space<hbm>> -> memref<2x128xi32, #tpu.memory_space<hbm>>
    tpu.enqueue_dma source(%dma_start3A_32 : memref<2x128xi32, #tpu.memory_space<hbm>>) target(%arg8 : memref<2x128xi32, #tpu.memory_space<vmem>>) target_semaphore(%arg16 : memref<!tpu.dma_semaphore, #tpu.memory_space<semaphore_mem>>)
    %add3A_33 = arith.constant 3 : i32
    %add3A_34 = arith.addi %mul3A_3, %add3A_33 : i32
    %dma_start3A_35 = arith.constant 0 : i32
    %dma_start3A_36 = arith.constant 0 : i32
    %dma_start3A_37 = tpu.memref_slice %arg2[%add3A_34, %dma_start3A_35, %dma_start3A_36] : memref<2496x2x128xi32, #tpu.memory_space<hbm>> -> memref<1x2x128xi32, #tpu.memory_space<hbm>>
    %dma_start3A_38 = tpu.memref_squeeze %dma_start3A_37 : memref<1x2x128xi32, #tpu.memory_space<hbm>> -> memref<2x128xi32, #tpu.memory_space<hbm>>
    %dma_start3A_39 = arith.constant 0 : i32
    %dma_start3A_40 = arith.constant 0 : i32
    %dma_start3A_41 = tpu.memref_slice %arg2[%add3A_34, %dma_start3A_39, %dma_start3A_40] : memref<2496x2x128xi32, #tpu.memory_space<hbm>> -> memref<1x2x128xi32, #tpu.memory_space<hbm>>
    %dma_start3A_42 = tpu.memref_squeeze %dma_start3A_41 : memref<1x2x128xi32, #tpu.memory_space<hbm>> -> memref<2x128xi32, #tpu.memory_space<hbm>>
    tpu.enqueue_dma source(%dma_start3A_42 : memref<2x128xi32, #tpu.memory_space<hbm>>) target(%arg9 : memref<2x128xi32, #tpu.memory_space<vmem>>) target_semaphore(%arg17 : memref<!tpu.dma_semaphore, #tpu.memory_space<semaphore_mem>>)
    %scan3A = arith.constant 0 : i32
    %scan3A_43 = arith.constant 0 : i32
    %scan3A_44 = arith.constant 128 : i32
    %scan3A_45 = arith.addi %scan3A_43, %scan3A_44 : i32
    %scan3A_46 = arith.constant 1 : i32
    scf.for %scan3A_157 = %scan3A_43 to %scan3A_45 step %scan3A_46  : i32 {
      %swap3A = arith.index_cast %scan3A_157 : i32 to index
      %swap3A_158 = arith.constant 0 : index
      %swap3A_159 = tpu.vector_load %arg11[%swap3A, %swap3A_158] {strides = array<i32>} : memref<128x128xf32, #tpu.memory_space<vmem>>, vector<1x16xf32>,
      %swap3A_160 = vector.shape_cast %swap3A_159 : vector<1x16xf32> to vector<16xf32>
      %swap3A_161 = vector.shape_cast %broadcast_in_dim3A_1 : vector<16xf32> to vector<1x16xf32>
      tpu.vector_store %arg11[%swap3A, %swap3A_158], %swap3A_161 {strides = array<i32>} : memref<128x128xf32, #tpu.memory_space<vmem>>, vector<1x16xf32>,
      %swap3A_162 = arith.index_cast %scan3A_157 : i32 to index
      %swap3A_163 = arith.constant 16 : index
      %swap3A_164 = tpu.vector_load %arg11[%swap3A_162, %swap3A_163] {strides = array<i32>} : memref<128x128xf32, #tpu.memory_space<vmem>>, vector<1x16xf32>,
      %swap3A_165 = vector.shape_cast %swap3A_164 : vector<1x16xf32> to vector<16xf32>
      %swap3A_166 = vector.shape_cast %broadcast_in_dim3A_1 : vector<16xf32> to vector<1x16xf32>
      tpu.vector_store %arg11[%swap3A_162, %swap3A_163], %swap3A_166 {strides = array<i32>} : memref<128x128xf32, #tpu.memory_space<vmem>>, vector<1x16xf32>,
      %swap3A_167 = arith.index_cast %scan3A_157 : i32 to index
      %swap3A_168 = arith.constant 32 : index
      %swap3A_169 = tpu.vector_load %arg11[%swap3A_167, %swap3A_168] {strides = array<i32>} : memref<128x128xf32, #tpu.memory_space<vmem>>, vector<1x16xf32>,
      %swap3A_170 = vector.shape_cast %swap3A_169 : vector<1x16xf32> to vector<16xf32>
      %swap3A_171 = vector.shape_cast %broadcast_in_dim3A_1 : vector<16xf32> to vector<1x16xf32>
      tpu.vector_store %arg11[%swap3A_167, %swap3A_168], %swap3A_171 {strides = array<i32>} : memref<128x128xf32, #tpu.memory_space<vmem>>, vector<1x16xf32>,
      %swap3A_172 = arith.index_cast %scan3A_157 : i32 to index
      %swap3A_173 = arith.constant 48 : index
      %swap3A_174 = tpu.vector_load %arg11[%swap3A_172, %swap3A_173] {strides = array<i32>} : memref<128x128xf32, #tpu.memory_space<vmem>>, vector<1x16xf32>,
      %swap3A_175 = vector.shape_cast %swap3A_174 : vector<1x16xf32> to vector<16xf32>
      %swap3A_176 = vector.shape_cast %broadcast_in_dim3A_1 : vector<16xf32> to vector<1x16xf32>
      tpu.vector_store %arg11[%swap3A_172, %swap3A_173], %swap3A_176 {strides = array<i32>} : memref<128x128xf32, #tpu.memory_space<vmem>>, vector<1x16xf32>,
      %swap3A_177 = arith.index_cast %scan3A_157 : i32 to index
      %swap3A_178 = arith.constant 64 : index
      %swap3A_179 = tpu.vector_load %arg11[%swap3A_177, %swap3A_178] {strides = array<i32>} : memref<128x128xf32, #tpu.memory_space<vmem>>, vector<1x16xf32>,
      %swap3A_180 = vector.shape_cast %swap3A_179 : vector<1x16xf32> to vector<16xf32>
      %swap3A_181 = vector.shape_cast %broadcast_in_dim3A_1 : vector<16xf32> to vector<1x16xf32>
      tpu.vector_store %arg11[%swap3A_177, %swap3A_178], %swap3A_181 {strides = array<i32>} : memref<128x128xf32, #tpu.memory_space<vmem>>, vector<1x16xf32>,
      %swap3A_182 = arith.index_cast %scan3A_157 : i32 to index
      %swap3A_183 = arith.constant 80 : index
      %swap3A_184 = tpu.vector_load %arg11[%swap3A_182, %swap3A_183] {strides = array<i32>} : memref<128x128xf32, #tpu.memory_space<vmem>>, vector<1x16xf32>,
      %swap3A_185 = vector.shape_cast %swap3A_184 : vector<1x16xf32> to vector<16xf32>
      %swap3A_186 = vector.shape_cast %broadcast_in_dim3A_1 : vector<16xf32> to vector<1x16xf32>
      tpu.vector_store %arg11[%swap3A_182, %swap3A_183], %swap3A_186 {strides = array<i32>} : memref<128x128xf32, #tpu.memory_space<vmem>>, vector<1x16xf32>,
      %swap3A_187 = arith.index_cast %scan3A_157 : i32 to index
      %swap3A_188 = arith.constant 96 : index
      %swap3A_189 = tpu.vector_load %arg11[%swap3A_187, %swap3A_188] {strides = array<i32>} : memref<128x128xf32, #tpu.memory_space<vmem>>, vector<1x16xf32>,
      %swap3A_190 = vector.shape_cast %swap3A_189 : vector<1x16xf32> to vector<16xf32>
      %swap3A_191 = vector.shape_cast %broadcast_in_dim3A_1 : vector<16xf32> to vector<1x16xf32>
      tpu.vector_store %arg11[%swap3A_187, %swap3A_188], %swap3A_191 {strides = array<i32>} : memref<128x128xf32, #tpu.memory_space<vmem>>, vector<1x16xf32>,
      %swap3A_192 = arith.index_cast %scan3A_157 : i32 to index
      %swap3A_193 = arith.constant 112 : index
      %swap3A_194 = tpu.vector_load %arg11[%swap3A_192, %swap3A_193] {strides = array<i32>} : memref<128x128xf32, #tpu.memory_space<vmem>>, vector<1x16xf32>,
      %swap3A_195 = vector.shape_cast %swap3A_194 : vector<1x16xf32> to vector<16xf32>
      %swap3A_196 = vector.shape_cast %broadcast_in_dim3A_1 : vector<16xf32> to vector<1x16xf32>
      tpu.vector_store %arg11[%swap3A_192, %swap3A_193], %swap3A_196 {strides = array<i32>} : memref<128x128xf32, #tpu.memory_space<vmem>>, vector<1x16xf32>,
    }
    %scan3A_47 = arith.constant 128 : i32
    %add3A_48 = arith.constant 0 : i32
    %add3A_49 = arith.addi %mul3A_3, %add3A_48 : i32
    %dma_wait3A = arith.constant 0 : i32
    %dma_wait3A_50 = arith.constant 0 : i32
    %dma_wait3A_51 = tpu.memref_slice %arg2[%add3A_49, %dma_wait3A, %dma_wait3A_50] : memref<2496x2x128xi32, #tpu.memory_space<hbm>> -> memref<1x2x128xi32, #tpu.memory_space<hbm>>
    %dma_wait3A_52 = tpu.memref_squeeze %dma_wait3A_51 : memref<1x2x128xi32, #tpu.memory_space<hbm>> -> memref<2x128xi32, #tpu.memory_space<hbm>>
    %dma_wait3A_53 = arith.constant 0 : i32
    %dma_wait3A_54 = arith.constant 0 : i32
    %dma_wait3A_55 = tpu.memref_slice %arg2[%add3A_49, %dma_wait3A_53, %dma_wait3A_54] : memref<2496x2x128xi32, #tpu.memory_space<hbm>> -> memref<1x2x128xi32, #tpu.memory_space<hbm>>
    %dma_wait3A_56 = tpu.memref_squeeze %dma_wait3A_55 : memref<1x2x128xi32, #tpu.memory_space<hbm>> -> memref<2x128xi32, #tpu.memory_space<hbm>>
    tpu.wait_dma2 semaphore(%arg14 : memref<!tpu.dma_semaphore, #tpu.memory_space<semaphore_mem>>) src(%dma_wait3A_56 : memref<2x128xi32, #tpu.memory_space<hbm>>) dst(%arg6 : memref<2x128xi32, #tpu.memory_space<vmem>>)
    %dma_start3A_57 = arith.constant 0 : i32
    %dma_start3A_58 = arith.constant 0 : i32
    %dma_start3A_59 = tpu.memref_slice %arg6[%dma_start3A_57, %dma_start3A_58] : memref<2x128xi32, #tpu.memory_space<vmem>> -> memref<1x128xi32, #tpu.memory_space<vmem>>
    %dma_start3A_60 = tpu.memref_squeeze %dma_start3A_59 : memref<1x128xi32, #tpu.memory_space<vmem>> -> memref<128xi32, #tpu.memory_space<vmem>>
    %dma_start3A_61 = arith.constant 0 : i32
    %dma_start3A_62 = arith.constant 0 : i32
    %dma_start3A_63 = tpu.memref_slice %arg4[%dma_start3A_61, %dma_start3A_62] : memref<10000x128xf32, #tpu.memory_space<hbm>> -> memref<10000x128xf32, #tpu.memory_space<hbm>>
    tpu.enqueue_indirect_dma source(%dma_start3A_63 : memref<10000x128xf32, #tpu.memory_space<hbm>>) target(%arg10 : memref<128x128xf32, #tpu.memory_space<vmem>>) offsets(%dma_start3A_60 : memref<128xi32, #tpu.memory_space<vmem>>) semaphore(%arg12 : memref<!tpu.dma_semaphore, #tpu.memory_space<semaphore_mem>>)
    %mul3A_64 = arith.constant 640 : i32
    %mul3A_65 = arith.muli %arg1, %mul3A_64 : i32
    %add3A_66 = arith.constant 0 : i32
    %add3A_67 = arith.addi %mul3A_65, %add3A_66 : i32
    "tpu.region"() ({
      %run_scoped3A_157 = tpu.sem_alloc : memref<!tpu.dma_semaphore, #tpu.memory_space<semaphore_mem>>
      %dma_start3A_158 = arith.constant 0 : i32
      %dma_start3A_159 = arith.constant 0 : i32
      %dma_start3A_160 = tpu.memref_slice %arg11[%dma_start3A_158, %dma_start3A_159] : memref<128x128xf32, #tpu.memory_space<vmem>> -> memref<128x128xf32, #tpu.memory_space<vmem>>
      %dma_start3A_161 = arith.constant 0 : i32
      %dma_start3A_162 = tpu.memref_slice %arg20[%add3A_67, %dma_start3A_161] : memref<10240x128xf32, #tpu.memory_space<vmem_shared>> -> memref<128x128xf32, #tpu.memory_space<vmem_shared>>
      %dma_start3A_163 = arith.constant 0 : i32
      %dma_start3A_164 = tpu.memref_slice %arg20[%add3A_67, %dma_start3A_163] : memref<10240x128xf32, #tpu.memory_space<vmem_shared>> -> memref<128x128xf32, #tpu.memory_space<vmem_shared>>
      %dma_start3A_165 = arith.constant 0 : i32
      %dma_start3A_166 = arith.constant 0 : i32
      %dma_start3A_167 = tpu.memref_slice %arg11[%dma_start3A_165, %dma_start3A_166] : memref<128x128xf32, #tpu.memory_space<vmem>> -> memref<128x128xf32, #tpu.memory_space<vmem>>
      tpu.enqueue_dma source(%dma_start3A_167 : memref<128x128xf32, #tpu.memory_space<vmem>>) target(%dma_start3A_164 : memref<128x128xf32, #tpu.memory_space<vmem_shared>>) target_semaphore(%run_scoped3A_157 : memref<!tpu.dma_semaphore, #tpu.memory_space<semaphore_mem>>)
      %dma_wait3A_168 = arith.constant 0 : i32
      %dma_wait3A_169 = arith.constant 0 : i32
      %dma_wait3A_170 = tpu.memref_slice %arg11[%dma_wait3A_168, %dma_wait3A_169] : memref<128x128xf32, #tpu.memory_space<vmem>> -> memref<128x128xf32, #tpu.memory_space<vmem>>
      %dma_wait3A_171 = arith.constant 0 : i32
      %dma_wait3A_172 = tpu.memref_slice %arg20[%add3A_67, %dma_wait3A_171] : memref<10240x128xf32, #tpu.memory_space<vmem_shared>> -> memref<128x128xf32, #tpu.memory_space<vmem_shared>>
      %dma_wait3A_173 = arith.constant 0 : i32
      %dma_wait3A_174 = tpu.memref_slice %arg20[%add3A_67, %dma_wait3A_173] : memref<10240x128xf32, #tpu.memory_space<vmem_shared>> -> memref<128x128xf32, #tpu.memory_space<vmem_shared>>
      %dma_wait3A_175 = arith.constant 0 : i32
      %dma_wait3A_176 = arith.constant 0 : i32
      %dma_wait3A_177 = tpu.memref_slice %arg11[%dma_wait3A_175, %dma_wait3A_176] : memref<128x128xf32, #tpu.memory_space<vmem>> -> memref<128x128xf32, #tpu.memory_space<vmem>>
      tpu.wait_dma2 semaphore(%run_scoped3A_157 : memref<!tpu.dma_semaphore, #tpu.memory_space<semaphore_mem>>) src(%dma_wait3A_177 : memref<128x128xf32, #tpu.memory_space<vmem>>) dst(%dma_wait3A_174 : memref<128x128xf32, #tpu.memory_space<vmem_shared>>)
      tpu.yield
    }) : () -> ()
    %mul3A_68 = arith.constant 640 : i32
    %mul3A_69 = arith.muli %arg1, %mul3A_68 : i32
    %add3A_70 = arith.constant 128 : i32
    %add3A_71 = arith.addi %mul3A_69, %add3A_70 : i32
    "tpu.region"() ({
      %run_scoped3A_157 = tpu.sem_alloc : memref<!tpu.dma_semaphore, #tpu.memory_space<semaphore_mem>>
      %dma_start3A_158 = arith.constant 0 : i32
      %dma_start3A_159 = arith.constant 0 : i32
      %dma_start3A_160 = tpu.memref_slice %arg11[%dma_start3A_158, %dma_start3A_159] : memref<128x128xf32, #tpu.memory_space<vmem>> -> memref<128x128xf32, #tpu.memory_space<vmem>>
      %dma_start3A_161 = arith.constant 0 : i32
      %dma_start3A_162 = tpu.memref_slice %arg20[%add3A_71, %dma_start3A_161] : memref<10240x128xf32, #tpu.memory_space<vmem_shared>> -> memref<128x128xf32, #tpu.memory_space<vmem_shared>>
      %dma_start3A_163 = arith.constant 0 : i32
      %dma_start3A_164 = tpu.memref_slice %arg20[%add3A_71, %dma_start3A_163] : memref<10240x128xf32, #tpu.memory_space<vmem_shared>> -> memref<128x128xf32, #tpu.memory_space<vmem_shared>>
      %dma_start3A_165 = arith.constant 0 : i32
      %dma_start3A_166 = arith.constant 0 : i32
      %dma_start3A_167 = tpu.memref_slice %arg11[%dma_start3A_165, %dma_start3A_166] : memref<128x128xf32, #tpu.memory_space<vmem>> -> memref<128x128xf32, #tpu.memory_space<vmem>>
      tpu.enqueue_dma source(%dma_start3A_167 : memref<128x128xf32, #tpu.memory_space<vmem>>) target(%dma_start3A_164 : memref<128x128xf32, #tpu.memory_space<vmem_shared>>) target_semaphore(%run_scoped3A_157 : memref<!tpu.dma_semaphore, #tpu.memory_space<semaphore_mem>>)
      %dma_wait3A_168 = arith.constant 0 : i32
      %dma_wait3A_169 = arith.constant 0 : i32
      %dma_wait3A_170 = tpu.memref_slice %arg11[%dma_wait3A_168, %dma_wait3A_169] : memref<128x128xf32, #tpu.memory_space<vmem>> -> memref<128x128xf32, #tpu.memory_space<vmem>>
      %dma_wait3A_171 = arith.constant 0 : i32
      %dma_wait3A_172 = tpu.memref_slice %arg20[%add3A_71, %dma_wait3A_171] : memref<10240x128xf32, #tpu.memory_space<vmem_shared>> -> memref<128x128xf32, #tpu.memory_space<vmem_shared>>
      %dma_wait3A_173 = arith.constant 0 : i32
      %dma_wait3A_174 = tpu.memref_slice %arg20[%add3A_71, %dma_wait3A_173] : memref<10240x128xf32, #tpu.memory_space<vmem_shared>> -> memref<128x128xf32, #tpu.memory_space<vmem_shared>>
      %dma_wait3A_175 = arith.constant 0 : i32
      %dma_wait3A_176 = arith.constant 0 : i32
      %dma_wait3A_177 = tpu.memref_slice %arg11[%dma_wait3A_175, %dma_wait3A_176] : memref<128x128xf32, #tpu.memory_space<vmem>> -> memref<128x128xf32, #tpu.memory_space<vmem>>
      tpu.wait_dma2 semaphore(%run_scoped3A_157 : memref<!tpu.dma_semaphore, #tpu.memory_space<semaphore_mem>>) src(%dma_wait3A_177 : memref<128x128xf32, #tpu.memory_space<vmem>>) dst(%dma_wait3A_174 : memref<128x128xf32, #tpu.memory_space<vmem_shared>>)
      tpu.yield
    }) : () -> ()
    %mul3A_72 = arith.constant 640 : i32
    %mul3A_73 = arith.muli %arg1, %mul3A_72 : i32
    %add3A_74 = arith.constant 256 : i32
    %add3A_75 = arith.addi %mul3A_73, %add3A_74 : i32
    "tpu.region"() ({
      %run_scoped3A_157 = tpu.sem_alloc : memref<!tpu.dma_semaphore, #tpu.memory_space<semaphore_mem>>
      %dma_start3A_158 = arith.constant 0 : i32
      %dma_start3A_159 = arith.constant 0 : i32
      %dma_start3A_160 = tpu.memref_slice %arg11[%dma_start3A_158, %dma_start3A_159] : memref<128x128xf32, #tpu.memory_space<vmem>> -> memref<128x128xf32, #tpu.memory_space<vmem>>
      %dma_start3A_161 = arith.constant 0 : i32
      %dma_start3A_162 = tpu.memref_slice %arg20[%add3A_75, %dma_start3A_161] : memref<10240x128xf32, #tpu.memory_space<vmem_shared>> -> memref<128x128xf32, #tpu.memory_space<vmem_shared>>
      %dma_start3A_163 = arith.constant 0 : i32
      %dma_start3A_164 = tpu.memref_slice %arg20[%add3A_75, %dma_start3A_163] : memref<10240x128xf32, #tpu.memory_space<vmem_shared>> -> memref<128x128xf32, #tpu.memory_space<vmem_shared>>
      %dma_start3A_165 = arith.constant 0 : i32
      %dma_start3A_166 = arith.constant 0 : i32
      %dma_start3A_167 = tpu.memref_slice %arg11[%dma_start3A_165, %dma_start3A_166] : memref<128x128xf32, #tpu.memory_space<vmem>> -> memref<128x128xf32, #tpu.memory_space<vmem>>
      tpu.enqueue_dma source(%dma_start3A_167 : memref<128x128xf32, #tpu.memory_space<vmem>>) target(%dma_start3A_164 : memref<128x128xf32, #tpu.memory_space<vmem_shared>>) target_semaphore(%run_scoped3A_157 : memref<!tpu.dma_semaphore, #tpu.memory_space<semaphore_mem>>)
      %dma_wait3A_168 = arith.constant 0 : i32
      %dma_wait3A_169 = arith.constant 0 : i32
      %dma_wait3A_170 = tpu.memref_slice %arg11[%dma_wait3A_168, %dma_wait3A_169] : memref<128x128xf32, #tpu.memory_space<vmem>> -> memref<128x128xf32, #tpu.memory_space<vmem>>
      %dma_wait3A_171 = arith.constant 0 : i32
      %dma_wait3A_172 = tpu.memref_slice %arg20[%add3A_75, %dma_wait3A_171] : memref<10240x128xf32, #tpu.memory_space<vmem_shared>> -> memref<128x128xf32, #tpu.memory_space<vmem_shared>>
      %dma_wait3A_173 = arith.constant 0 : i32
      %dma_wait3A_174 = tpu.memref_slice %arg20[%add3A_75, %dma_wait3A_173] : memref<10240x128xf32, #tpu.memory_space<vmem_shared>> -> memref<128x128xf32, #tpu.memory_space<vmem_shared>>
      %dma_wait3A_175 = arith.constant 0 : i32
      %dma_wait3A_176 = arith.constant 0 : i32
      %dma_wait3A_177 = tpu.memref_slice %arg11[%dma_wait3A_175, %dma_wait3A_176] : memref<128x128xf32, #tpu.memory_space<vmem>> -> memref<128x128xf32, #tpu.memory_space<vmem>>
      tpu.wait_dma2 semaphore(%run_scoped3A_157 : memref<!tpu.dma_semaphore, #tpu.memory_space<semaphore_mem>>) src(%dma_wait3A_177 : memref<128x128xf32, #tpu.memory_space<vmem>>) dst(%dma_wait3A_174 : memref<128x128xf32, #tpu.memory_space<vmem_shared>>)
      tpu.yield
    }) : () -> ()
    %mul3A_76 = arith.constant 640 : i32
    %mul3A_77 = arith.muli %arg1, %mul3A_76 : i32
    %add3A_78 = arith.constant 384 : i32
    %add3A_79 = arith.addi %mul3A_77, %add3A_78 : i32
    "tpu.region"() ({
      %run_scoped3A_157 = tpu.sem_alloc : memref<!tpu.dma_semaphore, #tpu.memory_space<semaphore_mem>>
      %dma_start3A_158 = arith.constant 0 : i32
      %dma_start3A_159 = arith.constant 0 : i32
      %dma_start3A_160 = tpu.memref_slice %arg11[%dma_start3A_158, %dma_start3A_159] : memref<128x128xf32, #tpu.memory_space<vmem>> -> memref<128x128xf32, #tpu.memory_space<vmem>>
      %dma_start3A_161 = arith.constant 0 : i32
      %dma_start3A_162 = tpu.memref_slice %arg20[%add3A_79, %dma_start3A_161] : memref<10240x128xf32, #tpu.memory_space<vmem_shared>> -> memref<128x128xf32, #tpu.memory_space<vmem_shared>>
      %dma_start3A_163 = arith.constant 0 : i32
      %dma_start3A_164 = tpu.memref_slice %arg20[%add3A_79, %dma_start3A_163] : memref<10240x128xf32, #tpu.memory_space<vmem_shared>> -> memref<128x128xf32, #tpu.memory_space<vmem_shared>>
      %dma_start3A_165 = arith.constant 0 : i32
      %dma_start3A_166 = arith.constant 0 : i32
      %dma_start3A_167 = tpu.memref_slice %arg11[%dma_start3A_165, %dma_start3A_166] : memref<128x128xf32, #tpu.memory_space<vmem>> -> memref<128x128xf32, #tpu.memory_space<vmem>>
      tpu.enqueue_dma source(%dma_start3A_167 : memref<128x128xf32, #tpu.memory_space<vmem>>) target(%dma_start3A_164 : memref<128x128xf32, #tpu.memory_space<vmem_shared>>) target_semaphore(%run_scoped3A_157 : memref<!tpu.dma_semaphore, #tpu.memory_space<semaphore_mem>>)
      %dma_wait3A_168 = arith.constant 0 : i32
      %dma_wait3A_169 = arith.constant 0 : i32
      %dma_wait3A_170 = tpu.memref_slice %arg11[%dma_wait3A_168, %dma_wait3A_169] : memref<128x128xf32, #tpu.memory_space<vmem>> -> memref<128x128xf32, #tpu.memory_space<vmem>>
      %dma_wait3A_171 = arith.constant 0 : i32
      %dma_wait3A_172 = tpu.memref_slice %arg20[%add3A_79, %dma_wait3A_171] : memref<10240x128xf32, #tpu.memory_space<vmem_shared>> -> memref<128x128xf32, #tpu.memory_space<vmem_shared>>
      %dma_wait3A_173 = arith.constant 0 : i32
      %dma_wait3A_174 = tpu.memref_slice %arg20[%add3A_79, %dma_wait3A_173] : memref<10240x128xf32, #tpu.memory_space<vmem_shared>> -> memref<128x128xf32, #tpu.memory_space<vmem_shared>>
      %dma_wait3A_175 = arith.constant 0 : i32
      %dma_wait3A_176 = arith.constant 0 : i32
      %dma_wait3A_177 = tpu.memref_slice %arg11[%dma_wait3A_175, %dma_wait3A_176] : memref<128x128xf32, #tpu.memory_space<vmem>> -> memref<128x128xf32, #tpu.memory_space<vmem>>
      tpu.wait_dma2 semaphore(%run_scoped3A_157 : memref<!tpu.dma_semaphore, #tpu.memory_space<semaphore_mem>>) src(%dma_wait3A_177 : memref<128x128xf32, #tpu.memory_space<vmem>>) dst(%dma_wait3A_174 : memref<128x128xf32, #tpu.memory_space<vmem_shared>>)
      tpu.yield
    }) : () -> ()
    %mul3A_80 = arith.constant 640 : i32
    %mul3A_81 = arith.muli %arg1, %mul3A_80 : i32
    %add3A_82 = arith.constant 512 : i32
    %add3A_83 = arith.addi %mul3A_81, %add3A_82 : i32
    "tpu.region"() ({
      %run_scoped3A_157 = tpu.sem_alloc : memref<!tpu.dma_semaphore, #tpu.memory_space<semaphore_mem>>
      %dma_start3A_158 = arith.constant 0 : i32
      %dma_start3A_159 = arith.constant 0 : i32
      %dma_start3A_160 = tpu.memref_slice %arg11[%dma_start3A_158, %dma_start3A_159] : memref<128x128xf32, #tpu.memory_space<vmem>> -> memref<128x128xf32, #tpu.memory_space<vmem>>
      %dma_start3A_161 = arith.constant 0 : i32
      %dma_start3A_162 = tpu.memref_slice %arg20[%add3A_83, %dma_start3A_161] : memref<10240x128xf32, #tpu.memory_space<vmem_shared>> -> memref<128x128xf32, #tpu.memory_space<vmem_shared>>
      %dma_start3A_163 = arith.constant 0 : i32
      %dma_start3A_164 = tpu.memref_slice %arg20[%add3A_83, %dma_start3A_163] : memref<10240x128xf32, #tpu.memory_space<vmem_shared>> -> memref<128x128xf32, #tpu.memory_space<vmem_shared>>
      %dma_start3A_165 = arith.constant 0 : i32
      %dma_start3A_166 = arith.constant 0 : i32
      %dma_start3A_167 = tpu.memref_slice %arg11[%dma_start3A_165, %dma_start3A_166] : memref<128x128xf32, #tpu.memory_space<vmem>> -> memref<128x128xf32, #tpu.memory_space<vmem>>
      tpu.enqueue_dma source(%dma_start3A_167 : memref<128x128xf32, #tpu.memory_space<vmem>>) target(%dma_start3A_164 : memref<128x128xf32, #tpu.memory_space<vmem_shared>>) target_semaphore(%run_scoped3A_157 : memref<!tpu.dma_semaphore, #tpu.memory_space<semaphore_mem>>)
      %dma_wait3A_168 = arith.constant 0 : i32
      %dma_wait3A_169 = arith.constant 0 : i32
      %dma_wait3A_170 = tpu.memref_slice %arg11[%dma_wait3A_168, %dma_wait3A_169] : memref<128x128xf32, #tpu.memory_space<vmem>> -> memref<128x128xf32, #tpu.memory_space<vmem>>
      %dma_wait3A_171 = arith.constant 0 : i32
      %dma_wait3A_172 = tpu.memref_slice %arg20[%add3A_83, %dma_wait3A_171] : memref<10240x128xf32, #tpu.memory_space<vmem_shared>> -> memref<128x128xf32, #tpu.memory_space<vmem_shared>>
      %dma_wait3A_173 = arith.constant 0 : i32
      %dma_wait3A_174 = tpu.memref_slice %arg20[%add3A_83, %dma_wait3A_173] : memref<10240x128xf32, #tpu.memory_space<vmem_shared>> -> memref<128x128xf32, #tpu.memory_space<vmem_shared>>
      %dma_wait3A_175 = arith.constant 0 : i32
      %dma_wait3A_176 = arith.constant 0 : i32
      %dma_wait3A_177 = tpu.memref_slice %arg11[%dma_wait3A_175, %dma_wait3A_176] : memref<128x128xf32, #tpu.memory_space<vmem>> -> memref<128x128xf32, #tpu.memory_space<vmem>>
      tpu.wait_dma2 semaphore(%run_scoped3A_157 : memref<!tpu.dma_semaphore, #tpu.memory_space<semaphore_mem>>) src(%dma_wait3A_177 : memref<128x128xf32, #tpu.memory_space<vmem>>) dst(%dma_wait3A_174 : memref<128x128xf32, #tpu.memory_space<vmem_shared>>)
      tpu.yield
    }) : () -> ()
    %barrier3A = arith.constant 0 : index
    tpu.barrier barrier_id(%barrier3A)
    %add3A_84 = arith.constant 1 : i32
    %add3A_85 = arith.addi %mul3A_3, %add3A_84 : i32
    %dma_wait3A_86 = arith.constant 0 : i32
    %dma_wait3A_87 = arith.constant 0 : i32
    %dma_wait3A_88 = tpu.memref_slice %arg2[%add3A_85, %dma_wait3A_86, %dma_wait3A_87] : memref<2496x2x128xi32, #tpu.memory_space<hbm>> -> memref<1x2x128xi32, #tpu.memory_space<hbm>>
    %dma_wait3A_89 = tpu.memref_squeeze %dma_wait3A_88 : memref<1x2x128xi32, #tpu.memory_space<hbm>> -> memref<2x128xi32, #tpu.memory_space<hbm>>
    %dma_wait3A_90 = arith.constant 0 : i32
    %dma_wait3A_91 = arith.constant 0 : i32
    %dma_wait3A_92 = tpu.memref_slice %arg2[%add3A_85, %dma_wait3A_90, %dma_wait3A_91] : memref<2496x2x128xi32, #tpu.memory_space<hbm>> -> memref<1x2x128xi32, #tpu.memory_space<hbm>>
    %dma_wait3A_93 = tpu.memref_squeeze %dma_wait3A_92 : memref<1x2x128xi32, #tpu.memory_space<hbm>> -> memref<2x128xi32, #tpu.memory_space<hbm>>
    tpu.wait_dma2 semaphore(%arg15 : memref<!tpu.dma_semaphore, #tpu.memory_space<semaphore_mem>>) src(%dma_wait3A_93 : memref<2x128xi32, #tpu.memory_space<hbm>>) dst(%arg7 : memref<2x128xi32, #tpu.memory_space<vmem>>)
    %dma_start3A_94 = arith.constant 0 : i32
    %dma_start3A_95 = arith.constant 0 : i32
    %dma_start3A_96 = tpu.memref_slice %arg7[%dma_start3A_94, %dma_start3A_95] : memref<2x128xi32, #tpu.memory_space<vmem>> -> memref<1x128xi32, #tpu.memory_space<vmem>>
    %dma_start3A_97 = tpu.memref_squeeze %dma_start3A_96 : memref<1x128xi32, #tpu.memory_space<vmem>> -> memref<128xi32, #tpu.memory_space<vmem>>
    %dma_start3A_98 = arith.constant 0 : i32
    %dma_start3A_99 = arith.constant 0 : i32
    %dma_start3A_100 = tpu.memref_slice %arg4[%dma_start3A_98, %dma_start3A_99] : memref<10000x128xf32, #tpu.memory_space<hbm>> -> memref<10000x128xf32, #tpu.memory_space<hbm>>
    tpu.enqueue_indirect_dma source(%dma_start3A_100 : memref<10000x128xf32, #tpu.memory_space<hbm>>) target(%arg11 : memref<128x128xf32, #tpu.memory_space<vmem>>) offsets(%dma_start3A_97 : memref<128xi32, #tpu.memory_space<vmem>>) semaphore(%arg13 : memref<!tpu.dma_semaphore, #tpu.memory_space<semaphore_mem>>)
    %scan3A_101 = arith.constant 0 : i32
    %scan3A_102 = arith.constant 0 : i32
    %scan3A_103 = arith.constant 19 : i32
    %scan3A_104 = arith.addi %scan3A_102, %scan3A_103 : i32
    %scan3A_105 = arith.constant 1 : i32
    scf.for %scan3A_157 = %scan3A_102 to %scan3A_104 step %scan3A_105  : i32 {
      %mul3A_158 = arith.constant 4 : i32
      %mul3A_159 = arith.muli %mul3A_158, %scan3A_157 : i32
      %add3A_160 = arith.constant 0 : i32
      %add3A_161 = arith.addi %mul3A_159, %add3A_160 : i32
      %dma_wait3A_162 = arith.constant 0 : i32
      %dma_wait3A_163 = arith.constant 0 : i32
      %dma_wait3A_164 = tpu.memref_slice %arg6[%dma_wait3A_162, %dma_wait3A_163] : memref<2x128xi32, #tpu.memory_space<vmem>> -> memref<1x128xi32, #tpu.memory_space<vmem>>
      %dma_wait3A_165 = tpu.memref_squeeze %dma_wait3A_164 : memref<1x128xi32, #tpu.memory_space<vmem>> -> memref<128xi32, #tpu.memory_space<vmem>>
      %dma_wait3A_166 = arith.constant 0 : i32
      %dma_wait3A_167 = arith.constant 0 : i32
      %dma_wait3A_168 = tpu.memref_slice %arg4[%dma_wait3A_166, %dma_wait3A_167] : memref<10000x128xf32, #tpu.memory_space<hbm>> -> memref<10000x128xf32, #tpu.memory_space<hbm>>
      tpu.wait_indirect_dma semaphore(%arg12 : memref<!tpu.dma_semaphore, #tpu.memory_space<semaphore_mem>>) src(%dma_wait3A_168 : memref<10000x128xf32, #tpu.memory_space<hbm>>) dst(%arg10 : memref<128x128xf32, #tpu.memory_space<vmem>>)
      %run_scoped3A_169 = arith.constant 1 : i32
      "tpu.region"() ({
        %run_scoped3A_311 = tpu.sem_alloc : memref<!tpu.dma_semaphore, #tpu.memory_space<semaphore_mem>>
        %dma_start3A_312 = arith.constant 0 : i32
        %dma_start3A_313 = tpu.memref_slice %arg6[%run_scoped3A_169, %dma_start3A_312] : memref<2x128xi32, #tpu.memory_space<vmem>> -> memref<1x128xi32, #tpu.memory_space<vmem>>
        %dma_start3A_314 = tpu.memref_squeeze %dma_start3A_313 : memref<1x128xi32, #tpu.memory_space<vmem>> -> memref<128xi32, #tpu.memory_space<vmem>>
        %dma_start3A_315 = arith.constant 0 : i32
        %dma_start3A_316 = arith.constant 0 : i32
        %dma_start3A_317 = tpu.memref_slice %arg20[%dma_start3A_315, %dma_start3A_316] : memref<10240x128xf32, #tpu.memory_space<vmem_shared>> -> memref<10240x128xf32, #tpu.memory_space<vmem_shared>>
        tpu.enqueue_indirect_dma source(%arg10 : memref<128x128xf32, #tpu.memory_space<vmem>>) target(%dma_start3A_317 : memref<10240x128xf32, #tpu.memory_space<vmem_shared>>) offsets(%dma_start3A_314 : memref<128xi32, #tpu.memory_space<vmem>>) semaphore(%run_scoped3A_311 : memref<!tpu.dma_semaphore, #tpu.memory_space<semaphore_mem>>) {add = true}
        %dma_wait3A_318 = arith.constant 0 : i32
        %dma_wait3A_319 = tpu.memref_slice %arg6[%run_scoped3A_169, %dma_wait3A_318] : memref<2x128xi32, #tpu.memory_space<vmem>> -> memref<1x128xi32, #tpu.memory_space<vmem>>
        %dma_wait3A_320 = tpu.memref_squeeze %dma_wait3A_319 : memref<1x128xi32, #tpu.memory_space<vmem>> -> memref<128xi32, #tpu.memory_space<vmem>>
        %dma_wait3A_321 = arith.constant 0 : i32
        %dma_wait3A_322 = arith.constant 0 : i32
        %dma_wait3A_323 = tpu.memref_slice %arg20[%dma_wait3A_321, %dma_wait3A_322] : memref<10240x128xf32, #tpu.memory_space<vmem_shared>> -> memref<10240x128xf32, #tpu.memory_space<vmem_shared>>
        tpu.wait_indirect_dma semaphore(%run_scoped3A_311 : memref<!tpu.dma_semaphore, #tpu.memory_space<semaphore_mem>>) src(%arg10 : memref<128x128xf32, #tpu.memory_space<vmem>>) dst(%dma_wait3A_323 : memref<10240x128xf32, #tpu.memory_space<vmem_shared>>)
        tpu.yield
      }) : () -> ()
      %add3A_170 = arith.constant 4 : i32
      %add3A_171 = arith.addi %add3A_161, %add3A_170 : i32
      %lt3A = arith.constant 78 : i32
      %lt3A_172 = arith.cmpi slt, %add3A_171, %lt3A : i32
      %convert_element_type3A = arith.extui %lt3A_172 : i1 to i32
      %cond3A = arith.constant 0 : i32
      %cond3A_173 = arith.cmpi ne, %convert_element_type3A, %cond3A : i32
      scf.if %cond3A_173 {
        %add3A_311 = arith.constant 4 : i32
        %add3A_312 = arith.addi %add3A_161, %add3A_311 : i32
        %add3A_313 = arith.addi %mul3A_3, %add3A_312 : i32
        %dma_start3A_314 = arith.constant 0 : i32
        %dma_start3A_315 = arith.constant 0 : i32
        %dma_start3A_316 = tpu.memref_slice %arg2[%add3A_313, %dma_start3A_314, %dma_start3A_315] : memref<2496x2x128xi32, #tpu.memory_space<hbm>> -> memref<1x2x128xi32, #tpu.memory_space<hbm>>
        %dma_start3A_317 = tpu.memref_squeeze %dma_start3A_316 : memref<1x2x128xi32, #tpu.memory_space<hbm>> -> memref<2x128xi32, #tpu.memory_space<hbm>>
        %dma_start3A_318 = arith.constant 0 : i32
        %dma_start3A_319 = arith.constant 0 : i32
        %dma_start3A_320 = tpu.memref_slice %arg2[%add3A_313, %dma_start3A_318, %dma_start3A_319] : memref<2496x2x128xi32, #tpu.memory_space<hbm>> -> memref<1x2x128xi32, #tpu.memory_space<hbm>>
        %dma_start3A_321 = tpu.memref_squeeze %dma_start3A_320 : memref<1x2x128xi32, #tpu.memory_space<hbm>> -> memref<2x128xi32, #tpu.memory_space<hbm>>
        tpu.enqueue_dma source(%dma_start3A_321 : memref<2x128xi32, #tpu.memory_space<hbm>>) target(%arg6 : memref<2x128xi32, #tpu.memory_space<vmem>>) target_semaphore(%arg14 : memref<!tpu.dma_semaphore, #tpu.memory_space<semaphore_mem>>)
      } else {
      }
      %add3A_174 = arith.constant 2 : i32
      %add3A_175 = arith.addi %add3A_161, %add3A_174 : i32
      %add3A_176 = arith.addi %mul3A_3, %add3A_175 : i32
      %dma_wait3A_177 = arith.constant 0 : i32
      %dma_wait3A_178 = arith.constant 0 : i32
      %dma_wait3A_179 = tpu.memref_slice %arg2[%add3A_176, %dma_wait3A_177, %dma_wait3A_178] : memref<2496x2x128xi32, #tpu.memory_space<hbm>> -> memref<1x2x128xi32, #tpu.memory_space<hbm>>
      %dma_wait3A_180 = tpu.memref_squeeze %dma_wait3A_179 : memref<1x2x128xi32, #tpu.memory_space<hbm>> -> memref<2x128xi32, #tpu.memory_space<hbm>>
      %dma_wait3A_181 = arith.constant 0 : i32
      %dma_wait3A_182 = arith.constant 0 : i32
      %dma_wait3A_183 = tpu.memref_slice %arg2[%add3A_176, %dma_wait3A_181, %dma_wait3A_182] : memref<2496x2x128xi32, #tpu.memory_space<hbm>> -> memref<1x2x128xi32, #tpu.memory_space<hbm>>
      %dma_wait3A_184 = tpu.memref_squeeze %dma_wait3A_183 : memref<1x2x128xi32, #tpu.memory_space<hbm>> -> memref<2x128xi32, #tpu.memory_space<hbm>>
      tpu.wait_dma2 semaphore(%arg16 : memref<!tpu.dma_semaphore, #tpu.memory_space<semaphore_mem>>) src(%dma_wait3A_184 : memref<2x128xi32, #tpu.memory_space<hbm>>) dst(%arg8 : memref<2x128xi32, #tpu.memory_space<vmem>>)
      %add3A_185 = arith.constant 2 : i32
      %add3A_186 = arith.addi %add3A_161, %add3A_185 : i32
      %dma_start3A_187 = arith.constant 0 : i32
      %dma_start3A_188 = arith.constant 0 : i32
      %dma_start3A_189 = tpu.memref_slice %arg8[%dma_start3A_187, %dma_start3A_188] : memref<2x128xi32, #tpu.memory_space<vmem>> -> memref<1x128xi32, #tpu.memory_space<vmem>>
      %dma_start3A_190 = tpu.memref_squeeze %dma_start3A_189 : memref<1x128xi32, #tpu.memory_space<vmem>> -> memref<128xi32, #tpu.memory_space<vmem>>
      %dma_start3A_191 = arith.constant 0 : i32
      %dma_start3A_192 = arith.constant 0 : i32
      %dma_start3A_193 = tpu.memref_slice %arg4[%dma_start3A_191, %dma_start3A_192] : memref<10000x128xf32, #tpu.memory_space<hbm>> -> memref<10000x128xf32, #tpu.memory_space<hbm>>
      tpu.enqueue_indirect_dma source(%dma_start3A_193 : memref<10000x128xf32, #tpu.memory_space<hbm>>) target(%arg10 : memref<128x128xf32, #tpu.memory_space<vmem>>) offsets(%dma_start3A_190 : memref<128xi32, #tpu.memory_space<vmem>>) semaphore(%arg12 : memref<!tpu.dma_semaphore, #tpu.memory_space<semaphore_mem>>)
      %mul3A_194 = arith.constant 4 : i32
      %mul3A_195 = arith.muli %mul3A_194, %scan3A_157 : i32
      %add3A_196 = arith.constant 1 : i32
      %add3A_197 = arith.addi %mul3A_195, %add3A_196 : i32
      %dma_wait3A_198 = arith.constant 0 : i32
      %dma_wait3A_199 = arith.constant 0 : i32
      %dma_wait3A_200 = tpu.memref_slice %arg7[%dma_wait3A_198, %dma_wait3A_199] : memref<2x128xi32, #tpu.memory_space<vmem>> -> memref<1x128xi32, #tpu.memory_space<vmem>>
      %dma_wait3A_201 = tpu.memref_squeeze %dma_wait3A_200 : memref<1x128xi32, #tpu.memory_space<vmem>> -> memref<128xi32, #tpu.memory_space<vmem>>
      %dma_wait3A_202 = arith.constant 0 : i32
      %dma_wait3A_203 = arith.constant 0 : i32
      %dma_wait3A_204 = tpu.memref_slice %arg4[%dma_wait3A_202, %dma_wait3A_203] : memref<10000x128xf32, #tpu.memory_space<hbm>> -> memref<10000x128xf32, #tpu.memory_space<hbm>>
      tpu.wait_indirect_dma semaphore(%arg13 : memref<!tpu.dma_semaphore, #tpu.memory_space<semaphore_mem>>) src(%dma_wait3A_204 : memref<10000x128xf32, #tpu.memory_space<hbm>>) dst(%arg11 : memref<128x128xf32, #tpu.memory_space<vmem>>)
      %run_scoped3A_205 = arith.constant 1 : i32
      "tpu.region"() ({
        %run_scoped3A_311 = tpu.sem_alloc : memref<!tpu.dma_semaphore, #tpu.memory_space<semaphore_mem>>
        %dma_start3A_312 = arith.constant 0 : i32
        %dma_start3A_313 = tpu.memref_slice %arg7[%run_scoped3A_205, %dma_start3A_312] : memref<2x128xi32, #tpu.memory_space<vmem>> -> memref<1x128xi32, #tpu.memory_space<vmem>>
        %dma_start3A_314 = tpu.memref_squeeze %dma_start3A_313 : memref<1x128xi32, #tpu.memory_space<vmem>> -> memref<128xi32, #tpu.memory_space<vmem>>
        %dma_start3A_315 = arith.constant 0 : i32
        %dma_start3A_316 = arith.constant 0 : i32
        %dma_start3A_317 = tpu.memref_slice %arg20[%dma_start3A_315, %dma_start3A_316] : memref<10240x128xf32, #tpu.memory_space<vmem_shared>> -> memref<10240x128xf32, #tpu.memory_space<vmem_shared>>
        tpu.enqueue_indirect_dma source(%arg11 : memref<128x128xf32, #tpu.memory_space<vmem>>) target(%dma_start3A_317 : memref<10240x128xf32, #tpu.memory_space<vmem_shared>>) offsets(%dma_start3A_314 : memref<128xi32, #tpu.memory_space<vmem>>) semaphore(%run_scoped3A_311 : memref<!tpu.dma_semaphore, #tpu.memory_space<semaphore_mem>>) {add = true}
        %dma_wait3A_318 = arith.constant 0 : i32
        %dma_wait3A_319 = tpu.memref_slice %arg7[%run_scoped3A_205, %dma_wait3A_318] : memref<2x128xi32, #tpu.memory_space<vmem>> -> memref<1x128xi32, #tpu.memory_space<vmem>>
        %dma_wait3A_320 = tpu.memref_squeeze %dma_wait3A_319 : memref<1x128xi32, #tpu.memory_space<vmem>> -> memref<128xi32, #tpu.memory_space<vmem>>
        %dma_wait3A_321 = arith.constant 0 : i32
        %dma_wait3A_322 = arith.constant 0 : i32
        %dma_wait3A_323 = tpu.memref_slice %arg20[%dma_wait3A_321, %dma_wait3A_322] : memref<10240x128xf32, #tpu.memory_space<vmem_shared>> -> memref<10240x128xf32, #tpu.memory_space<vmem_shared>>
        tpu.wait_indirect_dma semaphore(%run_scoped3A_311 : memref<!tpu.dma_semaphore, #tpu.memory_space<semaphore_mem>>) src(%arg11 : memref<128x128xf32, #tpu.memory_space<vmem>>) dst(%dma_wait3A_323 : memref<10240x128xf32, #tpu.memory_space<vmem_shared>>)
        tpu.yield
      }) : () -> ()
      %add3A_206 = arith.constant 4 : i32
      %add3A_207 = arith.addi %add3A_197, %add3A_206 : i32
      %lt3A_208 = arith.constant 78 : i32
      %lt3A_209 = arith.cmpi slt, %add3A_207, %lt3A_208 : i32
      %convert_element_type3A_210 = arith.extui %lt3A_209 : i1 to i32
      %cond3A_211 = arith.constant 0 : i32
      %cond3A_212 = arith.cmpi ne, %convert_element_type3A_210, %cond3A_211 : i32
      scf.if %cond3A_212 {
        %add3A_311 = arith.constant 4 : i32
        %add3A_312 = arith.addi %add3A_197, %add3A_311 : i32
        %add3A_313 = arith.addi %mul3A_3, %add3A_312 : i32
        %dma_start3A_314 = arith.constant 0 : i32
        %dma_start3A_315 = arith.constant 0 : i32
        %dma_start3A_316 = tpu.memref_slice %arg2[%add3A_313, %dma_start3A_314, %dma_start3A_315] : memref<2496x2x128xi32, #tpu.memory_space<hbm>> -> memref<1x2x128xi32, #tpu.memory_space<hbm>>
        %dma_start3A_317 = tpu.memref_squeeze %dma_start3A_316 : memref<1x2x128xi32, #tpu.memory_space<hbm>> -> memref<2x128xi32, #tpu.memory_space<hbm>>
        %dma_start3A_318 = arith.constant 0 : i32
        %dma_start3A_319 = arith.constant 0 : i32
        %dma_start3A_320 = tpu.memref_slice %arg2[%add3A_313, %dma_start3A_318, %dma_start3A_319] : memref<2496x2x128xi32, #tpu.memory_space<hbm>> -> memref<1x2x128xi32, #tpu.memory_space<hbm>>
        %dma_start3A_321 = tpu.memref_squeeze %dma_start3A_320 : memref<1x2x128xi32, #tpu.memory_space<hbm>> -> memref<2x128xi32, #tpu.memory_space<hbm>>
        tpu.enqueue_dma source(%dma_start3A_321 : memref<2x128xi32, #tpu.memory_space<hbm>>) target(%arg7 : memref<2x128xi32, #tpu.memory_space<vmem>>) target_semaphore(%arg15 : memref<!tpu.dma_semaphore, #tpu.memory_space<semaphore_mem>>)
      } else {
      }
      %add3A_213 = arith.constant 2 : i32
      %add3A_214 = arith.addi %add3A_197, %add3A_213 : i32
      %add3A_215 = arith.addi %mul3A_3, %add3A_214 : i32
      %dma_wait3A_216 = arith.constant 0 : i32
      %dma_wait3A_217 = arith.constant 0 : i32
      %dma_wait3A_218 = tpu.memref_slice %arg2[%add3A_215, %dma_wait3A_216, %dma_wait3A_217] : memref<2496x2x128xi32, #tpu.memory_space<hbm>> -> memref<1x2x128xi32, #tpu.memory_space<hbm>>
      %dma_wait3A_219 = tpu.memref_squeeze %dma_wait3A_218 : memref<1x2x128xi32, #tpu.memory_space<hbm>> -> memref<2x128xi32, #tpu.memory_space<hbm>>
      %dma_wait3A_220 = arith.constant 0 : i32
      %dma_wait3A_221 = arith.constant 0 : i32
      %dma_wait3A_222 = tpu.memref_slice %arg2[%add3A_215, %dma_wait3A_220, %dma_wait3A_221] : memref<2496x2x128xi32, #tpu.memory_space<hbm>> -> memref<1x2x128xi32, #tpu.memory_space<hbm>>
      %dma_wait3A_223 = tpu.memref_squeeze %dma_wait3A_222 : memref<1x2x128xi32, #tpu.memory_space<hbm>> -> memref<2x128xi32, #tpu.memory_space<hbm>>
      tpu.wait_dma2 semaphore(%arg17 : memref<!tpu.dma_semaphore, #tpu.memory_space<semaphore_mem>>) src(%dma_wait3A_223 : memref<2x128xi32, #tpu.memory_space<hbm>>) dst(%arg9 : memref<2x128xi32, #tpu.memory_space<vmem>>)
      %add3A_224 = arith.constant 2 : i32
      %add3A_225 = arith.addi %add3A_197, %add3A_224 : i32
      %dma_start3A_226 = arith.constant 0 : i32
      %dma_start3A_227 = arith.constant 0 : i32
      %dma_start3A_228 = tpu.memref_slice %arg9[%dma_start3A_226, %dma_start3A_227] : memref<2x128xi32, #tpu.memory_space<vmem>> -> memref<1x128xi32, #tpu.memory_space<vmem>>
      %dma_start3A_229 = tpu.memref_squeeze %dma_start3A_228 : memref<1x128xi32, #tpu.memory_space<vmem>> -> memref<128xi32, #tpu.memory_space<vmem>>
      %dma_start3A_230 = arith.constant 0 : i32
      %dma_start3A_231 = arith.constant 0 : i32
      %dma_start3A_232 = tpu.memref_slice %arg4[%dma_start3A_230, %dma_start3A_231] : memref<10000x128xf32, #tpu.memory_space<hbm>> -> memref<10000x128xf32, #tpu.memory_space<hbm>>
      tpu.enqueue_indirect_dma source(%dma_start3A_232 : memref<10000x128xf32, #tpu.memory_space<hbm>>) target(%arg11 : memref<128x128xf32, #tpu.memory_space<vmem>>) offsets(%dma_start3A_229 : memref<128xi32, #tpu.memory_space<vmem>>) semaphore(%arg13 : memref<!tpu.dma_semaphore, #tpu.memory_space<semaphore_mem>>)
      %mul3A_233 = arith.constant 4 : i32
      %mul3A_234 = arith.muli %mul3A_233, %scan3A_157 : i32
      %add3A_235 = arith.constant 2 : i32
      %add3A_236 = arith.addi %mul3A_234, %add3A_235 : i32
      %dma_wait3A_237 = arith.constant 0 : i32
      %dma_wait3A_238 = arith.constant 0 : i32
      %dma_wait3A_239 = tpu.memref_slice %arg8[%dma_wait3A_237, %dma_wait3A_238] : memref<2x128xi32, #tpu.memory_space<vmem>> -> memref<1x128xi32, #tpu.memory_space<vmem>>
      %dma_wait3A_240 = tpu.memref_squeeze %dma_wait3A_239 : memref<1x128xi32, #tpu.memory_space<vmem>> -> memref<128xi32, #tpu.memory_space<vmem>>
      %dma_wait3A_241 = arith.constant 0 : i32
      %dma_wait3A_242 = arith.constant 0 : i32
      %dma_wait3A_243 = tpu.memref_slice %arg4[%dma_wait3A_241, %dma_wait3A_242] : memref<10000x128xf32, #tpu.memory_space<hbm>> -> memref<10000x128xf32, #tpu.memory_space<hbm>>
      tpu.wait_indirect_dma semaphore(%arg12 : memref<!tpu.dma_semaphore, #tpu.memory_space<semaphore_mem>>) src(%dma_wait3A_243 : memref<10000x128xf32, #tpu.memory_space<hbm>>) dst(%arg10 : memref<128x128xf32, #tpu.memory_space<vmem>>)
      %run_scoped3A_244 = arith.constant 1 : i32
      "tpu.region"() ({
        %run_scoped3A_311 = tpu.sem_alloc : memref<!tpu.dma_semaphore, #tpu.memory_space<semaphore_mem>>
        %dma_start3A_312 = arith.constant 0 : i32
        %dma_start3A_313 = tpu.memref_slice %arg8[%run_scoped3A_244, %dma_start3A_312] : memref<2x128xi32, #tpu.memory_space<vmem>> -> memref<1x128xi32, #tpu.memory_space<vmem>>
        %dma_start3A_314 = tpu.memref_squeeze %dma_start3A_313 : memref<1x128xi32, #tpu.memory_space<vmem>> -> memref<128xi32, #tpu.memory_space<vmem>>
        %dma_start3A_315 = arith.constant 0 : i32
        %dma_start3A_316 = arith.constant 0 : i32
        %dma_start3A_317 = tpu.memref_slice %arg20[%dma_start3A_315, %dma_start3A_316] : memref<10240x128xf32, #tpu.memory_space<vmem_shared>> -> memref<10240x128xf32, #tpu.memory_space<vmem_shared>>
        tpu.enqueue_indirect_dma source(%arg10 : memref<128x128xf32, #tpu.memory_space<vmem>>) target(%dma_start3A_317 : memref<10240x128xf32, #tpu.memory_space<vmem_shared>>) offsets(%dma_start3A_314 : memref<128xi32, #tpu.memory_space<vmem>>) semaphore(%run_scoped3A_311 : memref<!tpu.dma_semaphore, #tpu.memory_space<semaphore_mem>>) {add = true}
        %dma_wait3A_318 = arith.constant 0 : i32
        %dma_wait3A_319 = tpu.memref_slice %arg8[%run_scoped3A_244, %dma_wait3A_318] : memref<2x128xi32, #tpu.memory_space<vmem>> -> memref<1x128xi32, #tpu.memory_space<vmem>>
        %dma_wait3A_320 = tpu.memref_squeeze %dma_wait3A_319 : memref<1x128xi32, #tpu.memory_space<vmem>> -> memref<128xi32, #tpu.memory_space<vmem>>
        %dma_wait3A_321 = arith.constant 0 : i32
        %dma_wait3A_322 = arith.constant 0 : i32
        %dma_wait3A_323 = tpu.memref_slice %arg20[%dma_wait3A_321, %dma_wait3A_322] : memref<10240x128xf32, #tpu.memory_space<vmem_shared>> -> memref<10240x128xf32, #tpu.memory_space<vmem_shared>>
        tpu.wait_indirect_dma semaphore(%run_scoped3A_311 : memref<!tpu.dma_semaphore, #tpu.memory_space<semaphore_mem>>) src(%arg10 : memref<128x128xf32, #tpu.memory_space<vmem>>) dst(%dma_wait3A_323 : memref<10240x128xf32, #tpu.memory_space<vmem_shared>>)
        tpu.yield
      }) : () -> ()
      %add3A_245 = arith.constant 4 : i32
      %add3A_246 = arith.addi %add3A_236, %add3A_245 : i32
      %lt3A_247 = arith.constant 78 : i32
      %lt3A_248 = arith.cmpi slt, %add3A_246, %lt3A_247 : i32
      %convert_element_type3A_249 = arith.extui %lt3A_248 : i1 to i32
      %cond3A_250 = arith.constant 0 : i32
      %cond3A_251 = arith.cmpi ne, %convert_element_type3A_249, %cond3A_250 : i32
      scf.if %cond3A_251 {
        %add3A_311 = arith.constant 4 : i32
        %add3A_312 = arith.addi %add3A_236, %add3A_311 : i32
        %add3A_313 = arith.addi %mul3A_3, %add3A_312 : i32
        %dma_start3A_314 = arith.constant 0 : i32
        %dma_start3A_315 = arith.constant 0 : i32
        %dma_start3A_316 = tpu.memref_slice %arg2[%add3A_313, %dma_start3A_314, %dma_start3A_315] : memref<2496x2x128xi32, #tpu.memory_space<hbm>> -> memref<1x2x128xi32, #tpu.memory_space<hbm>>
        %dma_start3A_317 = tpu.memref_squeeze %dma_start3A_316 : memref<1x2x128xi32, #tpu.memory_space<hbm>> -> memref<2x128xi32, #tpu.memory_space<hbm>>
        %dma_start3A_318 = arith.constant 0 : i32
        %dma_start3A_319 = arith.constant 0 : i32
        %dma_start3A_320 = tpu.memref_slice %arg2[%add3A_313, %dma_start3A_318, %dma_start3A_319] : memref<2496x2x128xi32, #tpu.memory_space<hbm>> -> memref<1x2x128xi32, #tpu.memory_space<hbm>>
        %dma_start3A_321 = tpu.memref_squeeze %dma_start3A_320 : memref<1x2x128xi32, #tpu.memory_space<hbm>> -> memref<2x128xi32, #tpu.memory_space<hbm>>
        tpu.enqueue_dma source(%dma_start3A_321 : memref<2x128xi32, #tpu.memory_space<hbm>>) target(%arg8 : memref<2x128xi32, #tpu.memory_space<vmem>>) target_semaphore(%arg16 : memref<!tpu.dma_semaphore, #tpu.memory_space<semaphore_mem>>)
      } else {
      }
      %add3A_252 = arith.constant 2 : i32
      %add3A_253 = arith.addi %add3A_236, %add3A_252 : i32
      %add3A_254 = arith.addi %mul3A_3, %add3A_253 : i32
      %dma_wait3A_255 = arith.constant 0 : i32
      %dma_wait3A_256 = arith.constant 0 : i32
      %dma_wait3A_257 = tpu.memref_slice %arg2[%add3A_254, %dma_wait3A_255, %dma_wait3A_256] : memref<2496x2x128xi32, #tpu.memory_space<hbm>> -> memref<1x2x128xi32, #tpu.memory_space<hbm>>
      %dma_wait3A_258 = tpu.memref_squeeze %dma_wait3A_257 : memref<1x2x128xi32, #tpu.memory_space<hbm>> -> memref<2x128xi32, #tpu.memory_space<hbm>>
      %dma_wait3A_259 = arith.constant 0 : i32
      %dma_wait3A_260 = arith.constant 0 : i32
      %dma_wait3A_261 = tpu.memref_slice %arg2[%add3A_254, %dma_wait3A_259, %dma_wait3A_260] : memref<2496x2x128xi32, #tpu.memory_space<hbm>> -> memref<1x2x128xi32, #tpu.memory_space<hbm>>
      %dma_wait3A_262 = tpu.memref_squeeze %dma_wait3A_261 : memref<1x2x128xi32, #tpu.memory_space<hbm>> -> memref<2x128xi32, #tpu.memory_space<hbm>>
      tpu.wait_dma2 semaphore(%arg14 : memref<!tpu.dma_semaphore, #tpu.memory_space<semaphore_mem>>) src(%dma_wait3A_262 : memref<2x128xi32, #tpu.memory_space<hbm>>) dst(%arg6 : memref<2x128xi32, #tpu.memory_space<vmem>>)
      %add3A_263 = arith.constant 2 : i32
      %add3A_264 = arith.addi %add3A_236, %add3A_263 : i32
      %dma_start3A_265 = arith.constant 0 : i32
      %dma_start3A_266 = arith.constant 0 : i32
      %dma_start3A_267 = tpu.memref_slice %arg6[%dma_start3A_265, %dma_start3A_266] : memref<2x128xi32, #tpu.memory_space<vmem>> -> memref<1x128xi32, #tpu.memory_space<vmem>>
      %dma_start3A_268 = tpu.memref_squeeze %dma_start3A_267 : memref<1x128xi32, #tpu.memory_space<vmem>> -> memref<128xi32, #tpu.memory_space<vmem>>
      %dma_start3A_269 = arith.constant 0 : i32
      %dma_start3A_270 = arith.constant 0 : i32
      %dma_start3A_271 = tpu.memref_slice %arg4[%dma_start3A_269, %dma_start3A_270] : memref<10000x128xf32, #tpu.memory_space<hbm>> -> memref<10000x128xf32, #tpu.memory_space<hbm>>
      tpu.enqueue_indirect_dma source(%dma_start3A_271 : memref<10000x128xf32, #tpu.memory_space<hbm>>) target(%arg10 : memref<128x128xf32, #tpu.memory_space<vmem>>) offsets(%dma_start3A_268 : memref<128xi32, #tpu.memory_space<vmem>>) semaphore(%arg12 : memref<!tpu.dma_semaphore, #tpu.memory_space<semaphore_mem>>)
      %mul3A_272 = arith.constant 4 : i32
      %mul3A_273 = arith.muli %mul3A_272, %scan3A_157 : i32
      %add3A_274 = arith.constant 3 : i32
      %add3A_275 = arith.addi %mul3A_273, %add3A_274 : i32
      %dma_wait3A_276 = arith.constant 0 : i32
      %dma_wait3A_277 = arith.constant 0 : i32
      %dma_wait3A_278 = tpu.memref_slice %arg9[%dma_wait3A_276, %dma_wait3A_277] : memref<2x128xi32, #tpu.memory_space<vmem>> -> memref<1x128xi32, #tpu.memory_space<vmem>>
      %dma_wait3A_279 = tpu.memref_squeeze %dma_wait3A_278 : memref<1x128xi32, #tpu.memory_space<vmem>> -> memref<128xi32, #tpu.memory_space<vmem>>
      %dma_wait3A_280 = arith.constant 0 : i32
      %dma_wait3A_281 = arith.constant 0 : i32
      %dma_wait3A_282 = tpu.memref_slice %arg4[%dma_wait3A_280, %dma_wait3A_281] : memref<10000x128xf32, #tpu.memory_space<hbm>> -> memref<10000x128xf32, #tpu.memory_space<hbm>>
      tpu.wait_indirect_dma semaphore(%arg13 : memref<!tpu.dma_semaphore, #tpu.memory_space<semaphore_mem>>) src(%dma_wait3A_282 : memref<10000x128xf32, #tpu.memory_space<hbm>>) dst(%arg11 : memref<128x128xf32, #tpu.memory_space<vmem>>)
      %run_scoped3A_283 = arith.constant 1 : i32
      "tpu.region"() ({
        %run_scoped3A_311 = tpu.sem_alloc : memref<!tpu.dma_semaphore, #tpu.memory_space<semaphore_mem>>
        %dma_start3A_312 = arith.constant 0 : i32
        %dma_start3A_313 = tpu.memref_slice %arg9[%run_scoped3A_283, %dma_start3A_312] : memref<2x128xi32, #tpu.memory_space<vmem>> -> memref<1x128xi32, #tpu.memory_space<vmem>>
        %dma_start3A_314 = tpu.memref_squeeze %dma_start3A_313 : memref<1x128xi32, #tpu.memory_space<vmem>> -> memref<128xi32, #tpu.memory_space<vmem>>
        %dma_start3A_315 = arith.constant 0 : i32
        %dma_start3A_316 = arith.constant 0 : i32
        %dma_start3A_317 = tpu.memref_slice %arg20[%dma_start3A_315, %dma_start3A_316] : memref<10240x128xf32, #tpu.memory_space<vmem_shared>> -> memref<10240x128xf32, #tpu.memory_space<vmem_shared>>
        tpu.enqueue_indirect_dma source(%arg11 : memref<128x128xf32, #tpu.memory_space<vmem>>) target(%dma_start3A_317 : memref<10240x128xf32, #tpu.memory_space<vmem_shared>>) offsets(%dma_start3A_314 : memref<128xi32, #tpu.memory_space<vmem>>) semaphore(%run_scoped3A_311 : memref<!tpu.dma_semaphore, #tpu.memory_space<semaphore_mem>>) {add = true}
        %dma_wait3A_318 = arith.constant 0 : i32
        %dma_wait3A_319 = tpu.memref_slice %arg9[%run_scoped3A_283, %dma_wait3A_318] : memref<2x128xi32, #tpu.memory_space<vmem>> -> memref<1x128xi32, #tpu.memory_space<vmem>>
        %dma_wait3A_320 = tpu.memref_squeeze %dma_wait3A_319 : memref<1x128xi32, #tpu.memory_space<vmem>> -> memref<128xi32, #tpu.memory_space<vmem>>
        %dma_wait3A_321 = arith.constant 0 : i32
        %dma_wait3A_322 = arith.constant 0 : i32
        %dma_wait3A_323 = tpu.memref_slice %arg20[%dma_wait3A_321, %dma_wait3A_322] : memref<10240x128xf32, #tpu.memory_space<vmem_shared>> -> memref<10240x128xf32, #tpu.memory_space<vmem_shared>>
        tpu.wait_indirect_dma semaphore(%run_scoped3A_311 : memref<!tpu.dma_semaphore, #tpu.memory_space<semaphore_mem>>) src(%arg11 : memref<128x128xf32, #tpu.memory_space<vmem>>) dst(%dma_wait3A_323 : memref<10240x128xf32, #tpu.memory_space<vmem_shared>>)
        tpu.yield
      }) : () -> ()
      %add3A_284 = arith.constant 4 : i32
      %add3A_285 = arith.addi %add3A_275, %add3A_284 : i32
      %lt3A_286 = arith.constant 78 : i32
      %lt3A_287 = arith.cmpi slt, %add3A_285, %lt3A_286 : i32
      %convert_element_type3A_288 = arith.extui %lt3A_287 : i1 to i32
      %cond3A_289 = arith.constant 0 : i32
      %cond3A_290 = arith.cmpi ne, %convert_element_type3A_288, %cond3A_289 : i32
      scf.if %cond3A_290 {
        %add3A_311 = arith.constant 4 : i32
        %add3A_312 = arith.addi %add3A_275, %add3A_311 : i32
        %add3A_313 = arith.addi %mul3A_3, %add3A_312 : i32
        %dma_start3A_314 = arith.constant 0 : i32
        %dma_start3A_315 = arith.constant 0 : i32
        %dma_start3A_316 = tpu.memref_slice %arg2[%add3A_313, %dma_start3A_314, %dma_start3A_315] : memref<2496x2x128xi32, #tpu.memory_space<hbm>> -> memref<1x2x128xi32, #tpu.memory_space<hbm>>
        %dma_start3A_317 = tpu.memref_squeeze %dma_start3A_316 : memref<1x2x128xi32, #tpu.memory_space<hbm>> -> memref<2x128xi32, #tpu.memory_space<hbm>>
        %dma_start3A_318 = arith.constant 0 : i32
        %dma_start3A_319 = arith.constant 0 : i32
        %dma_start3A_320 = tpu.memref_slice %arg2[%add3A_313, %dma_start3A_318, %dma_start3A_319] : memref<2496x2x128xi32, #tpu.memory_space<hbm>> -> memref<1x2x128xi32, #tpu.memory_space<hbm>>
        %dma_start3A_321 = tpu.memref_squeeze %dma_start3A_320 : memref<1x2x128xi32, #tpu.memory_space<hbm>> -> memref<2x128xi32, #tpu.memory_space<hbm>>
        tpu.enqueue_dma source(%dma_start3A_321 : memref<2x128xi32, #tpu.memory_space<hbm>>) target(%arg9 : memref<2x128xi32, #tpu.memory_space<vmem>>) target_semaphore(%arg17 : memref<!tpu.dma_semaphore, #tpu.memory_space<semaphore_mem>>)
      } else {
      }
      %add3A_291 = arith.constant 2 : i32
      %add3A_292 = arith.addi %add3A_275, %add3A_291 : i32
      %add3A_293 = arith.addi %mul3A_3, %add3A_292 : i32
      %dma_wait3A_294 = arith.constant 0 : i32
      %dma_wait3A_295 = arith.constant 0 : i32
      %dma_wait3A_296 = tpu.memref_slice %arg2[%add3A_293, %dma_wait3A_294, %dma_wait3A_295] : memref<2496x2x128xi32, #tpu.memory_space<hbm>> -> memref<1x2x128xi32, #tpu.memory_space<hbm>>
      %dma_wait3A_297 = tpu.memref_squeeze %dma_wait3A_296 : memref<1x2x128xi32, #tpu.memory_space<hbm>> -> memref<2x128xi32, #tpu.memory_space<hbm>>
      %dma_wait3A_298 = arith.constant 0 : i32
      %dma_wait3A_299 = arith.constant 0 : i32
      %dma_wait3A_300 = tpu.memref_slice %arg2[%add3A_293, %dma_wait3A_298, %dma_wait3A_299] : memref<2496x2x128xi32, #tpu.memory_space<hbm>> -> memref<1x2x128xi32, #tpu.memory_space<hbm>>
      %dma_wait3A_301 = tpu.memref_squeeze %dma_wait3A_300 : memref<1x2x128xi32, #tpu.memory_space<hbm>> -> memref<2x128xi32, #tpu.memory_space<hbm>>
      tpu.wait_dma2 semaphore(%arg15 : memref<!tpu.dma_semaphore, #tpu.memory_space<semaphore_mem>>) src(%dma_wait3A_301 : memref<2x128xi32, #tpu.memory_space<hbm>>) dst(%arg7 : memref<2x128xi32, #tpu.memory_space<vmem>>)
      %add3A_302 = arith.constant 2 : i32
      %add3A_303 = arith.addi %add3A_275, %add3A_302 : i32
      %dma_start3A_304 = arith.constant 0 : i32
      %dma_start3A_305 = arith.constant 0 : i32
      %dma_start3A_306 = tpu.memref_slice %arg7[%dma_start3A_304, %dma_start3A_305] : memref<2x128xi32, #tpu.memory_space<vmem>> -> memref<1x128xi32, #tpu.memory_space<vmem>>
      %dma_start3A_307 = tpu.memref_squeeze %dma_start3A_306 : memref<1x128xi32, #tpu.memory_space<vmem>> -> memref<128xi32, #tpu.memory_space<vmem>>
      %dma_start3A_308 = arith.constant 0 : i32
      %dma_start3A_309 = arith.constant 0 : i32
      %dma_start3A_310 = tpu.memref_slice %arg4[%dma_start3A_308, %dma_start3A_309] : memref<10000x128xf32, #tpu.memory_space<hbm>> -> memref<10000x128xf32, #tpu.memory_space<hbm>>
      tpu.enqueue_indirect_dma source(%dma_start3A_310 : memref<10000x128xf32, #tpu.memory_space<hbm>>) target(%arg11 : memref<128x128xf32, #tpu.memory_space<vmem>>) offsets(%dma_start3A_307 : memref<128xi32, #tpu.memory_space<vmem>>) semaphore(%arg13 : memref<!tpu.dma_semaphore, #tpu.memory_space<semaphore_mem>>)
    }
    %scan3A_106 = arith.constant 19 : i32
    %dma_wait3A_107 = arith.constant 0 : i32
    %dma_wait3A_108 = arith.constant 0 : i32
    %dma_wait3A_109 = tpu.memref_slice %arg6[%dma_wait3A_107, %dma_wait3A_108] : memref<2x128xi32, #tpu.memory_space<vmem>> -> memref<1x128xi32, #tpu.memory_space<vmem>>
    %dma_wait3A_110 = tpu.memref_squeeze %dma_wait3A_109 : memref<1x128xi32, #tpu.memory_space<vmem>> -> memref<128xi32, #tpu.memory_space<vmem>>
    %dma_wait3A_111 = arith.constant 0 : i32
    %dma_wait3A_112 = arith.constant 0 : i32
    %dma_wait3A_113 = tpu.memref_slice %arg4[%dma_wait3A_111, %dma_wait3A_112] : memref<10000x128xf32, #tpu.memory_space<hbm>> -> memref<10000x128xf32, #tpu.memory_space<hbm>>
    tpu.wait_indirect_dma semaphore(%arg12 : memref<!tpu.dma_semaphore, #tpu.memory_space<semaphore_mem>>) src(%dma_wait3A_113 : memref<10000x128xf32, #tpu.memory_space<hbm>>) dst(%arg10 : memref<128x128xf32, #tpu.memory_space<vmem>>)
    %run_scoped3A = arith.constant 1 : i32
    "tpu.region"() ({
      %run_scoped3A_157 = tpu.sem_alloc : memref<!tpu.dma_semaphore, #tpu.memory_space<semaphore_mem>>
      %dma_start3A_158 = arith.constant 0 : i32
      %dma_start3A_159 = tpu.memref_slice %arg6[%run_scoped3A, %dma_start3A_158] : memref<2x128xi32, #tpu.memory_space<vmem>> -> memref<1x128xi32, #tpu.memory_space<vmem>>
      %dma_start3A_160 = tpu.memref_squeeze %dma_start3A_159 : memref<1x128xi32, #tpu.memory_space<vmem>> -> memref<128xi32, #tpu.memory_space<vmem>>
      %dma_start3A_161 = arith.constant 0 : i32
      %dma_start3A_162 = arith.constant 0 : i32
      %dma_start3A_163 = tpu.memref_slice %arg20[%dma_start3A_161, %dma_start3A_162] : memref<10240x128xf32, #tpu.memory_space<vmem_shared>> -> memref<10240x128xf32, #tpu.memory_space<vmem_shared>>
      tpu.enqueue_indirect_dma source(%arg10 : memref<128x128xf32, #tpu.memory_space<vmem>>) target(%dma_start3A_163 : memref<10240x128xf32, #tpu.memory_space<vmem_shared>>) offsets(%dma_start3A_160 : memref<128xi32, #tpu.memory_space<vmem>>) semaphore(%run_scoped3A_157 : memref<!tpu.dma_semaphore, #tpu.memory_space<semaphore_mem>>) {add = true}
      %dma_wait3A_164 = arith.constant 0 : i32
      %dma_wait3A_165 = tpu.memref_slice %arg6[%run_scoped3A, %dma_wait3A_164] : memref<2x128xi32, #tpu.memory_space<vmem>> -> memref<1x128xi32, #tpu.memory_space<vmem>>
      %dma_wait3A_166 = tpu.memref_squeeze %dma_wait3A_165 : memref<1x128xi32, #tpu.memory_space<vmem>> -> memref<128xi32, #tpu.memory_space<vmem>>
      %dma_wait3A_167 = arith.constant 0 : i32
      %dma_wait3A_168 = arith.constant 0 : i32
      %dma_wait3A_169 = tpu.memref_slice %arg20[%dma_wait3A_167, %dma_wait3A_168] : memref<10240x128xf32, #tpu.memory_space<vmem_shared>> -> memref<10240x128xf32, #tpu.memory_space<vmem_shared>>
      tpu.wait_indirect_dma semaphore(%run_scoped3A_157 : memref<!tpu.dma_semaphore, #tpu.memory_space<semaphore_mem>>) src(%arg10 : memref<128x128xf32, #tpu.memory_space<vmem>>) dst(%dma_wait3A_169 : memref<10240x128xf32, #tpu.memory_space<vmem_shared>>)
      tpu.yield
    }) : () -> ()
    %dma_wait3A_114 = arith.constant 0 : i32
    %dma_wait3A_115 = arith.constant 0 : i32
    %dma_wait3A_116 = tpu.memref_slice %arg7[%dma_wait3A_114, %dma_wait3A_115] : memref<2x128xi32, #tpu.memory_space<vmem>> -> memref<1x128xi32, #tpu.memory_space<vmem>>
    %dma_wait3A_117 = tpu.memref_squeeze %dma_wait3A_116 : memref<1x128xi32, #tpu.memory_space<vmem>> -> memref<128xi32, #tpu.memory_space<vmem>>
    %dma_wait3A_118 = arith.constant 0 : i32
    %dma_wait3A_119 = arith.constant 0 : i32
    %dma_wait3A_120 = tpu.memref_slice %arg4[%dma_wait3A_118, %dma_wait3A_119] : memref<10000x128xf32, #tpu.memory_space<hbm>> -> memref<10000x128xf32, #tpu.memory_space<hbm>>
    tpu.wait_indirect_dma semaphore(%arg13 : memref<!tpu.dma_semaphore, #tpu.memory_space<semaphore_mem>>) src(%dma_wait3A_120 : memref<10000x128xf32, #tpu.memory_space<hbm>>) dst(%arg11 : memref<128x128xf32, #tpu.memory_space<vmem>>)
    %run_scoped3A_121 = arith.constant 1 : i32
    "tpu.region"() ({
      %run_scoped3A_157 = tpu.sem_alloc : memref<!tpu.dma_semaphore, #tpu.memory_space<semaphore_mem>>
      %dma_start3A_158 = arith.constant 0 : i32
      %dma_start3A_159 = tpu.memref_slice %arg7[%run_scoped3A_121, %dma_start3A_158] : memref<2x128xi32, #tpu.memory_space<vmem>> -> memref<1x128xi32, #tpu.memory_space<vmem>>
      %dma_start3A_160 = tpu.memref_squeeze %dma_start3A_159 : memref<1x128xi32, #tpu.memory_space<vmem>> -> memref<128xi32, #tpu.memory_space<vmem>>
      %dma_start3A_161 = arith.constant 0 : i32
      %dma_start3A_162 = arith.constant 0 : i32
      %dma_start3A_163 = tpu.memref_slice %arg20[%dma_start3A_161, %dma_start3A_162] : memref<10240x128xf32, #tpu.memory_space<vmem_shared>> -> memref<10240x128xf32, #tpu.memory_space<vmem_shared>>
      tpu.enqueue_indirect_dma source(%arg11 : memref<128x128xf32, #tpu.memory_space<vmem>>) target(%dma_start3A_163 : memref<10240x128xf32, #tpu.memory_space<vmem_shared>>) offsets(%dma_start3A_160 : memref<128xi32, #tpu.memory_space<vmem>>) semaphore(%run_scoped3A_157 : memref<!tpu.dma_semaphore, #tpu.memory_space<semaphore_mem>>) {add = true}
      %dma_wait3A_164 = arith.constant 0 : i32
      %dma_wait3A_165 = tpu.memref_slice %arg7[%run_scoped3A_121, %dma_wait3A_164] : memref<2x128xi32, #tpu.memory_space<vmem>> -> memref<1x128xi32, #tpu.memory_space<vmem>>
      %dma_wait3A_166 = tpu.memref_squeeze %dma_wait3A_165 : memref<1x128xi32, #tpu.memory_space<vmem>> -> memref<128xi32, #tpu.memory_space<vmem>>
      %dma_wait3A_167 = arith.constant 0 : i32
      %dma_wait3A_168 = arith.constant 0 : i32
      %dma_wait3A_169 = tpu.memref_slice %arg20[%dma_wait3A_167, %dma_wait3A_168] : memref<10240x128xf32, #tpu.memory_space<vmem_shared>> -> memref<10240x128xf32, #tpu.memory_space<vmem_shared>>
      tpu.wait_indirect_dma semaphore(%run_scoped3A_157 : memref<!tpu.dma_semaphore, #tpu.memory_space<semaphore_mem>>) src(%arg11 : memref<128x128xf32, #tpu.memory_space<vmem>>) dst(%dma_wait3A_169 : memref<10240x128xf32, #tpu.memory_space<vmem_shared>>)
      tpu.yield
    }) : () -> ()
    %run_scoped3A_122 = arith.constant 0 : i32
    "tpu.region"() ({
      %run_scoped3A_157 = tpu.sem_alloc : memref<!tpu.dma_semaphore, #tpu.memory_space<semaphore_mem>>
      %dma_start3A_158 = arith.constant 0 : i32
      %dma_start3A_159 = tpu.memref_slice %arg3[%add3A, %run_scoped3A_122, %dma_start3A_158] : memref<32x2x16xi32, #tpu.memory_space<hbm>> -> memref<1x1x16xi32, #tpu.memory_space<hbm>>
      %dma_start3A_160 = tpu.memref_squeeze %dma_start3A_159 : memref<1x1x16xi32, #tpu.memory_space<hbm>> -> memref<16xi32, #tpu.memory_space<hbm>>
      %dma_start3A_161 = arith.constant 0 : i32
      %dma_start3A_162 = tpu.memref_slice %arg3[%add3A, %run_scoped3A_122, %dma_start3A_161] : memref<32x2x16xi32, #tpu.memory_space<hbm>> -> memref<1x1x16xi32, #tpu.memory_space<hbm>>
      %dma_start3A_163 = tpu.memref_squeeze %dma_start3A_162 : memref<1x1x16xi32, #tpu.memory_space<hbm>> -> memref<16xi32, #tpu.memory_space<hbm>>
      tpu.enqueue_dma source(%dma_start3A_163 : memref<16xi32, #tpu.memory_space<hbm>>) target(%arg18 : memref<16xi32, #tpu.memory_space<vmem>>) target_semaphore(%run_scoped3A_157 : memref<!tpu.dma_semaphore, #tpu.memory_space<semaphore_mem>>)
      %dma_wait3A_164 = arith.constant 0 : i32
      %dma_wait3A_165 = tpu.memref_slice %arg3[%add3A, %run_scoped3A_122, %dma_wait3A_164] : memref<32x2x16xi32, #tpu.memory_space<hbm>> -> memref<1x1x16xi32, #tpu.memory_space<hbm>>
      %dma_wait3A_166 = tpu.memref_squeeze %dma_wait3A_165 : memref<1x1x16xi32, #tpu.memory_space<hbm>> -> memref<16xi32, #tpu.memory_space<hbm>>
      %dma_wait3A_167 = arith.constant 0 : i32
      %dma_wait3A_168 = tpu.memref_slice %arg3[%add3A, %run_scoped3A_122, %dma_wait3A_167] : memref<32x2x16xi32, #tpu.memory_space<hbm>> -> memref<1x1x16xi32, #tpu.memory_space<hbm>>
      %dma_wait3A_169 = tpu.memref_squeeze %dma_wait3A_168 : memref<1x1x16xi32, #tpu.memory_space<hbm>> -> memref<16xi32, #tpu.memory_space<hbm>>
      tpu.wait_dma2 semaphore(%run_scoped3A_157 : memref<!tpu.dma_semaphore, #tpu.memory_space<semaphore_mem>>) src(%dma_wait3A_169 : memref<16xi32, #tpu.memory_space<hbm>>) dst(%arg18 : memref<16xi32, #tpu.memory_space<vmem>>)
      tpu.yield
    }) : () -> ()
    %run_scoped3A_123 = arith.constant 1 : i32
    "tpu.region"() ({
      %run_scoped3A_157 = tpu.sem_alloc : memref<!tpu.dma_semaphore, #tpu.memory_space<semaphore_mem>>
      %dma_start3A_158 = arith.constant 0 : i32
      %dma_start3A_159 = tpu.memref_slice %arg3[%add3A, %run_scoped3A_123, %dma_start3A_158] : memref<32x2x16xi32, #tpu.memory_space<hbm>> -> memref<1x1x16xi32, #tpu.memory_space<hbm>>
      %dma_start3A_160 = tpu.memref_squeeze %dma_start3A_159 : memref<1x1x16xi32, #tpu.memory_space<hbm>> -> memref<16xi32, #tpu.memory_space<hbm>>
      %dma_start3A_161 = arith.constant 0 : i32
      %dma_start3A_162 = tpu.memref_slice %arg3[%add3A, %run_scoped3A_123, %dma_start3A_161] : memref<32x2x16xi32, #tpu.memory_space<hbm>> -> memref<1x1x16xi32, #tpu.memory_space<hbm>>
      %dma_start3A_163 = tpu.memref_squeeze %dma_start3A_162 : memref<1x1x16xi32, #tpu.memory_space<hbm>> -> memref<16xi32, #tpu.memory_space<hbm>>
      tpu.enqueue_dma source(%dma_start3A_163 : memref<16xi32, #tpu.memory_space<hbm>>) target(%arg19 : memref<16xi32, #tpu.memory_space<vmem>>) target_semaphore(%run_scoped3A_157 : memref<!tpu.dma_semaphore, #tpu.memory_space<semaphore_mem>>)
      %dma_wait3A_164 = arith.constant 0 : i32
      %dma_wait3A_165 = tpu.memref_slice %arg3[%add3A, %run_scoped3A_123, %dma_wait3A_164] : memref<32x2x16xi32, #tpu.memory_space<hbm>> -> memref<1x1x16xi32, #tpu.memory_space<hbm>>
      %dma_wait3A_166 = tpu.memref_squeeze %dma_wait3A_165 : memref<1x1x16xi32, #tpu.memory_space<hbm>> -> memref<16xi32, #tpu.memory_space<hbm>>
      %dma_wait3A_167 = arith.constant 0 : i32
      %dma_wait3A_168 = tpu.memref_slice %arg3[%add3A, %run_scoped3A_123, %dma_wait3A_167] : memref<32x2x16xi32, #tpu.memory_space<hbm>> -> memref<1x1x16xi32, #tpu.memory_space<hbm>>
      %dma_wait3A_169 = tpu.memref_squeeze %dma_wait3A_168 : memref<1x1x16xi32, #tpu.memory_space<hbm>> -> memref<16xi32, #tpu.memory_space<hbm>>
      tpu.wait_dma2 semaphore(%run_scoped3A_157 : memref<!tpu.dma_semaphore, #tpu.memory_space<semaphore_mem>>) src(%dma_wait3A_169 : memref<16xi32, #tpu.memory_space<hbm>>) dst(%arg19 : memref<16xi32, #tpu.memory_space<vmem>>)
      tpu.yield
    }) : () -> ()
    %dma_start3A_124 = arith.constant 0 : i32
    %dma_start3A_125 = arith.constant 0 : i32
    %dma_start3A_126 = tpu.memref_slice %arg10[%dma_start3A_124, %dma_start3A_125] : memref<128x128xf32, #tpu.memory_space<vmem>> -> memref<16x128xf32, #tpu.memory_space<vmem>>
    %dma_start3A_127 = arith.constant 0 : i32
    %dma_start3A_128 = arith.constant 0 : i32
    %dma_start3A_129 = tpu.memref_slice %arg4[%dma_start3A_127, %dma_start3A_128] : memref<10000x128xf32, #tpu.memory_space<hbm>> -> memref<10000x128xf32, #tpu.memory_space<hbm>>
    tpu.enqueue_indirect_dma source(%dma_start3A_129 : memref<10000x128xf32, #tpu.memory_space<hbm>>) target(%dma_start3A_126 : memref<16x128xf32, #tpu.memory_space<vmem>>) offsets(%arg18 : memref<16xi32, #tpu.memory_space<vmem>>) semaphore(%arg12 : memref<!tpu.dma_semaphore, #tpu.memory_space<semaphore_mem>>)
    %dma_wait3A_130 = arith.constant 0 : i32
    %dma_wait3A_131 = arith.constant 0 : i32
    %dma_wait3A_132 = tpu.memref_slice %arg10[%dma_wait3A_130, %dma_wait3A_131] : memref<128x128xf32, #tpu.memory_space<vmem>> -> memref<16x128xf32, #tpu.memory_space<vmem>>
    %dma_wait3A_133 = arith.constant 0 : i32
    %dma_wait3A_134 = arith.constant 0 : i32
    %dma_wait3A_135 = tpu.memref_slice %arg4[%dma_wait3A_133, %dma_wait3A_134] : memref<10000x128xf32, #tpu.memory_space<hbm>> -> memref<10000x128xf32, #tpu.memory_space<hbm>>
    tpu.wait_indirect_dma semaphore(%arg12 : memref<!tpu.dma_semaphore, #tpu.memory_space<semaphore_mem>>) src(%dma_wait3A_135 : memref<10000x128xf32, #tpu.memory_space<hbm>>) dst(%dma_wait3A_132 : memref<16x128xf32, #tpu.memory_space<vmem>>)
    "tpu.region"() ({
      %run_scoped3A_157 = tpu.sem_alloc : memref<!tpu.dma_semaphore, #tpu.memory_space<semaphore_mem>>
      %dma_start3A_158 = arith.constant 0 : i32
      %dma_start3A_159 = arith.constant 0 : i32
      %dma_start3A_160 = tpu.memref_slice %arg10[%dma_start3A_158, %dma_start3A_159] : memref<128x128xf32, #tpu.memory_space<vmem>> -> memref<16x128xf32, #tpu.memory_space<vmem>>
      %dma_start3A_161 = arith.constant 0 : i32
      %dma_start3A_162 = arith.constant 0 : i32
      %dma_start3A_163 = tpu.memref_slice %arg20[%dma_start3A_161, %dma_start3A_162] : memref<10240x128xf32, #tpu.memory_space<vmem_shared>> -> memref<10240x128xf32, #tpu.memory_space<vmem_shared>>
      tpu.enqueue_indirect_dma source(%dma_start3A_160 : memref<16x128xf32, #tpu.memory_space<vmem>>) target(%dma_start3A_163 : memref<10240x128xf32, #tpu.memory_space<vmem_shared>>) offsets(%arg19 : memref<16xi32, #tpu.memory_space<vmem>>) semaphore(%run_scoped3A_157 : memref<!tpu.dma_semaphore, #tpu.memory_space<semaphore_mem>>) {add = true}
      %dma_wait3A_164 = arith.constant 0 : i32
      %dma_wait3A_165 = arith.constant 0 : i32
      %dma_wait3A_166 = tpu.memref_slice %arg10[%dma_wait3A_164, %dma_wait3A_165] : memref<128x128xf32, #tpu.memory_space<vmem>> -> memref<16x128xf32, #tpu.memory_space<vmem>>
      %dma_wait3A_167 = arith.constant 0 : i32
      %dma_wait3A_168 = arith.constant 0 : i32
      %dma_wait3A_169 = tpu.memref_slice %arg20[%dma_wait3A_167, %dma_wait3A_168] : memref<10240x128xf32, #tpu.memory_space<vmem_shared>> -> memref<10240x128xf32, #tpu.memory_space<vmem_shared>>
      tpu.wait_indirect_dma semaphore(%run_scoped3A_157 : memref<!tpu.dma_semaphore, #tpu.memory_space<semaphore_mem>>) src(%dma_wait3A_166 : memref<16x128xf32, #tpu.memory_space<vmem>>) dst(%dma_wait3A_169 : memref<10240x128xf32, #tpu.memory_space<vmem_shared>>)
      tpu.yield
    }) : () -> ()
    %barrier3A_136 = arith.constant 0 : index
    tpu.barrier barrier_id(%barrier3A_136)
    %mul3A_137 = arith.constant 640 : i32
    %mul3A_138 = arith.muli %arg1, %mul3A_137 : i32
    %add3A_139 = arith.constant 0 : i32
    %add3A_140 = arith.addi %mul3A_138, %add3A_139 : i32
    "tpu.region"() ({
      %run_scoped3A_157 = tpu.sem_alloc : memref<!tpu.dma_semaphore, #tpu.memory_space<semaphore_mem>>
      %dma_start3A_158 = arith.constant 0 : i32
      %dma_start3A_159 = tpu.memref_slice %arg5[%arg0, %add3A_140, %dma_start3A_158] : memref<2x10240x128xf32, #tpu.memory_space<hbm>> -> memref<1x128x128xf32, #tpu.memory_space<hbm>>
      %dma_start3A_160 = tpu.memref_squeeze %dma_start3A_159 : memref<1x128x128xf32, #tpu.memory_space<hbm>> -> memref<128x128xf32, #tpu.memory_space<hbm>>
      %dma_start3A_161 = arith.constant 0 : i32
      %dma_start3A_162 = tpu.memref_slice %arg20[%add3A_140, %dma_start3A_161] : memref<10240x128xf32, #tpu.memory_space<vmem_shared>> -> memref<128x128xf32, #tpu.memory_space<vmem_shared>>
      tpu.enqueue_dma source(%dma_start3A_162 : memref<128x128xf32, #tpu.memory_space<vmem_shared>>) target(%dma_start3A_160 : memref<128x128xf32, #tpu.memory_space<hbm>>) target_semaphore(%run_scoped3A_157 : memref<!tpu.dma_semaphore, #tpu.memory_space<semaphore_mem>>)
      %dma_wait3A_163 = arith.constant 0 : i32
      %dma_wait3A_164 = tpu.memref_slice %arg5[%arg0, %add3A_140, %dma_wait3A_163] : memref<2x10240x128xf32, #tpu.memory_space<hbm>> -> memref<1x128x128xf32, #tpu.memory_space<hbm>>
      %dma_wait3A_165 = tpu.memref_squeeze %dma_wait3A_164 : memref<1x128x128xf32, #tpu.memory_space<hbm>> -> memref<128x128xf32, #tpu.memory_space<hbm>>
      %dma_wait3A_166 = arith.constant 0 : i32
      %dma_wait3A_167 = tpu.memref_slice %arg20[%add3A_140, %dma_wait3A_166] : memref<10240x128xf32, #tpu.memory_space<vmem_shared>> -> memref<128x128xf32, #tpu.memory_space<vmem_shared>>
      tpu.wait_dma2 semaphore(%run_scoped3A_157 : memref<!tpu.dma_semaphore, #tpu.memory_space<semaphore_mem>>) src(%dma_wait3A_167 : memref<128x128xf32, #tpu.memory_space<vmem_shared>>) dst(%dma_wait3A_165 : memref<128x128xf32, #tpu.memory_space<hbm>>)
      tpu.yield
    }) : () -> ()
    %mul3A_141 = arith.constant 640 : i32
    %mul3A_142 = arith.muli %arg1, %mul3A_141 : i32
    %add3A_143 = arith.constant 128 : i32
    %add3A_144 = arith.addi %mul3A_142, %add3A_143 : i32
    "tpu.region"() ({
      %run_scoped3A_157 = tpu.sem_alloc : memref<!tpu.dma_semaphore, #tpu.memory_space<semaphore_mem>>
      %dma_start3A_158 = arith.constant 0 : i32
      %dma_start3A_159 = tpu.memref_slice %arg5[%arg0, %add3A_144, %dma_start3A_158] : memref<2x10240x128xf32, #tpu.memory_space<hbm>> -> memref<1x128x128xf32, #tpu.memory_space<hbm>>
      %dma_start3A_160 = tpu.memref_squeeze %dma_start3A_159 : memref<1x128x128xf32, #tpu.memory_space<hbm>> -> memref<128x128xf32, #tpu.memory_space<hbm>>
      %dma_start3A_161 = arith.constant 0 : i32
      %dma_start3A_162 = tpu.memref_slice %arg20[%add3A_144, %dma_start3A_161] : memref<10240x128xf32, #tpu.memory_space<vmem_shared>> -> memref<128x128xf32, #tpu.memory_space<vmem_shared>>
      tpu.enqueue_dma source(%dma_start3A_162 : memref<128x128xf32, #tpu.memory_space<vmem_shared>>) target(%dma_start3A_160 : memref<128x128xf32, #tpu.memory_space<hbm>>) target_semaphore(%run_scoped3A_157 : memref<!tpu.dma_semaphore, #tpu.memory_space<semaphore_mem>>)
      %dma_wait3A_163 = arith.constant 0 : i32
      %dma_wait3A_164 = tpu.memref_slice %arg5[%arg0, %add3A_144, %dma_wait3A_163] : memref<2x10240x128xf32, #tpu.memory_space<hbm>> -> memref<1x128x128xf32, #tpu.memory_space<hbm>>
      %dma_wait3A_165 = tpu.memref_squeeze %dma_wait3A_164 : memref<1x128x128xf32, #tpu.memory_space<hbm>> -> memref<128x128xf32, #tpu.memory_space<hbm>>
      %dma_wait3A_166 = arith.constant 0 : i32
      %dma_wait3A_167 = tpu.memref_slice %arg20[%add3A_144, %dma_wait3A_166] : memref<10240x128xf32, #tpu.memory_space<vmem_shared>> -> memref<128x128xf32, #tpu.memory_space<vmem_shared>>
      tpu.wait_dma2 semaphore(%run_scoped3A_157 : memref<!tpu.dma_semaphore, #tpu.memory_space<semaphore_mem>>) src(%dma_wait3A_167 : memref<128x128xf32, #tpu.memory_space<vmem_shared>>) dst(%dma_wait3A_165 : memref<128x128xf32, #tpu.memory_space<hbm>>)
      tpu.yield
    }) : () -> ()
    %mul3A_145 = arith.constant 640 : i32
    %mul3A_146 = arith.muli %arg1, %mul3A_145 : i32
    %add3A_147 = arith.constant 256 : i32
    %add3A_148 = arith.addi %mul3A_146, %add3A_147 : i32
    "tpu.region"() ({
      %run_scoped3A_157 = tpu.sem_alloc : memref<!tpu.dma_semaphore, #tpu.memory_space<semaphore_mem>>
      %dma_start3A_158 = arith.constant 0 : i32
      %dma_start3A_159 = tpu.memref_slice %arg5[%arg0, %add3A_148, %dma_start3A_158] : memref<2x10240x128xf32, #tpu.memory_space<hbm>> -> memref<1x128x128xf32, #tpu.memory_space<hbm>>
      %dma_start3A_160 = tpu.memref_squeeze %dma_start3A_159 : memref<1x128x128xf32, #tpu.memory_space<hbm>> -> memref<128x128xf32, #tpu.memory_space<hbm>>
      %dma_start3A_161 = arith.constant 0 : i32
      %dma_start3A_162 = tpu.memref_slice %arg20[%add3A_148, %dma_start3A_161] : memref<10240x128xf32, #tpu.memory_space<vmem_shared>> -> memref<128x128xf32, #tpu.memory_space<vmem_shared>>
      tpu.enqueue_dma source(%dma_start3A_162 : memref<128x128xf32, #tpu.memory_space<vmem_shared>>) target(%dma_start3A_160 : memref<128x128xf32, #tpu.memory_space<hbm>>) target_semaphore(%run_scoped3A_157 : memref<!tpu.dma_semaphore, #tpu.memory_space<semaphore_mem>>)
      %dma_wait3A_163 = arith.constant 0 : i32
      %dma_wait3A_164 = tpu.memref_slice %arg5[%arg0, %add3A_148, %dma_wait3A_163] : memref<2x10240x128xf32, #tpu.memory_space<hbm>> -> memref<1x128x128xf32, #tpu.memory_space<hbm>>
      %dma_wait3A_165 = tpu.memref_squeeze %dma_wait3A_164 : memref<1x128x128xf32, #tpu.memory_space<hbm>> -> memref<128x128xf32, #tpu.memory_space<hbm>>
      %dma_wait3A_166 = arith.constant 0 : i32
      %dma_wait3A_167 = tpu.memref_slice %arg20[%add3A_148, %dma_wait3A_166] : memref<10240x128xf32, #tpu.memory_space<vmem_shared>> -> memref<128x128xf32, #tpu.memory_space<vmem_shared>>
      tpu.wait_dma2 semaphore(%run_scoped3A_157 : memref<!tpu.dma_semaphore, #tpu.memory_space<semaphore_mem>>) src(%dma_wait3A_167 : memref<128x128xf32, #tpu.memory_space<vmem_shared>>) dst(%dma_wait3A_165 : memref<128x128xf32, #tpu.memory_space<hbm>>)
      tpu.yield
    }) : () -> ()
    %mul3A_149 = arith.constant 640 : i32
    %mul3A_150 = arith.muli %arg1, %mul3A_149 : i32
    %add3A_151 = arith.constant 384 : i32
    %add3A_152 = arith.addi %mul3A_150, %add3A_151 : i32
    "tpu.region"() ({
      %run_scoped3A_157 = tpu.sem_alloc : memref<!tpu.dma_semaphore, #tpu.memory_space<semaphore_mem>>
      %dma_start3A_158 = arith.constant 0 : i32
      %dma_start3A_159 = tpu.memref_slice %arg5[%arg0, %add3A_152, %dma_start3A_158] : memref<2x10240x128xf32, #tpu.memory_space<hbm>> -> memref<1x128x128xf32, #tpu.memory_space<hbm>>
      %dma_start3A_160 = tpu.memref_squeeze %dma_start3A_159 : memref<1x128x128xf32, #tpu.memory_space<hbm>> -> memref<128x128xf32, #tpu.memory_space<hbm>>
      %dma_start3A_161 = arith.constant 0 : i32
      %dma_start3A_162 = tpu.memref_slice %arg20[%add3A_152, %dma_start3A_161] : memref<10240x128xf32, #tpu.memory_space<vmem_shared>> -> memref<128x128xf32, #tpu.memory_space<vmem_shared>>
      tpu.enqueue_dma source(%dma_start3A_162 : memref<128x128xf32, #tpu.memory_space<vmem_shared>>) target(%dma_start3A_160 : memref<128x128xf32, #tpu.memory_space<hbm>>) target_semaphore(%run_scoped3A_157 : memref<!tpu.dma_semaphore, #tpu.memory_space<semaphore_mem>>)
      %dma_wait3A_163 = arith.constant 0 : i32
      %dma_wait3A_164 = tpu.memref_slice %arg5[%arg0, %add3A_152, %dma_wait3A_163] : memref<2x10240x128xf32, #tpu.memory_space<hbm>> -> memref<1x128x128xf32, #tpu.memory_space<hbm>>
      %dma_wait3A_165 = tpu.memref_squeeze %dma_wait3A_164 : memref<1x128x128xf32, #tpu.memory_space<hbm>> -> memref<128x128xf32, #tpu.memory_space<hbm>>
      %dma_wait3A_166 = arith.constant 0 : i32
      %dma_wait3A_167 = tpu.memref_slice %arg20[%add3A_152, %dma_wait3A_166] : memref<10240x128xf32, #tpu.memory_space<vmem_shared>> -> memref<128x128xf32, #tpu.memory_space<vmem_shared>>
      tpu.wait_dma2 semaphore(%run_scoped3A_157 : memref<!tpu.dma_semaphore, #tpu.memory_space<semaphore_mem>>) src(%dma_wait3A_167 : memref<128x128xf32, #tpu.memory_space<vmem_shared>>) dst(%dma_wait3A_165 : memref<128x128xf32, #tpu.memory_space<hbm>>)
      tpu.yield
    }) : () -> ()
    %mul3A_153 = arith.constant 640 : i32
    %mul3A_154 = arith.muli %arg1, %mul3A_153 : i32
    %add3A_155 = arith.constant 512 : i32
    %add3A_156 = arith.addi %mul3A_154, %add3A_155 : i32
    "tpu.region"() ({
      %run_scoped3A_157 = tpu.sem_alloc : memref<!tpu.dma_semaphore, #tpu.memory_space<semaphore_mem>>
      %dma_start3A_158 = arith.constant 0 : i32
      %dma_start3A_159 = tpu.memref_slice %arg5[%arg0, %add3A_156, %dma_start3A_158] : memref<2x10240x128xf32, #tpu.memory_space<hbm>> -> memref<1x128x128xf32, #tpu.memory_space<hbm>>
      %dma_start3A_160 = tpu.memref_squeeze %dma_start3A_159 : memref<1x128x128xf32, #tpu.memory_space<hbm>> -> memref<128x128xf32, #tpu.memory_space<hbm>>
      %dma_start3A_161 = arith.constant 0 : i32
      %dma_start3A_162 = tpu.memref_slice %arg20[%add3A_156, %dma_start3A_161] : memref<10240x128xf32, #tpu.memory_space<vmem_shared>> -> memref<128x128xf32, #tpu.memory_space<vmem_shared>>
      tpu.enqueue_dma source(%dma_start3A_162 : memref<128x128xf32, #tpu.memory_space<vmem_shared>>) target(%dma_start3A_160 : memref<128x128xf32, #tpu.memory_space<hbm>>) target_semaphore(%run_scoped3A_157 : memref<!tpu.dma_semaphore, #tpu.memory_space<semaphore_mem>>)
      %dma_wait3A_163 = arith.constant 0 : i32
      %dma_wait3A_164 = tpu.memref_slice %arg5[%arg0, %add3A_156, %dma_wait3A_163] : memref<2x10240x128xf32, #tpu.memory_space<hbm>> -> memref<1x128x128xf32, #tpu.memory_space<hbm>>
      %dma_wait3A_165 = tpu.memref_squeeze %dma_wait3A_164 : memref<1x128x128xf32, #tpu.memory_space<hbm>> -> memref<128x128xf32, #tpu.memory_space<hbm>>
      %dma_wait3A_166 = arith.constant 0 : i32
      %dma_wait3A_167 = tpu.memref_slice %arg20[%add3A_156, %dma_wait3A_166] : memref<10240x128xf32, #tpu.memory_space<vmem_shared>> -> memref<128x128xf32, #tpu.memory_space<vmem_shared>>
      tpu.wait_dma2 semaphore(%run_scoped3A_157 : memref<!tpu.dma_semaphore, #tpu.memory_space<semaphore_mem>>) src(%dma_wait3A_167 : memref<128x128xf32, #tpu.memory_space<vmem_shared>>) dst(%dma_wait3A_165 : memref<128x128xf32, #tpu.memory_space<hbm>>)
      tpu.yield
    }) : () -> ()
    return
  }
}

#map = affine_map<(d0, d1) -> (0)>
module attributes {stable_mosaic.version = 14 : i64} {
  func.func @deg_kernel(%arg0: i32, %arg1: i32, %arg2: memref<320000xi32, #tpu.memory_space<hbm>>, %arg3: memref<10240xf32, #tpu.memory_space<hbm>>, %arg4: memref<10240xf32, #tpu.memory_space<hbm>>, %arg5: memref<2000xi32, #tpu.memory_space<vmem>>, %arg6: memref<2000xf32, #tpu.memory_space<vmem>>, %arg7: memref<10240xf32, #tpu.memory_space<vmem_shared>>) attributes {dimension_semantics = [#tpu.dimension_semantics<core_parallel>, #tpu.dimension_semantics<subcore_parallel>], iteration_bounds = array<i64: 2, 16>, scalar_prefetch = 0 : i64, scratch_operands = 3 : i64, tpu.core_type = #tpu.core_type<sc_vector_subcore>, window_params = [{transform_indices = #map}, {transform_indices = #map}, {transform_indices = #map}]} {
    %mul3A = arith.constant 16 : i32
    %mul3A_0 = arith.muli %arg0, %mul3A : i32
    %add3A = arith.addi %mul3A_0, %arg1 : i32
    %broadcast_in_dim3A = arith.constant 1.000000e+00 : f32
    %broadcast_in_dim3A_1 = vector.broadcast %broadcast_in_dim3A : f32 to vector<16xf32>
    %broadcast_in_dim3A_2 = arith.constant 0.000000e+00 : f32
    %broadcast_in_dim3A_3 = vector.broadcast %broadcast_in_dim3A_2 : f32 to vector<16xf32>
    %scan3A = arith.constant 0 : i32
    %scan3A_4 = arith.constant 0 : i32
    %scan3A_5 = arith.constant 125 : i32
    %scan3A_6 = arith.addi %scan3A_4, %scan3A_5 : i32
    %scan3A_7 = arith.constant 1 : i32
    scf.for %scan3A_33 = %scan3A_4 to %scan3A_6 step %scan3A_7  : i32 {
      %mul3A_34 = arith.constant 16 : i32
      %mul3A_35 = arith.muli %scan3A_33, %mul3A_34 : i32
      %lt3A = arith.constant 640 : i32
      %lt3A_36 = arith.cmpi slt, %mul3A_35, %lt3A : i32
      %select_n3A = arith.select %lt3A_36, %broadcast_in_dim3A_3, %broadcast_in_dim3A_1 : vector<16xf32>
      %mul3A_37 = arith.constant 16 : i32
      %mul3A_38 = arith.muli %scan3A_33, %mul3A_37 : i32
      %swap3A = arith.index_cast %mul3A_38 : i32 to index
      %swap3A_39 = tpu.vector_load %arg6[%swap3A] {strides = array<i32>} : memref<2000xf32, #tpu.memory_space<vmem>>, vector<16xf32>,
      %swap3A_40 = vector.shape_cast %swap3A_39 : vector<16xf32> to vector<16xf32>
      %swap3A_41 = vector.shape_cast %select_n3A : vector<16xf32> to vector<16xf32>
      tpu.vector_store %arg6[%swap3A], %swap3A_41 {strides = array<i32>} : memref<2000xf32, #tpu.memory_space<vmem>>, vector<16xf32>,
    }
    %scan3A_8 = arith.constant 125 : i32
    %mul3A_9 = arith.constant 640 : i32
    %mul3A_10 = arith.muli %arg1, %mul3A_9 : i32
    "tpu.region"() ({
      %run_scoped3A = tpu.sem_alloc : memref<!tpu.dma_semaphore, #tpu.memory_space<semaphore_mem>>
      %dma_start3A = arith.constant 0 : i32
      %dma_start3A_33 = tpu.memref_slice %arg6[%dma_start3A] : memref<2000xf32, #tpu.memory_space<vmem>> -> memref<640xf32, #tpu.memory_space<vmem>>
      %dma_start3A_34 = tpu.memref_slice %arg7[%mul3A_10] : memref<10240xf32, #tpu.memory_space<vmem_shared>> -> memref<640xf32, #tpu.memory_space<vmem_shared>>
      %dma_start3A_35 = tpu.memref_slice %arg7[%mul3A_10] : memref<10240xf32, #tpu.memory_space<vmem_shared>> -> memref<640xf32, #tpu.memory_space<vmem_shared>>
      %dma_start3A_36 = arith.constant 0 : i32
      %dma_start3A_37 = tpu.memref_slice %arg6[%dma_start3A_36] : memref<2000xf32, #tpu.memory_space<vmem>> -> memref<640xf32, #tpu.memory_space<vmem>>
      tpu.enqueue_dma source(%dma_start3A_37 : memref<640xf32, #tpu.memory_space<vmem>>) target(%dma_start3A_35 : memref<640xf32, #tpu.memory_space<vmem_shared>>) target_semaphore(%run_scoped3A : memref<!tpu.dma_semaphore, #tpu.memory_space<semaphore_mem>>)
      %dma_wait3A = arith.constant 0 : i32
      %dma_wait3A_38 = tpu.memref_slice %arg6[%dma_wait3A] : memref<2000xf32, #tpu.memory_space<vmem>> -> memref<640xf32, #tpu.memory_space<vmem>>
      %dma_wait3A_39 = tpu.memref_slice %arg7[%mul3A_10] : memref<10240xf32, #tpu.memory_space<vmem_shared>> -> memref<640xf32, #tpu.memory_space<vmem_shared>>
      %dma_wait3A_40 = tpu.memref_slice %arg7[%mul3A_10] : memref<10240xf32, #tpu.memory_space<vmem_shared>> -> memref<640xf32, #tpu.memory_space<vmem_shared>>
      %dma_wait3A_41 = arith.constant 0 : i32
      %dma_wait3A_42 = tpu.memref_slice %arg6[%dma_wait3A_41] : memref<2000xf32, #tpu.memory_space<vmem>> -> memref<640xf32, #tpu.memory_space<vmem>>
      tpu.wait_dma2 semaphore(%run_scoped3A : memref<!tpu.dma_semaphore, #tpu.memory_space<semaphore_mem>>) src(%dma_wait3A_42 : memref<640xf32, #tpu.memory_space<vmem>>) dst(%dma_wait3A_40 : memref<640xf32, #tpu.memory_space<vmem_shared>>)
      tpu.yield
    }) : () -> ()
    %barrier3A = arith.constant 0 : index
    tpu.barrier barrier_id(%barrier3A)
    %scan3A_11 = arith.constant 0 : i32
    %scan3A_12 = arith.constant 0 : i32
    %scan3A_13 = arith.constant 40 : i32
    %scan3A_14 = arith.addi %scan3A_12, %scan3A_13 : i32
    %scan3A_15 = arith.constant 1 : i32
    scf.for %scan3A_33 = %scan3A_12 to %scan3A_14 step %scan3A_15  : i32 {
      %mul3A_34 = arith.constant 16 : i32
      %mul3A_35 = arith.muli %scan3A_33, %mul3A_34 : i32
      %swap3A = arith.index_cast %mul3A_35 : i32 to index
      %swap3A_36 = tpu.vector_load %arg6[%swap3A] {strides = array<i32>} : memref<2000xf32, #tpu.memory_space<vmem>>, vector<16xf32>,
      %swap3A_37 = vector.shape_cast %swap3A_36 : vector<16xf32> to vector<16xf32>
      %swap3A_38 = vector.shape_cast %broadcast_in_dim3A_1 : vector<16xf32> to vector<16xf32>
      tpu.vector_store %arg6[%swap3A], %swap3A_38 {strides = array<i32>} : memref<2000xf32, #tpu.memory_space<vmem>>, vector<16xf32>,
    }
    %scan3A_16 = arith.constant 40 : i32
    %mul3A_17 = arith.constant 10000 : i32
    %mul3A_18 = arith.muli %add3A, %mul3A_17 : i32
    %scan3A_19 = arith.constant 0 : i32
    %scan3A_20 = arith.constant 0 : i32
    %scan3A_21 = arith.constant 5 : i32
    %scan3A_22 = arith.addi %scan3A_20, %scan3A_21 : i32
    %scan3A_23 = arith.constant 1 : i32
    scf.for %scan3A_33 = %scan3A_20 to %scan3A_22 step %scan3A_23  : i32 {
      %mul3A_34 = arith.constant 2000 : i32
      %mul3A_35 = arith.muli %scan3A_33, %mul3A_34 : i32
      %add3A_36 = arith.addi %mul3A_18, %mul3A_35 : i32
      "tpu.region"() ({
        %run_scoped3A = tpu.sem_alloc : memref<!tpu.dma_semaphore, #tpu.memory_space<semaphore_mem>>
        %dma_start3A = tpu.memref_slice %arg2[%add3A_36] : memref<320000xi32, #tpu.memory_space<hbm>> -> memref<2000xi32, #tpu.memory_space<hbm>>
        %dma_start3A_37 = tpu.memref_slice %arg2[%add3A_36] : memref<320000xi32, #tpu.memory_space<hbm>> -> memref<2000xi32, #tpu.memory_space<hbm>>
        tpu.enqueue_dma source(%dma_start3A_37 : memref<2000xi32, #tpu.memory_space<hbm>>) target(%arg5 : memref<2000xi32, #tpu.memory_space<vmem>>) target_semaphore(%run_scoped3A : memref<!tpu.dma_semaphore, #tpu.memory_space<semaphore_mem>>)
        %dma_wait3A = tpu.memref_slice %arg2[%add3A_36] : memref<320000xi32, #tpu.memory_space<hbm>> -> memref<2000xi32, #tpu.memory_space<hbm>>
        %dma_wait3A_38 = tpu.memref_slice %arg2[%add3A_36] : memref<320000xi32, #tpu.memory_space<hbm>> -> memref<2000xi32, #tpu.memory_space<hbm>>
        tpu.wait_dma2 semaphore(%run_scoped3A : memref<!tpu.dma_semaphore, #tpu.memory_space<semaphore_mem>>) src(%dma_wait3A_38 : memref<2000xi32, #tpu.memory_space<hbm>>) dst(%arg5 : memref<2000xi32, #tpu.memory_space<vmem>>)
        tpu.yield
      }) : () -> ()
      "tpu.region"() ({
        %run_scoped3A = tpu.sem_alloc : memref<!tpu.dma_semaphore, #tpu.memory_space<semaphore_mem>>
        %dma_start3A = arith.constant 0 : i32
        %dma_start3A_37 = tpu.memref_slice %arg7[%dma_start3A] : memref<10240xf32, #tpu.memory_space<vmem_shared>> -> memref<10240xf32, #tpu.memory_space<vmem_shared>>
        tpu.enqueue_indirect_dma source(%arg6 : memref<2000xf32, #tpu.memory_space<vmem>>) target(%dma_start3A_37 : memref<10240xf32, #tpu.memory_space<vmem_shared>>) offsets(%arg5 : memref<2000xi32, #tpu.memory_space<vmem>>) semaphore(%run_scoped3A : memref<!tpu.dma_semaphore, #tpu.memory_space<semaphore_mem>>) {add = true}
        %dma_wait3A = arith.constant 0 : i32
        %dma_wait3A_38 = tpu.memref_slice %arg7[%dma_wait3A] : memref<10240xf32, #tpu.memory_space<vmem_shared>> -> memref<10240xf32, #tpu.memory_space<vmem_shared>>
        tpu.wait_indirect_dma semaphore(%run_scoped3A : memref<!tpu.dma_semaphore, #tpu.memory_space<semaphore_mem>>) src(%arg6 : memref<2000xf32, #tpu.memory_space<vmem>>) dst(%dma_wait3A_38 : memref<10240xf32, #tpu.memory_space<vmem_shared>>)
        tpu.yield
      }) : () -> ()
    }
    %scan3A_24 = arith.constant 5 : i32
    %barrier3A_25 = arith.constant 0 : index
    tpu.barrier barrier_id(%barrier3A_25)
    %eq3A = arith.constant 0 : i32
    %eq3A_26 = arith.cmpi eq, %arg0, %eq3A : i32
    %convert_element_type3A = arith.extui %eq3A_26 : i1 to i32
    %cond3A = arith.constant 0 : i32
    %cond3A_27 = arith.cmpi ne, %convert_element_type3A, %cond3A : i32
    scf.if %cond3A_27 {
      %mul3A_33 = arith.constant 640 : i32
      %mul3A_34 = arith.muli %arg1, %mul3A_33 : i32
      %mul3A_35 = arith.constant 640 : i32
      %mul3A_36 = arith.muli %arg1, %mul3A_35 : i32
      "tpu.region"() ({
        %run_scoped3A = tpu.sem_alloc : memref<!tpu.dma_semaphore, #tpu.memory_space<semaphore_mem>>
        %dma_start3A = tpu.memref_slice %arg3[%mul3A_36] : memref<10240xf32, #tpu.memory_space<hbm>> -> memref<640xf32, #tpu.memory_space<hbm>>
        %dma_start3A_37 = tpu.memref_slice %arg7[%mul3A_34] : memref<10240xf32, #tpu.memory_space<vmem_shared>> -> memref<640xf32, #tpu.memory_space<vmem_shared>>
        tpu.enqueue_dma source(%dma_start3A_37 : memref<640xf32, #tpu.memory_space<vmem_shared>>) target(%dma_start3A : memref<640xf32, #tpu.memory_space<hbm>>) target_semaphore(%run_scoped3A : memref<!tpu.dma_semaphore, #tpu.memory_space<semaphore_mem>>)
        %dma_wait3A = tpu.memref_slice %arg3[%mul3A_36] : memref<10240xf32, #tpu.memory_space<hbm>> -> memref<640xf32, #tpu.memory_space<hbm>>
        %dma_wait3A_38 = tpu.memref_slice %arg7[%mul3A_34] : memref<10240xf32, #tpu.memory_space<vmem_shared>> -> memref<640xf32, #tpu.memory_space<vmem_shared>>
        tpu.wait_dma2 semaphore(%run_scoped3A : memref<!tpu.dma_semaphore, #tpu.memory_space<semaphore_mem>>) src(%dma_wait3A_38 : memref<640xf32, #tpu.memory_space<vmem_shared>>) dst(%dma_wait3A : memref<640xf32, #tpu.memory_space<hbm>>)
        tpu.yield
      }) : () -> ()
    } else {
    }
    %eq3A_28 = arith.constant 1 : i32
    %eq3A_29 = arith.cmpi eq, %arg0, %eq3A_28 : i32
    %convert_element_type3A_30 = arith.extui %eq3A_29 : i1 to i32
    %cond3A_31 = arith.constant 0 : i32
    %cond3A_32 = arith.cmpi ne, %convert_element_type3A_30, %cond3A_31 : i32
    scf.if %cond3A_32 {
      %mul3A_33 = arith.constant 640 : i32
      %mul3A_34 = arith.muli %arg1, %mul3A_33 : i32
      %mul3A_35 = arith.constant 640 : i32
      %mul3A_36 = arith.muli %arg1, %mul3A_35 : i32
      "tpu.region"() ({
        %run_scoped3A = tpu.sem_alloc : memref<!tpu.dma_semaphore, #tpu.memory_space<semaphore_mem>>
        %dma_start3A = tpu.memref_slice %arg4[%mul3A_36] : memref<10240xf32, #tpu.memory_space<hbm>> -> memref<640xf32, #tpu.memory_space<hbm>>
        %dma_start3A_37 = tpu.memref_slice %arg7[%mul3A_34] : memref<10240xf32, #tpu.memory_space<vmem_shared>> -> memref<640xf32, #tpu.memory_space<vmem_shared>>
        tpu.enqueue_dma source(%dma_start3A_37 : memref<640xf32, #tpu.memory_space<vmem_shared>>) target(%dma_start3A : memref<640xf32, #tpu.memory_space<hbm>>) target_semaphore(%run_scoped3A : memref<!tpu.dma_semaphore, #tpu.memory_space<semaphore_mem>>)
        %dma_wait3A = tpu.memref_slice %arg4[%mul3A_36] : memref<10240xf32, #tpu.memory_space<hbm>> -> memref<640xf32, #tpu.memory_space<hbm>>
        %dma_wait3A_38 = tpu.memref_slice %arg7[%mul3A_34] : memref<10240xf32, #tpu.memory_space<vmem_shared>> -> memref<640xf32, #tpu.memory_space<vmem_shared>>
        tpu.wait_dma2 semaphore(%run_scoped3A : memref<!tpu.dma_semaphore, #tpu.memory_space<semaphore_mem>>) src(%dma_wait3A_38 : memref<640xf32, #tpu.memory_space<vmem_shared>>) dst(%dma_wait3A : memref<640xf32, #tpu.memory_space<hbm>>)
        tpu.yield
      }) : () -> ()
    } else {
    }
    return
  }
}

#map = affine_map<(d0, d1) -> (0, 0, 0)>
#map1 = affine_map<(d0, d1) -> (0, 0)>
module attributes {stable_mosaic.version = 14 : i64} {
  func.func @edge_kernel(%arg0: i32, %arg1: i32, %arg2: memref<1248x2x256xi32, #tpu.memory_space<hbm>>, %arg3: memref<32x2x16xi32, #tpu.memory_space<hbm>>, %arg4: memref<10000x64xf32, #tpu.memory_space<hbm>>, %arg5: memref<2x10240x64xf32, #tpu.memory_space<hbm>>, %arg6: memref<2x256xi32, #tpu.memory_space<vmem>>, %arg7: memref<2x256xi32, #tpu.memory_space<vmem>>, %arg8: memref<2x256xi32, #tpu.memory_space<vmem>>, %arg9: memref<2x256xi32, #tpu.memory_space<vmem>>, %arg10: memref<256x64xf32, #tpu.memory_space<vmem>>, %arg11: memref<256x64xf32, #tpu.memory_space<vmem>>, %arg12: memref<!tpu.dma_semaphore, #tpu.memory_space<semaphore_mem>>, %arg13: memref<!tpu.dma_semaphore, #tpu.memory_space<semaphore_mem>>, %arg14: memref<!tpu.dma_semaphore, #tpu.memory_space<semaphore_mem>>, %arg15: memref<!tpu.dma_semaphore, #tpu.memory_space<semaphore_mem>>, %arg16: memref<!tpu.dma_semaphore, #tpu.memory_space<semaphore_mem>>, %arg17: memref<!tpu.dma_semaphore, #tpu.memory_space<semaphore_mem>>, %arg18: memref<16xi32, #tpu.memory_space<vmem>>, %arg19: memref<16xi32, #tpu.memory_space<vmem>>, %arg20: memref<10240x64xf32, #tpu.memory_space<vmem_shared>>) attributes {dimension_semantics = [#tpu.dimension_semantics<core_parallel>, #tpu.dimension_semantics<subcore_parallel>], iteration_bounds = array<i64: 2, 16>, scalar_prefetch = 0 : i64, scratch_operands = 15 : i64, tpu.core_type = #tpu.core_type<sc_vector_subcore>, window_params = [{transform_indices = #map}, {transform_indices = #map}, {transform_indices = #map1}, {transform_indices = #map}]} {
    %mul3A = arith.constant 16 : i32
    %mul3A_0 = arith.muli %arg0, %mul3A : i32
    %add3A = arith.addi %mul3A_0, %arg1 : i32
    %broadcast_in_dim3A = arith.constant 0.000000e+00 : f32
    %broadcast_in_dim3A_1 = vector.broadcast %broadcast_in_dim3A : f32 to vector<16xf32>
    %mul3A_2 = arith.constant 39 : i32
    %mul3A_3 = arith.muli %add3A, %mul3A_2 : i32
    %add3A_4 = arith.constant 0 : i32
    %add3A_5 = arith.addi %mul3A_3, %add3A_4 : i32
    %dma_start3A = arith.constant 0 : i32
    %dma_start3A_6 = arith.constant 0 : i32
    %dma_start3A_7 = tpu.memref_slice %arg2[%add3A_5, %dma_start3A, %dma_start3A_6] : memref<1248x2x256xi32, #tpu.memory_space<hbm>> -> memref<1x2x256xi32, #tpu.memory_space<hbm>>
    %dma_start3A_8 = tpu.memref_squeeze %dma_start3A_7 : memref<1x2x256xi32, #tpu.memory_space<hbm>> -> memref<2x256xi32, #tpu.memory_space<hbm>>
    %dma_start3A_9 = arith.constant 0 : i32
    %dma_start3A_10 = arith.constant 0 : i32
    %dma_start3A_11 = tpu.memref_slice %arg2[%add3A_5, %dma_start3A_9, %dma_start3A_10] : memref<1248x2x256xi32, #tpu.memory_space<hbm>> -> memref<1x2x256xi32, #tpu.memory_space<hbm>>
    %dma_start3A_12 = tpu.memref_squeeze %dma_start3A_11 : memref<1x2x256xi32, #tpu.memory_space<hbm>> -> memref<2x256xi32, #tpu.memory_space<hbm>>
    tpu.enqueue_dma source(%dma_start3A_12 : memref<2x256xi32, #tpu.memory_space<hbm>>) target(%arg6 : memref<2x256xi32, #tpu.memory_space<vmem>>) target_semaphore(%arg14 : memref<!tpu.dma_semaphore, #tpu.memory_space<semaphore_mem>>)
    %add3A_13 = arith.constant 1 : i32
    %add3A_14 = arith.addi %mul3A_3, %add3A_13 : i32
    %dma_start3A_15 = arith.constant 0 : i32
    %dma_start3A_16 = arith.constant 0 : i32
    %dma_start3A_17 = tpu.memref_slice %arg2[%add3A_14, %dma_start3A_15, %dma_start3A_16] : memref<1248x2x256xi32, #tpu.memory_space<hbm>> -> memref<1x2x256xi32, #tpu.memory_space<hbm>>
    %dma_start3A_18 = tpu.memref_squeeze %dma_start3A_17 : memref<1x2x256xi32, #tpu.memory_space<hbm>> -> memref<2x256xi32, #tpu.memory_space<hbm>>
    %dma_start3A_19 = arith.constant 0 : i32
    %dma_start3A_20 = arith.constant 0 : i32
    %dma_start3A_21 = tpu.memref_slice %arg2[%add3A_14, %dma_start3A_19, %dma_start3A_20] : memref<1248x2x256xi32, #tpu.memory_space<hbm>> -> memref<1x2x256xi32, #tpu.memory_space<hbm>>
    %dma_start3A_22 = tpu.memref_squeeze %dma_start3A_21 : memref<1x2x256xi32, #tpu.memory_space<hbm>> -> memref<2x256xi32, #tpu.memory_space<hbm>>
    tpu.enqueue_dma source(%dma_start3A_22 : memref<2x256xi32, #tpu.memory_space<hbm>>) target(%arg7 : memref<2x256xi32, #tpu.memory_space<vmem>>) target_semaphore(%arg15 : memref<!tpu.dma_semaphore, #tpu.memory_space<semaphore_mem>>)
    %add3A_23 = arith.constant 2 : i32
    %add3A_24 = arith.addi %mul3A_3, %add3A_23 : i32
    %dma_start3A_25 = arith.constant 0 : i32
    %dma_start3A_26 = arith.constant 0 : i32
    %dma_start3A_27 = tpu.memref_slice %arg2[%add3A_24, %dma_start3A_25, %dma_start3A_26] : memref<1248x2x256xi32, #tpu.memory_space<hbm>> -> memref<1x2x256xi32, #tpu.memory_space<hbm>>
    %dma_start3A_28 = tpu.memref_squeeze %dma_start3A_27 : memref<1x2x256xi32, #tpu.memory_space<hbm>> -> memref<2x256xi32, #tpu.memory_space<hbm>>
    %dma_start3A_29 = arith.constant 0 : i32
    %dma_start3A_30 = arith.constant 0 : i32
    %dma_start3A_31 = tpu.memref_slice %arg2[%add3A_24, %dma_start3A_29, %dma_start3A_30] : memref<1248x2x256xi32, #tpu.memory_space<hbm>> -> memref<1x2x256xi32, #tpu.memory_space<hbm>>
    %dma_start3A_32 = tpu.memref_squeeze %dma_start3A_31 : memref<1x2x256xi32, #tpu.memory_space<hbm>> -> memref<2x256xi32, #tpu.memory_space<hbm>>
    tpu.enqueue_dma source(%dma_start3A_32 : memref<2x256xi32, #tpu.memory_space<hbm>>) target(%arg8 : memref<2x256xi32, #tpu.memory_space<vmem>>) target_semaphore(%arg16 : memref<!tpu.dma_semaphore, #tpu.memory_space<semaphore_mem>>)
    %add3A_33 = arith.constant 3 : i32
    %add3A_34 = arith.addi %mul3A_3, %add3A_33 : i32
    %dma_start3A_35 = arith.constant 0 : i32
    %dma_start3A_36 = arith.constant 0 : i32
    %dma_start3A_37 = tpu.memref_slice %arg2[%add3A_34, %dma_start3A_35, %dma_start3A_36] : memref<1248x2x256xi32, #tpu.memory_space<hbm>> -> memref<1x2x256xi32, #tpu.memory_space<hbm>>
    %dma_start3A_38 = tpu.memref_squeeze %dma_start3A_37 : memref<1x2x256xi32, #tpu.memory_space<hbm>> -> memref<2x256xi32, #tpu.memory_space<hbm>>
    %dma_start3A_39 = arith.constant 0 : i32
    %dma_start3A_40 = arith.constant 0 : i32
    %dma_start3A_41 = tpu.memref_slice %arg2[%add3A_34, %dma_start3A_39, %dma_start3A_40] : memref<1248x2x256xi32, #tpu.memory_space<hbm>> -> memref<1x2x256xi32, #tpu.memory_space<hbm>>
    %dma_start3A_42 = tpu.memref_squeeze %dma_start3A_41 : memref<1x2x256xi32, #tpu.memory_space<hbm>> -> memref<2x256xi32, #tpu.memory_space<hbm>>
    tpu.enqueue_dma source(%dma_start3A_42 : memref<2x256xi32, #tpu.memory_space<hbm>>) target(%arg9 : memref<2x256xi32, #tpu.memory_space<vmem>>) target_semaphore(%arg17 : memref<!tpu.dma_semaphore, #tpu.memory_space<semaphore_mem>>)
    %scan3A = arith.constant 0 : i32
    %scan3A_43 = arith.constant 0 : i32
    %scan3A_44 = arith.constant 128 : i32
    %scan3A_45 = arith.addi %scan3A_43, %scan3A_44 : i32
    %scan3A_46 = arith.constant 1 : i32
    scf.for %scan3A_182 = %scan3A_43 to %scan3A_45 step %scan3A_46  : i32 {
      %swap3A = arith.index_cast %scan3A_182 : i32 to index
      %swap3A_183 = arith.constant 0 : index
      %swap3A_184 = tpu.vector_load %arg11[%swap3A, %swap3A_183] {strides = array<i32>} : memref<256x64xf32, #tpu.memory_space<vmem>>, vector<1x16xf32>,
      %swap3A_185 = vector.shape_cast %swap3A_184 : vector<1x16xf32> to vector<16xf32>
      %swap3A_186 = vector.shape_cast %broadcast_in_dim3A_1 : vector<16xf32> to vector<1x16xf32>
      tpu.vector_store %arg11[%swap3A, %swap3A_183], %swap3A_186 {strides = array<i32>} : memref<256x64xf32, #tpu.memory_space<vmem>>, vector<1x16xf32>,
      %swap3A_187 = arith.index_cast %scan3A_182 : i32 to index
      %swap3A_188 = arith.constant 16 : index
      %swap3A_189 = tpu.vector_load %arg11[%swap3A_187, %swap3A_188] {strides = array<i32>} : memref<256x64xf32, #tpu.memory_space<vmem>>, vector<1x16xf32>,
      %swap3A_190 = vector.shape_cast %swap3A_189 : vector<1x16xf32> to vector<16xf32>
      %swap3A_191 = vector.shape_cast %broadcast_in_dim3A_1 : vector<16xf32> to vector<1x16xf32>
      tpu.vector_store %arg11[%swap3A_187, %swap3A_188], %swap3A_191 {strides = array<i32>} : memref<256x64xf32, #tpu.memory_space<vmem>>, vector<1x16xf32>,
      %swap3A_192 = arith.index_cast %scan3A_182 : i32 to index
      %swap3A_193 = arith.constant 32 : index
      %swap3A_194 = tpu.vector_load %arg11[%swap3A_192, %swap3A_193] {strides = array<i32>} : memref<256x64xf32, #tpu.memory_space<vmem>>, vector<1x16xf32>,
      %swap3A_195 = vector.shape_cast %swap3A_194 : vector<1x16xf32> to vector<16xf32>
      %swap3A_196 = vector.shape_cast %broadcast_in_dim3A_1 : vector<16xf32> to vector<1x16xf32>
      tpu.vector_store %arg11[%swap3A_192, %swap3A_193], %swap3A_196 {strides = array<i32>} : memref<256x64xf32, #tpu.memory_space<vmem>>, vector<1x16xf32>,
      %swap3A_197 = arith.index_cast %scan3A_182 : i32 to index
      %swap3A_198 = arith.constant 48 : index
      %swap3A_199 = tpu.vector_load %arg11[%swap3A_197, %swap3A_198] {strides = array<i32>} : memref<256x64xf32, #tpu.memory_space<vmem>>, vector<1x16xf32>,
      %swap3A_200 = vector.shape_cast %swap3A_199 : vector<1x16xf32> to vector<16xf32>
      %swap3A_201 = vector.shape_cast %broadcast_in_dim3A_1 : vector<16xf32> to vector<1x16xf32>
      tpu.vector_store %arg11[%swap3A_197, %swap3A_198], %swap3A_201 {strides = array<i32>} : memref<256x64xf32, #tpu.memory_space<vmem>>, vector<1x16xf32>,
    }
    %scan3A_47 = arith.constant 128 : i32
    %add3A_48 = arith.constant 0 : i32
    %add3A_49 = arith.addi %mul3A_3, %add3A_48 : i32
    %dma_wait3A = arith.constant 0 : i32
    %dma_wait3A_50 = arith.constant 0 : i32
    %dma_wait3A_51 = tpu.memref_slice %arg2[%add3A_49, %dma_wait3A, %dma_wait3A_50] : memref<1248x2x256xi32, #tpu.memory_space<hbm>> -> memref<1x2x256xi32, #tpu.memory_space<hbm>>
    %dma_wait3A_52 = tpu.memref_squeeze %dma_wait3A_51 : memref<1x2x256xi32, #tpu.memory_space<hbm>> -> memref<2x256xi32, #tpu.memory_space<hbm>>
    %dma_wait3A_53 = arith.constant 0 : i32
    %dma_wait3A_54 = arith.constant 0 : i32
    %dma_wait3A_55 = tpu.memref_slice %arg2[%add3A_49, %dma_wait3A_53, %dma_wait3A_54] : memref<1248x2x256xi32, #tpu.memory_space<hbm>> -> memref<1x2x256xi32, #tpu.memory_space<hbm>>
    %dma_wait3A_56 = tpu.memref_squeeze %dma_wait3A_55 : memref<1x2x256xi32, #tpu.memory_space<hbm>> -> memref<2x256xi32, #tpu.memory_space<hbm>>
    tpu.wait_dma2 semaphore(%arg14 : memref<!tpu.dma_semaphore, #tpu.memory_space<semaphore_mem>>) src(%dma_wait3A_56 : memref<2x256xi32, #tpu.memory_space<hbm>>) dst(%arg6 : memref<2x256xi32, #tpu.memory_space<vmem>>)
    %dma_start3A_57 = arith.constant 0 : i32
    %dma_start3A_58 = arith.constant 0 : i32
    %dma_start3A_59 = tpu.memref_slice %arg6[%dma_start3A_57, %dma_start3A_58] : memref<2x256xi32, #tpu.memory_space<vmem>> -> memref<1x256xi32, #tpu.memory_space<vmem>>
    %dma_start3A_60 = tpu.memref_squeeze %dma_start3A_59 : memref<1x256xi32, #tpu.memory_space<vmem>> -> memref<256xi32, #tpu.memory_space<vmem>>
    %dma_start3A_61 = arith.constant 0 : i32
    %dma_start3A_62 = arith.constant 0 : i32
    %dma_start3A_63 = tpu.memref_slice %arg4[%dma_start3A_61, %dma_start3A_62] : memref<10000x64xf32, #tpu.memory_space<hbm>> -> memref<10000x64xf32, #tpu.memory_space<hbm>>
    tpu.enqueue_indirect_dma source(%dma_start3A_63 : memref<10000x64xf32, #tpu.memory_space<hbm>>) target(%arg10 : memref<256x64xf32, #tpu.memory_space<vmem>>) offsets(%dma_start3A_60 : memref<256xi32, #tpu.memory_space<vmem>>) semaphore(%arg12 : memref<!tpu.dma_semaphore, #tpu.memory_space<semaphore_mem>>)
    %mul3A_64 = arith.constant 640 : i32
    %mul3A_65 = arith.muli %arg1, %mul3A_64 : i32
    %add3A_66 = arith.constant 0 : i32
    %add3A_67 = arith.addi %mul3A_65, %add3A_66 : i32
    "tpu.region"() ({
      %run_scoped3A_182 = tpu.sem_alloc : memref<!tpu.dma_semaphore, #tpu.memory_space<semaphore_mem>>
      %dma_start3A_183 = arith.constant 0 : i32
      %dma_start3A_184 = arith.constant 0 : i32
      %dma_start3A_185 = tpu.memref_slice %arg11[%dma_start3A_183, %dma_start3A_184] : memref<256x64xf32, #tpu.memory_space<vmem>> -> memref<128x64xf32, #tpu.memory_space<vmem>>
      %dma_start3A_186 = arith.constant 0 : i32
      %dma_start3A_187 = tpu.memref_slice %arg20[%add3A_67, %dma_start3A_186] : memref<10240x64xf32, #tpu.memory_space<vmem_shared>> -> memref<128x64xf32, #tpu.memory_space<vmem_shared>>
      %dma_start3A_188 = arith.constant 0 : i32
      %dma_start3A_189 = tpu.memref_slice %arg20[%add3A_67, %dma_start3A_188] : memref<10240x64xf32, #tpu.memory_space<vmem_shared>> -> memref<128x64xf32, #tpu.memory_space<vmem_shared>>
      %dma_start3A_190 = arith.constant 0 : i32
      %dma_start3A_191 = arith.constant 0 : i32
      %dma_start3A_192 = tpu.memref_slice %arg11[%dma_start3A_190, %dma_start3A_191] : memref<256x64xf32, #tpu.memory_space<vmem>> -> memref<128x64xf32, #tpu.memory_space<vmem>>
      tpu.enqueue_dma source(%dma_start3A_192 : memref<128x64xf32, #tpu.memory_space<vmem>>) target(%dma_start3A_189 : memref<128x64xf32, #tpu.memory_space<vmem_shared>>) target_semaphore(%run_scoped3A_182 : memref<!tpu.dma_semaphore, #tpu.memory_space<semaphore_mem>>)
      %dma_wait3A_193 = arith.constant 0 : i32
      %dma_wait3A_194 = arith.constant 0 : i32
      %dma_wait3A_195 = tpu.memref_slice %arg11[%dma_wait3A_193, %dma_wait3A_194] : memref<256x64xf32, #tpu.memory_space<vmem>> -> memref<128x64xf32, #tpu.memory_space<vmem>>
      %dma_wait3A_196 = arith.constant 0 : i32
      %dma_wait3A_197 = tpu.memref_slice %arg20[%add3A_67, %dma_wait3A_196] : memref<10240x64xf32, #tpu.memory_space<vmem_shared>> -> memref<128x64xf32, #tpu.memory_space<vmem_shared>>
      %dma_wait3A_198 = arith.constant 0 : i32
      %dma_wait3A_199 = tpu.memref_slice %arg20[%add3A_67, %dma_wait3A_198] : memref<10240x64xf32, #tpu.memory_space<vmem_shared>> -> memref<128x64xf32, #tpu.memory_space<vmem_shared>>
      %dma_wait3A_200 = arith.constant 0 : i32
      %dma_wait3A_201 = arith.constant 0 : i32
      %dma_wait3A_202 = tpu.memref_slice %arg11[%dma_wait3A_200, %dma_wait3A_201] : memref<256x64xf32, #tpu.memory_space<vmem>> -> memref<128x64xf32, #tpu.memory_space<vmem>>
      tpu.wait_dma2 semaphore(%run_scoped3A_182 : memref<!tpu.dma_semaphore, #tpu.memory_space<semaphore_mem>>) src(%dma_wait3A_202 : memref<128x64xf32, #tpu.memory_space<vmem>>) dst(%dma_wait3A_199 : memref<128x64xf32, #tpu.memory_space<vmem_shared>>)
      tpu.yield
    }) : () -> ()
    %mul3A_68 = arith.constant 640 : i32
    %mul3A_69 = arith.muli %arg1, %mul3A_68 : i32
    %add3A_70 = arith.constant 128 : i32
    %add3A_71 = arith.addi %mul3A_69, %add3A_70 : i32
    "tpu.region"() ({
      %run_scoped3A_182 = tpu.sem_alloc : memref<!tpu.dma_semaphore, #tpu.memory_space<semaphore_mem>>
      %dma_start3A_183 = arith.constant 0 : i32
      %dma_start3A_184 = arith.constant 0 : i32
      %dma_start3A_185 = tpu.memref_slice %arg11[%dma_start3A_183, %dma_start3A_184] : memref<256x64xf32, #tpu.memory_space<vmem>> -> memref<128x64xf32, #tpu.memory_space<vmem>>
      %dma_start3A_186 = arith.constant 0 : i32
      %dma_start3A_187 = tpu.memref_slice %arg20[%add3A_71, %dma_start3A_186] : memref<10240x64xf32, #tpu.memory_space<vmem_shared>> -> memref<128x64xf32, #tpu.memory_space<vmem_shared>>
      %dma_start3A_188 = arith.constant 0 : i32
      %dma_start3A_189 = tpu.memref_slice %arg20[%add3A_71, %dma_start3A_188] : memref<10240x64xf32, #tpu.memory_space<vmem_shared>> -> memref<128x64xf32, #tpu.memory_space<vmem_shared>>
      %dma_start3A_190 = arith.constant 0 : i32
      %dma_start3A_191 = arith.constant 0 : i32
      %dma_start3A_192 = tpu.memref_slice %arg11[%dma_start3A_190, %dma_start3A_191] : memref<256x64xf32, #tpu.memory_space<vmem>> -> memref<128x64xf32, #tpu.memory_space<vmem>>
      tpu.enqueue_dma source(%dma_start3A_192 : memref<128x64xf32, #tpu.memory_space<vmem>>) target(%dma_start3A_189 : memref<128x64xf32, #tpu.memory_space<vmem_shared>>) target_semaphore(%run_scoped3A_182 : memref<!tpu.dma_semaphore, #tpu.memory_space<semaphore_mem>>)
      %dma_wait3A_193 = arith.constant 0 : i32
      %dma_wait3A_194 = arith.constant 0 : i32
      %dma_wait3A_195 = tpu.memref_slice %arg11[%dma_wait3A_193, %dma_wait3A_194] : memref<256x64xf32, #tpu.memory_space<vmem>> -> memref<128x64xf32, #tpu.memory_space<vmem>>
      %dma_wait3A_196 = arith.constant 0 : i32
      %dma_wait3A_197 = tpu.memref_slice %arg20[%add3A_71, %dma_wait3A_196] : memref<10240x64xf32, #tpu.memory_space<vmem_shared>> -> memref<128x64xf32, #tpu.memory_space<vmem_shared>>
      %dma_wait3A_198 = arith.constant 0 : i32
      %dma_wait3A_199 = tpu.memref_slice %arg20[%add3A_71, %dma_wait3A_198] : memref<10240x64xf32, #tpu.memory_space<vmem_shared>> -> memref<128x64xf32, #tpu.memory_space<vmem_shared>>
      %dma_wait3A_200 = arith.constant 0 : i32
      %dma_wait3A_201 = arith.constant 0 : i32
      %dma_wait3A_202 = tpu.memref_slice %arg11[%dma_wait3A_200, %dma_wait3A_201] : memref<256x64xf32, #tpu.memory_space<vmem>> -> memref<128x64xf32, #tpu.memory_space<vmem>>
      tpu.wait_dma2 semaphore(%run_scoped3A_182 : memref<!tpu.dma_semaphore, #tpu.memory_space<semaphore_mem>>) src(%dma_wait3A_202 : memref<128x64xf32, #tpu.memory_space<vmem>>) dst(%dma_wait3A_199 : memref<128x64xf32, #tpu.memory_space<vmem_shared>>)
      tpu.yield
    }) : () -> ()
    %mul3A_72 = arith.constant 640 : i32
    %mul3A_73 = arith.muli %arg1, %mul3A_72 : i32
    %add3A_74 = arith.constant 256 : i32
    %add3A_75 = arith.addi %mul3A_73, %add3A_74 : i32
    "tpu.region"() ({
      %run_scoped3A_182 = tpu.sem_alloc : memref<!tpu.dma_semaphore, #tpu.memory_space<semaphore_mem>>
      %dma_start3A_183 = arith.constant 0 : i32
      %dma_start3A_184 = arith.constant 0 : i32
      %dma_start3A_185 = tpu.memref_slice %arg11[%dma_start3A_183, %dma_start3A_184] : memref<256x64xf32, #tpu.memory_space<vmem>> -> memref<128x64xf32, #tpu.memory_space<vmem>>
      %dma_start3A_186 = arith.constant 0 : i32
      %dma_start3A_187 = tpu.memref_slice %arg20[%add3A_75, %dma_start3A_186] : memref<10240x64xf32, #tpu.memory_space<vmem_shared>> -> memref<128x64xf32, #tpu.memory_space<vmem_shared>>
      %dma_start3A_188 = arith.constant 0 : i32
      %dma_start3A_189 = tpu.memref_slice %arg20[%add3A_75, %dma_start3A_188] : memref<10240x64xf32, #tpu.memory_space<vmem_shared>> -> memref<128x64xf32, #tpu.memory_space<vmem_shared>>
      %dma_start3A_190 = arith.constant 0 : i32
      %dma_start3A_191 = arith.constant 0 : i32
      %dma_start3A_192 = tpu.memref_slice %arg11[%dma_start3A_190, %dma_start3A_191] : memref<256x64xf32, #tpu.memory_space<vmem>> -> memref<128x64xf32, #tpu.memory_space<vmem>>
      tpu.enqueue_dma source(%dma_start3A_192 : memref<128x64xf32, #tpu.memory_space<vmem>>) target(%dma_start3A_189 : memref<128x64xf32, #tpu.memory_space<vmem_shared>>) target_semaphore(%run_scoped3A_182 : memref<!tpu.dma_semaphore, #tpu.memory_space<semaphore_mem>>)
      %dma_wait3A_193 = arith.constant 0 : i32
      %dma_wait3A_194 = arith.constant 0 : i32
      %dma_wait3A_195 = tpu.memref_slice %arg11[%dma_wait3A_193, %dma_wait3A_194] : memref<256x64xf32, #tpu.memory_space<vmem>> -> memref<128x64xf32, #tpu.memory_space<vmem>>
      %dma_wait3A_196 = arith.constant 0 : i32
      %dma_wait3A_197 = tpu.memref_slice %arg20[%add3A_75, %dma_wait3A_196] : memref<10240x64xf32, #tpu.memory_space<vmem_shared>> -> memref<128x64xf32, #tpu.memory_space<vmem_shared>>
      %dma_wait3A_198 = arith.constant 0 : i32
      %dma_wait3A_199 = tpu.memref_slice %arg20[%add3A_75, %dma_wait3A_198] : memref<10240x64xf32, #tpu.memory_space<vmem_shared>> -> memref<128x64xf32, #tpu.memory_space<vmem_shared>>
      %dma_wait3A_200 = arith.constant 0 : i32
      %dma_wait3A_201 = arith.constant 0 : i32
      %dma_wait3A_202 = tpu.memref_slice %arg11[%dma_wait3A_200, %dma_wait3A_201] : memref<256x64xf32, #tpu.memory_space<vmem>> -> memref<128x64xf32, #tpu.memory_space<vmem>>
      tpu.wait_dma2 semaphore(%run_scoped3A_182 : memref<!tpu.dma_semaphore, #tpu.memory_space<semaphore_mem>>) src(%dma_wait3A_202 : memref<128x64xf32, #tpu.memory_space<vmem>>) dst(%dma_wait3A_199 : memref<128x64xf32, #tpu.memory_space<vmem_shared>>)
      tpu.yield
    }) : () -> ()
    %mul3A_76 = arith.constant 640 : i32
    %mul3A_77 = arith.muli %arg1, %mul3A_76 : i32
    %add3A_78 = arith.constant 384 : i32
    %add3A_79 = arith.addi %mul3A_77, %add3A_78 : i32
    "tpu.region"() ({
      %run_scoped3A_182 = tpu.sem_alloc : memref<!tpu.dma_semaphore, #tpu.memory_space<semaphore_mem>>
      %dma_start3A_183 = arith.constant 0 : i32
      %dma_start3A_184 = arith.constant 0 : i32
      %dma_start3A_185 = tpu.memref_slice %arg11[%dma_start3A_183, %dma_start3A_184] : memref<256x64xf32, #tpu.memory_space<vmem>> -> memref<128x64xf32, #tpu.memory_space<vmem>>
      %dma_start3A_186 = arith.constant 0 : i32
      %dma_start3A_187 = tpu.memref_slice %arg20[%add3A_79, %dma_start3A_186] : memref<10240x64xf32, #tpu.memory_space<vmem_shared>> -> memref<128x64xf32, #tpu.memory_space<vmem_shared>>
      %dma_start3A_188 = arith.constant 0 : i32
      %dma_start3A_189 = tpu.memref_slice %arg20[%add3A_79, %dma_start3A_188] : memref<10240x64xf32, #tpu.memory_space<vmem_shared>> -> memref<128x64xf32, #tpu.memory_space<vmem_shared>>
      %dma_start3A_190 = arith.constant 0 : i32
      %dma_start3A_191 = arith.constant 0 : i32
      %dma_start3A_192 = tpu.memref_slice %arg11[%dma_start3A_190, %dma_start3A_191] : memref<256x64xf32, #tpu.memory_space<vmem>> -> memref<128x64xf32, #tpu.memory_space<vmem>>
      tpu.enqueue_dma source(%dma_start3A_192 : memref<128x64xf32, #tpu.memory_space<vmem>>) target(%dma_start3A_189 : memref<128x64xf32, #tpu.memory_space<vmem_shared>>) target_semaphore(%run_scoped3A_182 : memref<!tpu.dma_semaphore, #tpu.memory_space<semaphore_mem>>)
      %dma_wait3A_193 = arith.constant 0 : i32
      %dma_wait3A_194 = arith.constant 0 : i32
      %dma_wait3A_195 = tpu.memref_slice %arg11[%dma_wait3A_193, %dma_wait3A_194] : memref<256x64xf32, #tpu.memory_space<vmem>> -> memref<128x64xf32, #tpu.memory_space<vmem>>
      %dma_wait3A_196 = arith.constant 0 : i32
      %dma_wait3A_197 = tpu.memref_slice %arg20[%add3A_79, %dma_wait3A_196] : memref<10240x64xf32, #tpu.memory_space<vmem_shared>> -> memref<128x64xf32, #tpu.memory_space<vmem_shared>>
      %dma_wait3A_198 = arith.constant 0 : i32
      %dma_wait3A_199 = tpu.memref_slice %arg20[%add3A_79, %dma_wait3A_198] : memref<10240x64xf32, #tpu.memory_space<vmem_shared>> -> memref<128x64xf32, #tpu.memory_space<vmem_shared>>
      %dma_wait3A_200 = arith.constant 0 : i32
      %dma_wait3A_201 = arith.constant 0 : i32
      %dma_wait3A_202 = tpu.memref_slice %arg11[%dma_wait3A_200, %dma_wait3A_201] : memref<256x64xf32, #tpu.memory_space<vmem>> -> memref<128x64xf32, #tpu.memory_space<vmem>>
      tpu.wait_dma2 semaphore(%run_scoped3A_182 : memref<!tpu.dma_semaphore, #tpu.memory_space<semaphore_mem>>) src(%dma_wait3A_202 : memref<128x64xf32, #tpu.memory_space<vmem>>) dst(%dma_wait3A_199 : memref<128x64xf32, #tpu.memory_space<vmem_shared>>)
      tpu.yield
    }) : () -> ()
    %mul3A_80 = arith.constant 640 : i32
    %mul3A_81 = arith.muli %arg1, %mul3A_80 : i32
    %add3A_82 = arith.constant 512 : i32
    %add3A_83 = arith.addi %mul3A_81, %add3A_82 : i32
    "tpu.region"() ({
      %run_scoped3A_182 = tpu.sem_alloc : memref<!tpu.dma_semaphore, #tpu.memory_space<semaphore_mem>>
      %dma_start3A_183 = arith.constant 0 : i32
      %dma_start3A_184 = arith.constant 0 : i32
      %dma_start3A_185 = tpu.memref_slice %arg11[%dma_start3A_183, %dma_start3A_184] : memref<256x64xf32, #tpu.memory_space<vmem>> -> memref<128x64xf32, #tpu.memory_space<vmem>>
      %dma_start3A_186 = arith.constant 0 : i32
      %dma_start3A_187 = tpu.memref_slice %arg20[%add3A_83, %dma_start3A_186] : memref<10240x64xf32, #tpu.memory_space<vmem_shared>> -> memref<128x64xf32, #tpu.memory_space<vmem_shared>>
      %dma_start3A_188 = arith.constant 0 : i32
      %dma_start3A_189 = tpu.memref_slice %arg20[%add3A_83, %dma_start3A_188] : memref<10240x64xf32, #tpu.memory_space<vmem_shared>> -> memref<128x64xf32, #tpu.memory_space<vmem_shared>>
      %dma_start3A_190 = arith.constant 0 : i32
      %dma_start3A_191 = arith.constant 0 : i32
      %dma_start3A_192 = tpu.memref_slice %arg11[%dma_start3A_190, %dma_start3A_191] : memref<256x64xf32, #tpu.memory_space<vmem>> -> memref<128x64xf32, #tpu.memory_space<vmem>>
      tpu.enqueue_dma source(%dma_start3A_192 : memref<128x64xf32, #tpu.memory_space<vmem>>) target(%dma_start3A_189 : memref<128x64xf32, #tpu.memory_space<vmem_shared>>) target_semaphore(%run_scoped3A_182 : memref<!tpu.dma_semaphore, #tpu.memory_space<semaphore_mem>>)
      %dma_wait3A_193 = arith.constant 0 : i32
      %dma_wait3A_194 = arith.constant 0 : i32
      %dma_wait3A_195 = tpu.memref_slice %arg11[%dma_wait3A_193, %dma_wait3A_194] : memref<256x64xf32, #tpu.memory_space<vmem>> -> memref<128x64xf32, #tpu.memory_space<vmem>>
      %dma_wait3A_196 = arith.constant 0 : i32
      %dma_wait3A_197 = tpu.memref_slice %arg20[%add3A_83, %dma_wait3A_196] : memref<10240x64xf32, #tpu.memory_space<vmem_shared>> -> memref<128x64xf32, #tpu.memory_space<vmem_shared>>
      %dma_wait3A_198 = arith.constant 0 : i32
      %dma_wait3A_199 = tpu.memref_slice %arg20[%add3A_83, %dma_wait3A_198] : memref<10240x64xf32, #tpu.memory_space<vmem_shared>> -> memref<128x64xf32, #tpu.memory_space<vmem_shared>>
      %dma_wait3A_200 = arith.constant 0 : i32
      %dma_wait3A_201 = arith.constant 0 : i32
      %dma_wait3A_202 = tpu.memref_slice %arg11[%dma_wait3A_200, %dma_wait3A_201] : memref<256x64xf32, #tpu.memory_space<vmem>> -> memref<128x64xf32, #tpu.memory_space<vmem>>
      tpu.wait_dma2 semaphore(%run_scoped3A_182 : memref<!tpu.dma_semaphore, #tpu.memory_space<semaphore_mem>>) src(%dma_wait3A_202 : memref<128x64xf32, #tpu.memory_space<vmem>>) dst(%dma_wait3A_199 : memref<128x64xf32, #tpu.memory_space<vmem_shared>>)
      tpu.yield
    }) : () -> ()
    %barrier3A = arith.constant 0 : index
    tpu.barrier barrier_id(%barrier3A)
    %add3A_84 = arith.constant 1 : i32
    %add3A_85 = arith.addi %mul3A_3, %add3A_84 : i32
    %dma_wait3A_86 = arith.constant 0 : i32
    %dma_wait3A_87 = arith.constant 0 : i32
    %dma_wait3A_88 = tpu.memref_slice %arg2[%add3A_85, %dma_wait3A_86, %dma_wait3A_87] : memref<1248x2x256xi32, #tpu.memory_space<hbm>> -> memref<1x2x256xi32, #tpu.memory_space<hbm>>
    %dma_wait3A_89 = tpu.memref_squeeze %dma_wait3A_88 : memref<1x2x256xi32, #tpu.memory_space<hbm>> -> memref<2x256xi32, #tpu.memory_space<hbm>>
    %dma_wait3A_90 = arith.constant 0 : i32
    %dma_wait3A_91 = arith.constant 0 : i32
    %dma_wait3A_92 = tpu.memref_slice %arg2[%add3A_85, %dma_wait3A_90, %dma_wait3A_91] : memref<1248x2x256xi32, #tpu.memory_space<hbm>> -> memref<1x2x256xi32, #tpu.memory_space<hbm>>
    %dma_wait3A_93 = tpu.memref_squeeze %dma_wait3A_92 : memref<1x2x256xi32, #tpu.memory_space<hbm>> -> memref<2x256xi32, #tpu.memory_space<hbm>>
    tpu.wait_dma2 semaphore(%arg15 : memref<!tpu.dma_semaphore, #tpu.memory_space<semaphore_mem>>) src(%dma_wait3A_93 : memref<2x256xi32, #tpu.memory_space<hbm>>) dst(%arg7 : memref<2x256xi32, #tpu.memory_space<vmem>>)
    %dma_start3A_94 = arith.constant 0 : i32
    %dma_start3A_95 = arith.constant 0 : i32
    %dma_start3A_96 = tpu.memref_slice %arg7[%dma_start3A_94, %dma_start3A_95] : memref<2x256xi32, #tpu.memory_space<vmem>> -> memref<1x256xi32, #tpu.memory_space<vmem>>
    %dma_start3A_97 = tpu.memref_squeeze %dma_start3A_96 : memref<1x256xi32, #tpu.memory_space<vmem>> -> memref<256xi32, #tpu.memory_space<vmem>>
    %dma_start3A_98 = arith.constant 0 : i32
    %dma_start3A_99 = arith.constant 0 : i32
    %dma_start3A_100 = tpu.memref_slice %arg4[%dma_start3A_98, %dma_start3A_99] : memref<10000x64xf32, #tpu.memory_space<hbm>> -> memref<10000x64xf32, #tpu.memory_space<hbm>>
    tpu.enqueue_indirect_dma source(%dma_start3A_100 : memref<10000x64xf32, #tpu.memory_space<hbm>>) target(%arg11 : memref<256x64xf32, #tpu.memory_space<vmem>>) offsets(%dma_start3A_97 : memref<256xi32, #tpu.memory_space<vmem>>) semaphore(%arg13 : memref<!tpu.dma_semaphore, #tpu.memory_space<semaphore_mem>>)
    %scan3A_101 = arith.constant 0 : i32
    %scan3A_102 = arith.constant 0 : i32
    %scan3A_103 = arith.constant 9 : i32
    %scan3A_104 = arith.addi %scan3A_102, %scan3A_103 : i32
    %scan3A_105 = arith.constant 1 : i32
    scf.for %scan3A_182 = %scan3A_102 to %scan3A_104 step %scan3A_105  : i32 {
      %mul3A_183 = arith.constant 4 : i32
      %mul3A_184 = arith.muli %mul3A_183, %scan3A_182 : i32
      %add3A_185 = arith.constant 0 : i32
      %add3A_186 = arith.addi %mul3A_184, %add3A_185 : i32
      %dma_wait3A_187 = arith.constant 0 : i32
      %dma_wait3A_188 = arith.constant 0 : i32
      %dma_wait3A_189 = tpu.memref_slice %arg6[%dma_wait3A_187, %dma_wait3A_188] : memref<2x256xi32, #tpu.memory_space<vmem>> -> memref<1x256xi32, #tpu.memory_space<vmem>>
      %dma_wait3A_190 = tpu.memref_squeeze %dma_wait3A_189 : memref<1x256xi32, #tpu.memory_space<vmem>> -> memref<256xi32, #tpu.memory_space<vmem>>
      %dma_wait3A_191 = arith.constant 0 : i32
      %dma_wait3A_192 = arith.constant 0 : i32
      %dma_wait3A_193 = tpu.memref_slice %arg4[%dma_wait3A_191, %dma_wait3A_192] : memref<10000x64xf32, #tpu.memory_space<hbm>> -> memref<10000x64xf32, #tpu.memory_space<hbm>>
      tpu.wait_indirect_dma semaphore(%arg12 : memref<!tpu.dma_semaphore, #tpu.memory_space<semaphore_mem>>) src(%dma_wait3A_193 : memref<10000x64xf32, #tpu.memory_space<hbm>>) dst(%arg10 : memref<256x64xf32, #tpu.memory_space<vmem>>)
      %run_scoped3A_194 = arith.constant 1 : i32
      "tpu.region"() ({
        %run_scoped3A_336 = tpu.sem_alloc : memref<!tpu.dma_semaphore, #tpu.memory_space<semaphore_mem>>
        %dma_start3A_337 = arith.constant 0 : i32
        %dma_start3A_338 = tpu.memref_slice %arg6[%run_scoped3A_194, %dma_start3A_337] : memref<2x256xi32, #tpu.memory_space<vmem>> -> memref<1x256xi32, #tpu.memory_space<vmem>>
        %dma_start3A_339 = tpu.memref_squeeze %dma_start3A_338 : memref<1x256xi32, #tpu.memory_space<vmem>> -> memref<256xi32, #tpu.memory_space<vmem>>
        %dma_start3A_340 = arith.constant 0 : i32
        %dma_start3A_341 = arith.constant 0 : i32
        %dma_start3A_342 = tpu.memref_slice %arg20[%dma_start3A_340, %dma_start3A_341] : memref<10240x64xf32, #tpu.memory_space<vmem_shared>> -> memref<10240x64xf32, #tpu.memory_space<vmem_shared>>
        tpu.enqueue_indirect_dma source(%arg10 : memref<256x64xf32, #tpu.memory_space<vmem>>) target(%dma_start3A_342 : memref<10240x64xf32, #tpu.memory_space<vmem_shared>>) offsets(%dma_start3A_339 : memref<256xi32, #tpu.memory_space<vmem>>) semaphore(%run_scoped3A_336 : memref<!tpu.dma_semaphore, #tpu.memory_space<semaphore_mem>>) {add = true}
        %dma_wait3A_343 = arith.constant 0 : i32
        %dma_wait3A_344 = tpu.memref_slice %arg6[%run_scoped3A_194, %dma_wait3A_343] : memref<2x256xi32, #tpu.memory_space<vmem>> -> memref<1x256xi32, #tpu.memory_space<vmem>>
        %dma_wait3A_345 = tpu.memref_squeeze %dma_wait3A_344 : memref<1x256xi32, #tpu.memory_space<vmem>> -> memref<256xi32, #tpu.memory_space<vmem>>
        %dma_wait3A_346 = arith.constant 0 : i32
        %dma_wait3A_347 = arith.constant 0 : i32
        %dma_wait3A_348 = tpu.memref_slice %arg20[%dma_wait3A_346, %dma_wait3A_347] : memref<10240x64xf32, #tpu.memory_space<vmem_shared>> -> memref<10240x64xf32, #tpu.memory_space<vmem_shared>>
        tpu.wait_indirect_dma semaphore(%run_scoped3A_336 : memref<!tpu.dma_semaphore, #tpu.memory_space<semaphore_mem>>) src(%arg10 : memref<256x64xf32, #tpu.memory_space<vmem>>) dst(%dma_wait3A_348 : memref<10240x64xf32, #tpu.memory_space<vmem_shared>>)
        tpu.yield
      }) : () -> ()
      %add3A_195 = arith.constant 4 : i32
      %add3A_196 = arith.addi %add3A_186, %add3A_195 : i32
      %lt3A = arith.constant 39 : i32
      %lt3A_197 = arith.cmpi slt, %add3A_196, %lt3A : i32
      %convert_element_type3A = arith.extui %lt3A_197 : i1 to i32
      %cond3A = arith.constant 0 : i32
      %cond3A_198 = arith.cmpi ne, %convert_element_type3A, %cond3A : i32
      scf.if %cond3A_198 {
        %add3A_336 = arith.constant 4 : i32
        %add3A_337 = arith.addi %add3A_186, %add3A_336 : i32
        %add3A_338 = arith.addi %mul3A_3, %add3A_337 : i32
        %dma_start3A_339 = arith.constant 0 : i32
        %dma_start3A_340 = arith.constant 0 : i32
        %dma_start3A_341 = tpu.memref_slice %arg2[%add3A_338, %dma_start3A_339, %dma_start3A_340] : memref<1248x2x256xi32, #tpu.memory_space<hbm>> -> memref<1x2x256xi32, #tpu.memory_space<hbm>>
        %dma_start3A_342 = tpu.memref_squeeze %dma_start3A_341 : memref<1x2x256xi32, #tpu.memory_space<hbm>> -> memref<2x256xi32, #tpu.memory_space<hbm>>
        %dma_start3A_343 = arith.constant 0 : i32
        %dma_start3A_344 = arith.constant 0 : i32
        %dma_start3A_345 = tpu.memref_slice %arg2[%add3A_338, %dma_start3A_343, %dma_start3A_344] : memref<1248x2x256xi32, #tpu.memory_space<hbm>> -> memref<1x2x256xi32, #tpu.memory_space<hbm>>
        %dma_start3A_346 = tpu.memref_squeeze %dma_start3A_345 : memref<1x2x256xi32, #tpu.memory_space<hbm>> -> memref<2x256xi32, #tpu.memory_space<hbm>>
        tpu.enqueue_dma source(%dma_start3A_346 : memref<2x256xi32, #tpu.memory_space<hbm>>) target(%arg6 : memref<2x256xi32, #tpu.memory_space<vmem>>) target_semaphore(%arg14 : memref<!tpu.dma_semaphore, #tpu.memory_space<semaphore_mem>>)
      } else {
      }
      %add3A_199 = arith.constant 2 : i32
      %add3A_200 = arith.addi %add3A_186, %add3A_199 : i32
      %add3A_201 = arith.addi %mul3A_3, %add3A_200 : i32
      %dma_wait3A_202 = arith.constant 0 : i32
      %dma_wait3A_203 = arith.constant 0 : i32
      %dma_wait3A_204 = tpu.memref_slice %arg2[%add3A_201, %dma_wait3A_202, %dma_wait3A_203] : memref<1248x2x256xi32, #tpu.memory_space<hbm>> -> memref<1x2x256xi32, #tpu.memory_space<hbm>>
      %dma_wait3A_205 = tpu.memref_squeeze %dma_wait3A_204 : memref<1x2x256xi32, #tpu.memory_space<hbm>> -> memref<2x256xi32, #tpu.memory_space<hbm>>
      %dma_wait3A_206 = arith.constant 0 : i32
      %dma_wait3A_207 = arith.constant 0 : i32
      %dma_wait3A_208 = tpu.memref_slice %arg2[%add3A_201, %dma_wait3A_206, %dma_wait3A_207] : memref<1248x2x256xi32, #tpu.memory_space<hbm>> -> memref<1x2x256xi32, #tpu.memory_space<hbm>>
      %dma_wait3A_209 = tpu.memref_squeeze %dma_wait3A_208 : memref<1x2x256xi32, #tpu.memory_space<hbm>> -> memref<2x256xi32, #tpu.memory_space<hbm>>
      tpu.wait_dma2 semaphore(%arg16 : memref<!tpu.dma_semaphore, #tpu.memory_space<semaphore_mem>>) src(%dma_wait3A_209 : memref<2x256xi32, #tpu.memory_space<hbm>>) dst(%arg8 : memref<2x256xi32, #tpu.memory_space<vmem>>)
      %add3A_210 = arith.constant 2 : i32
      %add3A_211 = arith.addi %add3A_186, %add3A_210 : i32
      %dma_start3A_212 = arith.constant 0 : i32
      %dma_start3A_213 = arith.constant 0 : i32
      %dma_start3A_214 = tpu.memref_slice %arg8[%dma_start3A_212, %dma_start3A_213] : memref<2x256xi32, #tpu.memory_space<vmem>> -> memref<1x256xi32, #tpu.memory_space<vmem>>
      %dma_start3A_215 = tpu.memref_squeeze %dma_start3A_214 : memref<1x256xi32, #tpu.memory_space<vmem>> -> memref<256xi32, #tpu.memory_space<vmem>>
      %dma_start3A_216 = arith.constant 0 : i32
      %dma_start3A_217 = arith.constant 0 : i32
      %dma_start3A_218 = tpu.memref_slice %arg4[%dma_start3A_216, %dma_start3A_217] : memref<10000x64xf32, #tpu.memory_space<hbm>> -> memref<10000x64xf32, #tpu.memory_space<hbm>>
      tpu.enqueue_indirect_dma source(%dma_start3A_218 : memref<10000x64xf32, #tpu.memory_space<hbm>>) target(%arg10 : memref<256x64xf32, #tpu.memory_space<vmem>>) offsets(%dma_start3A_215 : memref<256xi32, #tpu.memory_space<vmem>>) semaphore(%arg12 : memref<!tpu.dma_semaphore, #tpu.memory_space<semaphore_mem>>)
      %mul3A_219 = arith.constant 4 : i32
      %mul3A_220 = arith.muli %mul3A_219, %scan3A_182 : i32
      %add3A_221 = arith.constant 1 : i32
      %add3A_222 = arith.addi %mul3A_220, %add3A_221 : i32
      %dma_wait3A_223 = arith.constant 0 : i32
      %dma_wait3A_224 = arith.constant 0 : i32
      %dma_wait3A_225 = tpu.memref_slice %arg7[%dma_wait3A_223, %dma_wait3A_224] : memref<2x256xi32, #tpu.memory_space<vmem>> -> memref<1x256xi32, #tpu.memory_space<vmem>>
      %dma_wait3A_226 = tpu.memref_squeeze %dma_wait3A_225 : memref<1x256xi32, #tpu.memory_space<vmem>> -> memref<256xi32, #tpu.memory_space<vmem>>
      %dma_wait3A_227 = arith.constant 0 : i32
      %dma_wait3A_228 = arith.constant 0 : i32
      %dma_wait3A_229 = tpu.memref_slice %arg4[%dma_wait3A_227, %dma_wait3A_228] : memref<10000x64xf32, #tpu.memory_space<hbm>> -> memref<10000x64xf32, #tpu.memory_space<hbm>>
      tpu.wait_indirect_dma semaphore(%arg13 : memref<!tpu.dma_semaphore, #tpu.memory_space<semaphore_mem>>) src(%dma_wait3A_229 : memref<10000x64xf32, #tpu.memory_space<hbm>>) dst(%arg11 : memref<256x64xf32, #tpu.memory_space<vmem>>)
      %run_scoped3A_230 = arith.constant 1 : i32
      "tpu.region"() ({
        %run_scoped3A_336 = tpu.sem_alloc : memref<!tpu.dma_semaphore, #tpu.memory_space<semaphore_mem>>
        %dma_start3A_337 = arith.constant 0 : i32
        %dma_start3A_338 = tpu.memref_slice %arg7[%run_scoped3A_230, %dma_start3A_337] : memref<2x256xi32, #tpu.memory_space<vmem>> -> memref<1x256xi32, #tpu.memory_space<vmem>>
        %dma_start3A_339 = tpu.memref_squeeze %dma_start3A_338 : memref<1x256xi32, #tpu.memory_space<vmem>> -> memref<256xi32, #tpu.memory_space<vmem>>
        %dma_start3A_340 = arith.constant 0 : i32
        %dma_start3A_341 = arith.constant 0 : i32
        %dma_start3A_342 = tpu.memref_slice %arg20[%dma_start3A_340, %dma_start3A_341] : memref<10240x64xf32, #tpu.memory_space<vmem_shared>> -> memref<10240x64xf32, #tpu.memory_space<vmem_shared>>
        tpu.enqueue_indirect_dma source(%arg11 : memref<256x64xf32, #tpu.memory_space<vmem>>) target(%dma_start3A_342 : memref<10240x64xf32, #tpu.memory_space<vmem_shared>>) offsets(%dma_start3A_339 : memref<256xi32, #tpu.memory_space<vmem>>) semaphore(%run_scoped3A_336 : memref<!tpu.dma_semaphore, #tpu.memory_space<semaphore_mem>>) {add = true}
        %dma_wait3A_343 = arith.constant 0 : i32
        %dma_wait3A_344 = tpu.memref_slice %arg7[%run_scoped3A_230, %dma_wait3A_343] : memref<2x256xi32, #tpu.memory_space<vmem>> -> memref<1x256xi32, #tpu.memory_space<vmem>>
        %dma_wait3A_345 = tpu.memref_squeeze %dma_wait3A_344 : memref<1x256xi32, #tpu.memory_space<vmem>> -> memref<256xi32, #tpu.memory_space<vmem>>
        %dma_wait3A_346 = arith.constant 0 : i32
        %dma_wait3A_347 = arith.constant 0 : i32
        %dma_wait3A_348 = tpu.memref_slice %arg20[%dma_wait3A_346, %dma_wait3A_347] : memref<10240x64xf32, #tpu.memory_space<vmem_shared>> -> memref<10240x64xf32, #tpu.memory_space<vmem_shared>>
        tpu.wait_indirect_dma semaphore(%run_scoped3A_336 : memref<!tpu.dma_semaphore, #tpu.memory_space<semaphore_mem>>) src(%arg11 : memref<256x64xf32, #tpu.memory_space<vmem>>) dst(%dma_wait3A_348 : memref<10240x64xf32, #tpu.memory_space<vmem_shared>>)
        tpu.yield
      }) : () -> ()
      %add3A_231 = arith.constant 4 : i32
      %add3A_232 = arith.addi %add3A_222, %add3A_231 : i32
      %lt3A_233 = arith.constant 39 : i32
      %lt3A_234 = arith.cmpi slt, %add3A_232, %lt3A_233 : i32
      %convert_element_type3A_235 = arith.extui %lt3A_234 : i1 to i32
      %cond3A_236 = arith.constant 0 : i32
      %cond3A_237 = arith.cmpi ne, %convert_element_type3A_235, %cond3A_236 : i32
      scf.if %cond3A_237 {
        %add3A_336 = arith.constant 4 : i32
        %add3A_337 = arith.addi %add3A_222, %add3A_336 : i32
        %add3A_338 = arith.addi %mul3A_3, %add3A_337 : i32
        %dma_start3A_339 = arith.constant 0 : i32
        %dma_start3A_340 = arith.constant 0 : i32
        %dma_start3A_341 = tpu.memref_slice %arg2[%add3A_338, %dma_start3A_339, %dma_start3A_340] : memref<1248x2x256xi32, #tpu.memory_space<hbm>> -> memref<1x2x256xi32, #tpu.memory_space<hbm>>
        %dma_start3A_342 = tpu.memref_squeeze %dma_start3A_341 : memref<1x2x256xi32, #tpu.memory_space<hbm>> -> memref<2x256xi32, #tpu.memory_space<hbm>>
        %dma_start3A_343 = arith.constant 0 : i32
        %dma_start3A_344 = arith.constant 0 : i32
        %dma_start3A_345 = tpu.memref_slice %arg2[%add3A_338, %dma_start3A_343, %dma_start3A_344] : memref<1248x2x256xi32, #tpu.memory_space<hbm>> -> memref<1x2x256xi32, #tpu.memory_space<hbm>>
        %dma_start3A_346 = tpu.memref_squeeze %dma_start3A_345 : memref<1x2x256xi32, #tpu.memory_space<hbm>> -> memref<2x256xi32, #tpu.memory_space<hbm>>
        tpu.enqueue_dma source(%dma_start3A_346 : memref<2x256xi32, #tpu.memory_space<hbm>>) target(%arg7 : memref<2x256xi32, #tpu.memory_space<vmem>>) target_semaphore(%arg15 : memref<!tpu.dma_semaphore, #tpu.memory_space<semaphore_mem>>)
      } else {
      }
      %add3A_238 = arith.constant 2 : i32
      %add3A_239 = arith.addi %add3A_222, %add3A_238 : i32
      %add3A_240 = arith.addi %mul3A_3, %add3A_239 : i32
      %dma_wait3A_241 = arith.constant 0 : i32
      %dma_wait3A_242 = arith.constant 0 : i32
      %dma_wait3A_243 = tpu.memref_slice %arg2[%add3A_240, %dma_wait3A_241, %dma_wait3A_242] : memref<1248x2x256xi32, #tpu.memory_space<hbm>> -> memref<1x2x256xi32, #tpu.memory_space<hbm>>
      %dma_wait3A_244 = tpu.memref_squeeze %dma_wait3A_243 : memref<1x2x256xi32, #tpu.memory_space<hbm>> -> memref<2x256xi32, #tpu.memory_space<hbm>>
      %dma_wait3A_245 = arith.constant 0 : i32
      %dma_wait3A_246 = arith.constant 0 : i32
      %dma_wait3A_247 = tpu.memref_slice %arg2[%add3A_240, %dma_wait3A_245, %dma_wait3A_246] : memref<1248x2x256xi32, #tpu.memory_space<hbm>> -> memref<1x2x256xi32, #tpu.memory_space<hbm>>
      %dma_wait3A_248 = tpu.memref_squeeze %dma_wait3A_247 : memref<1x2x256xi32, #tpu.memory_space<hbm>> -> memref<2x256xi32, #tpu.memory_space<hbm>>
      tpu.wait_dma2 semaphore(%arg17 : memref<!tpu.dma_semaphore, #tpu.memory_space<semaphore_mem>>) src(%dma_wait3A_248 : memref<2x256xi32, #tpu.memory_space<hbm>>) dst(%arg9 : memref<2x256xi32, #tpu.memory_space<vmem>>)
      %add3A_249 = arith.constant 2 : i32
      %add3A_250 = arith.addi %add3A_222, %add3A_249 : i32
      %dma_start3A_251 = arith.constant 0 : i32
      %dma_start3A_252 = arith.constant 0 : i32
      %dma_start3A_253 = tpu.memref_slice %arg9[%dma_start3A_251, %dma_start3A_252] : memref<2x256xi32, #tpu.memory_space<vmem>> -> memref<1x256xi32, #tpu.memory_space<vmem>>
      %dma_start3A_254 = tpu.memref_squeeze %dma_start3A_253 : memref<1x256xi32, #tpu.memory_space<vmem>> -> memref<256xi32, #tpu.memory_space<vmem>>
      %dma_start3A_255 = arith.constant 0 : i32
      %dma_start3A_256 = arith.constant 0 : i32
      %dma_start3A_257 = tpu.memref_slice %arg4[%dma_start3A_255, %dma_start3A_256] : memref<10000x64xf32, #tpu.memory_space<hbm>> -> memref<10000x64xf32, #tpu.memory_space<hbm>>
      tpu.enqueue_indirect_dma source(%dma_start3A_257 : memref<10000x64xf32, #tpu.memory_space<hbm>>) target(%arg11 : memref<256x64xf32, #tpu.memory_space<vmem>>) offsets(%dma_start3A_254 : memref<256xi32, #tpu.memory_space<vmem>>) semaphore(%arg13 : memref<!tpu.dma_semaphore, #tpu.memory_space<semaphore_mem>>)
      %mul3A_258 = arith.constant 4 : i32
      %mul3A_259 = arith.muli %mul3A_258, %scan3A_182 : i32
      %add3A_260 = arith.constant 2 : i32
      %add3A_261 = arith.addi %mul3A_259, %add3A_260 : i32
      %dma_wait3A_262 = arith.constant 0 : i32
      %dma_wait3A_263 = arith.constant 0 : i32
      %dma_wait3A_264 = tpu.memref_slice %arg8[%dma_wait3A_262, %dma_wait3A_263] : memref<2x256xi32, #tpu.memory_space<vmem>> -> memref<1x256xi32, #tpu.memory_space<vmem>>
      %dma_wait3A_265 = tpu.memref_squeeze %dma_wait3A_264 : memref<1x256xi32, #tpu.memory_space<vmem>> -> memref<256xi32, #tpu.memory_space<vmem>>
      %dma_wait3A_266 = arith.constant 0 : i32
      %dma_wait3A_267 = arith.constant 0 : i32
      %dma_wait3A_268 = tpu.memref_slice %arg4[%dma_wait3A_266, %dma_wait3A_267] : memref<10000x64xf32, #tpu.memory_space<hbm>> -> memref<10000x64xf32, #tpu.memory_space<hbm>>
      tpu.wait_indirect_dma semaphore(%arg12 : memref<!tpu.dma_semaphore, #tpu.memory_space<semaphore_mem>>) src(%dma_wait3A_268 : memref<10000x64xf32, #tpu.memory_space<hbm>>) dst(%arg10 : memref<256x64xf32, #tpu.memory_space<vmem>>)
      %run_scoped3A_269 = arith.constant 1 : i32
      "tpu.region"() ({
        %run_scoped3A_336 = tpu.sem_alloc : memref<!tpu.dma_semaphore, #tpu.memory_space<semaphore_mem>>
        %dma_start3A_337 = arith.constant 0 : i32
        %dma_start3A_338 = tpu.memref_slice %arg8[%run_scoped3A_269, %dma_start3A_337] : memref<2x256xi32, #tpu.memory_space<vmem>> -> memref<1x256xi32, #tpu.memory_space<vmem>>
        %dma_start3A_339 = tpu.memref_squeeze %dma_start3A_338 : memref<1x256xi32, #tpu.memory_space<vmem>> -> memref<256xi32, #tpu.memory_space<vmem>>
        %dma_start3A_340 = arith.constant 0 : i32
        %dma_start3A_341 = arith.constant 0 : i32
        %dma_start3A_342 = tpu.memref_slice %arg20[%dma_start3A_340, %dma_start3A_341] : memref<10240x64xf32, #tpu.memory_space<vmem_shared>> -> memref<10240x64xf32, #tpu.memory_space<vmem_shared>>
        tpu.enqueue_indirect_dma source(%arg10 : memref<256x64xf32, #tpu.memory_space<vmem>>) target(%dma_start3A_342 : memref<10240x64xf32, #tpu.memory_space<vmem_shared>>) offsets(%dma_start3A_339 : memref<256xi32, #tpu.memory_space<vmem>>) semaphore(%run_scoped3A_336 : memref<!tpu.dma_semaphore, #tpu.memory_space<semaphore_mem>>) {add = true}
        %dma_wait3A_343 = arith.constant 0 : i32
        %dma_wait3A_344 = tpu.memref_slice %arg8[%run_scoped3A_269, %dma_wait3A_343] : memref<2x256xi32, #tpu.memory_space<vmem>> -> memref<1x256xi32, #tpu.memory_space<vmem>>
        %dma_wait3A_345 = tpu.memref_squeeze %dma_wait3A_344 : memref<1x256xi32, #tpu.memory_space<vmem>> -> memref<256xi32, #tpu.memory_space<vmem>>
        %dma_wait3A_346 = arith.constant 0 : i32
        %dma_wait3A_347 = arith.constant 0 : i32
        %dma_wait3A_348 = tpu.memref_slice %arg20[%dma_wait3A_346, %dma_wait3A_347] : memref<10240x64xf32, #tpu.memory_space<vmem_shared>> -> memref<10240x64xf32, #tpu.memory_space<vmem_shared>>
        tpu.wait_indirect_dma semaphore(%run_scoped3A_336 : memref<!tpu.dma_semaphore, #tpu.memory_space<semaphore_mem>>) src(%arg10 : memref<256x64xf32, #tpu.memory_space<vmem>>) dst(%dma_wait3A_348 : memref<10240x64xf32, #tpu.memory_space<vmem_shared>>)
        tpu.yield
      }) : () -> ()
      %add3A_270 = arith.constant 4 : i32
      %add3A_271 = arith.addi %add3A_261, %add3A_270 : i32
      %lt3A_272 = arith.constant 39 : i32
      %lt3A_273 = arith.cmpi slt, %add3A_271, %lt3A_272 : i32
      %convert_element_type3A_274 = arith.extui %lt3A_273 : i1 to i32
      %cond3A_275 = arith.constant 0 : i32
      %cond3A_276 = arith.cmpi ne, %convert_element_type3A_274, %cond3A_275 : i32
      scf.if %cond3A_276 {
        %add3A_336 = arith.constant 4 : i32
        %add3A_337 = arith.addi %add3A_261, %add3A_336 : i32
        %add3A_338 = arith.addi %mul3A_3, %add3A_337 : i32
        %dma_start3A_339 = arith.constant 0 : i32
        %dma_start3A_340 = arith.constant 0 : i32
        %dma_start3A_341 = tpu.memref_slice %arg2[%add3A_338, %dma_start3A_339, %dma_start3A_340] : memref<1248x2x256xi32, #tpu.memory_space<hbm>> -> memref<1x2x256xi32, #tpu.memory_space<hbm>>
        %dma_start3A_342 = tpu.memref_squeeze %dma_start3A_341 : memref<1x2x256xi32, #tpu.memory_space<hbm>> -> memref<2x256xi32, #tpu.memory_space<hbm>>
        %dma_start3A_343 = arith.constant 0 : i32
        %dma_start3A_344 = arith.constant 0 : i32
        %dma_start3A_345 = tpu.memref_slice %arg2[%add3A_338, %dma_start3A_343, %dma_start3A_344] : memref<1248x2x256xi32, #tpu.memory_space<hbm>> -> memref<1x2x256xi32, #tpu.memory_space<hbm>>
        %dma_start3A_346 = tpu.memref_squeeze %dma_start3A_345 : memref<1x2x256xi32, #tpu.memory_space<hbm>> -> memref<2x256xi32, #tpu.memory_space<hbm>>
        tpu.enqueue_dma source(%dma_start3A_346 : memref<2x256xi32, #tpu.memory_space<hbm>>) target(%arg8 : memref<2x256xi32, #tpu.memory_space<vmem>>) target_semaphore(%arg16 : memref<!tpu.dma_semaphore, #tpu.memory_space<semaphore_mem>>)
      } else {
      }
      %add3A_277 = arith.constant 2 : i32
      %add3A_278 = arith.addi %add3A_261, %add3A_277 : i32
      %add3A_279 = arith.addi %mul3A_3, %add3A_278 : i32
      %dma_wait3A_280 = arith.constant 0 : i32
      %dma_wait3A_281 = arith.constant 0 : i32
      %dma_wait3A_282 = tpu.memref_slice %arg2[%add3A_279, %dma_wait3A_280, %dma_wait3A_281] : memref<1248x2x256xi32, #tpu.memory_space<hbm>> -> memref<1x2x256xi32, #tpu.memory_space<hbm>>
      %dma_wait3A_283 = tpu.memref_squeeze %dma_wait3A_282 : memref<1x2x256xi32, #tpu.memory_space<hbm>> -> memref<2x256xi32, #tpu.memory_space<hbm>>
      %dma_wait3A_284 = arith.constant 0 : i32
      %dma_wait3A_285 = arith.constant 0 : i32
      %dma_wait3A_286 = tpu.memref_slice %arg2[%add3A_279, %dma_wait3A_284, %dma_wait3A_285] : memref<1248x2x256xi32, #tpu.memory_space<hbm>> -> memref<1x2x256xi32, #tpu.memory_space<hbm>>
      %dma_wait3A_287 = tpu.memref_squeeze %dma_wait3A_286 : memref<1x2x256xi32, #tpu.memory_space<hbm>> -> memref<2x256xi32, #tpu.memory_space<hbm>>
      tpu.wait_dma2 semaphore(%arg14 : memref<!tpu.dma_semaphore, #tpu.memory_space<semaphore_mem>>) src(%dma_wait3A_287 : memref<2x256xi32, #tpu.memory_space<hbm>>) dst(%arg6 : memref<2x256xi32, #tpu.memory_space<vmem>>)
      %add3A_288 = arith.constant 2 : i32
      %add3A_289 = arith.addi %add3A_261, %add3A_288 : i32
      %dma_start3A_290 = arith.constant 0 : i32
      %dma_start3A_291 = arith.constant 0 : i32
      %dma_start3A_292 = tpu.memref_slice %arg6[%dma_start3A_290, %dma_start3A_291] : memref<2x256xi32, #tpu.memory_space<vmem>> -> memref<1x256xi32, #tpu.memory_space<vmem>>
      %dma_start3A_293 = tpu.memref_squeeze %dma_start3A_292 : memref<1x256xi32, #tpu.memory_space<vmem>> -> memref<256xi32, #tpu.memory_space<vmem>>
      %dma_start3A_294 = arith.constant 0 : i32
      %dma_start3A_295 = arith.constant 0 : i32
      %dma_start3A_296 = tpu.memref_slice %arg4[%dma_start3A_294, %dma_start3A_295] : memref<10000x64xf32, #tpu.memory_space<hbm>> -> memref<10000x64xf32, #tpu.memory_space<hbm>>
      tpu.enqueue_indirect_dma source(%dma_start3A_296 : memref<10000x64xf32, #tpu.memory_space<hbm>>) target(%arg10 : memref<256x64xf32, #tpu.memory_space<vmem>>) offsets(%dma_start3A_293 : memref<256xi32, #tpu.memory_space<vmem>>) semaphore(%arg12 : memref<!tpu.dma_semaphore, #tpu.memory_space<semaphore_mem>>)
      %mul3A_297 = arith.constant 4 : i32
      %mul3A_298 = arith.muli %mul3A_297, %scan3A_182 : i32
      %add3A_299 = arith.constant 3 : i32
      %add3A_300 = arith.addi %mul3A_298, %add3A_299 : i32
      %dma_wait3A_301 = arith.constant 0 : i32
      %dma_wait3A_302 = arith.constant 0 : i32
      %dma_wait3A_303 = tpu.memref_slice %arg9[%dma_wait3A_301, %dma_wait3A_302] : memref<2x256xi32, #tpu.memory_space<vmem>> -> memref<1x256xi32, #tpu.memory_space<vmem>>
      %dma_wait3A_304 = tpu.memref_squeeze %dma_wait3A_303 : memref<1x256xi32, #tpu.memory_space<vmem>> -> memref<256xi32, #tpu.memory_space<vmem>>
      %dma_wait3A_305 = arith.constant 0 : i32
      %dma_wait3A_306 = arith.constant 0 : i32
      %dma_wait3A_307 = tpu.memref_slice %arg4[%dma_wait3A_305, %dma_wait3A_306] : memref<10000x64xf32, #tpu.memory_space<hbm>> -> memref<10000x64xf32, #tpu.memory_space<hbm>>
      tpu.wait_indirect_dma semaphore(%arg13 : memref<!tpu.dma_semaphore, #tpu.memory_space<semaphore_mem>>) src(%dma_wait3A_307 : memref<10000x64xf32, #tpu.memory_space<hbm>>) dst(%arg11 : memref<256x64xf32, #tpu.memory_space<vmem>>)
      %run_scoped3A_308 = arith.constant 1 : i32
      "tpu.region"() ({
        %run_scoped3A_336 = tpu.sem_alloc : memref<!tpu.dma_semaphore, #tpu.memory_space<semaphore_mem>>
        %dma_start3A_337 = arith.constant 0 : i32
        %dma_start3A_338 = tpu.memref_slice %arg9[%run_scoped3A_308, %dma_start3A_337] : memref<2x256xi32, #tpu.memory_space<vmem>> -> memref<1x256xi32, #tpu.memory_space<vmem>>
        %dma_start3A_339 = tpu.memref_squeeze %dma_start3A_338 : memref<1x256xi32, #tpu.memory_space<vmem>> -> memref<256xi32, #tpu.memory_space<vmem>>
        %dma_start3A_340 = arith.constant 0 : i32
        %dma_start3A_341 = arith.constant 0 : i32
        %dma_start3A_342 = tpu.memref_slice %arg20[%dma_start3A_340, %dma_start3A_341] : memref<10240x64xf32, #tpu.memory_space<vmem_shared>> -> memref<10240x64xf32, #tpu.memory_space<vmem_shared>>
        tpu.enqueue_indirect_dma source(%arg11 : memref<256x64xf32, #tpu.memory_space<vmem>>) target(%dma_start3A_342 : memref<10240x64xf32, #tpu.memory_space<vmem_shared>>) offsets(%dma_start3A_339 : memref<256xi32, #tpu.memory_space<vmem>>) semaphore(%run_scoped3A_336 : memref<!tpu.dma_semaphore, #tpu.memory_space<semaphore_mem>>) {add = true}
        %dma_wait3A_343 = arith.constant 0 : i32
        %dma_wait3A_344 = tpu.memref_slice %arg9[%run_scoped3A_308, %dma_wait3A_343] : memref<2x256xi32, #tpu.memory_space<vmem>> -> memref<1x256xi32, #tpu.memory_space<vmem>>
        %dma_wait3A_345 = tpu.memref_squeeze %dma_wait3A_344 : memref<1x256xi32, #tpu.memory_space<vmem>> -> memref<256xi32, #tpu.memory_space<vmem>>
        %dma_wait3A_346 = arith.constant 0 : i32
        %dma_wait3A_347 = arith.constant 0 : i32
        %dma_wait3A_348 = tpu.memref_slice %arg20[%dma_wait3A_346, %dma_wait3A_347] : memref<10240x64xf32, #tpu.memory_space<vmem_shared>> -> memref<10240x64xf32, #tpu.memory_space<vmem_shared>>
        tpu.wait_indirect_dma semaphore(%run_scoped3A_336 : memref<!tpu.dma_semaphore, #tpu.memory_space<semaphore_mem>>) src(%arg11 : memref<256x64xf32, #tpu.memory_space<vmem>>) dst(%dma_wait3A_348 : memref<10240x64xf32, #tpu.memory_space<vmem_shared>>)
        tpu.yield
      }) : () -> ()
      %add3A_309 = arith.constant 4 : i32
      %add3A_310 = arith.addi %add3A_300, %add3A_309 : i32
      %lt3A_311 = arith.constant 39 : i32
      %lt3A_312 = arith.cmpi slt, %add3A_310, %lt3A_311 : i32
      %convert_element_type3A_313 = arith.extui %lt3A_312 : i1 to i32
      %cond3A_314 = arith.constant 0 : i32
      %cond3A_315 = arith.cmpi ne, %convert_element_type3A_313, %cond3A_314 : i32
      scf.if %cond3A_315 {
        %add3A_336 = arith.constant 4 : i32
        %add3A_337 = arith.addi %add3A_300, %add3A_336 : i32
        %add3A_338 = arith.addi %mul3A_3, %add3A_337 : i32
        %dma_start3A_339 = arith.constant 0 : i32
        %dma_start3A_340 = arith.constant 0 : i32
        %dma_start3A_341 = tpu.memref_slice %arg2[%add3A_338, %dma_start3A_339, %dma_start3A_340] : memref<1248x2x256xi32, #tpu.memory_space<hbm>> -> memref<1x2x256xi32, #tpu.memory_space<hbm>>
        %dma_start3A_342 = tpu.memref_squeeze %dma_start3A_341 : memref<1x2x256xi32, #tpu.memory_space<hbm>> -> memref<2x256xi32, #tpu.memory_space<hbm>>
        %dma_start3A_343 = arith.constant 0 : i32
        %dma_start3A_344 = arith.constant 0 : i32
        %dma_start3A_345 = tpu.memref_slice %arg2[%add3A_338, %dma_start3A_343, %dma_start3A_344] : memref<1248x2x256xi32, #tpu.memory_space<hbm>> -> memref<1x2x256xi32, #tpu.memory_space<hbm>>
        %dma_start3A_346 = tpu.memref_squeeze %dma_start3A_345 : memref<1x2x256xi32, #tpu.memory_space<hbm>> -> memref<2x256xi32, #tpu.memory_space<hbm>>
        tpu.enqueue_dma source(%dma_start3A_346 : memref<2x256xi32, #tpu.memory_space<hbm>>) target(%arg9 : memref<2x256xi32, #tpu.memory_space<vmem>>) target_semaphore(%arg17 : memref<!tpu.dma_semaphore, #tpu.memory_space<semaphore_mem>>)
      } else {
      }
      %add3A_316 = arith.constant 2 : i32
      %add3A_317 = arith.addi %add3A_300, %add3A_316 : i32
      %add3A_318 = arith.addi %mul3A_3, %add3A_317 : i32
      %dma_wait3A_319 = arith.constant 0 : i32
      %dma_wait3A_320 = arith.constant 0 : i32
      %dma_wait3A_321 = tpu.memref_slice %arg2[%add3A_318, %dma_wait3A_319, %dma_wait3A_320] : memref<1248x2x256xi32, #tpu.memory_space<hbm>> -> memref<1x2x256xi32, #tpu.memory_space<hbm>>
      %dma_wait3A_322 = tpu.memref_squeeze %dma_wait3A_321 : memref<1x2x256xi32, #tpu.memory_space<hbm>> -> memref<2x256xi32, #tpu.memory_space<hbm>>
      %dma_wait3A_323 = arith.constant 0 : i32
      %dma_wait3A_324 = arith.constant 0 : i32
      %dma_wait3A_325 = tpu.memref_slice %arg2[%add3A_318, %dma_wait3A_323, %dma_wait3A_324] : memref<1248x2x256xi32, #tpu.memory_space<hbm>> -> memref<1x2x256xi32, #tpu.memory_space<hbm>>
      %dma_wait3A_326 = tpu.memref_squeeze %dma_wait3A_325 : memref<1x2x256xi32, #tpu.memory_space<hbm>> -> memref<2x256xi32, #tpu.memory_space<hbm>>
      tpu.wait_dma2 semaphore(%arg15 : memref<!tpu.dma_semaphore, #tpu.memory_space<semaphore_mem>>) src(%dma_wait3A_326 : memref<2x256xi32, #tpu.memory_space<hbm>>) dst(%arg7 : memref<2x256xi32, #tpu.memory_space<vmem>>)
      %add3A_327 = arith.constant 2 : i32
      %add3A_328 = arith.addi %add3A_300, %add3A_327 : i32
      %dma_start3A_329 = arith.constant 0 : i32
      %dma_start3A_330 = arith.constant 0 : i32
      %dma_start3A_331 = tpu.memref_slice %arg7[%dma_start3A_329, %dma_start3A_330] : memref<2x256xi32, #tpu.memory_space<vmem>> -> memref<1x256xi32, #tpu.memory_space<vmem>>
      %dma_start3A_332 = tpu.memref_squeeze %dma_start3A_331 : memref<1x256xi32, #tpu.memory_space<vmem>> -> memref<256xi32, #tpu.memory_space<vmem>>
      %dma_start3A_333 = arith.constant 0 : i32
      %dma_start3A_334 = arith.constant 0 : i32
      %dma_start3A_335 = tpu.memref_slice %arg4[%dma_start3A_333, %dma_start3A_334] : memref<10000x64xf32, #tpu.memory_space<hbm>> -> memref<10000x64xf32, #tpu.memory_space<hbm>>
      tpu.enqueue_indirect_dma source(%dma_start3A_335 : memref<10000x64xf32, #tpu.memory_space<hbm>>) target(%arg11 : memref<256x64xf32, #tpu.memory_space<vmem>>) offsets(%dma_start3A_332 : memref<256xi32, #tpu.memory_space<vmem>>) semaphore(%arg13 : memref<!tpu.dma_semaphore, #tpu.memory_space<semaphore_mem>>)
    }
    %scan3A_106 = arith.constant 9 : i32
    %dma_wait3A_107 = arith.constant 0 : i32
    %dma_wait3A_108 = arith.constant 0 : i32
    %dma_wait3A_109 = tpu.memref_slice %arg6[%dma_wait3A_107, %dma_wait3A_108] : memref<2x256xi32, #tpu.memory_space<vmem>> -> memref<1x256xi32, #tpu.memory_space<vmem>>
    %dma_wait3A_110 = tpu.memref_squeeze %dma_wait3A_109 : memref<1x256xi32, #tpu.memory_space<vmem>> -> memref<256xi32, #tpu.memory_space<vmem>>
    %dma_wait3A_111 = arith.constant 0 : i32
    %dma_wait3A_112 = arith.constant 0 : i32
    %dma_wait3A_113 = tpu.memref_slice %arg4[%dma_wait3A_111, %dma_wait3A_112] : memref<10000x64xf32, #tpu.memory_space<hbm>> -> memref<10000x64xf32, #tpu.memory_space<hbm>>
    tpu.wait_indirect_dma semaphore(%arg12 : memref<!tpu.dma_semaphore, #tpu.memory_space<semaphore_mem>>) src(%dma_wait3A_113 : memref<10000x64xf32, #tpu.memory_space<hbm>>) dst(%arg10 : memref<256x64xf32, #tpu.memory_space<vmem>>)
    %run_scoped3A = arith.constant 1 : i32
    "tpu.region"() ({
      %run_scoped3A_182 = tpu.sem_alloc : memref<!tpu.dma_semaphore, #tpu.memory_space<semaphore_mem>>
      %dma_start3A_183 = arith.constant 0 : i32
      %dma_start3A_184 = tpu.memref_slice %arg6[%run_scoped3A, %dma_start3A_183] : memref<2x256xi32, #tpu.memory_space<vmem>> -> memref<1x256xi32, #tpu.memory_space<vmem>>
      %dma_start3A_185 = tpu.memref_squeeze %dma_start3A_184 : memref<1x256xi32, #tpu.memory_space<vmem>> -> memref<256xi32, #tpu.memory_space<vmem>>
      %dma_start3A_186 = arith.constant 0 : i32
      %dma_start3A_187 = arith.constant 0 : i32
      %dma_start3A_188 = tpu.memref_slice %arg20[%dma_start3A_186, %dma_start3A_187] : memref<10240x64xf32, #tpu.memory_space<vmem_shared>> -> memref<10240x64xf32, #tpu.memory_space<vmem_shared>>
      tpu.enqueue_indirect_dma source(%arg10 : memref<256x64xf32, #tpu.memory_space<vmem>>) target(%dma_start3A_188 : memref<10240x64xf32, #tpu.memory_space<vmem_shared>>) offsets(%dma_start3A_185 : memref<256xi32, #tpu.memory_space<vmem>>) semaphore(%run_scoped3A_182 : memref<!tpu.dma_semaphore, #tpu.memory_space<semaphore_mem>>) {add = true}
      %dma_wait3A_189 = arith.constant 0 : i32
      %dma_wait3A_190 = tpu.memref_slice %arg6[%run_scoped3A, %dma_wait3A_189] : memref<2x256xi32, #tpu.memory_space<vmem>> -> memref<1x256xi32, #tpu.memory_space<vmem>>
      %dma_wait3A_191 = tpu.memref_squeeze %dma_wait3A_190 : memref<1x256xi32, #tpu.memory_space<vmem>> -> memref<256xi32, #tpu.memory_space<vmem>>
      %dma_wait3A_192 = arith.constant 0 : i32
      %dma_wait3A_193 = arith.constant 0 : i32
      %dma_wait3A_194 = tpu.memref_slice %arg20[%dma_wait3A_192, %dma_wait3A_193] : memref<10240x64xf32, #tpu.memory_space<vmem_shared>> -> memref<10240x64xf32, #tpu.memory_space<vmem_shared>>
      tpu.wait_indirect_dma semaphore(%run_scoped3A_182 : memref<!tpu.dma_semaphore, #tpu.memory_space<semaphore_mem>>) src(%arg10 : memref<256x64xf32, #tpu.memory_space<vmem>>) dst(%dma_wait3A_194 : memref<10240x64xf32, #tpu.memory_space<vmem_shared>>)
      tpu.yield
    }) : () -> ()
    %add3A_114 = arith.constant 38 : i32
    %add3A_115 = arith.addi %mul3A_3, %add3A_114 : i32
    %dma_wait3A_116 = arith.constant 0 : i32
    %dma_wait3A_117 = arith.constant 0 : i32
    %dma_wait3A_118 = tpu.memref_slice %arg2[%add3A_115, %dma_wait3A_116, %dma_wait3A_117] : memref<1248x2x256xi32, #tpu.memory_space<hbm>> -> memref<1x2x256xi32, #tpu.memory_space<hbm>>
    %dma_wait3A_119 = tpu.memref_squeeze %dma_wait3A_118 : memref<1x2x256xi32, #tpu.memory_space<hbm>> -> memref<2x256xi32, #tpu.memory_space<hbm>>
    %dma_wait3A_120 = arith.constant 0 : i32
    %dma_wait3A_121 = arith.constant 0 : i32
    %dma_wait3A_122 = tpu.memref_slice %arg2[%add3A_115, %dma_wait3A_120, %dma_wait3A_121] : memref<1248x2x256xi32, #tpu.memory_space<hbm>> -> memref<1x2x256xi32, #tpu.memory_space<hbm>>
    %dma_wait3A_123 = tpu.memref_squeeze %dma_wait3A_122 : memref<1x2x256xi32, #tpu.memory_space<hbm>> -> memref<2x256xi32, #tpu.memory_space<hbm>>
    tpu.wait_dma2 semaphore(%arg16 : memref<!tpu.dma_semaphore, #tpu.memory_space<semaphore_mem>>) src(%dma_wait3A_123 : memref<2x256xi32, #tpu.memory_space<hbm>>) dst(%arg8 : memref<2x256xi32, #tpu.memory_space<vmem>>)
    %dma_start3A_124 = arith.constant 0 : i32
    %dma_start3A_125 = arith.constant 0 : i32
    %dma_start3A_126 = tpu.memref_slice %arg8[%dma_start3A_124, %dma_start3A_125] : memref<2x256xi32, #tpu.memory_space<vmem>> -> memref<1x256xi32, #tpu.memory_space<vmem>>
    %dma_start3A_127 = tpu.memref_squeeze %dma_start3A_126 : memref<1x256xi32, #tpu.memory_space<vmem>> -> memref<256xi32, #tpu.memory_space<vmem>>
    %dma_start3A_128 = arith.constant 0 : i32
    %dma_start3A_129 = arith.constant 0 : i32
    %dma_start3A_130 = tpu.memref_slice %arg4[%dma_start3A_128, %dma_start3A_129] : memref<10000x64xf32, #tpu.memory_space<hbm>> -> memref<10000x64xf32, #tpu.memory_space<hbm>>
    tpu.enqueue_indirect_dma source(%dma_start3A_130 : memref<10000x64xf32, #tpu.memory_space<hbm>>) target(%arg10 : memref<256x64xf32, #tpu.memory_space<vmem>>) offsets(%dma_start3A_127 : memref<256xi32, #tpu.memory_space<vmem>>) semaphore(%arg12 : memref<!tpu.dma_semaphore, #tpu.memory_space<semaphore_mem>>)
    %dma_wait3A_131 = arith.constant 0 : i32
    %dma_wait3A_132 = arith.constant 0 : i32
    %dma_wait3A_133 = tpu.memref_slice %arg7[%dma_wait3A_131, %dma_wait3A_132] : memref<2x256xi32, #tpu.memory_space<vmem>> -> memref<1x256xi32, #tpu.memory_space<vmem>>
    %dma_wait3A_134 = tpu.memref_squeeze %dma_wait3A_133 : memref<1x256xi32, #tpu.memory_space<vmem>> -> memref<256xi32, #tpu.memory_space<vmem>>
    %dma_wait3A_135 = arith.constant 0 : i32
    %dma_wait3A_136 = arith.constant 0 : i32
    %dma_wait3A_137 = tpu.memref_slice %arg4[%dma_wait3A_135, %dma_wait3A_136] : memref<10000x64xf32, #tpu.memory_space<hbm>> -> memref<10000x64xf32, #tpu.memory_space<hbm>>
    tpu.wait_indirect_dma semaphore(%arg13 : memref<!tpu.dma_semaphore, #tpu.memory_space<semaphore_mem>>) src(%dma_wait3A_137 : memref<10000x64xf32, #tpu.memory_space<hbm>>) dst(%arg11 : memref<256x64xf32, #tpu.memory_space<vmem>>)
    %run_scoped3A_138 = arith.constant 1 : i32
    "tpu.region"() ({
      %run_scoped3A_182 = tpu.sem_alloc : memref<!tpu.dma_semaphore, #tpu.memory_space<semaphore_mem>>
      %dma_start3A_183 = arith.constant 0 : i32
      %dma_start3A_184 = tpu.memref_slice %arg7[%run_scoped3A_138, %dma_start3A_183] : memref<2x256xi32, #tpu.memory_space<vmem>> -> memref<1x256xi32, #tpu.memory_space<vmem>>
      %dma_start3A_185 = tpu.memref_squeeze %dma_start3A_184 : memref<1x256xi32, #tpu.memory_space<vmem>> -> memref<256xi32, #tpu.memory_space<vmem>>
      %dma_start3A_186 = arith.constant 0 : i32
      %dma_start3A_187 = arith.constant 0 : i32
      %dma_start3A_188 = tpu.memref_slice %arg20[%dma_start3A_186, %dma_start3A_187] : memref<10240x64xf32, #tpu.memory_space<vmem_shared>> -> memref<10240x64xf32, #tpu.memory_space<vmem_shared>>
      tpu.enqueue_indirect_dma source(%arg11 : memref<256x64xf32, #tpu.memory_space<vmem>>) target(%dma_start3A_188 : memref<10240x64xf32, #tpu.memory_space<vmem_shared>>) offsets(%dma_start3A_185 : memref<256xi32, #tpu.memory_space<vmem>>) semaphore(%run_scoped3A_182 : memref<!tpu.dma_semaphore, #tpu.memory_space<semaphore_mem>>) {add = true}
      %dma_wait3A_189 = arith.constant 0 : i32
      %dma_wait3A_190 = tpu.memref_slice %arg7[%run_scoped3A_138, %dma_wait3A_189] : memref<2x256xi32, #tpu.memory_space<vmem>> -> memref<1x256xi32, #tpu.memory_space<vmem>>
      %dma_wait3A_191 = tpu.memref_squeeze %dma_wait3A_190 : memref<1x256xi32, #tpu.memory_space<vmem>> -> memref<256xi32, #tpu.memory_space<vmem>>
      %dma_wait3A_192 = arith.constant 0 : i32
      %dma_wait3A_193 = arith.constant 0 : i32
      %dma_wait3A_194 = tpu.memref_slice %arg20[%dma_wait3A_192, %dma_wait3A_193] : memref<10240x64xf32, #tpu.memory_space<vmem_shared>> -> memref<10240x64xf32, #tpu.memory_space<vmem_shared>>
      tpu.wait_indirect_dma semaphore(%run_scoped3A_182 : memref<!tpu.dma_semaphore, #tpu.memory_space<semaphore_mem>>) src(%arg11 : memref<256x64xf32, #tpu.memory_space<vmem>>) dst(%dma_wait3A_194 : memref<10240x64xf32, #tpu.memory_space<vmem_shared>>)
      tpu.yield
    }) : () -> ()
    %dma_wait3A_139 = arith.constant 0 : i32
    %dma_wait3A_140 = arith.constant 0 : i32
    %dma_wait3A_141 = tpu.memref_slice %arg8[%dma_wait3A_139, %dma_wait3A_140] : memref<2x256xi32, #tpu.memory_space<vmem>> -> memref<1x256xi32, #tpu.memory_space<vmem>>
    %dma_wait3A_142 = tpu.memref_squeeze %dma_wait3A_141 : memref<1x256xi32, #tpu.memory_space<vmem>> -> memref<256xi32, #tpu.memory_space<vmem>>
    %dma_wait3A_143 = arith.constant 0 : i32
    %dma_wait3A_144 = arith.constant 0 : i32
    %dma_wait3A_145 = tpu.memref_slice %arg4[%dma_wait3A_143, %dma_wait3A_144] : memref<10000x64xf32, #tpu.memory_space<hbm>> -> memref<10000x64xf32, #tpu.memory_space<hbm>>
    tpu.wait_indirect_dma semaphore(%arg12 : memref<!tpu.dma_semaphore, #tpu.memory_space<semaphore_mem>>) src(%dma_wait3A_145 : memref<10000x64xf32, #tpu.memory_space<hbm>>) dst(%arg10 : memref<256x64xf32, #tpu.memory_space<vmem>>)
    %run_scoped3A_146 = arith.constant 1 : i32
    "tpu.region"() ({
      %run_scoped3A_182 = tpu.sem_alloc : memref<!tpu.dma_semaphore, #tpu.memory_space<semaphore_mem>>
      %dma_start3A_183 = arith.constant 0 : i32
      %dma_start3A_184 = tpu.memref_slice %arg8[%run_scoped3A_146, %dma_start3A_183] : memref<2x256xi32, #tpu.memory_space<vmem>> -> memref<1x256xi32, #tpu.memory_space<vmem>>
      %dma_start3A_185 = tpu.memref_squeeze %dma_start3A_184 : memref<1x256xi32, #tpu.memory_space<vmem>> -> memref<256xi32, #tpu.memory_space<vmem>>
      %dma_start3A_186 = arith.constant 0 : i32
      %dma_start3A_187 = arith.constant 0 : i32
      %dma_start3A_188 = tpu.memref_slice %arg20[%dma_start3A_186, %dma_start3A_187] : memref<10240x64xf32, #tpu.memory_space<vmem_shared>> -> memref<10240x64xf32, #tpu.memory_space<vmem_shared>>
      tpu.enqueue_indirect_dma source(%arg10 : memref<256x64xf32, #tpu.memory_space<vmem>>) target(%dma_start3A_188 : memref<10240x64xf32, #tpu.memory_space<vmem_shared>>) offsets(%dma_start3A_185 : memref<256xi32, #tpu.memory_space<vmem>>) semaphore(%run_scoped3A_182 : memref<!tpu.dma_semaphore, #tpu.memory_space<semaphore_mem>>) {add = true}
      %dma_wait3A_189 = arith.constant 0 : i32
      %dma_wait3A_190 = tpu.memref_slice %arg8[%run_scoped3A_146, %dma_wait3A_189] : memref<2x256xi32, #tpu.memory_space<vmem>> -> memref<1x256xi32, #tpu.memory_space<vmem>>
      %dma_wait3A_191 = tpu.memref_squeeze %dma_wait3A_190 : memref<1x256xi32, #tpu.memory_space<vmem>> -> memref<256xi32, #tpu.memory_space<vmem>>
      %dma_wait3A_192 = arith.constant 0 : i32
      %dma_wait3A_193 = arith.constant 0 : i32
      %dma_wait3A_194 = tpu.memref_slice %arg20[%dma_wait3A_192, %dma_wait3A_193] : memref<10240x64xf32, #tpu.memory_space<vmem_shared>> -> memref<10240x64xf32, #tpu.memory_space<vmem_shared>>
      tpu.wait_indirect_dma semaphore(%run_scoped3A_182 : memref<!tpu.dma_semaphore, #tpu.memory_space<semaphore_mem>>) src(%arg10 : memref<256x64xf32, #tpu.memory_space<vmem>>) dst(%dma_wait3A_194 : memref<10240x64xf32, #tpu.memory_space<vmem_shared>>)
      tpu.yield
    }) : () -> ()
    %run_scoped3A_147 = arith.constant 0 : i32
    "tpu.region"() ({
      %run_scoped3A_182 = tpu.sem_alloc : memref<!tpu.dma_semaphore, #tpu.memory_space<semaphore_mem>>
      %dma_start3A_183 = arith.constant 0 : i32
      %dma_start3A_184 = tpu.memref_slice %arg3[%add3A, %run_scoped3A_147, %dma_start3A_183] : memref<32x2x16xi32, #tpu.memory_space<hbm>> -> memref<1x1x16xi32, #tpu.memory_space<hbm>>
      %dma_start3A_185 = tpu.memref_squeeze %dma_start3A_184 : memref<1x1x16xi32, #tpu.memory_space<hbm>> -> memref<16xi32, #tpu.memory_space<hbm>>
      %dma_start3A_186 = arith.constant 0 : i32
      %dma_start3A_187 = tpu.memref_slice %arg3[%add3A, %run_scoped3A_147, %dma_start3A_186] : memref<32x2x16xi32, #tpu.memory_space<hbm>> -> memref<1x1x16xi32, #tpu.memory_space<hbm>>
      %dma_start3A_188 = tpu.memref_squeeze %dma_start3A_187 : memref<1x1x16xi32, #tpu.memory_space<hbm>> -> memref<16xi32, #tpu.memory_space<hbm>>
      tpu.enqueue_dma source(%dma_start3A_188 : memref<16xi32, #tpu.memory_space<hbm>>) target(%arg18 : memref<16xi32, #tpu.memory_space<vmem>>) target_semaphore(%run_scoped3A_182 : memref<!tpu.dma_semaphore, #tpu.memory_space<semaphore_mem>>)
      %dma_wait3A_189 = arith.constant 0 : i32
      %dma_wait3A_190 = tpu.memref_slice %arg3[%add3A, %run_scoped3A_147, %dma_wait3A_189] : memref<32x2x16xi32, #tpu.memory_space<hbm>> -> memref<1x1x16xi32, #tpu.memory_space<hbm>>
      %dma_wait3A_191 = tpu.memref_squeeze %dma_wait3A_190 : memref<1x1x16xi32, #tpu.memory_space<hbm>> -> memref<16xi32, #tpu.memory_space<hbm>>
      %dma_wait3A_192 = arith.constant 0 : i32
      %dma_wait3A_193 = tpu.memref_slice %arg3[%add3A, %run_scoped3A_147, %dma_wait3A_192] : memref<32x2x16xi32, #tpu.memory_space<hbm>> -> memref<1x1x16xi32, #tpu.memory_space<hbm>>
      %dma_wait3A_194 = tpu.memref_squeeze %dma_wait3A_193 : memref<1x1x16xi32, #tpu.memory_space<hbm>> -> memref<16xi32, #tpu.memory_space<hbm>>
      tpu.wait_dma2 semaphore(%run_scoped3A_182 : memref<!tpu.dma_semaphore, #tpu.memory_space<semaphore_mem>>) src(%dma_wait3A_194 : memref<16xi32, #tpu.memory_space<hbm>>) dst(%arg18 : memref<16xi32, #tpu.memory_space<vmem>>)
      tpu.yield
    }) : () -> ()
    %run_scoped3A_148 = arith.constant 1 : i32
    "tpu.region"() ({
      %run_scoped3A_182 = tpu.sem_alloc : memref<!tpu.dma_semaphore, #tpu.memory_space<semaphore_mem>>
      %dma_start3A_183 = arith.constant 0 : i32
      %dma_start3A_184 = tpu.memref_slice %arg3[%add3A, %run_scoped3A_148, %dma_start3A_183] : memref<32x2x16xi32, #tpu.memory_space<hbm>> -> memref<1x1x16xi32, #tpu.memory_space<hbm>>
      %dma_start3A_185 = tpu.memref_squeeze %dma_start3A_184 : memref<1x1x16xi32, #tpu.memory_space<hbm>> -> memref<16xi32, #tpu.memory_space<hbm>>
      %dma_start3A_186 = arith.constant 0 : i32
      %dma_start3A_187 = tpu.memref_slice %arg3[%add3A, %run_scoped3A_148, %dma_start3A_186] : memref<32x2x16xi32, #tpu.memory_space<hbm>> -> memref<1x1x16xi32, #tpu.memory_space<hbm>>
      %dma_start3A_188 = tpu.memref_squeeze %dma_start3A_187 : memref<1x1x16xi32, #tpu.memory_space<hbm>> -> memref<16xi32, #tpu.memory_space<hbm>>
      tpu.enqueue_dma source(%dma_start3A_188 : memref<16xi32, #tpu.memory_space<hbm>>) target(%arg19 : memref<16xi32, #tpu.memory_space<vmem>>) target_semaphore(%run_scoped3A_182 : memref<!tpu.dma_semaphore, #tpu.memory_space<semaphore_mem>>)
      %dma_wait3A_189 = arith.constant 0 : i32
      %dma_wait3A_190 = tpu.memref_slice %arg3[%add3A, %run_scoped3A_148, %dma_wait3A_189] : memref<32x2x16xi32, #tpu.memory_space<hbm>> -> memref<1x1x16xi32, #tpu.memory_space<hbm>>
      %dma_wait3A_191 = tpu.memref_squeeze %dma_wait3A_190 : memref<1x1x16xi32, #tpu.memory_space<hbm>> -> memref<16xi32, #tpu.memory_space<hbm>>
      %dma_wait3A_192 = arith.constant 0 : i32
      %dma_wait3A_193 = tpu.memref_slice %arg3[%add3A, %run_scoped3A_148, %dma_wait3A_192] : memref<32x2x16xi32, #tpu.memory_space<hbm>> -> memref<1x1x16xi32, #tpu.memory_space<hbm>>
      %dma_wait3A_194 = tpu.memref_squeeze %dma_wait3A_193 : memref<1x1x16xi32, #tpu.memory_space<hbm>> -> memref<16xi32, #tpu.memory_space<hbm>>
      tpu.wait_dma2 semaphore(%run_scoped3A_182 : memref<!tpu.dma_semaphore, #tpu.memory_space<semaphore_mem>>) src(%dma_wait3A_194 : memref<16xi32, #tpu.memory_space<hbm>>) dst(%arg19 : memref<16xi32, #tpu.memory_space<vmem>>)
      tpu.yield
    }) : () -> ()
    %dma_start3A_149 = arith.constant 0 : i32
    %dma_start3A_150 = arith.constant 0 : i32
    %dma_start3A_151 = tpu.memref_slice %arg10[%dma_start3A_149, %dma_start3A_150] : memref<256x64xf32, #tpu.memory_space<vmem>> -> memref<16x64xf32, #tpu.memory_space<vmem>>
    %dma_start3A_152 = arith.constant 0 : i32
    %dma_start3A_153 = arith.constant 0 : i32
    %dma_start3A_154 = tpu.memref_slice %arg4[%dma_start3A_152, %dma_start3A_153] : memref<10000x64xf32, #tpu.memory_space<hbm>> -> memref<10000x64xf32, #tpu.memory_space<hbm>>
    tpu.enqueue_indirect_dma source(%dma_start3A_154 : memref<10000x64xf32, #tpu.memory_space<hbm>>) target(%dma_start3A_151 : memref<16x64xf32, #tpu.memory_space<vmem>>) offsets(%arg18 : memref<16xi32, #tpu.memory_space<vmem>>) semaphore(%arg12 : memref<!tpu.dma_semaphore, #tpu.memory_space<semaphore_mem>>)
    %dma_wait3A_155 = arith.constant 0 : i32
    %dma_wait3A_156 = arith.constant 0 : i32
    %dma_wait3A_157 = tpu.memref_slice %arg10[%dma_wait3A_155, %dma_wait3A_156] : memref<256x64xf32, #tpu.memory_space<vmem>> -> memref<16x64xf32, #tpu.memory_space<vmem>>
    %dma_wait3A_158 = arith.constant 0 : i32
    %dma_wait3A_159 = arith.constant 0 : i32
    %dma_wait3A_160 = tpu.memref_slice %arg4[%dma_wait3A_158, %dma_wait3A_159] : memref<10000x64xf32, #tpu.memory_space<hbm>> -> memref<10000x64xf32, #tpu.memory_space<hbm>>
    tpu.wait_indirect_dma semaphore(%arg12 : memref<!tpu.dma_semaphore, #tpu.memory_space<semaphore_mem>>) src(%dma_wait3A_160 : memref<10000x64xf32, #tpu.memory_space<hbm>>) dst(%dma_wait3A_157 : memref<16x64xf32, #tpu.memory_space<vmem>>)
    "tpu.region"() ({
      %run_scoped3A_182 = tpu.sem_alloc : memref<!tpu.dma_semaphore, #tpu.memory_space<semaphore_mem>>
      %dma_start3A_183 = arith.constant 0 : i32
      %dma_start3A_184 = arith.constant 0 : i32
      %dma_start3A_185 = tpu.memref_slice %arg10[%dma_start3A_183, %dma_start3A_184] : memref<256x64xf32, #tpu.memory_space<vmem>> -> memref<16x64xf32, #tpu.memory_space<vmem>>
      %dma_start3A_186 = arith.constant 0 : i32
      %dma_start3A_187 = arith.constant 0 : i32
      %dma_start3A_188 = tpu.memref_slice %arg20[%dma_start3A_186, %dma_start3A_187] : memref<10240x64xf32, #tpu.memory_space<vmem_shared>> -> memref<10240x64xf32, #tpu.memory_space<vmem_shared>>
      tpu.enqueue_indirect_dma source(%dma_start3A_185 : memref<16x64xf32, #tpu.memory_space<vmem>>) target(%dma_start3A_188 : memref<10240x64xf32, #tpu.memory_space<vmem_shared>>) offsets(%arg19 : memref<16xi32, #tpu.memory_space<vmem>>) semaphore(%run_scoped3A_182 : memref<!tpu.dma_semaphore, #tpu.memory_space<semaphore_mem>>) {add = true}
      %dma_wait3A_189 = arith.constant 0 : i32
      %dma_wait3A_190 = arith.constant 0 : i32
      %dma_wait3A_191 = tpu.memref_slice %arg10[%dma_wait3A_189, %dma_wait3A_190] : memref<256x64xf32, #tpu.memory_space<vmem>> -> memref<16x64xf32, #tpu.memory_space<vmem>>
      %dma_wait3A_192 = arith.constant 0 : i32
      %dma_wait3A_193 = arith.constant 0 : i32
      %dma_wait3A_194 = tpu.memref_slice %arg20[%dma_wait3A_192, %dma_wait3A_193] : memref<10240x64xf32, #tpu.memory_space<vmem_shared>> -> memref<10240x64xf32, #tpu.memory_space<vmem_shared>>
      tpu.wait_indirect_dma semaphore(%run_scoped3A_182 : memref<!tpu.dma_semaphore, #tpu.memory_space<semaphore_mem>>) src(%dma_wait3A_191 : memref<16x64xf32, #tpu.memory_space<vmem>>) dst(%dma_wait3A_194 : memref<10240x64xf32, #tpu.memory_space<vmem_shared>>)
      tpu.yield
    }) : () -> ()
    %barrier3A_161 = arith.constant 0 : index
    tpu.barrier barrier_id(%barrier3A_161)
    %mul3A_162 = arith.constant 640 : i32
    %mul3A_163 = arith.muli %arg1, %mul3A_162 : i32
    %add3A_164 = arith.constant 0 : i32
    %add3A_165 = arith.addi %mul3A_163, %add3A_164 : i32
    "tpu.region"() ({
      %run_scoped3A_182 = tpu.sem_alloc : memref<!tpu.dma_semaphore, #tpu.memory_space<semaphore_mem>>
      %dma_start3A_183 = arith.constant 0 : i32
      %dma_start3A_184 = tpu.memref_slice %arg5[%arg0, %add3A_165, %dma_start3A_183] : memref<2x10240x64xf32, #tpu.memory_space<hbm>> -> memref<1x128x64xf32, #tpu.memory_space<hbm>>
      %dma_start3A_185 = tpu.memref_squeeze %dma_start3A_184 : memref<1x128x64xf32, #tpu.memory_space<hbm>> -> memref<128x64xf32, #tpu.memory_space<hbm>>
      %dma_start3A_186 = arith.constant 0 : i32
      %dma_start3A_187 = tpu.memref_slice %arg20[%add3A_165, %dma_start3A_186] : memref<10240x64xf32, #tpu.memory_space<vmem_shared>> -> memref<128x64xf32, #tpu.memory_space<vmem_shared>>
      tpu.enqueue_dma source(%dma_start3A_187 : memref<128x64xf32, #tpu.memory_space<vmem_shared>>) target(%dma_start3A_185 : memref<128x64xf32, #tpu.memory_space<hbm>>) target_semaphore(%run_scoped3A_182 : memref<!tpu.dma_semaphore, #tpu.memory_space<semaphore_mem>>)
      %dma_wait3A_188 = arith.constant 0 : i32
      %dma_wait3A_189 = tpu.memref_slice %arg5[%arg0, %add3A_165, %dma_wait3A_188] : memref<2x10240x64xf32, #tpu.memory_space<hbm>> -> memref<1x128x64xf32, #tpu.memory_space<hbm>>
      %dma_wait3A_190 = tpu.memref_squeeze %dma_wait3A_189 : memref<1x128x64xf32, #tpu.memory_space<hbm>> -> memref<128x64xf32, #tpu.memory_space<hbm>>
      %dma_wait3A_191 = arith.constant 0 : i32
      %dma_wait3A_192 = tpu.memref_slice %arg20[%add3A_165, %dma_wait3A_191] : memref<10240x64xf32, #tpu.memory_space<vmem_shared>> -> memref<128x64xf32, #tpu.memory_space<vmem_shared>>
      tpu.wait_dma2 semaphore(%run_scoped3A_182 : memref<!tpu.dma_semaphore, #tpu.memory_space<semaphore_mem>>) src(%dma_wait3A_192 : memref<128x64xf32, #tpu.memory_space<vmem_shared>>) dst(%dma_wait3A_190 : memref<128x64xf32, #tpu.memory_space<hbm>>)
      tpu.yield
    }) : () -> ()
    %mul3A_166 = arith.constant 640 : i32
    %mul3A_167 = arith.muli %arg1, %mul3A_166 : i32
    %add3A_168 = arith.constant 128 : i32
    %add3A_169 = arith.addi %mul3A_167, %add3A_168 : i32
    "tpu.region"() ({
      %run_scoped3A_182 = tpu.sem_alloc : memref<!tpu.dma_semaphore, #tpu.memory_space<semaphore_mem>>
      %dma_start3A_183 = arith.constant 0 : i32
      %dma_start3A_184 = tpu.memref_slice %arg5[%arg0, %add3A_169, %dma_start3A_183] : memref<2x10240x64xf32, #tpu.memory_space<hbm>> -> memref<1x128x64xf32, #tpu.memory_space<hbm>>
      %dma_start3A_185 = tpu.memref_squeeze %dma_start3A_184 : memref<1x128x64xf32, #tpu.memory_space<hbm>> -> memref<128x64xf32, #tpu.memory_space<hbm>>
      %dma_start3A_186 = arith.constant 0 : i32
      %dma_start3A_187 = tpu.memref_slice %arg20[%add3A_169, %dma_start3A_186] : memref<10240x64xf32, #tpu.memory_space<vmem_shared>> -> memref<128x64xf32, #tpu.memory_space<vmem_shared>>
      tpu.enqueue_dma source(%dma_start3A_187 : memref<128x64xf32, #tpu.memory_space<vmem_shared>>) target(%dma_start3A_185 : memref<128x64xf32, #tpu.memory_space<hbm>>) target_semaphore(%run_scoped3A_182 : memref<!tpu.dma_semaphore, #tpu.memory_space<semaphore_mem>>)
      %dma_wait3A_188 = arith.constant 0 : i32
      %dma_wait3A_189 = tpu.memref_slice %arg5[%arg0, %add3A_169, %dma_wait3A_188] : memref<2x10240x64xf32, #tpu.memory_space<hbm>> -> memref<1x128x64xf32, #tpu.memory_space<hbm>>
      %dma_wait3A_190 = tpu.memref_squeeze %dma_wait3A_189 : memref<1x128x64xf32, #tpu.memory_space<hbm>> -> memref<128x64xf32, #tpu.memory_space<hbm>>
      %dma_wait3A_191 = arith.constant 0 : i32
      %dma_wait3A_192 = tpu.memref_slice %arg20[%add3A_169, %dma_wait3A_191] : memref<10240x64xf32, #tpu.memory_space<vmem_shared>> -> memref<128x64xf32, #tpu.memory_space<vmem_shared>>
      tpu.wait_dma2 semaphore(%run_scoped3A_182 : memref<!tpu.dma_semaphore, #tpu.memory_space<semaphore_mem>>) src(%dma_wait3A_192 : memref<128x64xf32, #tpu.memory_space<vmem_shared>>) dst(%dma_wait3A_190 : memref<128x64xf32, #tpu.memory_space<hbm>>)
      tpu.yield
    }) : () -> ()
    %mul3A_170 = arith.constant 640 : i32
    %mul3A_171 = arith.muli %arg1, %mul3A_170 : i32
    %add3A_172 = arith.constant 256 : i32
    %add3A_173 = arith.addi %mul3A_171, %add3A_172 : i32
    "tpu.region"() ({
      %run_scoped3A_182 = tpu.sem_alloc : memref<!tpu.dma_semaphore, #tpu.memory_space<semaphore_mem>>
      %dma_start3A_183 = arith.constant 0 : i32
      %dma_start3A_184 = tpu.memref_slice %arg5[%arg0, %add3A_173, %dma_start3A_183] : memref<2x10240x64xf32, #tpu.memory_space<hbm>> -> memref<1x128x64xf32, #tpu.memory_space<hbm>>
      %dma_start3A_185 = tpu.memref_squeeze %dma_start3A_184 : memref<1x128x64xf32, #tpu.memory_space<hbm>> -> memref<128x64xf32, #tpu.memory_space<hbm>>
      %dma_start3A_186 = arith.constant 0 : i32
      %dma_start3A_187 = tpu.memref_slice %arg20[%add3A_173, %dma_start3A_186] : memref<10240x64xf32, #tpu.memory_space<vmem_shared>> -> memref<128x64xf32, #tpu.memory_space<vmem_shared>>
      tpu.enqueue_dma source(%dma_start3A_187 : memref<128x64xf32, #tpu.memory_space<vmem_shared>>) target(%dma_start3A_185 : memref<128x64xf32, #tpu.memory_space<hbm>>) target_semaphore(%run_scoped3A_182 : memref<!tpu.dma_semaphore, #tpu.memory_space<semaphore_mem>>)
      %dma_wait3A_188 = arith.constant 0 : i32
      %dma_wait3A_189 = tpu.memref_slice %arg5[%arg0, %add3A_173, %dma_wait3A_188] : memref<2x10240x64xf32, #tpu.memory_space<hbm>> -> memref<1x128x64xf32, #tpu.memory_space<hbm>>
      %dma_wait3A_190 = tpu.memref_squeeze %dma_wait3A_189 : memref<1x128x64xf32, #tpu.memory_space<hbm>> -> memref<128x64xf32, #tpu.memory_space<hbm>>
      %dma_wait3A_191 = arith.constant 0 : i32
      %dma_wait3A_192 = tpu.memref_slice %arg20[%add3A_173, %dma_wait3A_191] : memref<10240x64xf32, #tpu.memory_space<vmem_shared>> -> memref<128x64xf32, #tpu.memory_space<vmem_shared>>
      tpu.wait_dma2 semaphore(%run_scoped3A_182 : memref<!tpu.dma_semaphore, #tpu.memory_space<semaphore_mem>>) src(%dma_wait3A_192 : memref<128x64xf32, #tpu.memory_space<vmem_shared>>) dst(%dma_wait3A_190 : memref<128x64xf32, #tpu.memory_space<hbm>>)
      tpu.yield
    }) : () -> ()
    %mul3A_174 = arith.constant 640 : i32
    %mul3A_175 = arith.muli %arg1, %mul3A_174 : i32
    %add3A_176 = arith.constant 384 : i32
    %add3A_177 = arith.addi %mul3A_175, %add3A_176 : i32
    "tpu.region"() ({
      %run_scoped3A_182 = tpu.sem_alloc : memref<!tpu.dma_semaphore, #tpu.memory_space<semaphore_mem>>
      %dma_start3A_183 = arith.constant 0 : i32
      %dma_start3A_184 = tpu.memref_slice %arg5[%arg0, %add3A_177, %dma_start3A_183] : memref<2x10240x64xf32, #tpu.memory_space<hbm>> -> memref<1x128x64xf32, #tpu.memory_space<hbm>>
      %dma_start3A_185 = tpu.memref_squeeze %dma_start3A_184 : memref<1x128x64xf32, #tpu.memory_space<hbm>> -> memref<128x64xf32, #tpu.memory_space<hbm>>
      %dma_start3A_186 = arith.constant 0 : i32
      %dma_start3A_187 = tpu.memref_slice %arg20[%add3A_177, %dma_start3A_186] : memref<10240x64xf32, #tpu.memory_space<vmem_shared>> -> memref<128x64xf32, #tpu.memory_space<vmem_shared>>
      tpu.enqueue_dma source(%dma_start3A_187 : memref<128x64xf32, #tpu.memory_space<vmem_shared>>) target(%dma_start3A_185 : memref<128x64xf32, #tpu.memory_space<hbm>>) target_semaphore(%run_scoped3A_182 : memref<!tpu.dma_semaphore, #tpu.memory_space<semaphore_mem>>)
      %dma_wait3A_188 = arith.constant 0 : i32
      %dma_wait3A_189 = tpu.memref_slice %arg5[%arg0, %add3A_177, %dma_wait3A_188] : memref<2x10240x64xf32, #tpu.memory_space<hbm>> -> memref<1x128x64xf32, #tpu.memory_space<hbm>>
      %dma_wait3A_190 = tpu.memref_squeeze %dma_wait3A_189 : memref<1x128x64xf32, #tpu.memory_space<hbm>> -> memref<128x64xf32, #tpu.memory_space<hbm>>
      %dma_wait3A_191 = arith.constant 0 : i32
      %dma_wait3A_192 = tpu.memref_slice %arg20[%add3A_177, %dma_wait3A_191] : memref<10240x64xf32, #tpu.memory_space<vmem_shared>> -> memref<128x64xf32, #tpu.memory_space<vmem_shared>>
      tpu.wait_dma2 semaphore(%run_scoped3A_182 : memref<!tpu.dma_semaphore, #tpu.memory_space<semaphore_mem>>) src(%dma_wait3A_192 : memref<128x64xf32, #tpu.memory_space<vmem_shared>>) dst(%dma_wait3A_190 : memref<128x64xf32, #tpu.memory_space<hbm>>)
      tpu.yield
    }) : () -> ()
    %mul3A_178 = arith.constant 640 : i32
    %mul3A_179 = arith.muli %arg1, %mul3A_178 : i32
    %add3A_180 = arith.constant 512 : i32
    %add3A_181 = arith.addi %mul3A_179, %add3A_180 : i32
    "tpu.region"() ({
      %run_scoped3A_182 = tpu.sem_alloc : memref<!tpu.dma_semaphore, #tpu.memory_space<semaphore_mem>>
      %dma_start3A_183 = arith.constant 0 : i32
      %dma_start3A_184 = tpu.memref_slice %arg5[%arg0, %add3A_181, %dma_start3A_183] : memref<2x10240x64xf32, #tpu.memory_space<hbm>> -> memref<1x128x64xf32, #tpu.memory_space<hbm>>
      %dma_start3A_185 = tpu.memref_squeeze %dma_start3A_184 : memref<1x128x64xf32, #tpu.memory_space<hbm>> -> memref<128x64xf32, #tpu.memory_space<hbm>>
      %dma_start3A_186 = arith.constant 0 : i32
      %dma_start3A_187 = tpu.memref_slice %arg20[%add3A_181, %dma_start3A_186] : memref<10240x64xf32, #tpu.memory_space<vmem_shared>> -> memref<128x64xf32, #tpu.memory_space<vmem_shared>>
      tpu.enqueue_dma source(%dma_start3A_187 : memref<128x64xf32, #tpu.memory_space<vmem_shared>>) target(%dma_start3A_185 : memref<128x64xf32, #tpu.memory_space<hbm>>) target_semaphore(%run_scoped3A_182 : memref<!tpu.dma_semaphore, #tpu.memory_space<semaphore_mem>>)
      %dma_wait3A_188 = arith.constant 0 : i32
      %dma_wait3A_189 = tpu.memref_slice %arg5[%arg0, %add3A_181, %dma_wait3A_188] : memref<2x10240x64xf32, #tpu.memory_space<hbm>> -> memref<1x128x64xf32, #tpu.memory_space<hbm>>
      %dma_wait3A_190 = tpu.memref_squeeze %dma_wait3A_189 : memref<1x128x64xf32, #tpu.memory_space<hbm>> -> memref<128x64xf32, #tpu.memory_space<hbm>>
      %dma_wait3A_191 = arith.constant 0 : i32
      %dma_wait3A_192 = tpu.memref_slice %arg20[%add3A_181, %dma_wait3A_191] : memref<10240x64xf32, #tpu.memory_space<vmem_shared>> -> memref<128x64xf32, #tpu.memory_space<vmem_shared>>
      tpu.wait_dma2 semaphore(%run_scoped3A_182 : memref<!tpu.dma_semaphore, #tpu.memory_space<semaphore_mem>>) src(%dma_wait3A_192 : memref<128x64xf32, #tpu.memory_space<vmem_shared>>) dst(%dma_wait3A_190 : memref<128x64xf32, #tpu.memory_space<hbm>>)
      tpu.yield
    }) : () -> ()
    return
  }
}

#map = affine_map<(d0, d1) -> (0, 0, 0)>
#map1 = affine_map<(d0, d1) -> (0, 0)>
module attributes {stable_mosaic.version = 14 : i64} {
  func.func @edge_kernel(%arg0: i32, %arg1: i32, %arg2: memref<2496x2x128xi32, #tpu.memory_space<hbm>>, %arg3: memref<32x2x16xi32, #tpu.memory_space<hbm>>, %arg4: memref<10000x128xf32, #tpu.memory_space<hbm>>, %arg5: memref<2x10240x128xf32, #tpu.memory_space<hbm>>, %arg6: memref<2x128xi32, #tpu.memory_space<vmem>>, %arg7: memref<2x128xi32, #tpu.memory_space<vmem>>, %arg8: memref<2x128xi32, #tpu.memory_space<vmem>>, %arg9: memref<2x128xi32, #tpu.memory_space<vmem>>, %arg10: memref<128x128xf32, #tpu.memory_space<vmem>>, %arg11: memref<128x128xf32, #tpu.memory_space<vmem>>, %arg12: memref<!tpu.dma_semaphore, #tpu.memory_space<semaphore_mem>>, %arg13: memref<!tpu.dma_semaphore, #tpu.memory_space<semaphore_mem>>, %arg14: memref<!tpu.dma_semaphore, #tpu.memory_space<semaphore_mem>>, %arg15: memref<!tpu.dma_semaphore, #tpu.memory_space<semaphore_mem>>, %arg16: memref<!tpu.dma_semaphore, #tpu.memory_space<semaphore_mem>>, %arg17: memref<!tpu.dma_semaphore, #tpu.memory_space<semaphore_mem>>, %arg18: memref<16xi32, #tpu.memory_space<vmem>>, %arg19: memref<16xi32, #tpu.memory_space<vmem>>, %arg20: memref<10240x128xf32, #tpu.memory_space<vmem_shared>>) attributes {dimension_semantics = [#tpu.dimension_semantics<core_parallel>, #tpu.dimension_semantics<subcore_parallel>], iteration_bounds = array<i64: 2, 16>, scalar_prefetch = 0 : i64, scratch_operands = 15 : i64, tpu.core_type = #tpu.core_type<sc_vector_subcore>, window_params = [{transform_indices = #map}, {transform_indices = #map}, {transform_indices = #map1}, {transform_indices = #map}]} {
    %mul3A = arith.constant 16 : i32
    %mul3A_0 = arith.muli %arg0, %mul3A : i32
    %add3A = arith.addi %mul3A_0, %arg1 : i32
    %broadcast_in_dim3A = arith.constant 0.000000e+00 : f32
    %broadcast_in_dim3A_1 = vector.broadcast %broadcast_in_dim3A : f32 to vector<16xf32>
    %mul3A_2 = arith.constant 78 : i32
    %mul3A_3 = arith.muli %add3A, %mul3A_2 : i32
    %add3A_4 = arith.constant 0 : i32
    %add3A_5 = arith.addi %mul3A_3, %add3A_4 : i32
    %dma_start3A = arith.constant 0 : i32
    %dma_start3A_6 = arith.constant 0 : i32
    %dma_start3A_7 = tpu.memref_slice %arg2[%add3A_5, %dma_start3A, %dma_start3A_6] : memref<2496x2x128xi32, #tpu.memory_space<hbm>> -> memref<1x2x128xi32, #tpu.memory_space<hbm>>
    %dma_start3A_8 = tpu.memref_squeeze %dma_start3A_7 : memref<1x2x128xi32, #tpu.memory_space<hbm>> -> memref<2x128xi32, #tpu.memory_space<hbm>>
    %dma_start3A_9 = arith.constant 0 : i32
    %dma_start3A_10 = arith.constant 0 : i32
    %dma_start3A_11 = tpu.memref_slice %arg2[%add3A_5, %dma_start3A_9, %dma_start3A_10] : memref<2496x2x128xi32, #tpu.memory_space<hbm>> -> memref<1x2x128xi32, #tpu.memory_space<hbm>>
    %dma_start3A_12 = tpu.memref_squeeze %dma_start3A_11 : memref<1x2x128xi32, #tpu.memory_space<hbm>> -> memref<2x128xi32, #tpu.memory_space<hbm>>
    tpu.enqueue_dma source(%dma_start3A_12 : memref<2x128xi32, #tpu.memory_space<hbm>>) target(%arg6 : memref<2x128xi32, #tpu.memory_space<vmem>>) target_semaphore(%arg14 : memref<!tpu.dma_semaphore, #tpu.memory_space<semaphore_mem>>)
    %add3A_13 = arith.constant 1 : i32
    %add3A_14 = arith.addi %mul3A_3, %add3A_13 : i32
    %dma_start3A_15 = arith.constant 0 : i32
    %dma_start3A_16 = arith.constant 0 : i32
    %dma_start3A_17 = tpu.memref_slice %arg2[%add3A_14, %dma_start3A_15, %dma_start3A_16] : memref<2496x2x128xi32, #tpu.memory_space<hbm>> -> memref<1x2x128xi32, #tpu.memory_space<hbm>>
    %dma_start3A_18 = tpu.memref_squeeze %dma_start3A_17 : memref<1x2x128xi32, #tpu.memory_space<hbm>> -> memref<2x128xi32, #tpu.memory_space<hbm>>
    %dma_start3A_19 = arith.constant 0 : i32
    %dma_start3A_20 = arith.constant 0 : i32
    %dma_start3A_21 = tpu.memref_slice %arg2[%add3A_14, %dma_start3A_19, %dma_start3A_20] : memref<2496x2x128xi32, #tpu.memory_space<hbm>> -> memref<1x2x128xi32, #tpu.memory_space<hbm>>
    %dma_start3A_22 = tpu.memref_squeeze %dma_start3A_21 : memref<1x2x128xi32, #tpu.memory_space<hbm>> -> memref<2x128xi32, #tpu.memory_space<hbm>>
    tpu.enqueue_dma source(%dma_start3A_22 : memref<2x128xi32, #tpu.memory_space<hbm>>) target(%arg7 : memref<2x128xi32, #tpu.memory_space<vmem>>) target_semaphore(%arg15 : memref<!tpu.dma_semaphore, #tpu.memory_space<semaphore_mem>>)
    %add3A_23 = arith.constant 2 : i32
    %add3A_24 = arith.addi %mul3A_3, %add3A_23 : i32
    %dma_start3A_25 = arith.constant 0 : i32
    %dma_start3A_26 = arith.constant 0 : i32
    %dma_start3A_27 = tpu.memref_slice %arg2[%add3A_24, %dma_start3A_25, %dma_start3A_26] : memref<2496x2x128xi32, #tpu.memory_space<hbm>> -> memref<1x2x128xi32, #tpu.memory_space<hbm>>
    %dma_start3A_28 = tpu.memref_squeeze %dma_start3A_27 : memref<1x2x128xi32, #tpu.memory_space<hbm>> -> memref<2x128xi32, #tpu.memory_space<hbm>>
    %dma_start3A_29 = arith.constant 0 : i32
    %dma_start3A_30 = arith.constant 0 : i32
    %dma_start3A_31 = tpu.memref_slice %arg2[%add3A_24, %dma_start3A_29, %dma_start3A_30] : memref<2496x2x128xi32, #tpu.memory_space<hbm>> -> memref<1x2x128xi32, #tpu.memory_space<hbm>>
    %dma_start3A_32 = tpu.memref_squeeze %dma_start3A_31 : memref<1x2x128xi32, #tpu.memory_space<hbm>> -> memref<2x128xi32, #tpu.memory_space<hbm>>
    tpu.enqueue_dma source(%dma_start3A_32 : memref<2x128xi32, #tpu.memory_space<hbm>>) target(%arg8 : memref<2x128xi32, #tpu.memory_space<vmem>>) target_semaphore(%arg16 : memref<!tpu.dma_semaphore, #tpu.memory_space<semaphore_mem>>)
    %add3A_33 = arith.constant 3 : i32
    %add3A_34 = arith.addi %mul3A_3, %add3A_33 : i32
    %dma_start3A_35 = arith.constant 0 : i32
    %dma_start3A_36 = arith.constant 0 : i32
    %dma_start3A_37 = tpu.memref_slice %arg2[%add3A_34, %dma_start3A_35, %dma_start3A_36] : memref<2496x2x128xi32, #tpu.memory_space<hbm>> -> memref<1x2x128xi32, #tpu.memory_space<hbm>>
    %dma_start3A_38 = tpu.memref_squeeze %dma_start3A_37 : memref<1x2x128xi32, #tpu.memory_space<hbm>> -> memref<2x128xi32, #tpu.memory_space<hbm>>
    %dma_start3A_39 = arith.constant 0 : i32
    %dma_start3A_40 = arith.constant 0 : i32
    %dma_start3A_41 = tpu.memref_slice %arg2[%add3A_34, %dma_start3A_39, %dma_start3A_40] : memref<2496x2x128xi32, #tpu.memory_space<hbm>> -> memref<1x2x128xi32, #tpu.memory_space<hbm>>
    %dma_start3A_42 = tpu.memref_squeeze %dma_start3A_41 : memref<1x2x128xi32, #tpu.memory_space<hbm>> -> memref<2x128xi32, #tpu.memory_space<hbm>>
    tpu.enqueue_dma source(%dma_start3A_42 : memref<2x128xi32, #tpu.memory_space<hbm>>) target(%arg9 : memref<2x128xi32, #tpu.memory_space<vmem>>) target_semaphore(%arg17 : memref<!tpu.dma_semaphore, #tpu.memory_space<semaphore_mem>>)
    %scan3A = arith.constant 0 : i32
    %scan3A_43 = arith.constant 0 : i32
    %scan3A_44 = arith.constant 128 : i32
    %scan3A_45 = arith.addi %scan3A_43, %scan3A_44 : i32
    %scan3A_46 = arith.constant 1 : i32
    scf.for %scan3A_157 = %scan3A_43 to %scan3A_45 step %scan3A_46  : i32 {
      %swap3A = arith.index_cast %scan3A_157 : i32 to index
      %swap3A_158 = arith.constant 0 : index
      %swap3A_159 = tpu.vector_load %arg11[%swap3A, %swap3A_158] {strides = array<i32>} : memref<128x128xf32, #tpu.memory_space<vmem>>, vector<1x16xf32>,
      %swap3A_160 = vector.shape_cast %swap3A_159 : vector<1x16xf32> to vector<16xf32>
      %swap3A_161 = vector.shape_cast %broadcast_in_dim3A_1 : vector<16xf32> to vector<1x16xf32>
      tpu.vector_store %arg11[%swap3A, %swap3A_158], %swap3A_161 {strides = array<i32>} : memref<128x128xf32, #tpu.memory_space<vmem>>, vector<1x16xf32>,
      %swap3A_162 = arith.index_cast %scan3A_157 : i32 to index
      %swap3A_163 = arith.constant 16 : index
      %swap3A_164 = tpu.vector_load %arg11[%swap3A_162, %swap3A_163] {strides = array<i32>} : memref<128x128xf32, #tpu.memory_space<vmem>>, vector<1x16xf32>,
      %swap3A_165 = vector.shape_cast %swap3A_164 : vector<1x16xf32> to vector<16xf32>
      %swap3A_166 = vector.shape_cast %broadcast_in_dim3A_1 : vector<16xf32> to vector<1x16xf32>
      tpu.vector_store %arg11[%swap3A_162, %swap3A_163], %swap3A_166 {strides = array<i32>} : memref<128x128xf32, #tpu.memory_space<vmem>>, vector<1x16xf32>,
      %swap3A_167 = arith.index_cast %scan3A_157 : i32 to index
      %swap3A_168 = arith.constant 32 : index
      %swap3A_169 = tpu.vector_load %arg11[%swap3A_167, %swap3A_168] {strides = array<i32>} : memref<128x128xf32, #tpu.memory_space<vmem>>, vector<1x16xf32>,
      %swap3A_170 = vector.shape_cast %swap3A_169 : vector<1x16xf32> to vector<16xf32>
      %swap3A_171 = vector.shape_cast %broadcast_in_dim3A_1 : vector<16xf32> to vector<1x16xf32>
      tpu.vector_store %arg11[%swap3A_167, %swap3A_168], %swap3A_171 {strides = array<i32>} : memref<128x128xf32, #tpu.memory_space<vmem>>, vector<1x16xf32>,
      %swap3A_172 = arith.index_cast %scan3A_157 : i32 to index
      %swap3A_173 = arith.constant 48 : index
      %swap3A_174 = tpu.vector_load %arg11[%swap3A_172, %swap3A_173] {strides = array<i32>} : memref<128x128xf32, #tpu.memory_space<vmem>>, vector<1x16xf32>,
      %swap3A_175 = vector.shape_cast %swap3A_174 : vector<1x16xf32> to vector<16xf32>
      %swap3A_176 = vector.shape_cast %broadcast_in_dim3A_1 : vector<16xf32> to vector<1x16xf32>
      tpu.vector_store %arg11[%swap3A_172, %swap3A_173], %swap3A_176 {strides = array<i32>} : memref<128x128xf32, #tpu.memory_space<vmem>>, vector<1x16xf32>,
      %swap3A_177 = arith.index_cast %scan3A_157 : i32 to index
      %swap3A_178 = arith.constant 64 : index
      %swap3A_179 = tpu.vector_load %arg11[%swap3A_177, %swap3A_178] {strides = array<i32>} : memref<128x128xf32, #tpu.memory_space<vmem>>, vector<1x16xf32>,
      %swap3A_180 = vector.shape_cast %swap3A_179 : vector<1x16xf32> to vector<16xf32>
      %swap3A_181 = vector.shape_cast %broadcast_in_dim3A_1 : vector<16xf32> to vector<1x16xf32>
      tpu.vector_store %arg11[%swap3A_177, %swap3A_178], %swap3A_181 {strides = array<i32>} : memref<128x128xf32, #tpu.memory_space<vmem>>, vector<1x16xf32>,
      %swap3A_182 = arith.index_cast %scan3A_157 : i32 to index
      %swap3A_183 = arith.constant 80 : index
      %swap3A_184 = tpu.vector_load %arg11[%swap3A_182, %swap3A_183] {strides = array<i32>} : memref<128x128xf32, #tpu.memory_space<vmem>>, vector<1x16xf32>,
      %swap3A_185 = vector.shape_cast %swap3A_184 : vector<1x16xf32> to vector<16xf32>
      %swap3A_186 = vector.shape_cast %broadcast_in_dim3A_1 : vector<16xf32> to vector<1x16xf32>
      tpu.vector_store %arg11[%swap3A_182, %swap3A_183], %swap3A_186 {strides = array<i32>} : memref<128x128xf32, #tpu.memory_space<vmem>>, vector<1x16xf32>,
      %swap3A_187 = arith.index_cast %scan3A_157 : i32 to index
      %swap3A_188 = arith.constant 96 : index
      %swap3A_189 = tpu.vector_load %arg11[%swap3A_187, %swap3A_188] {strides = array<i32>} : memref<128x128xf32, #tpu.memory_space<vmem>>, vector<1x16xf32>,
      %swap3A_190 = vector.shape_cast %swap3A_189 : vector<1x16xf32> to vector<16xf32>
      %swap3A_191 = vector.shape_cast %broadcast_in_dim3A_1 : vector<16xf32> to vector<1x16xf32>
      tpu.vector_store %arg11[%swap3A_187, %swap3A_188], %swap3A_191 {strides = array<i32>} : memref<128x128xf32, #tpu.memory_space<vmem>>, vector<1x16xf32>,
      %swap3A_192 = arith.index_cast %scan3A_157 : i32 to index
      %swap3A_193 = arith.constant 112 : index
      %swap3A_194 = tpu.vector_load %arg11[%swap3A_192, %swap3A_193] {strides = array<i32>} : memref<128x128xf32, #tpu.memory_space<vmem>>, vector<1x16xf32>,
      %swap3A_195 = vector.shape_cast %swap3A_194 : vector<1x16xf32> to vector<16xf32>
      %swap3A_196 = vector.shape_cast %broadcast_in_dim3A_1 : vector<16xf32> to vector<1x16xf32>
      tpu.vector_store %arg11[%swap3A_192, %swap3A_193], %swap3A_196 {strides = array<i32>} : memref<128x128xf32, #tpu.memory_space<vmem>>, vector<1x16xf32>,
    }
    %scan3A_47 = arith.constant 128 : i32
    %add3A_48 = arith.constant 0 : i32
    %add3A_49 = arith.addi %mul3A_3, %add3A_48 : i32
    %dma_wait3A = arith.constant 0 : i32
    %dma_wait3A_50 = arith.constant 0 : i32
    %dma_wait3A_51 = tpu.memref_slice %arg2[%add3A_49, %dma_wait3A, %dma_wait3A_50] : memref<2496x2x128xi32, #tpu.memory_space<hbm>> -> memref<1x2x128xi32, #tpu.memory_space<hbm>>
    %dma_wait3A_52 = tpu.memref_squeeze %dma_wait3A_51 : memref<1x2x128xi32, #tpu.memory_space<hbm>> -> memref<2x128xi32, #tpu.memory_space<hbm>>
    %dma_wait3A_53 = arith.constant 0 : i32
    %dma_wait3A_54 = arith.constant 0 : i32
    %dma_wait3A_55 = tpu.memref_slice %arg2[%add3A_49, %dma_wait3A_53, %dma_wait3A_54] : memref<2496x2x128xi32, #tpu.memory_space<hbm>> -> memref<1x2x128xi32, #tpu.memory_space<hbm>>
    %dma_wait3A_56 = tpu.memref_squeeze %dma_wait3A_55 : memref<1x2x128xi32, #tpu.memory_space<hbm>> -> memref<2x128xi32, #tpu.memory_space<hbm>>
    tpu.wait_dma2 semaphore(%arg14 : memref<!tpu.dma_semaphore, #tpu.memory_space<semaphore_mem>>) src(%dma_wait3A_56 : memref<2x128xi32, #tpu.memory_space<hbm>>) dst(%arg6 : memref<2x128xi32, #tpu.memory_space<vmem>>)
    %dma_start3A_57 = arith.constant 0 : i32
    %dma_start3A_58 = arith.constant 0 : i32
    %dma_start3A_59 = tpu.memref_slice %arg6[%dma_start3A_57, %dma_start3A_58] : memref<2x128xi32, #tpu.memory_space<vmem>> -> memref<1x128xi32, #tpu.memory_space<vmem>>
    %dma_start3A_60 = tpu.memref_squeeze %dma_start3A_59 : memref<1x128xi32, #tpu.memory_space<vmem>> -> memref<128xi32, #tpu.memory_space<vmem>>
    %dma_start3A_61 = arith.constant 0 : i32
    %dma_start3A_62 = arith.constant 0 : i32
    %dma_start3A_63 = tpu.memref_slice %arg4[%dma_start3A_61, %dma_start3A_62] : memref<10000x128xf32, #tpu.memory_space<hbm>> -> memref<10000x128xf32, #tpu.memory_space<hbm>>
    tpu.enqueue_indirect_dma source(%dma_start3A_63 : memref<10000x128xf32, #tpu.memory_space<hbm>>) target(%arg10 : memref<128x128xf32, #tpu.memory_space<vmem>>) offsets(%dma_start3A_60 : memref<128xi32, #tpu.memory_space<vmem>>) semaphore(%arg12 : memref<!tpu.dma_semaphore, #tpu.memory_space<semaphore_mem>>)
    %mul3A_64 = arith.constant 640 : i32
    %mul3A_65 = arith.muli %arg1, %mul3A_64 : i32
    %add3A_66 = arith.constant 0 : i32
    %add3A_67 = arith.addi %mul3A_65, %add3A_66 : i32
    "tpu.region"() ({
      %run_scoped3A_157 = tpu.sem_alloc : memref<!tpu.dma_semaphore, #tpu.memory_space<semaphore_mem>>
      %dma_start3A_158 = arith.constant 0 : i32
      %dma_start3A_159 = arith.constant 0 : i32
      %dma_start3A_160 = tpu.memref_slice %arg11[%dma_start3A_158, %dma_start3A_159] : memref<128x128xf32, #tpu.memory_space<vmem>> -> memref<128x128xf32, #tpu.memory_space<vmem>>
      %dma_start3A_161 = arith.constant 0 : i32
      %dma_start3A_162 = tpu.memref_slice %arg20[%add3A_67, %dma_start3A_161] : memref<10240x128xf32, #tpu.memory_space<vmem_shared>> -> memref<128x128xf32, #tpu.memory_space<vmem_shared>>
      %dma_start3A_163 = arith.constant 0 : i32
      %dma_start3A_164 = tpu.memref_slice %arg20[%add3A_67, %dma_start3A_163] : memref<10240x128xf32, #tpu.memory_space<vmem_shared>> -> memref<128x128xf32, #tpu.memory_space<vmem_shared>>
      %dma_start3A_165 = arith.constant 0 : i32
      %dma_start3A_166 = arith.constant 0 : i32
      %dma_start3A_167 = tpu.memref_slice %arg11[%dma_start3A_165, %dma_start3A_166] : memref<128x128xf32, #tpu.memory_space<vmem>> -> memref<128x128xf32, #tpu.memory_space<vmem>>
      tpu.enqueue_dma source(%dma_start3A_167 : memref<128x128xf32, #tpu.memory_space<vmem>>) target(%dma_start3A_164 : memref<128x128xf32, #tpu.memory_space<vmem_shared>>) target_semaphore(%run_scoped3A_157 : memref<!tpu.dma_semaphore, #tpu.memory_space<semaphore_mem>>)
      %dma_wait3A_168 = arith.constant 0 : i32
      %dma_wait3A_169 = arith.constant 0 : i32
      %dma_wait3A_170 = tpu.memref_slice %arg11[%dma_wait3A_168, %dma_wait3A_169] : memref<128x128xf32, #tpu.memory_space<vmem>> -> memref<128x128xf32, #tpu.memory_space<vmem>>
      %dma_wait3A_171 = arith.constant 0 : i32
      %dma_wait3A_172 = tpu.memref_slice %arg20[%add3A_67, %dma_wait3A_171] : memref<10240x128xf32, #tpu.memory_space<vmem_shared>> -> memref<128x128xf32, #tpu.memory_space<vmem_shared>>
      %dma_wait3A_173 = arith.constant 0 : i32
      %dma_wait3A_174 = tpu.memref_slice %arg20[%add3A_67, %dma_wait3A_173] : memref<10240x128xf32, #tpu.memory_space<vmem_shared>> -> memref<128x128xf32, #tpu.memory_space<vmem_shared>>
      %dma_wait3A_175 = arith.constant 0 : i32
      %dma_wait3A_176 = arith.constant 0 : i32
      %dma_wait3A_177 = tpu.memref_slice %arg11[%dma_wait3A_175, %dma_wait3A_176] : memref<128x128xf32, #tpu.memory_space<vmem>> -> memref<128x128xf32, #tpu.memory_space<vmem>>
      tpu.wait_dma2 semaphore(%run_scoped3A_157 : memref<!tpu.dma_semaphore, #tpu.memory_space<semaphore_mem>>) src(%dma_wait3A_177 : memref<128x128xf32, #tpu.memory_space<vmem>>) dst(%dma_wait3A_174 : memref<128x128xf32, #tpu.memory_space<vmem_shared>>)
      tpu.yield
    }) : () -> ()
    %mul3A_68 = arith.constant 640 : i32
    %mul3A_69 = arith.muli %arg1, %mul3A_68 : i32
    %add3A_70 = arith.constant 128 : i32
    %add3A_71 = arith.addi %mul3A_69, %add3A_70 : i32
    "tpu.region"() ({
      %run_scoped3A_157 = tpu.sem_alloc : memref<!tpu.dma_semaphore, #tpu.memory_space<semaphore_mem>>
      %dma_start3A_158 = arith.constant 0 : i32
      %dma_start3A_159 = arith.constant 0 : i32
      %dma_start3A_160 = tpu.memref_slice %arg11[%dma_start3A_158, %dma_start3A_159] : memref<128x128xf32, #tpu.memory_space<vmem>> -> memref<128x128xf32, #tpu.memory_space<vmem>>
      %dma_start3A_161 = arith.constant 0 : i32
      %dma_start3A_162 = tpu.memref_slice %arg20[%add3A_71, %dma_start3A_161] : memref<10240x128xf32, #tpu.memory_space<vmem_shared>> -> memref<128x128xf32, #tpu.memory_space<vmem_shared>>
      %dma_start3A_163 = arith.constant 0 : i32
      %dma_start3A_164 = tpu.memref_slice %arg20[%add3A_71, %dma_start3A_163] : memref<10240x128xf32, #tpu.memory_space<vmem_shared>> -> memref<128x128xf32, #tpu.memory_space<vmem_shared>>
      %dma_start3A_165 = arith.constant 0 : i32
      %dma_start3A_166 = arith.constant 0 : i32
      %dma_start3A_167 = tpu.memref_slice %arg11[%dma_start3A_165, %dma_start3A_166] : memref<128x128xf32, #tpu.memory_space<vmem>> -> memref<128x128xf32, #tpu.memory_space<vmem>>
      tpu.enqueue_dma source(%dma_start3A_167 : memref<128x128xf32, #tpu.memory_space<vmem>>) target(%dma_start3A_164 : memref<128x128xf32, #tpu.memory_space<vmem_shared>>) target_semaphore(%run_scoped3A_157 : memref<!tpu.dma_semaphore, #tpu.memory_space<semaphore_mem>>)
      %dma_wait3A_168 = arith.constant 0 : i32
      %dma_wait3A_169 = arith.constant 0 : i32
      %dma_wait3A_170 = tpu.memref_slice %arg11[%dma_wait3A_168, %dma_wait3A_169] : memref<128x128xf32, #tpu.memory_space<vmem>> -> memref<128x128xf32, #tpu.memory_space<vmem>>
      %dma_wait3A_171 = arith.constant 0 : i32
      %dma_wait3A_172 = tpu.memref_slice %arg20[%add3A_71, %dma_wait3A_171] : memref<10240x128xf32, #tpu.memory_space<vmem_shared>> -> memref<128x128xf32, #tpu.memory_space<vmem_shared>>
      %dma_wait3A_173 = arith.constant 0 : i32
      %dma_wait3A_174 = tpu.memref_slice %arg20[%add3A_71, %dma_wait3A_173] : memref<10240x128xf32, #tpu.memory_space<vmem_shared>> -> memref<128x128xf32, #tpu.memory_space<vmem_shared>>
      %dma_wait3A_175 = arith.constant 0 : i32
      %dma_wait3A_176 = arith.constant 0 : i32
      %dma_wait3A_177 = tpu.memref_slice %arg11[%dma_wait3A_175, %dma_wait3A_176] : memref<128x128xf32, #tpu.memory_space<vmem>> -> memref<128x128xf32, #tpu.memory_space<vmem>>
      tpu.wait_dma2 semaphore(%run_scoped3A_157 : memref<!tpu.dma_semaphore, #tpu.memory_space<semaphore_mem>>) src(%dma_wait3A_177 : memref<128x128xf32, #tpu.memory_space<vmem>>) dst(%dma_wait3A_174 : memref<128x128xf32, #tpu.memory_space<vmem_shared>>)
      tpu.yield
    }) : () -> ()
    %mul3A_72 = arith.constant 640 : i32
    %mul3A_73 = arith.muli %arg1, %mul3A_72 : i32
    %add3A_74 = arith.constant 256 : i32
    %add3A_75 = arith.addi %mul3A_73, %add3A_74 : i32
    "tpu.region"() ({
      %run_scoped3A_157 = tpu.sem_alloc : memref<!tpu.dma_semaphore, #tpu.memory_space<semaphore_mem>>
      %dma_start3A_158 = arith.constant 0 : i32
      %dma_start3A_159 = arith.constant 0 : i32
      %dma_start3A_160 = tpu.memref_slice %arg11[%dma_start3A_158, %dma_start3A_159] : memref<128x128xf32, #tpu.memory_space<vmem>> -> memref<128x128xf32, #tpu.memory_space<vmem>>
      %dma_start3A_161 = arith.constant 0 : i32
      %dma_start3A_162 = tpu.memref_slice %arg20[%add3A_75, %dma_start3A_161] : memref<10240x128xf32, #tpu.memory_space<vmem_shared>> -> memref<128x128xf32, #tpu.memory_space<vmem_shared>>
      %dma_start3A_163 = arith.constant 0 : i32
      %dma_start3A_164 = tpu.memref_slice %arg20[%add3A_75, %dma_start3A_163] : memref<10240x128xf32, #tpu.memory_space<vmem_shared>> -> memref<128x128xf32, #tpu.memory_space<vmem_shared>>
      %dma_start3A_165 = arith.constant 0 : i32
      %dma_start3A_166 = arith.constant 0 : i32
      %dma_start3A_167 = tpu.memref_slice %arg11[%dma_start3A_165, %dma_start3A_166] : memref<128x128xf32, #tpu.memory_space<vmem>> -> memref<128x128xf32, #tpu.memory_space<vmem>>
      tpu.enqueue_dma source(%dma_start3A_167 : memref<128x128xf32, #tpu.memory_space<vmem>>) target(%dma_start3A_164 : memref<128x128xf32, #tpu.memory_space<vmem_shared>>) target_semaphore(%run_scoped3A_157 : memref<!tpu.dma_semaphore, #tpu.memory_space<semaphore_mem>>)
      %dma_wait3A_168 = arith.constant 0 : i32
      %dma_wait3A_169 = arith.constant 0 : i32
      %dma_wait3A_170 = tpu.memref_slice %arg11[%dma_wait3A_168, %dma_wait3A_169] : memref<128x128xf32, #tpu.memory_space<vmem>> -> memref<128x128xf32, #tpu.memory_space<vmem>>
      %dma_wait3A_171 = arith.constant 0 : i32
      %dma_wait3A_172 = tpu.memref_slice %arg20[%add3A_75, %dma_wait3A_171] : memref<10240x128xf32, #tpu.memory_space<vmem_shared>> -> memref<128x128xf32, #tpu.memory_space<vmem_shared>>
      %dma_wait3A_173 = arith.constant 0 : i32
      %dma_wait3A_174 = tpu.memref_slice %arg20[%add3A_75, %dma_wait3A_173] : memref<10240x128xf32, #tpu.memory_space<vmem_shared>> -> memref<128x128xf32, #tpu.memory_space<vmem_shared>>
      %dma_wait3A_175 = arith.constant 0 : i32
      %dma_wait3A_176 = arith.constant 0 : i32
      %dma_wait3A_177 = tpu.memref_slice %arg11[%dma_wait3A_175, %dma_wait3A_176] : memref<128x128xf32, #tpu.memory_space<vmem>> -> memref<128x128xf32, #tpu.memory_space<vmem>>
      tpu.wait_dma2 semaphore(%run_scoped3A_157 : memref<!tpu.dma_semaphore, #tpu.memory_space<semaphore_mem>>) src(%dma_wait3A_177 : memref<128x128xf32, #tpu.memory_space<vmem>>) dst(%dma_wait3A_174 : memref<128x128xf32, #tpu.memory_space<vmem_shared>>)
      tpu.yield
    }) : () -> ()
    %mul3A_76 = arith.constant 640 : i32
    %mul3A_77 = arith.muli %arg1, %mul3A_76 : i32
    %add3A_78 = arith.constant 384 : i32
    %add3A_79 = arith.addi %mul3A_77, %add3A_78 : i32
    "tpu.region"() ({
      %run_scoped3A_157 = tpu.sem_alloc : memref<!tpu.dma_semaphore, #tpu.memory_space<semaphore_mem>>
      %dma_start3A_158 = arith.constant 0 : i32
      %dma_start3A_159 = arith.constant 0 : i32
      %dma_start3A_160 = tpu.memref_slice %arg11[%dma_start3A_158, %dma_start3A_159] : memref<128x128xf32, #tpu.memory_space<vmem>> -> memref<128x128xf32, #tpu.memory_space<vmem>>
      %dma_start3A_161 = arith.constant 0 : i32
      %dma_start3A_162 = tpu.memref_slice %arg20[%add3A_79, %dma_start3A_161] : memref<10240x128xf32, #tpu.memory_space<vmem_shared>> -> memref<128x128xf32, #tpu.memory_space<vmem_shared>>
      %dma_start3A_163 = arith.constant 0 : i32
      %dma_start3A_164 = tpu.memref_slice %arg20[%add3A_79, %dma_start3A_163] : memref<10240x128xf32, #tpu.memory_space<vmem_shared>> -> memref<128x128xf32, #tpu.memory_space<vmem_shared>>
      %dma_start3A_165 = arith.constant 0 : i32
      %dma_start3A_166 = arith.constant 0 : i32
      %dma_start3A_167 = tpu.memref_slice %arg11[%dma_start3A_165, %dma_start3A_166] : memref<128x128xf32, #tpu.memory_space<vmem>> -> memref<128x128xf32, #tpu.memory_space<vmem>>
      tpu.enqueue_dma source(%dma_start3A_167 : memref<128x128xf32, #tpu.memory_space<vmem>>) target(%dma_start3A_164 : memref<128x128xf32, #tpu.memory_space<vmem_shared>>) target_semaphore(%run_scoped3A_157 : memref<!tpu.dma_semaphore, #tpu.memory_space<semaphore_mem>>)
      %dma_wait3A_168 = arith.constant 0 : i32
      %dma_wait3A_169 = arith.constant 0 : i32
      %dma_wait3A_170 = tpu.memref_slice %arg11[%dma_wait3A_168, %dma_wait3A_169] : memref<128x128xf32, #tpu.memory_space<vmem>> -> memref<128x128xf32, #tpu.memory_space<vmem>>
      %dma_wait3A_171 = arith.constant 0 : i32
      %dma_wait3A_172 = tpu.memref_slice %arg20[%add3A_79, %dma_wait3A_171] : memref<10240x128xf32, #tpu.memory_space<vmem_shared>> -> memref<128x128xf32, #tpu.memory_space<vmem_shared>>
      %dma_wait3A_173 = arith.constant 0 : i32
      %dma_wait3A_174 = tpu.memref_slice %arg20[%add3A_79, %dma_wait3A_173] : memref<10240x128xf32, #tpu.memory_space<vmem_shared>> -> memref<128x128xf32, #tpu.memory_space<vmem_shared>>
      %dma_wait3A_175 = arith.constant 0 : i32
      %dma_wait3A_176 = arith.constant 0 : i32
      %dma_wait3A_177 = tpu.memref_slice %arg11[%dma_wait3A_175, %dma_wait3A_176] : memref<128x128xf32, #tpu.memory_space<vmem>> -> memref<128x128xf32, #tpu.memory_space<vmem>>
      tpu.wait_dma2 semaphore(%run_scoped3A_157 : memref<!tpu.dma_semaphore, #tpu.memory_space<semaphore_mem>>) src(%dma_wait3A_177 : memref<128x128xf32, #tpu.memory_space<vmem>>) dst(%dma_wait3A_174 : memref<128x128xf32, #tpu.memory_space<vmem_shared>>)
      tpu.yield
    }) : () -> ()
    %mul3A_80 = arith.constant 640 : i32
    %mul3A_81 = arith.muli %arg1, %mul3A_80 : i32
    %add3A_82 = arith.constant 512 : i32
    %add3A_83 = arith.addi %mul3A_81, %add3A_82 : i32
    "tpu.region"() ({
      %run_scoped3A_157 = tpu.sem_alloc : memref<!tpu.dma_semaphore, #tpu.memory_space<semaphore_mem>>
      %dma_start3A_158 = arith.constant 0 : i32
      %dma_start3A_159 = arith.constant 0 : i32
      %dma_start3A_160 = tpu.memref_slice %arg11[%dma_start3A_158, %dma_start3A_159] : memref<128x128xf32, #tpu.memory_space<vmem>> -> memref<128x128xf32, #tpu.memory_space<vmem>>
      %dma_start3A_161 = arith.constant 0 : i32
      %dma_start3A_162 = tpu.memref_slice %arg20[%add3A_83, %dma_start3A_161] : memref<10240x128xf32, #tpu.memory_space<vmem_shared>> -> memref<128x128xf32, #tpu.memory_space<vmem_shared>>
      %dma_start3A_163 = arith.constant 0 : i32
      %dma_start3A_164 = tpu.memref_slice %arg20[%add3A_83, %dma_start3A_163] : memref<10240x128xf32, #tpu.memory_space<vmem_shared>> -> memref<128x128xf32, #tpu.memory_space<vmem_shared>>
      %dma_start3A_165 = arith.constant 0 : i32
      %dma_start3A_166 = arith.constant 0 : i32
      %dma_start3A_167 = tpu.memref_slice %arg11[%dma_start3A_165, %dma_start3A_166] : memref<128x128xf32, #tpu.memory_space<vmem>> -> memref<128x128xf32, #tpu.memory_space<vmem>>
      tpu.enqueue_dma source(%dma_start3A_167 : memref<128x128xf32, #tpu.memory_space<vmem>>) target(%dma_start3A_164 : memref<128x128xf32, #tpu.memory_space<vmem_shared>>) target_semaphore(%run_scoped3A_157 : memref<!tpu.dma_semaphore, #tpu.memory_space<semaphore_mem>>)
      %dma_wait3A_168 = arith.constant 0 : i32
      %dma_wait3A_169 = arith.constant 0 : i32
      %dma_wait3A_170 = tpu.memref_slice %arg11[%dma_wait3A_168, %dma_wait3A_169] : memref<128x128xf32, #tpu.memory_space<vmem>> -> memref<128x128xf32, #tpu.memory_space<vmem>>
      %dma_wait3A_171 = arith.constant 0 : i32
      %dma_wait3A_172 = tpu.memref_slice %arg20[%add3A_83, %dma_wait3A_171] : memref<10240x128xf32, #tpu.memory_space<vmem_shared>> -> memref<128x128xf32, #tpu.memory_space<vmem_shared>>
      %dma_wait3A_173 = arith.constant 0 : i32
      %dma_wait3A_174 = tpu.memref_slice %arg20[%add3A_83, %dma_wait3A_173] : memref<10240x128xf32, #tpu.memory_space<vmem_shared>> -> memref<128x128xf32, #tpu.memory_space<vmem_shared>>
      %dma_wait3A_175 = arith.constant 0 : i32
      %dma_wait3A_176 = arith.constant 0 : i32
      %dma_wait3A_177 = tpu.memref_slice %arg11[%dma_wait3A_175, %dma_wait3A_176] : memref<128x128xf32, #tpu.memory_space<vmem>> -> memref<128x128xf32, #tpu.memory_space<vmem>>
      tpu.wait_dma2 semaphore(%run_scoped3A_157 : memref<!tpu.dma_semaphore, #tpu.memory_space<semaphore_mem>>) src(%dma_wait3A_177 : memref<128x128xf32, #tpu.memory_space<vmem>>) dst(%dma_wait3A_174 : memref<128x128xf32, #tpu.memory_space<vmem_shared>>)
      tpu.yield
    }) : () -> ()
    %barrier3A = arith.constant 0 : index
    tpu.barrier barrier_id(%barrier3A)
    %add3A_84 = arith.constant 1 : i32
    %add3A_85 = arith.addi %mul3A_3, %add3A_84 : i32
    %dma_wait3A_86 = arith.constant 0 : i32
    %dma_wait3A_87 = arith.constant 0 : i32
    %dma_wait3A_88 = tpu.memref_slice %arg2[%add3A_85, %dma_wait3A_86, %dma_wait3A_87] : memref<2496x2x128xi32, #tpu.memory_space<hbm>> -> memref<1x2x128xi32, #tpu.memory_space<hbm>>
    %dma_wait3A_89 = tpu.memref_squeeze %dma_wait3A_88 : memref<1x2x128xi32, #tpu.memory_space<hbm>> -> memref<2x128xi32, #tpu.memory_space<hbm>>
    %dma_wait3A_90 = arith.constant 0 : i32
    %dma_wait3A_91 = arith.constant 0 : i32
    %dma_wait3A_92 = tpu.memref_slice %arg2[%add3A_85, %dma_wait3A_90, %dma_wait3A_91] : memref<2496x2x128xi32, #tpu.memory_space<hbm>> -> memref<1x2x128xi32, #tpu.memory_space<hbm>>
    %dma_wait3A_93 = tpu.memref_squeeze %dma_wait3A_92 : memref<1x2x128xi32, #tpu.memory_space<hbm>> -> memref<2x128xi32, #tpu.memory_space<hbm>>
    tpu.wait_dma2 semaphore(%arg15 : memref<!tpu.dma_semaphore, #tpu.memory_space<semaphore_mem>>) src(%dma_wait3A_93 : memref<2x128xi32, #tpu.memory_space<hbm>>) dst(%arg7 : memref<2x128xi32, #tpu.memory_space<vmem>>)
    %dma_start3A_94 = arith.constant 0 : i32
    %dma_start3A_95 = arith.constant 0 : i32
    %dma_start3A_96 = tpu.memref_slice %arg7[%dma_start3A_94, %dma_start3A_95] : memref<2x128xi32, #tpu.memory_space<vmem>> -> memref<1x128xi32, #tpu.memory_space<vmem>>
    %dma_start3A_97 = tpu.memref_squeeze %dma_start3A_96 : memref<1x128xi32, #tpu.memory_space<vmem>> -> memref<128xi32, #tpu.memory_space<vmem>>
    %dma_start3A_98 = arith.constant 0 : i32
    %dma_start3A_99 = arith.constant 0 : i32
    %dma_start3A_100 = tpu.memref_slice %arg4[%dma_start3A_98, %dma_start3A_99] : memref<10000x128xf32, #tpu.memory_space<hbm>> -> memref<10000x128xf32, #tpu.memory_space<hbm>>
    tpu.enqueue_indirect_dma source(%dma_start3A_100 : memref<10000x128xf32, #tpu.memory_space<hbm>>) target(%arg11 : memref<128x128xf32, #tpu.memory_space<vmem>>) offsets(%dma_start3A_97 : memref<128xi32, #tpu.memory_space<vmem>>) semaphore(%arg13 : memref<!tpu.dma_semaphore, #tpu.memory_space<semaphore_mem>>)
    %scan3A_101 = arith.constant 0 : i32
    %scan3A_102 = arith.constant 0 : i32
    %scan3A_103 = arith.constant 19 : i32
    %scan3A_104 = arith.addi %scan3A_102, %scan3A_103 : i32
    %scan3A_105 = arith.constant 1 : i32
    scf.for %scan3A_157 = %scan3A_102 to %scan3A_104 step %scan3A_105  : i32 {
      %mul3A_158 = arith.constant 4 : i32
      %mul3A_159 = arith.muli %mul3A_158, %scan3A_157 : i32
      %add3A_160 = arith.constant 0 : i32
      %add3A_161 = arith.addi %mul3A_159, %add3A_160 : i32
      %dma_wait3A_162 = arith.constant 0 : i32
      %dma_wait3A_163 = arith.constant 0 : i32
      %dma_wait3A_164 = tpu.memref_slice %arg6[%dma_wait3A_162, %dma_wait3A_163] : memref<2x128xi32, #tpu.memory_space<vmem>> -> memref<1x128xi32, #tpu.memory_space<vmem>>
      %dma_wait3A_165 = tpu.memref_squeeze %dma_wait3A_164 : memref<1x128xi32, #tpu.memory_space<vmem>> -> memref<128xi32, #tpu.memory_space<vmem>>
      %dma_wait3A_166 = arith.constant 0 : i32
      %dma_wait3A_167 = arith.constant 0 : i32
      %dma_wait3A_168 = tpu.memref_slice %arg4[%dma_wait3A_166, %dma_wait3A_167] : memref<10000x128xf32, #tpu.memory_space<hbm>> -> memref<10000x128xf32, #tpu.memory_space<hbm>>
      tpu.wait_indirect_dma semaphore(%arg12 : memref<!tpu.dma_semaphore, #tpu.memory_space<semaphore_mem>>) src(%dma_wait3A_168 : memref<10000x128xf32, #tpu.memory_space<hbm>>) dst(%arg10 : memref<128x128xf32, #tpu.memory_space<vmem>>)
      %run_scoped3A_169 = arith.constant 1 : i32
      "tpu.region"() ({
        %run_scoped3A_311 = tpu.sem_alloc : memref<!tpu.dma_semaphore, #tpu.memory_space<semaphore_mem>>
        %dma_start3A_312 = arith.constant 0 : i32
        %dma_start3A_313 = tpu.memref_slice %arg6[%run_scoped3A_169, %dma_start3A_312] : memref<2x128xi32, #tpu.memory_space<vmem>> -> memref<1x128xi32, #tpu.memory_space<vmem>>
        %dma_start3A_314 = tpu.memref_squeeze %dma_start3A_313 : memref<1x128xi32, #tpu.memory_space<vmem>> -> memref<128xi32, #tpu.memory_space<vmem>>
        %dma_start3A_315 = arith.constant 0 : i32
        %dma_start3A_316 = arith.constant 0 : i32
        %dma_start3A_317 = tpu.memref_slice %arg20[%dma_start3A_315, %dma_start3A_316] : memref<10240x128xf32, #tpu.memory_space<vmem_shared>> -> memref<10240x128xf32, #tpu.memory_space<vmem_shared>>
        tpu.enqueue_indirect_dma source(%arg10 : memref<128x128xf32, #tpu.memory_space<vmem>>) target(%dma_start3A_317 : memref<10240x128xf32, #tpu.memory_space<vmem_shared>>) offsets(%dma_start3A_314 : memref<128xi32, #tpu.memory_space<vmem>>) semaphore(%run_scoped3A_311 : memref<!tpu.dma_semaphore, #tpu.memory_space<semaphore_mem>>) {add = true}
        %dma_wait3A_318 = arith.constant 0 : i32
        %dma_wait3A_319 = tpu.memref_slice %arg6[%run_scoped3A_169, %dma_wait3A_318] : memref<2x128xi32, #tpu.memory_space<vmem>> -> memref<1x128xi32, #tpu.memory_space<vmem>>
        %dma_wait3A_320 = tpu.memref_squeeze %dma_wait3A_319 : memref<1x128xi32, #tpu.memory_space<vmem>> -> memref<128xi32, #tpu.memory_space<vmem>>
        %dma_wait3A_321 = arith.constant 0 : i32
        %dma_wait3A_322 = arith.constant 0 : i32
        %dma_wait3A_323 = tpu.memref_slice %arg20[%dma_wait3A_321, %dma_wait3A_322] : memref<10240x128xf32, #tpu.memory_space<vmem_shared>> -> memref<10240x128xf32, #tpu.memory_space<vmem_shared>>
        tpu.wait_indirect_dma semaphore(%run_scoped3A_311 : memref<!tpu.dma_semaphore, #tpu.memory_space<semaphore_mem>>) src(%arg10 : memref<128x128xf32, #tpu.memory_space<vmem>>) dst(%dma_wait3A_323 : memref<10240x128xf32, #tpu.memory_space<vmem_shared>>)
        tpu.yield
      }) : () -> ()
      %add3A_170 = arith.constant 4 : i32
      %add3A_171 = arith.addi %add3A_161, %add3A_170 : i32
      %lt3A = arith.constant 78 : i32
      %lt3A_172 = arith.cmpi slt, %add3A_171, %lt3A : i32
      %convert_element_type3A = arith.extui %lt3A_172 : i1 to i32
      %cond3A = arith.constant 0 : i32
      %cond3A_173 = arith.cmpi ne, %convert_element_type3A, %cond3A : i32
      scf.if %cond3A_173 {
        %add3A_311 = arith.constant 4 : i32
        %add3A_312 = arith.addi %add3A_161, %add3A_311 : i32
        %add3A_313 = arith.addi %mul3A_3, %add3A_312 : i32
        %dma_start3A_314 = arith.constant 0 : i32
        %dma_start3A_315 = arith.constant 0 : i32
        %dma_start3A_316 = tpu.memref_slice %arg2[%add3A_313, %dma_start3A_314, %dma_start3A_315] : memref<2496x2x128xi32, #tpu.memory_space<hbm>> -> memref<1x2x128xi32, #tpu.memory_space<hbm>>
        %dma_start3A_317 = tpu.memref_squeeze %dma_start3A_316 : memref<1x2x128xi32, #tpu.memory_space<hbm>> -> memref<2x128xi32, #tpu.memory_space<hbm>>
        %dma_start3A_318 = arith.constant 0 : i32
        %dma_start3A_319 = arith.constant 0 : i32
        %dma_start3A_320 = tpu.memref_slice %arg2[%add3A_313, %dma_start3A_318, %dma_start3A_319] : memref<2496x2x128xi32, #tpu.memory_space<hbm>> -> memref<1x2x128xi32, #tpu.memory_space<hbm>>
        %dma_start3A_321 = tpu.memref_squeeze %dma_start3A_320 : memref<1x2x128xi32, #tpu.memory_space<hbm>> -> memref<2x128xi32, #tpu.memory_space<hbm>>
        tpu.enqueue_dma source(%dma_start3A_321 : memref<2x128xi32, #tpu.memory_space<hbm>>) target(%arg6 : memref<2x128xi32, #tpu.memory_space<vmem>>) target_semaphore(%arg14 : memref<!tpu.dma_semaphore, #tpu.memory_space<semaphore_mem>>)
      } else {
      }
      %add3A_174 = arith.constant 2 : i32
      %add3A_175 = arith.addi %add3A_161, %add3A_174 : i32
      %add3A_176 = arith.addi %mul3A_3, %add3A_175 : i32
      %dma_wait3A_177 = arith.constant 0 : i32
      %dma_wait3A_178 = arith.constant 0 : i32
      %dma_wait3A_179 = tpu.memref_slice %arg2[%add3A_176, %dma_wait3A_177, %dma_wait3A_178] : memref<2496x2x128xi32, #tpu.memory_space<hbm>> -> memref<1x2x128xi32, #tpu.memory_space<hbm>>
      %dma_wait3A_180 = tpu.memref_squeeze %dma_wait3A_179 : memref<1x2x128xi32, #tpu.memory_space<hbm>> -> memref<2x128xi32, #tpu.memory_space<hbm>>
      %dma_wait3A_181 = arith.constant 0 : i32
      %dma_wait3A_182 = arith.constant 0 : i32
      %dma_wait3A_183 = tpu.memref_slice %arg2[%add3A_176, %dma_wait3A_181, %dma_wait3A_182] : memref<2496x2x128xi32, #tpu.memory_space<hbm>> -> memref<1x2x128xi32, #tpu.memory_space<hbm>>
      %dma_wait3A_184 = tpu.memref_squeeze %dma_wait3A_183 : memref<1x2x128xi32, #tpu.memory_space<hbm>> -> memref<2x128xi32, #tpu.memory_space<hbm>>
      tpu.wait_dma2 semaphore(%arg16 : memref<!tpu.dma_semaphore, #tpu.memory_space<semaphore_mem>>) src(%dma_wait3A_184 : memref<2x128xi32, #tpu.memory_space<hbm>>) dst(%arg8 : memref<2x128xi32, #tpu.memory_space<vmem>>)
      %add3A_185 = arith.constant 2 : i32
      %add3A_186 = arith.addi %add3A_161, %add3A_185 : i32
      %dma_start3A_187 = arith.constant 0 : i32
      %dma_start3A_188 = arith.constant 0 : i32
      %dma_start3A_189 = tpu.memref_slice %arg8[%dma_start3A_187, %dma_start3A_188] : memref<2x128xi32, #tpu.memory_space<vmem>> -> memref<1x128xi32, #tpu.memory_space<vmem>>
      %dma_start3A_190 = tpu.memref_squeeze %dma_start3A_189 : memref<1x128xi32, #tpu.memory_space<vmem>> -> memref<128xi32, #tpu.memory_space<vmem>>
      %dma_start3A_191 = arith.constant 0 : i32
      %dma_start3A_192 = arith.constant 0 : i32
      %dma_start3A_193 = tpu.memref_slice %arg4[%dma_start3A_191, %dma_start3A_192] : memref<10000x128xf32, #tpu.memory_space<hbm>> -> memref<10000x128xf32, #tpu.memory_space<hbm>>
      tpu.enqueue_indirect_dma source(%dma_start3A_193 : memref<10000x128xf32, #tpu.memory_space<hbm>>) target(%arg10 : memref<128x128xf32, #tpu.memory_space<vmem>>) offsets(%dma_start3A_190 : memref<128xi32, #tpu.memory_space<vmem>>) semaphore(%arg12 : memref<!tpu.dma_semaphore, #tpu.memory_space<semaphore_mem>>)
      %mul3A_194 = arith.constant 4 : i32
      %mul3A_195 = arith.muli %mul3A_194, %scan3A_157 : i32
      %add3A_196 = arith.constant 1 : i32
      %add3A_197 = arith.addi %mul3A_195, %add3A_196 : i32
      %dma_wait3A_198 = arith.constant 0 : i32
      %dma_wait3A_199 = arith.constant 0 : i32
      %dma_wait3A_200 = tpu.memref_slice %arg7[%dma_wait3A_198, %dma_wait3A_199] : memref<2x128xi32, #tpu.memory_space<vmem>> -> memref<1x128xi32, #tpu.memory_space<vmem>>
      %dma_wait3A_201 = tpu.memref_squeeze %dma_wait3A_200 : memref<1x128xi32, #tpu.memory_space<vmem>> -> memref<128xi32, #tpu.memory_space<vmem>>
      %dma_wait3A_202 = arith.constant 0 : i32
      %dma_wait3A_203 = arith.constant 0 : i32
      %dma_wait3A_204 = tpu.memref_slice %arg4[%dma_wait3A_202, %dma_wait3A_203] : memref<10000x128xf32, #tpu.memory_space<hbm>> -> memref<10000x128xf32, #tpu.memory_space<hbm>>
      tpu.wait_indirect_dma semaphore(%arg13 : memref<!tpu.dma_semaphore, #tpu.memory_space<semaphore_mem>>) src(%dma_wait3A_204 : memref<10000x128xf32, #tpu.memory_space<hbm>>) dst(%arg11 : memref<128x128xf32, #tpu.memory_space<vmem>>)
      %run_scoped3A_205 = arith.constant 1 : i32
      "tpu.region"() ({
        %run_scoped3A_311 = tpu.sem_alloc : memref<!tpu.dma_semaphore, #tpu.memory_space<semaphore_mem>>
        %dma_start3A_312 = arith.constant 0 : i32
        %dma_start3A_313 = tpu.memref_slice %arg7[%run_scoped3A_205, %dma_start3A_312] : memref<2x128xi32, #tpu.memory_space<vmem>> -> memref<1x128xi32, #tpu.memory_space<vmem>>
        %dma_start3A_314 = tpu.memref_squeeze %dma_start3A_313 : memref<1x128xi32, #tpu.memory_space<vmem>> -> memref<128xi32, #tpu.memory_space<vmem>>
        %dma_start3A_315 = arith.constant 0 : i32
        %dma_start3A_316 = arith.constant 0 : i32
        %dma_start3A_317 = tpu.memref_slice %arg20[%dma_start3A_315, %dma_start3A_316] : memref<10240x128xf32, #tpu.memory_space<vmem_shared>> -> memref<10240x128xf32, #tpu.memory_space<vmem_shared>>
        tpu.enqueue_indirect_dma source(%arg11 : memref<128x128xf32, #tpu.memory_space<vmem>>) target(%dma_start3A_317 : memref<10240x128xf32, #tpu.memory_space<vmem_shared>>) offsets(%dma_start3A_314 : memref<128xi32, #tpu.memory_space<vmem>>) semaphore(%run_scoped3A_311 : memref<!tpu.dma_semaphore, #tpu.memory_space<semaphore_mem>>) {add = true}
        %dma_wait3A_318 = arith.constant 0 : i32
        %dma_wait3A_319 = tpu.memref_slice %arg7[%run_scoped3A_205, %dma_wait3A_318] : memref<2x128xi32, #tpu.memory_space<vmem>> -> memref<1x128xi32, #tpu.memory_space<vmem>>
        %dma_wait3A_320 = tpu.memref_squeeze %dma_wait3A_319 : memref<1x128xi32, #tpu.memory_space<vmem>> -> memref<128xi32, #tpu.memory_space<vmem>>
        %dma_wait3A_321 = arith.constant 0 : i32
        %dma_wait3A_322 = arith.constant 0 : i32
        %dma_wait3A_323 = tpu.memref_slice %arg20[%dma_wait3A_321, %dma_wait3A_322] : memref<10240x128xf32, #tpu.memory_space<vmem_shared>> -> memref<10240x128xf32, #tpu.memory_space<vmem_shared>>
        tpu.wait_indirect_dma semaphore(%run_scoped3A_311 : memref<!tpu.dma_semaphore, #tpu.memory_space<semaphore_mem>>) src(%arg11 : memref<128x128xf32, #tpu.memory_space<vmem>>) dst(%dma_wait3A_323 : memref<10240x128xf32, #tpu.memory_space<vmem_shared>>)
        tpu.yield
      }) : () -> ()
      %add3A_206 = arith.constant 4 : i32
      %add3A_207 = arith.addi %add3A_197, %add3A_206 : i32
      %lt3A_208 = arith.constant 78 : i32
      %lt3A_209 = arith.cmpi slt, %add3A_207, %lt3A_208 : i32
      %convert_element_type3A_210 = arith.extui %lt3A_209 : i1 to i32
      %cond3A_211 = arith.constant 0 : i32
      %cond3A_212 = arith.cmpi ne, %convert_element_type3A_210, %cond3A_211 : i32
      scf.if %cond3A_212 {
        %add3A_311 = arith.constant 4 : i32
        %add3A_312 = arith.addi %add3A_197, %add3A_311 : i32
        %add3A_313 = arith.addi %mul3A_3, %add3A_312 : i32
        %dma_start3A_314 = arith.constant 0 : i32
        %dma_start3A_315 = arith.constant 0 : i32
        %dma_start3A_316 = tpu.memref_slice %arg2[%add3A_313, %dma_start3A_314, %dma_start3A_315] : memref<2496x2x128xi32, #tpu.memory_space<hbm>> -> memref<1x2x128xi32, #tpu.memory_space<hbm>>
        %dma_start3A_317 = tpu.memref_squeeze %dma_start3A_316 : memref<1x2x128xi32, #tpu.memory_space<hbm>> -> memref<2x128xi32, #tpu.memory_space<hbm>>
        %dma_start3A_318 = arith.constant 0 : i32
        %dma_start3A_319 = arith.constant 0 : i32
        %dma_start3A_320 = tpu.memref_slice %arg2[%add3A_313, %dma_start3A_318, %dma_start3A_319] : memref<2496x2x128xi32, #tpu.memory_space<hbm>> -> memref<1x2x128xi32, #tpu.memory_space<hbm>>
        %dma_start3A_321 = tpu.memref_squeeze %dma_start3A_320 : memref<1x2x128xi32, #tpu.memory_space<hbm>> -> memref<2x128xi32, #tpu.memory_space<hbm>>
        tpu.enqueue_dma source(%dma_start3A_321 : memref<2x128xi32, #tpu.memory_space<hbm>>) target(%arg7 : memref<2x128xi32, #tpu.memory_space<vmem>>) target_semaphore(%arg15 : memref<!tpu.dma_semaphore, #tpu.memory_space<semaphore_mem>>)
      } else {
      }
      %add3A_213 = arith.constant 2 : i32
      %add3A_214 = arith.addi %add3A_197, %add3A_213 : i32
      %add3A_215 = arith.addi %mul3A_3, %add3A_214 : i32
      %dma_wait3A_216 = arith.constant 0 : i32
      %dma_wait3A_217 = arith.constant 0 : i32
      %dma_wait3A_218 = tpu.memref_slice %arg2[%add3A_215, %dma_wait3A_216, %dma_wait3A_217] : memref<2496x2x128xi32, #tpu.memory_space<hbm>> -> memref<1x2x128xi32, #tpu.memory_space<hbm>>
      %dma_wait3A_219 = tpu.memref_squeeze %dma_wait3A_218 : memref<1x2x128xi32, #tpu.memory_space<hbm>> -> memref<2x128xi32, #tpu.memory_space<hbm>>
      %dma_wait3A_220 = arith.constant 0 : i32
      %dma_wait3A_221 = arith.constant 0 : i32
      %dma_wait3A_222 = tpu.memref_slice %arg2[%add3A_215, %dma_wait3A_220, %dma_wait3A_221] : memref<2496x2x128xi32, #tpu.memory_space<hbm>> -> memref<1x2x128xi32, #tpu.memory_space<hbm>>
      %dma_wait3A_223 = tpu.memref_squeeze %dma_wait3A_222 : memref<1x2x128xi32, #tpu.memory_space<hbm>> -> memref<2x128xi32, #tpu.memory_space<hbm>>
      tpu.wait_dma2 semaphore(%arg17 : memref<!tpu.dma_semaphore, #tpu.memory_space<semaphore_mem>>) src(%dma_wait3A_223 : memref<2x128xi32, #tpu.memory_space<hbm>>) dst(%arg9 : memref<2x128xi32, #tpu.memory_space<vmem>>)
      %add3A_224 = arith.constant 2 : i32
      %add3A_225 = arith.addi %add3A_197, %add3A_224 : i32
      %dma_start3A_226 = arith.constant 0 : i32
      %dma_start3A_227 = arith.constant 0 : i32
      %dma_start3A_228 = tpu.memref_slice %arg9[%dma_start3A_226, %dma_start3A_227] : memref<2x128xi32, #tpu.memory_space<vmem>> -> memref<1x128xi32, #tpu.memory_space<vmem>>
      %dma_start3A_229 = tpu.memref_squeeze %dma_start3A_228 : memref<1x128xi32, #tpu.memory_space<vmem>> -> memref<128xi32, #tpu.memory_space<vmem>>
      %dma_start3A_230 = arith.constant 0 : i32
      %dma_start3A_231 = arith.constant 0 : i32
      %dma_start3A_232 = tpu.memref_slice %arg4[%dma_start3A_230, %dma_start3A_231] : memref<10000x128xf32, #tpu.memory_space<hbm>> -> memref<10000x128xf32, #tpu.memory_space<hbm>>
      tpu.enqueue_indirect_dma source(%dma_start3A_232 : memref<10000x128xf32, #tpu.memory_space<hbm>>) target(%arg11 : memref<128x128xf32, #tpu.memory_space<vmem>>) offsets(%dma_start3A_229 : memref<128xi32, #tpu.memory_space<vmem>>) semaphore(%arg13 : memref<!tpu.dma_semaphore, #tpu.memory_space<semaphore_mem>>)
      %mul3A_233 = arith.constant 4 : i32
      %mul3A_234 = arith.muli %mul3A_233, %scan3A_157 : i32
      %add3A_235 = arith.constant 2 : i32
      %add3A_236 = arith.addi %mul3A_234, %add3A_235 : i32
      %dma_wait3A_237 = arith.constant 0 : i32
      %dma_wait3A_238 = arith.constant 0 : i32
      %dma_wait3A_239 = tpu.memref_slice %arg8[%dma_wait3A_237, %dma_wait3A_238] : memref<2x128xi32, #tpu.memory_space<vmem>> -> memref<1x128xi32, #tpu.memory_space<vmem>>
      %dma_wait3A_240 = tpu.memref_squeeze %dma_wait3A_239 : memref<1x128xi32, #tpu.memory_space<vmem>> -> memref<128xi32, #tpu.memory_space<vmem>>
      %dma_wait3A_241 = arith.constant 0 : i32
      %dma_wait3A_242 = arith.constant 0 : i32
      %dma_wait3A_243 = tpu.memref_slice %arg4[%dma_wait3A_241, %dma_wait3A_242] : memref<10000x128xf32, #tpu.memory_space<hbm>> -> memref<10000x128xf32, #tpu.memory_space<hbm>>
      tpu.wait_indirect_dma semaphore(%arg12 : memref<!tpu.dma_semaphore, #tpu.memory_space<semaphore_mem>>) src(%dma_wait3A_243 : memref<10000x128xf32, #tpu.memory_space<hbm>>) dst(%arg10 : memref<128x128xf32, #tpu.memory_space<vmem>>)
      %run_scoped3A_244 = arith.constant 1 : i32
      "tpu.region"() ({
        %run_scoped3A_311 = tpu.sem_alloc : memref<!tpu.dma_semaphore, #tpu.memory_space<semaphore_mem>>
        %dma_start3A_312 = arith.constant 0 : i32
        %dma_start3A_313 = tpu.memref_slice %arg8[%run_scoped3A_244, %dma_start3A_312] : memref<2x128xi32, #tpu.memory_space<vmem>> -> memref<1x128xi32, #tpu.memory_space<vmem>>
        %dma_start3A_314 = tpu.memref_squeeze %dma_start3A_313 : memref<1x128xi32, #tpu.memory_space<vmem>> -> memref<128xi32, #tpu.memory_space<vmem>>
        %dma_start3A_315 = arith.constant 0 : i32
        %dma_start3A_316 = arith.constant 0 : i32
        %dma_start3A_317 = tpu.memref_slice %arg20[%dma_start3A_315, %dma_start3A_316] : memref<10240x128xf32, #tpu.memory_space<vmem_shared>> -> memref<10240x128xf32, #tpu.memory_space<vmem_shared>>
        tpu.enqueue_indirect_dma source(%arg10 : memref<128x128xf32, #tpu.memory_space<vmem>>) target(%dma_start3A_317 : memref<10240x128xf32, #tpu.memory_space<vmem_shared>>) offsets(%dma_start3A_314 : memref<128xi32, #tpu.memory_space<vmem>>) semaphore(%run_scoped3A_311 : memref<!tpu.dma_semaphore, #tpu.memory_space<semaphore_mem>>) {add = true}
        %dma_wait3A_318 = arith.constant 0 : i32
        %dma_wait3A_319 = tpu.memref_slice %arg8[%run_scoped3A_244, %dma_wait3A_318] : memref<2x128xi32, #tpu.memory_space<vmem>> -> memref<1x128xi32, #tpu.memory_space<vmem>>
        %dma_wait3A_320 = tpu.memref_squeeze %dma_wait3A_319 : memref<1x128xi32, #tpu.memory_space<vmem>> -> memref<128xi32, #tpu.memory_space<vmem>>
        %dma_wait3A_321 = arith.constant 0 : i32
        %dma_wait3A_322 = arith.constant 0 : i32
        %dma_wait3A_323 = tpu.memref_slice %arg20[%dma_wait3A_321, %dma_wait3A_322] : memref<10240x128xf32, #tpu.memory_space<vmem_shared>> -> memref<10240x128xf32, #tpu.memory_space<vmem_shared>>
        tpu.wait_indirect_dma semaphore(%run_scoped3A_311 : memref<!tpu.dma_semaphore, #tpu.memory_space<semaphore_mem>>) src(%arg10 : memref<128x128xf32, #tpu.memory_space<vmem>>) dst(%dma_wait3A_323 : memref<10240x128xf32, #tpu.memory_space<vmem_shared>>)
        tpu.yield
      }) : () -> ()
      %add3A_245 = arith.constant 4 : i32
      %add3A_246 = arith.addi %add3A_236, %add3A_245 : i32
      %lt3A_247 = arith.constant 78 : i32
      %lt3A_248 = arith.cmpi slt, %add3A_246, %lt3A_247 : i32
      %convert_element_type3A_249 = arith.extui %lt3A_248 : i1 to i32
      %cond3A_250 = arith.constant 0 : i32
      %cond3A_251 = arith.cmpi ne, %convert_element_type3A_249, %cond3A_250 : i32
      scf.if %cond3A_251 {
        %add3A_311 = arith.constant 4 : i32
        %add3A_312 = arith.addi %add3A_236, %add3A_311 : i32
        %add3A_313 = arith.addi %mul3A_3, %add3A_312 : i32
        %dma_start3A_314 = arith.constant 0 : i32
        %dma_start3A_315 = arith.constant 0 : i32
        %dma_start3A_316 = tpu.memref_slice %arg2[%add3A_313, %dma_start3A_314, %dma_start3A_315] : memref<2496x2x128xi32, #tpu.memory_space<hbm>> -> memref<1x2x128xi32, #tpu.memory_space<hbm>>
        %dma_start3A_317 = tpu.memref_squeeze %dma_start3A_316 : memref<1x2x128xi32, #tpu.memory_space<hbm>> -> memref<2x128xi32, #tpu.memory_space<hbm>>
        %dma_start3A_318 = arith.constant 0 : i32
        %dma_start3A_319 = arith.constant 0 : i32
        %dma_start3A_320 = tpu.memref_slice %arg2[%add3A_313, %dma_start3A_318, %dma_start3A_319] : memref<2496x2x128xi32, #tpu.memory_space<hbm>> -> memref<1x2x128xi32, #tpu.memory_space<hbm>>
        %dma_start3A_321 = tpu.memref_squeeze %dma_start3A_320 : memref<1x2x128xi32, #tpu.memory_space<hbm>> -> memref<2x128xi32, #tpu.memory_space<hbm>>
        tpu.enqueue_dma source(%dma_start3A_321 : memref<2x128xi32, #tpu.memory_space<hbm>>) target(%arg8 : memref<2x128xi32, #tpu.memory_space<vmem>>) target_semaphore(%arg16 : memref<!tpu.dma_semaphore, #tpu.memory_space<semaphore_mem>>)
      } else {
      }
      %add3A_252 = arith.constant 2 : i32
      %add3A_253 = arith.addi %add3A_236, %add3A_252 : i32
      %add3A_254 = arith.addi %mul3A_3, %add3A_253 : i32
      %dma_wait3A_255 = arith.constant 0 : i32
      %dma_wait3A_256 = arith.constant 0 : i32
      %dma_wait3A_257 = tpu.memref_slice %arg2[%add3A_254, %dma_wait3A_255, %dma_wait3A_256] : memref<2496x2x128xi32, #tpu.memory_space<hbm>> -> memref<1x2x128xi32, #tpu.memory_space<hbm>>
      %dma_wait3A_258 = tpu.memref_squeeze %dma_wait3A_257 : memref<1x2x128xi32, #tpu.memory_space<hbm>> -> memref<2x128xi32, #tpu.memory_space<hbm>>
      %dma_wait3A_259 = arith.constant 0 : i32
      %dma_wait3A_260 = arith.constant 0 : i32
      %dma_wait3A_261 = tpu.memref_slice %arg2[%add3A_254, %dma_wait3A_259, %dma_wait3A_260] : memref<2496x2x128xi32, #tpu.memory_space<hbm>> -> memref<1x2x128xi32, #tpu.memory_space<hbm>>
      %dma_wait3A_262 = tpu.memref_squeeze %dma_wait3A_261 : memref<1x2x128xi32, #tpu.memory_space<hbm>> -> memref<2x128xi32, #tpu.memory_space<hbm>>
      tpu.wait_dma2 semaphore(%arg14 : memref<!tpu.dma_semaphore, #tpu.memory_space<semaphore_mem>>) src(%dma_wait3A_262 : memref<2x128xi32, #tpu.memory_space<hbm>>) dst(%arg6 : memref<2x128xi32, #tpu.memory_space<vmem>>)
      %add3A_263 = arith.constant 2 : i32
      %add3A_264 = arith.addi %add3A_236, %add3A_263 : i32
      %dma_start3A_265 = arith.constant 0 : i32
      %dma_start3A_266 = arith.constant 0 : i32
      %dma_start3A_267 = tpu.memref_slice %arg6[%dma_start3A_265, %dma_start3A_266] : memref<2x128xi32, #tpu.memory_space<vmem>> -> memref<1x128xi32, #tpu.memory_space<vmem>>
      %dma_start3A_268 = tpu.memref_squeeze %dma_start3A_267 : memref<1x128xi32, #tpu.memory_space<vmem>> -> memref<128xi32, #tpu.memory_space<vmem>>
      %dma_start3A_269 = arith.constant 0 : i32
      %dma_start3A_270 = arith.constant 0 : i32
      %dma_start3A_271 = tpu.memref_slice %arg4[%dma_start3A_269, %dma_start3A_270] : memref<10000x128xf32, #tpu.memory_space<hbm>> -> memref<10000x128xf32, #tpu.memory_space<hbm>>
      tpu.enqueue_indirect_dma source(%dma_start3A_271 : memref<10000x128xf32, #tpu.memory_space<hbm>>) target(%arg10 : memref<128x128xf32, #tpu.memory_space<vmem>>) offsets(%dma_start3A_268 : memref<128xi32, #tpu.memory_space<vmem>>) semaphore(%arg12 : memref<!tpu.dma_semaphore, #tpu.memory_space<semaphore_mem>>)
      %mul3A_272 = arith.constant 4 : i32
      %mul3A_273 = arith.muli %mul3A_272, %scan3A_157 : i32
      %add3A_274 = arith.constant 3 : i32
      %add3A_275 = arith.addi %mul3A_273, %add3A_274 : i32
      %dma_wait3A_276 = arith.constant 0 : i32
      %dma_wait3A_277 = arith.constant 0 : i32
      %dma_wait3A_278 = tpu.memref_slice %arg9[%dma_wait3A_276, %dma_wait3A_277] : memref<2x128xi32, #tpu.memory_space<vmem>> -> memref<1x128xi32, #tpu.memory_space<vmem>>
      %dma_wait3A_279 = tpu.memref_squeeze %dma_wait3A_278 : memref<1x128xi32, #tpu.memory_space<vmem>> -> memref<128xi32, #tpu.memory_space<vmem>>
      %dma_wait3A_280 = arith.constant 0 : i32
      %dma_wait3A_281 = arith.constant 0 : i32
      %dma_wait3A_282 = tpu.memref_slice %arg4[%dma_wait3A_280, %dma_wait3A_281] : memref<10000x128xf32, #tpu.memory_space<hbm>> -> memref<10000x128xf32, #tpu.memory_space<hbm>>
      tpu.wait_indirect_dma semaphore(%arg13 : memref<!tpu.dma_semaphore, #tpu.memory_space<semaphore_mem>>) src(%dma_wait3A_282 : memref<10000x128xf32, #tpu.memory_space<hbm>>) dst(%arg11 : memref<128x128xf32, #tpu.memory_space<vmem>>)
      %run_scoped3A_283 = arith.constant 1 : i32
      "tpu.region"() ({
        %run_scoped3A_311 = tpu.sem_alloc : memref<!tpu.dma_semaphore, #tpu.memory_space<semaphore_mem>>
        %dma_start3A_312 = arith.constant 0 : i32
        %dma_start3A_313 = tpu.memref_slice %arg9[%run_scoped3A_283, %dma_start3A_312] : memref<2x128xi32, #tpu.memory_space<vmem>> -> memref<1x128xi32, #tpu.memory_space<vmem>>
        %dma_start3A_314 = tpu.memref_squeeze %dma_start3A_313 : memref<1x128xi32, #tpu.memory_space<vmem>> -> memref<128xi32, #tpu.memory_space<vmem>>
        %dma_start3A_315 = arith.constant 0 : i32
        %dma_start3A_316 = arith.constant 0 : i32
        %dma_start3A_317 = tpu.memref_slice %arg20[%dma_start3A_315, %dma_start3A_316] : memref<10240x128xf32, #tpu.memory_space<vmem_shared>> -> memref<10240x128xf32, #tpu.memory_space<vmem_shared>>
        tpu.enqueue_indirect_dma source(%arg11 : memref<128x128xf32, #tpu.memory_space<vmem>>) target(%dma_start3A_317 : memref<10240x128xf32, #tpu.memory_space<vmem_shared>>) offsets(%dma_start3A_314 : memref<128xi32, #tpu.memory_space<vmem>>) semaphore(%run_scoped3A_311 : memref<!tpu.dma_semaphore, #tpu.memory_space<semaphore_mem>>) {add = true}
        %dma_wait3A_318 = arith.constant 0 : i32
        %dma_wait3A_319 = tpu.memref_slice %arg9[%run_scoped3A_283, %dma_wait3A_318] : memref<2x128xi32, #tpu.memory_space<vmem>> -> memref<1x128xi32, #tpu.memory_space<vmem>>
        %dma_wait3A_320 = tpu.memref_squeeze %dma_wait3A_319 : memref<1x128xi32, #tpu.memory_space<vmem>> -> memref<128xi32, #tpu.memory_space<vmem>>
        %dma_wait3A_321 = arith.constant 0 : i32
        %dma_wait3A_322 = arith.constant 0 : i32
        %dma_wait3A_323 = tpu.memref_slice %arg20[%dma_wait3A_321, %dma_wait3A_322] : memref<10240x128xf32, #tpu.memory_space<vmem_shared>> -> memref<10240x128xf32, #tpu.memory_space<vmem_shared>>
        tpu.wait_indirect_dma semaphore(%run_scoped3A_311 : memref<!tpu.dma_semaphore, #tpu.memory_space<semaphore_mem>>) src(%arg11 : memref<128x128xf32, #tpu.memory_space<vmem>>) dst(%dma_wait3A_323 : memref<10240x128xf32, #tpu.memory_space<vmem_shared>>)
        tpu.yield
      }) : () -> ()
      %add3A_284 = arith.constant 4 : i32
      %add3A_285 = arith.addi %add3A_275, %add3A_284 : i32
      %lt3A_286 = arith.constant 78 : i32
      %lt3A_287 = arith.cmpi slt, %add3A_285, %lt3A_286 : i32
      %convert_element_type3A_288 = arith.extui %lt3A_287 : i1 to i32
      %cond3A_289 = arith.constant 0 : i32
      %cond3A_290 = arith.cmpi ne, %convert_element_type3A_288, %cond3A_289 : i32
      scf.if %cond3A_290 {
        %add3A_311 = arith.constant 4 : i32
        %add3A_312 = arith.addi %add3A_275, %add3A_311 : i32
        %add3A_313 = arith.addi %mul3A_3, %add3A_312 : i32
        %dma_start3A_314 = arith.constant 0 : i32
        %dma_start3A_315 = arith.constant 0 : i32
        %dma_start3A_316 = tpu.memref_slice %arg2[%add3A_313, %dma_start3A_314, %dma_start3A_315] : memref<2496x2x128xi32, #tpu.memory_space<hbm>> -> memref<1x2x128xi32, #tpu.memory_space<hbm>>
        %dma_start3A_317 = tpu.memref_squeeze %dma_start3A_316 : memref<1x2x128xi32, #tpu.memory_space<hbm>> -> memref<2x128xi32, #tpu.memory_space<hbm>>
        %dma_start3A_318 = arith.constant 0 : i32
        %dma_start3A_319 = arith.constant 0 : i32
        %dma_start3A_320 = tpu.memref_slice %arg2[%add3A_313, %dma_start3A_318, %dma_start3A_319] : memref<2496x2x128xi32, #tpu.memory_space<hbm>> -> memref<1x2x128xi32, #tpu.memory_space<hbm>>
        %dma_start3A_321 = tpu.memref_squeeze %dma_start3A_320 : memref<1x2x128xi32, #tpu.memory_space<hbm>> -> memref<2x128xi32, #tpu.memory_space<hbm>>
        tpu.enqueue_dma source(%dma_start3A_321 : memref<2x128xi32, #tpu.memory_space<hbm>>) target(%arg9 : memref<2x128xi32, #tpu.memory_space<vmem>>) target_semaphore(%arg17 : memref<!tpu.dma_semaphore, #tpu.memory_space<semaphore_mem>>)
      } else {
      }
      %add3A_291 = arith.constant 2 : i32
      %add3A_292 = arith.addi %add3A_275, %add3A_291 : i32
      %add3A_293 = arith.addi %mul3A_3, %add3A_292 : i32
      %dma_wait3A_294 = arith.constant 0 : i32
      %dma_wait3A_295 = arith.constant 0 : i32
      %dma_wait3A_296 = tpu.memref_slice %arg2[%add3A_293, %dma_wait3A_294, %dma_wait3A_295] : memref<2496x2x128xi32, #tpu.memory_space<hbm>> -> memref<1x2x128xi32, #tpu.memory_space<hbm>>
      %dma_wait3A_297 = tpu.memref_squeeze %dma_wait3A_296 : memref<1x2x128xi32, #tpu.memory_space<hbm>> -> memref<2x128xi32, #tpu.memory_space<hbm>>
      %dma_wait3A_298 = arith.constant 0 : i32
      %dma_wait3A_299 = arith.constant 0 : i32
      %dma_wait3A_300 = tpu.memref_slice %arg2[%add3A_293, %dma_wait3A_298, %dma_wait3A_299] : memref<2496x2x128xi32, #tpu.memory_space<hbm>> -> memref<1x2x128xi32, #tpu.memory_space<hbm>>
      %dma_wait3A_301 = tpu.memref_squeeze %dma_wait3A_300 : memref<1x2x128xi32, #tpu.memory_space<hbm>> -> memref<2x128xi32, #tpu.memory_space<hbm>>
      tpu.wait_dma2 semaphore(%arg15 : memref<!tpu.dma_semaphore, #tpu.memory_space<semaphore_mem>>) src(%dma_wait3A_301 : memref<2x128xi32, #tpu.memory_space<hbm>>) dst(%arg7 : memref<2x128xi32, #tpu.memory_space<vmem>>)
      %add3A_302 = arith.constant 2 : i32
      %add3A_303 = arith.addi %add3A_275, %add3A_302 : i32
      %dma_start3A_304 = arith.constant 0 : i32
      %dma_start3A_305 = arith.constant 0 : i32
      %dma_start3A_306 = tpu.memref_slice %arg7[%dma_start3A_304, %dma_start3A_305] : memref<2x128xi32, #tpu.memory_space<vmem>> -> memref<1x128xi32, #tpu.memory_space<vmem>>
      %dma_start3A_307 = tpu.memref_squeeze %dma_start3A_306 : memref<1x128xi32, #tpu.memory_space<vmem>> -> memref<128xi32, #tpu.memory_space<vmem>>
      %dma_start3A_308 = arith.constant 0 : i32
      %dma_start3A_309 = arith.constant 0 : i32
      %dma_start3A_310 = tpu.memref_slice %arg4[%dma_start3A_308, %dma_start3A_309] : memref<10000x128xf32, #tpu.memory_space<hbm>> -> memref<10000x128xf32, #tpu.memory_space<hbm>>
      tpu.enqueue_indirect_dma source(%dma_start3A_310 : memref<10000x128xf32, #tpu.memory_space<hbm>>) target(%arg11 : memref<128x128xf32, #tpu.memory_space<vmem>>) offsets(%dma_start3A_307 : memref<128xi32, #tpu.memory_space<vmem>>) semaphore(%arg13 : memref<!tpu.dma_semaphore, #tpu.memory_space<semaphore_mem>>)
    }
    %scan3A_106 = arith.constant 19 : i32
    %dma_wait3A_107 = arith.constant 0 : i32
    %dma_wait3A_108 = arith.constant 0 : i32
    %dma_wait3A_109 = tpu.memref_slice %arg6[%dma_wait3A_107, %dma_wait3A_108] : memref<2x128xi32, #tpu.memory_space<vmem>> -> memref<1x128xi32, #tpu.memory_space<vmem>>
    %dma_wait3A_110 = tpu.memref_squeeze %dma_wait3A_109 : memref<1x128xi32, #tpu.memory_space<vmem>> -> memref<128xi32, #tpu.memory_space<vmem>>
    %dma_wait3A_111 = arith.constant 0 : i32
    %dma_wait3A_112 = arith.constant 0 : i32
    %dma_wait3A_113 = tpu.memref_slice %arg4[%dma_wait3A_111, %dma_wait3A_112] : memref<10000x128xf32, #tpu.memory_space<hbm>> -> memref<10000x128xf32, #tpu.memory_space<hbm>>
    tpu.wait_indirect_dma semaphore(%arg12 : memref<!tpu.dma_semaphore, #tpu.memory_space<semaphore_mem>>) src(%dma_wait3A_113 : memref<10000x128xf32, #tpu.memory_space<hbm>>) dst(%arg10 : memref<128x128xf32, #tpu.memory_space<vmem>>)
    %run_scoped3A = arith.constant 1 : i32
    "tpu.region"() ({
      %run_scoped3A_157 = tpu.sem_alloc : memref<!tpu.dma_semaphore, #tpu.memory_space<semaphore_mem>>
      %dma_start3A_158 = arith.constant 0 : i32
      %dma_start3A_159 = tpu.memref_slice %arg6[%run_scoped3A, %dma_start3A_158] : memref<2x128xi32, #tpu.memory_space<vmem>> -> memref<1x128xi32, #tpu.memory_space<vmem>>
      %dma_start3A_160 = tpu.memref_squeeze %dma_start3A_159 : memref<1x128xi32, #tpu.memory_space<vmem>> -> memref<128xi32, #tpu.memory_space<vmem>>
      %dma_start3A_161 = arith.constant 0 : i32
      %dma_start3A_162 = arith.constant 0 : i32
      %dma_start3A_163 = tpu.memref_slice %arg20[%dma_start3A_161, %dma_start3A_162] : memref<10240x128xf32, #tpu.memory_space<vmem_shared>> -> memref<10240x128xf32, #tpu.memory_space<vmem_shared>>
      tpu.enqueue_indirect_dma source(%arg10 : memref<128x128xf32, #tpu.memory_space<vmem>>) target(%dma_start3A_163 : memref<10240x128xf32, #tpu.memory_space<vmem_shared>>) offsets(%dma_start3A_160 : memref<128xi32, #tpu.memory_space<vmem>>) semaphore(%run_scoped3A_157 : memref<!tpu.dma_semaphore, #tpu.memory_space<semaphore_mem>>) {add = true}
      %dma_wait3A_164 = arith.constant 0 : i32
      %dma_wait3A_165 = tpu.memref_slice %arg6[%run_scoped3A, %dma_wait3A_164] : memref<2x128xi32, #tpu.memory_space<vmem>> -> memref<1x128xi32, #tpu.memory_space<vmem>>
      %dma_wait3A_166 = tpu.memref_squeeze %dma_wait3A_165 : memref<1x128xi32, #tpu.memory_space<vmem>> -> memref<128xi32, #tpu.memory_space<vmem>>
      %dma_wait3A_167 = arith.constant 0 : i32
      %dma_wait3A_168 = arith.constant 0 : i32
      %dma_wait3A_169 = tpu.memref_slice %arg20[%dma_wait3A_167, %dma_wait3A_168] : memref<10240x128xf32, #tpu.memory_space<vmem_shared>> -> memref<10240x128xf32, #tpu.memory_space<vmem_shared>>
      tpu.wait_indirect_dma semaphore(%run_scoped3A_157 : memref<!tpu.dma_semaphore, #tpu.memory_space<semaphore_mem>>) src(%arg10 : memref<128x128xf32, #tpu.memory_space<vmem>>) dst(%dma_wait3A_169 : memref<10240x128xf32, #tpu.memory_space<vmem_shared>>)
      tpu.yield
    }) : () -> ()
    %dma_wait3A_114 = arith.constant 0 : i32
    %dma_wait3A_115 = arith.constant 0 : i32
    %dma_wait3A_116 = tpu.memref_slice %arg7[%dma_wait3A_114, %dma_wait3A_115] : memref<2x128xi32, #tpu.memory_space<vmem>> -> memref<1x128xi32, #tpu.memory_space<vmem>>
    %dma_wait3A_117 = tpu.memref_squeeze %dma_wait3A_116 : memref<1x128xi32, #tpu.memory_space<vmem>> -> memref<128xi32, #tpu.memory_space<vmem>>
    %dma_wait3A_118 = arith.constant 0 : i32
    %dma_wait3A_119 = arith.constant 0 : i32
    %dma_wait3A_120 = tpu.memref_slice %arg4[%dma_wait3A_118, %dma_wait3A_119] : memref<10000x128xf32, #tpu.memory_space<hbm>> -> memref<10000x128xf32, #tpu.memory_space<hbm>>
    tpu.wait_indirect_dma semaphore(%arg13 : memref<!tpu.dma_semaphore, #tpu.memory_space<semaphore_mem>>) src(%dma_wait3A_120 : memref<10000x128xf32, #tpu.memory_space<hbm>>) dst(%arg11 : memref<128x128xf32, #tpu.memory_space<vmem>>)
    %run_scoped3A_121 = arith.constant 1 : i32
    "tpu.region"() ({
      %run_scoped3A_157 = tpu.sem_alloc : memref<!tpu.dma_semaphore, #tpu.memory_space<semaphore_mem>>
      %dma_start3A_158 = arith.constant 0 : i32
      %dma_start3A_159 = tpu.memref_slice %arg7[%run_scoped3A_121, %dma_start3A_158] : memref<2x128xi32, #tpu.memory_space<vmem>> -> memref<1x128xi32, #tpu.memory_space<vmem>>
      %dma_start3A_160 = tpu.memref_squeeze %dma_start3A_159 : memref<1x128xi32, #tpu.memory_space<vmem>> -> memref<128xi32, #tpu.memory_space<vmem>>
      %dma_start3A_161 = arith.constant 0 : i32
      %dma_start3A_162 = arith.constant 0 : i32
      %dma_start3A_163 = tpu.memref_slice %arg20[%dma_start3A_161, %dma_start3A_162] : memref<10240x128xf32, #tpu.memory_space<vmem_shared>> -> memref<10240x128xf32, #tpu.memory_space<vmem_shared>>
      tpu.enqueue_indirect_dma source(%arg11 : memref<128x128xf32, #tpu.memory_space<vmem>>) target(%dma_start3A_163 : memref<10240x128xf32, #tpu.memory_space<vmem_shared>>) offsets(%dma_start3A_160 : memref<128xi32, #tpu.memory_space<vmem>>) semaphore(%run_scoped3A_157 : memref<!tpu.dma_semaphore, #tpu.memory_space<semaphore_mem>>) {add = true}
      %dma_wait3A_164 = arith.constant 0 : i32
      %dma_wait3A_165 = tpu.memref_slice %arg7[%run_scoped3A_121, %dma_wait3A_164] : memref<2x128xi32, #tpu.memory_space<vmem>> -> memref<1x128xi32, #tpu.memory_space<vmem>>
      %dma_wait3A_166 = tpu.memref_squeeze %dma_wait3A_165 : memref<1x128xi32, #tpu.memory_space<vmem>> -> memref<128xi32, #tpu.memory_space<vmem>>
      %dma_wait3A_167 = arith.constant 0 : i32
      %dma_wait3A_168 = arith.constant 0 : i32
      %dma_wait3A_169 = tpu.memref_slice %arg20[%dma_wait3A_167, %dma_wait3A_168] : memref<10240x128xf32, #tpu.memory_space<vmem_shared>> -> memref<10240x128xf32, #tpu.memory_space<vmem_shared>>
      tpu.wait_indirect_dma semaphore(%run_scoped3A_157 : memref<!tpu.dma_semaphore, #tpu.memory_space<semaphore_mem>>) src(%arg11 : memref<128x128xf32, #tpu.memory_space<vmem>>) dst(%dma_wait3A_169 : memref<10240x128xf32, #tpu.memory_space<vmem_shared>>)
      tpu.yield
    }) : () -> ()
    %run_scoped3A_122 = arith.constant 0 : i32
    "tpu.region"() ({
      %run_scoped3A_157 = tpu.sem_alloc : memref<!tpu.dma_semaphore, #tpu.memory_space<semaphore_mem>>
      %dma_start3A_158 = arith.constant 0 : i32
      %dma_start3A_159 = tpu.memref_slice %arg3[%add3A, %run_scoped3A_122, %dma_start3A_158] : memref<32x2x16xi32, #tpu.memory_space<hbm>> -> memref<1x1x16xi32, #tpu.memory_space<hbm>>
      %dma_start3A_160 = tpu.memref_squeeze %dma_start3A_159 : memref<1x1x16xi32, #tpu.memory_space<hbm>> -> memref<16xi32, #tpu.memory_space<hbm>>
      %dma_start3A_161 = arith.constant 0 : i32
      %dma_start3A_162 = tpu.memref_slice %arg3[%add3A, %run_scoped3A_122, %dma_start3A_161] : memref<32x2x16xi32, #tpu.memory_space<hbm>> -> memref<1x1x16xi32, #tpu.memory_space<hbm>>
      %dma_start3A_163 = tpu.memref_squeeze %dma_start3A_162 : memref<1x1x16xi32, #tpu.memory_space<hbm>> -> memref<16xi32, #tpu.memory_space<hbm>>
      tpu.enqueue_dma source(%dma_start3A_163 : memref<16xi32, #tpu.memory_space<hbm>>) target(%arg18 : memref<16xi32, #tpu.memory_space<vmem>>) target_semaphore(%run_scoped3A_157 : memref<!tpu.dma_semaphore, #tpu.memory_space<semaphore_mem>>)
      %dma_wait3A_164 = arith.constant 0 : i32
      %dma_wait3A_165 = tpu.memref_slice %arg3[%add3A, %run_scoped3A_122, %dma_wait3A_164] : memref<32x2x16xi32, #tpu.memory_space<hbm>> -> memref<1x1x16xi32, #tpu.memory_space<hbm>>
      %dma_wait3A_166 = tpu.memref_squeeze %dma_wait3A_165 : memref<1x1x16xi32, #tpu.memory_space<hbm>> -> memref<16xi32, #tpu.memory_space<hbm>>
      %dma_wait3A_167 = arith.constant 0 : i32
      %dma_wait3A_168 = tpu.memref_slice %arg3[%add3A, %run_scoped3A_122, %dma_wait3A_167] : memref<32x2x16xi32, #tpu.memory_space<hbm>> -> memref<1x1x16xi32, #tpu.memory_space<hbm>>
      %dma_wait3A_169 = tpu.memref_squeeze %dma_wait3A_168 : memref<1x1x16xi32, #tpu.memory_space<hbm>> -> memref<16xi32, #tpu.memory_space<hbm>>
      tpu.wait_dma2 semaphore(%run_scoped3A_157 : memref<!tpu.dma_semaphore, #tpu.memory_space<semaphore_mem>>) src(%dma_wait3A_169 : memref<16xi32, #tpu.memory_space<hbm>>) dst(%arg18 : memref<16xi32, #tpu.memory_space<vmem>>)
      tpu.yield
    }) : () -> ()
    %run_scoped3A_123 = arith.constant 1 : i32
    "tpu.region"() ({
      %run_scoped3A_157 = tpu.sem_alloc : memref<!tpu.dma_semaphore, #tpu.memory_space<semaphore_mem>>
      %dma_start3A_158 = arith.constant 0 : i32
      %dma_start3A_159 = tpu.memref_slice %arg3[%add3A, %run_scoped3A_123, %dma_start3A_158] : memref<32x2x16xi32, #tpu.memory_space<hbm>> -> memref<1x1x16xi32, #tpu.memory_space<hbm>>
      %dma_start3A_160 = tpu.memref_squeeze %dma_start3A_159 : memref<1x1x16xi32, #tpu.memory_space<hbm>> -> memref<16xi32, #tpu.memory_space<hbm>>
      %dma_start3A_161 = arith.constant 0 : i32
      %dma_start3A_162 = tpu.memref_slice %arg3[%add3A, %run_scoped3A_123, %dma_start3A_161] : memref<32x2x16xi32, #tpu.memory_space<hbm>> -> memref<1x1x16xi32, #tpu.memory_space<hbm>>
      %dma_start3A_163 = tpu.memref_squeeze %dma_start3A_162 : memref<1x1x16xi32, #tpu.memory_space<hbm>> -> memref<16xi32, #tpu.memory_space<hbm>>
      tpu.enqueue_dma source(%dma_start3A_163 : memref<16xi32, #tpu.memory_space<hbm>>) target(%arg19 : memref<16xi32, #tpu.memory_space<vmem>>) target_semaphore(%run_scoped3A_157 : memref<!tpu.dma_semaphore, #tpu.memory_space<semaphore_mem>>)
      %dma_wait3A_164 = arith.constant 0 : i32
      %dma_wait3A_165 = tpu.memref_slice %arg3[%add3A, %run_scoped3A_123, %dma_wait3A_164] : memref<32x2x16xi32, #tpu.memory_space<hbm>> -> memref<1x1x16xi32, #tpu.memory_space<hbm>>
      %dma_wait3A_166 = tpu.memref_squeeze %dma_wait3A_165 : memref<1x1x16xi32, #tpu.memory_space<hbm>> -> memref<16xi32, #tpu.memory_space<hbm>>
      %dma_wait3A_167 = arith.constant 0 : i32
      %dma_wait3A_168 = tpu.memref_slice %arg3[%add3A, %run_scoped3A_123, %dma_wait3A_167] : memref<32x2x16xi32, #tpu.memory_space<hbm>> -> memref<1x1x16xi32, #tpu.memory_space<hbm>>
      %dma_wait3A_169 = tpu.memref_squeeze %dma_wait3A_168 : memref<1x1x16xi32, #tpu.memory_space<hbm>> -> memref<16xi32, #tpu.memory_space<hbm>>
      tpu.wait_dma2 semaphore(%run_scoped3A_157 : memref<!tpu.dma_semaphore, #tpu.memory_space<semaphore_mem>>) src(%dma_wait3A_169 : memref<16xi32, #tpu.memory_space<hbm>>) dst(%arg19 : memref<16xi32, #tpu.memory_space<vmem>>)
      tpu.yield
    }) : () -> ()
    %dma_start3A_124 = arith.constant 0 : i32
    %dma_start3A_125 = arith.constant 0 : i32
    %dma_start3A_126 = tpu.memref_slice %arg10[%dma_start3A_124, %dma_start3A_125] : memref<128x128xf32, #tpu.memory_space<vmem>> -> memref<16x128xf32, #tpu.memory_space<vmem>>
    %dma_start3A_127 = arith.constant 0 : i32
    %dma_start3A_128 = arith.constant 0 : i32
    %dma_start3A_129 = tpu.memref_slice %arg4[%dma_start3A_127, %dma_start3A_128] : memref<10000x128xf32, #tpu.memory_space<hbm>> -> memref<10000x128xf32, #tpu.memory_space<hbm>>
    tpu.enqueue_indirect_dma source(%dma_start3A_129 : memref<10000x128xf32, #tpu.memory_space<hbm>>) target(%dma_start3A_126 : memref<16x128xf32, #tpu.memory_space<vmem>>) offsets(%arg18 : memref<16xi32, #tpu.memory_space<vmem>>) semaphore(%arg12 : memref<!tpu.dma_semaphore, #tpu.memory_space<semaphore_mem>>)
    %dma_wait3A_130 = arith.constant 0 : i32
    %dma_wait3A_131 = arith.constant 0 : i32
    %dma_wait3A_132 = tpu.memref_slice %arg10[%dma_wait3A_130, %dma_wait3A_131] : memref<128x128xf32, #tpu.memory_space<vmem>> -> memref<16x128xf32, #tpu.memory_space<vmem>>
    %dma_wait3A_133 = arith.constant 0 : i32
    %dma_wait3A_134 = arith.constant 0 : i32
    %dma_wait3A_135 = tpu.memref_slice %arg4[%dma_wait3A_133, %dma_wait3A_134] : memref<10000x128xf32, #tpu.memory_space<hbm>> -> memref<10000x128xf32, #tpu.memory_space<hbm>>
    tpu.wait_indirect_dma semaphore(%arg12 : memref<!tpu.dma_semaphore, #tpu.memory_space<semaphore_mem>>) src(%dma_wait3A_135 : memref<10000x128xf32, #tpu.memory_space<hbm>>) dst(%dma_wait3A_132 : memref<16x128xf32, #tpu.memory_space<vmem>>)
    "tpu.region"() ({
      %run_scoped3A_157 = tpu.sem_alloc : memref<!tpu.dma_semaphore, #tpu.memory_space<semaphore_mem>>
      %dma_start3A_158 = arith.constant 0 : i32
      %dma_start3A_159 = arith.constant 0 : i32
      %dma_start3A_160 = tpu.memref_slice %arg10[%dma_start3A_158, %dma_start3A_159] : memref<128x128xf32, #tpu.memory_space<vmem>> -> memref<16x128xf32, #tpu.memory_space<vmem>>
      %dma_start3A_161 = arith.constant 0 : i32
      %dma_start3A_162 = arith.constant 0 : i32
      %dma_start3A_163 = tpu.memref_slice %arg20[%dma_start3A_161, %dma_start3A_162] : memref<10240x128xf32, #tpu.memory_space<vmem_shared>> -> memref<10240x128xf32, #tpu.memory_space<vmem_shared>>
      tpu.enqueue_indirect_dma source(%dma_start3A_160 : memref<16x128xf32, #tpu.memory_space<vmem>>) target(%dma_start3A_163 : memref<10240x128xf32, #tpu.memory_space<vmem_shared>>) offsets(%arg19 : memref<16xi32, #tpu.memory_space<vmem>>) semaphore(%run_scoped3A_157 : memref<!tpu.dma_semaphore, #tpu.memory_space<semaphore_mem>>) {add = true}
      %dma_wait3A_164 = arith.constant 0 : i32
      %dma_wait3A_165 = arith.constant 0 : i32
      %dma_wait3A_166 = tpu.memref_slice %arg10[%dma_wait3A_164, %dma_wait3A_165] : memref<128x128xf32, #tpu.memory_space<vmem>> -> memref<16x128xf32, #tpu.memory_space<vmem>>
      %dma_wait3A_167 = arith.constant 0 : i32
      %dma_wait3A_168 = arith.constant 0 : i32
      %dma_wait3A_169 = tpu.memref_slice %arg20[%dma_wait3A_167, %dma_wait3A_168] : memref<10240x128xf32, #tpu.memory_space<vmem_shared>> -> memref<10240x128xf32, #tpu.memory_space<vmem_shared>>
      tpu.wait_indirect_dma semaphore(%run_scoped3A_157 : memref<!tpu.dma_semaphore, #tpu.memory_space<semaphore_mem>>) src(%dma_wait3A_166 : memref<16x128xf32, #tpu.memory_space<vmem>>) dst(%dma_wait3A_169 : memref<10240x128xf32, #tpu.memory_space<vmem_shared>>)
      tpu.yield
    }) : () -> ()
    %barrier3A_136 = arith.constant 0 : index
    tpu.barrier barrier_id(%barrier3A_136)
    %mul3A_137 = arith.constant 640 : i32
    %mul3A_138 = arith.muli %arg1, %mul3A_137 : i32
    %add3A_139 = arith.constant 0 : i32
    %add3A_140 = arith.addi %mul3A_138, %add3A_139 : i32
    "tpu.region"() ({
      %run_scoped3A_157 = tpu.sem_alloc : memref<!tpu.dma_semaphore, #tpu.memory_space<semaphore_mem>>
      %dma_start3A_158 = arith.constant 0 : i32
      %dma_start3A_159 = tpu.memref_slice %arg5[%arg0, %add3A_140, %dma_start3A_158] : memref<2x10240x128xf32, #tpu.memory_space<hbm>> -> memref<1x128x128xf32, #tpu.memory_space<hbm>>
      %dma_start3A_160 = tpu.memref_squeeze %dma_start3A_159 : memref<1x128x128xf32, #tpu.memory_space<hbm>> -> memref<128x128xf32, #tpu.memory_space<hbm>>
      %dma_start3A_161 = arith.constant 0 : i32
      %dma_start3A_162 = tpu.memref_slice %arg20[%add3A_140, %dma_start3A_161] : memref<10240x128xf32, #tpu.memory_space<vmem_shared>> -> memref<128x128xf32, #tpu.memory_space<vmem_shared>>
      tpu.enqueue_dma source(%dma_start3A_162 : memref<128x128xf32, #tpu.memory_space<vmem_shared>>) target(%dma_start3A_160 : memref<128x128xf32, #tpu.memory_space<hbm>>) target_semaphore(%run_scoped3A_157 : memref<!tpu.dma_semaphore, #tpu.memory_space<semaphore_mem>>)
      %dma_wait3A_163 = arith.constant 0 : i32
      %dma_wait3A_164 = tpu.memref_slice %arg5[%arg0, %add3A_140, %dma_wait3A_163] : memref<2x10240x128xf32, #tpu.memory_space<hbm>> -> memref<1x128x128xf32, #tpu.memory_space<hbm>>
      %dma_wait3A_165 = tpu.memref_squeeze %dma_wait3A_164 : memref<1x128x128xf32, #tpu.memory_space<hbm>> -> memref<128x128xf32, #tpu.memory_space<hbm>>
      %dma_wait3A_166 = arith.constant 0 : i32
      %dma_wait3A_167 = tpu.memref_slice %arg20[%add3A_140, %dma_wait3A_166] : memref<10240x128xf32, #tpu.memory_space<vmem_shared>> -> memref<128x128xf32, #tpu.memory_space<vmem_shared>>
      tpu.wait_dma2 semaphore(%run_scoped3A_157 : memref<!tpu.dma_semaphore, #tpu.memory_space<semaphore_mem>>) src(%dma_wait3A_167 : memref<128x128xf32, #tpu.memory_space<vmem_shared>>) dst(%dma_wait3A_165 : memref<128x128xf32, #tpu.memory_space<hbm>>)
      tpu.yield
    }) : () -> ()
    %mul3A_141 = arith.constant 640 : i32
    %mul3A_142 = arith.muli %arg1, %mul3A_141 : i32
    %add3A_143 = arith.constant 128 : i32
    %add3A_144 = arith.addi %mul3A_142, %add3A_143 : i32
    "tpu.region"() ({
      %run_scoped3A_157 = tpu.sem_alloc : memref<!tpu.dma_semaphore, #tpu.memory_space<semaphore_mem>>
      %dma_start3A_158 = arith.constant 0 : i32
      %dma_start3A_159 = tpu.memref_slice %arg5[%arg0, %add3A_144, %dma_start3A_158] : memref<2x10240x128xf32, #tpu.memory_space<hbm>> -> memref<1x128x128xf32, #tpu.memory_space<hbm>>
      %dma_start3A_160 = tpu.memref_squeeze %dma_start3A_159 : memref<1x128x128xf32, #tpu.memory_space<hbm>> -> memref<128x128xf32, #tpu.memory_space<hbm>>
      %dma_start3A_161 = arith.constant 0 : i32
      %dma_start3A_162 = tpu.memref_slice %arg20[%add3A_144, %dma_start3A_161] : memref<10240x128xf32, #tpu.memory_space<vmem_shared>> -> memref<128x128xf32, #tpu.memory_space<vmem_shared>>
      tpu.enqueue_dma source(%dma_start3A_162 : memref<128x128xf32, #tpu.memory_space<vmem_shared>>) target(%dma_start3A_160 : memref<128x128xf32, #tpu.memory_space<hbm>>) target_semaphore(%run_scoped3A_157 : memref<!tpu.dma_semaphore, #tpu.memory_space<semaphore_mem>>)
      %dma_wait3A_163 = arith.constant 0 : i32
      %dma_wait3A_164 = tpu.memref_slice %arg5[%arg0, %add3A_144, %dma_wait3A_163] : memref<2x10240x128xf32, #tpu.memory_space<hbm>> -> memref<1x128x128xf32, #tpu.memory_space<hbm>>
      %dma_wait3A_165 = tpu.memref_squeeze %dma_wait3A_164 : memref<1x128x128xf32, #tpu.memory_space<hbm>> -> memref<128x128xf32, #tpu.memory_space<hbm>>
      %dma_wait3A_166 = arith.constant 0 : i32
      %dma_wait3A_167 = tpu.memref_slice %arg20[%add3A_144, %dma_wait3A_166] : memref<10240x128xf32, #tpu.memory_space<vmem_shared>> -> memref<128x128xf32, #tpu.memory_space<vmem_shared>>
      tpu.wait_dma2 semaphore(%run_scoped3A_157 : memref<!tpu.dma_semaphore, #tpu.memory_space<semaphore_mem>>) src(%dma_wait3A_167 : memref<128x128xf32, #tpu.memory_space<vmem_shared>>) dst(%dma_wait3A_165 : memref<128x128xf32, #tpu.memory_space<hbm>>)
      tpu.yield
    }) : () -> ()
    %mul3A_145 = arith.constant 640 : i32
    %mul3A_146 = arith.muli %arg1, %mul3A_145 : i32
    %add3A_147 = arith.constant 256 : i32
    %add3A_148 = arith.addi %mul3A_146, %add3A_147 : i32
    "tpu.region"() ({
      %run_scoped3A_157 = tpu.sem_alloc : memref<!tpu.dma_semaphore, #tpu.memory_space<semaphore_mem>>
      %dma_start3A_158 = arith.constant 0 : i32
      %dma_start3A_159 = tpu.memref_slice %arg5[%arg0, %add3A_148, %dma_start3A_158] : memref<2x10240x128xf32, #tpu.memory_space<hbm>> -> memref<1x128x128xf32, #tpu.memory_space<hbm>>
      %dma_start3A_160 = tpu.memref_squeeze %dma_start3A_159 : memref<1x128x128xf32, #tpu.memory_space<hbm>> -> memref<128x128xf32, #tpu.memory_space<hbm>>
      %dma_start3A_161 = arith.constant 0 : i32
      %dma_start3A_162 = tpu.memref_slice %arg20[%add3A_148, %dma_start3A_161] : memref<10240x128xf32, #tpu.memory_space<vmem_shared>> -> memref<128x128xf32, #tpu.memory_space<vmem_shared>>
      tpu.enqueue_dma source(%dma_start3A_162 : memref<128x128xf32, #tpu.memory_space<vmem_shared>>) target(%dma_start3A_160 : memref<128x128xf32, #tpu.memory_space<hbm>>) target_semaphore(%run_scoped3A_157 : memref<!tpu.dma_semaphore, #tpu.memory_space<semaphore_mem>>)
      %dma_wait3A_163 = arith.constant 0 : i32
      %dma_wait3A_164 = tpu.memref_slice %arg5[%arg0, %add3A_148, %dma_wait3A_163] : memref<2x10240x128xf32, #tpu.memory_space<hbm>> -> memref<1x128x128xf32, #tpu.memory_space<hbm>>
      %dma_wait3A_165 = tpu.memref_squeeze %dma_wait3A_164 : memref<1x128x128xf32, #tpu.memory_space<hbm>> -> memref<128x128xf32, #tpu.memory_space<hbm>>
      %dma_wait3A_166 = arith.constant 0 : i32
      %dma_wait3A_167 = tpu.memref_slice %arg20[%add3A_148, %dma_wait3A_166] : memref<10240x128xf32, #tpu.memory_space<vmem_shared>> -> memref<128x128xf32, #tpu.memory_space<vmem_shared>>
      tpu.wait_dma2 semaphore(%run_scoped3A_157 : memref<!tpu.dma_semaphore, #tpu.memory_space<semaphore_mem>>) src(%dma_wait3A_167 : memref<128x128xf32, #tpu.memory_space<vmem_shared>>) dst(%dma_wait3A_165 : memref<128x128xf32, #tpu.memory_space<hbm>>)
      tpu.yield
    }) : () -> ()
    %mul3A_149 = arith.constant 640 : i32
    %mul3A_150 = arith.muli %arg1, %mul3A_149 : i32
    %add3A_151 = arith.constant 384 : i32
    %add3A_152 = arith.addi %mul3A_150, %add3A_151 : i32
    "tpu.region"() ({
      %run_scoped3A_157 = tpu.sem_alloc : memref<!tpu.dma_semaphore, #tpu.memory_space<semaphore_mem>>
      %dma_start3A_158 = arith.constant 0 : i32
      %dma_start3A_159 = tpu.memref_slice %arg5[%arg0, %add3A_152, %dma_start3A_158] : memref<2x10240x128xf32, #tpu.memory_space<hbm>> -> memref<1x128x128xf32, #tpu.memory_space<hbm>>
      %dma_start3A_160 = tpu.memref_squeeze %dma_start3A_159 : memref<1x128x128xf32, #tpu.memory_space<hbm>> -> memref<128x128xf32, #tpu.memory_space<hbm>>
      %dma_start3A_161 = arith.constant 0 : i32
      %dma_start3A_162 = tpu.memref_slice %arg20[%add3A_152, %dma_start3A_161] : memref<10240x128xf32, #tpu.memory_space<vmem_shared>> -> memref<128x128xf32, #tpu.memory_space<vmem_shared>>
      tpu.enqueue_dma source(%dma_start3A_162 : memref<128x128xf32, #tpu.memory_space<vmem_shared>>) target(%dma_start3A_160 : memref<128x128xf32, #tpu.memory_space<hbm>>) target_semaphore(%run_scoped3A_157 : memref<!tpu.dma_semaphore, #tpu.memory_space<semaphore_mem>>)
      %dma_wait3A_163 = arith.constant 0 : i32
      %dma_wait3A_164 = tpu.memref_slice %arg5[%arg0, %add3A_152, %dma_wait3A_163] : memref<2x10240x128xf32, #tpu.memory_space<hbm>> -> memref<1x128x128xf32, #tpu.memory_space<hbm>>
      %dma_wait3A_165 = tpu.memref_squeeze %dma_wait3A_164 : memref<1x128x128xf32, #tpu.memory_space<hbm>> -> memref<128x128xf32, #tpu.memory_space<hbm>>
      %dma_wait3A_166 = arith.constant 0 : i32
      %dma_wait3A_167 = tpu.memref_slice %arg20[%add3A_152, %dma_wait3A_166] : memref<10240x128xf32, #tpu.memory_space<vmem_shared>> -> memref<128x128xf32, #tpu.memory_space<vmem_shared>>
      tpu.wait_dma2 semaphore(%run_scoped3A_157 : memref<!tpu.dma_semaphore, #tpu.memory_space<semaphore_mem>>) src(%dma_wait3A_167 : memref<128x128xf32, #tpu.memory_space<vmem_shared>>) dst(%dma_wait3A_165 : memref<128x128xf32, #tpu.memory_space<hbm>>)
      tpu.yield
    }) : () -> ()
    %mul3A_153 = arith.constant 640 : i32
    %mul3A_154 = arith.muli %arg1, %mul3A_153 : i32
    %add3A_155 = arith.constant 512 : i32
    %add3A_156 = arith.addi %mul3A_154, %add3A_155 : i32
    "tpu.region"() ({
      %run_scoped3A_157 = tpu.sem_alloc : memref<!tpu.dma_semaphore, #tpu.memory_space<semaphore_mem>>
      %dma_start3A_158 = arith.constant 0 : i32
      %dma_start3A_159 = tpu.memref_slice %arg5[%arg0, %add3A_156, %dma_start3A_158] : memref<2x10240x128xf32, #tpu.memory_space<hbm>> -> memref<1x128x128xf32, #tpu.memory_space<hbm>>
      %dma_start3A_160 = tpu.memref_squeeze %dma_start3A_159 : memref<1x128x128xf32, #tpu.memory_space<hbm>> -> memref<128x128xf32, #tpu.memory_space<hbm>>
      %dma_start3A_161 = arith.constant 0 : i32
      %dma_start3A_162 = tpu.memref_slice %arg20[%add3A_156, %dma_start3A_161] : memref<10240x128xf32, #tpu.memory_space<vmem_shared>> -> memref<128x128xf32, #tpu.memory_space<vmem_shared>>
      tpu.enqueue_dma source(%dma_start3A_162 : memref<128x128xf32, #tpu.memory_space<vmem_shared>>) target(%dma_start3A_160 : memref<128x128xf32, #tpu.memory_space<hbm>>) target_semaphore(%run_scoped3A_157 : memref<!tpu.dma_semaphore, #tpu.memory_space<semaphore_mem>>)
      %dma_wait3A_163 = arith.constant 0 : i32
      %dma_wait3A_164 = tpu.memref_slice %arg5[%arg0, %add3A_156, %dma_wait3A_163] : memref<2x10240x128xf32, #tpu.memory_space<hbm>> -> memref<1x128x128xf32, #tpu.memory_space<hbm>>
      %dma_wait3A_165 = tpu.memref_squeeze %dma_wait3A_164 : memref<1x128x128xf32, #tpu.memory_space<hbm>> -> memref<128x128xf32, #tpu.memory_space<hbm>>
      %dma_wait3A_166 = arith.constant 0 : i32
      %dma_wait3A_167 = tpu.memref_slice %arg20[%add3A_156, %dma_wait3A_166] : memref<10240x128xf32, #tpu.memory_space<vmem_shared>> -> memref<128x128xf32, #tpu.memory_space<vmem_shared>>
      tpu.wait_dma2 semaphore(%run_scoped3A_157 : memref<!tpu.dma_semaphore, #tpu.memory_space<semaphore_mem>>) src(%dma_wait3A_167 : memref<128x128xf32, #tpu.memory_space<vmem_shared>>) dst(%dma_wait3A_165 : memref<128x128xf32, #tpu.memory_space<hbm>>)
      tpu.yield
    }) : () -> ()
    return
  }
}

module attributes {stable_mosaic.version = 14 : i64} {
  func.func @body(%arg0: memref<10000x128xf32, #tpu.memory_space<vmem>>, %arg1: memref<10240x1xf32, #tpu.memory_space<vmem>>, %arg2: memref<10240x1xf32, #tpu.memory_space<vmem>>, %arg3: memref<10000x128xf32, #tpu.memory_space<vmem>>, %arg4: memref<10000x1xf32, #tpu.memory_space<vmem>>) attributes {dimension_semantics = [], scalar_prefetch = 0 : i64, scratch_operands = 0 : i64, tpu.core_type = #tpu.core_type<tc>} {
    %get3A = arith.constant 0 : index
    %get3A_0 = arith.constant 0 : index
    %get3A_1 = vector.load %arg1[%get3A, %get3A_0] : memref<10240x1xf32, #tpu.memory_space<vmem>>, vector<10000x1xf32>
    %add3A = arith.constant 1.000000e+00 : f32
    %add3A_2 = vector.broadcast %add3A : f32 to vector<10000x1xf32>
    %add3A_3 = arith.addf %add3A_2, %get3A_1 : vector<10000x1xf32>
    %get3A_4 = arith.constant 0 : index
    %get3A_5 = arith.constant 0 : index
    %get3A_6 = vector.load %arg2[%get3A_4, %get3A_5] : memref<10240x1xf32, #tpu.memory_space<vmem>>, vector<10000x1xf32>
    %add3A_7 = arith.addf %add3A_3, %get3A_6 : vector<10000x1xf32>
    %rsqrt3A = math.rsqrt %add3A_7 : vector<10000x1xf32>
    %swap3A = arith.constant 0 : index
    %swap3A_8 = arith.constant 0 : index
    %swap3A_9 = vector.load %arg4[%swap3A, %swap3A_8] : memref<10000x1xf32, #tpu.memory_space<vmem>>, vector<10000x1xf32>
    tpu.vector_store %arg4[%swap3A, %swap3A_8], %rsqrt3A {strides = array<i32>} : memref<10000x1xf32, #tpu.memory_space<vmem>>, vector<10000x1xf32>,
    %get3A_10 = arith.constant 0 : index
    %get3A_11 = arith.constant 0 : index
    %get3A_12 = vector.load %arg0[%get3A_10, %get3A_11] : memref<10000x128xf32, #tpu.memory_space<vmem>>, vector<10000x128xf32>
    %mul3A = vector.broadcast %rsqrt3A : vector<10000x1xf32> to vector<10000x128xf32>
    %mul3A_13 = arith.mulf %get3A_12, %mul3A : vector<10000x128xf32>
    %swap3A_14 = arith.constant 0 : index
    %swap3A_15 = arith.constant 0 : index
    %swap3A_16 = vector.load %arg3[%swap3A_14, %swap3A_15] : memref<10000x128xf32, #tpu.memory_space<vmem>>, vector<10000x128xf32>
    tpu.vector_store %arg3[%swap3A_14, %swap3A_15], %mul3A_13 {strides = array<i32>} : memref<10000x128xf32, #tpu.memory_space<vmem>>, vector<10000x128xf32>,
    return
  }
}

module attributes {stable_mosaic.version = 14 : i64} {
  func.func @body(%arg0: memref<2x10240x128xf32, #tpu.memory_space<vmem>>, %arg1: memref<10000x128xf32, #tpu.memory_space<vmem>>, %arg2: memref<10000x1xf32, #tpu.memory_space<vmem>>, %arg3: memref<128x128xf32, #tpu.memory_space<vmem>>, %arg4: memref<128xf32, #tpu.memory_space<vmem>>, %arg5: memref<128xf32, #tpu.memory_space<vmem>>, %arg6: memref<128xf32, #tpu.memory_space<vmem>>, %arg7: memref<10000x128xf32, #tpu.memory_space<vmem>>) attributes {dimension_semantics = [], scalar_prefetch = 0 : i64, scratch_operands = 0 : i64, tpu.core_type = #tpu.core_type<tc>} {
    %get3A = arith.constant 0 : index
    %get3A_0 = arith.constant 0 : index
    %get3A_1 = vector.load %arg2[%get3A, %get3A_0] : memref<10000x1xf32, #tpu.memory_space<vmem>>, vector<10000x1xf32>
    %get3A_2 = arith.constant 0 : index
    %get3A_3 = arith.constant 0 : index
    %get3A_4 = arith.constant 0 : index
    %get3A_5 = vector.load %arg0[%get3A_2, %get3A_3, %get3A_4] : memref<2x10240x128xf32, #tpu.memory_space<vmem>>, vector<1x10000x128xf32>
    %get3A_6 = vector.shape_cast %get3A_5 : vector<1x10000x128xf32> to vector<10000x128xf32>
    %get3A_7 = arith.constant 1 : index
    %get3A_8 = arith.constant 0 : index
    %get3A_9 = arith.constant 0 : index
    %get3A_10 = vector.load %arg0[%get3A_7, %get3A_8, %get3A_9] : memref<2x10240x128xf32, #tpu.memory_space<vmem>>, vector<1x10000x128xf32>
    %get3A_11 = vector.shape_cast %get3A_10 : vector<1x10000x128xf32> to vector<10000x128xf32>
    %add3A = arith.addf %get3A_6, %get3A_11 : vector<10000x128xf32>
    %get3A_12 = arith.constant 0 : index
    %get3A_13 = arith.constant 0 : index
    %get3A_14 = vector.load %arg1[%get3A_12, %get3A_13] : memref<10000x128xf32, #tpu.memory_space<vmem>>, vector<10000x128xf32>
    %add3A_15 = arith.addf %add3A, %get3A_14 : vector<10000x128xf32>
    %mul3A = vector.broadcast %get3A_1 : vector<10000x1xf32> to vector<10000x128xf32>
    %mul3A_16 = arith.mulf %add3A_15, %mul3A : vector<10000x128xf32>
    %get3A_17 = arith.constant 0 : index
    %get3A_18 = arith.constant 0 : index
    %get3A_19 = vector.load %arg3[%get3A_17, %get3A_18] : memref<128x128xf32, #tpu.memory_space<vmem>>, vector<128x128xf32>
    %dot_general3A = arith.constant dense<0.000000e+00> : vector<10000x128xf32>
    %dot_general3A_20 = tpu.matmul %mul3A_16, %get3A_19, %dot_general3A {dimension_numbers = #tpu.dot_dimension_numbers<[1], [0], [0], [1], [0, 0, 1, 1], [], []>, transpose_lhs_hint = false} : vector<10000x128xf32>, vector<128x128xf32>, vector<10000x128xf32> -> vector<10000x128xf32>
    %get3A_21 = arith.constant 0 : index
    %get3A_22 = vector.load %arg4[%get3A_21] : memref<128xf32, #tpu.memory_space<vmem>>, vector<128xf32>
    %broadcast_in_dim3A = vector.shape_cast %get3A_22 : vector<128xf32> to vector<1x128xf32>
    %add3A_23 = vector.broadcast %broadcast_in_dim3A : vector<1x128xf32> to vector<10000x128xf32>
    %add3A_24 = arith.addf %dot_general3A_20, %add3A_23 : vector<10000x128xf32>
    %reduce_sum3A = arith.constant dense<0.000000e+00> : vector<128xf32>
    %reduce_sum3A_25 = vector.multi_reduction <add>, %add3A_24, %reduce_sum3A [0] : vector<10000x128xf32> to vector<128xf32>
    %broadcast_in_dim3A_26 = vector.shape_cast %reduce_sum3A_25 : vector<128xf32> to vector<1x128xf32>
    %div3A = arith.constant 1.000000e+04 : f32
    %div3A_27 = vector.broadcast %div3A : f32 to vector<1x128xf32>
    %div3A_28 = arith.divf %broadcast_in_dim3A_26, %div3A_27 : vector<1x128xf32>
    %sub3A = vector.broadcast %div3A_28 : vector<1x128xf32> to vector<10000x128xf32>
    %sub3A_29 = arith.subf %add3A_24, %sub3A : vector<10000x128xf32>
    %mul3A_30 = arith.mulf %sub3A_29, %sub3A_29 : vector<10000x128xf32>
    %reduce_sum3A_31 = arith.constant dense<0.000000e+00> : vector<128xf32>
    %reduce_sum3A_32 = vector.multi_reduction <add>, %mul3A_30, %reduce_sum3A_31 [0] : vector<10000x128xf32> to vector<128xf32>
    %broadcast_in_dim3A_33 = vector.shape_cast %reduce_sum3A_32 : vector<128xf32> to vector<1x128xf32>
    %div3A_34 = arith.constant 1.000000e+04 : f32
    %div3A_35 = vector.broadcast %div3A_34 : f32 to vector<1x128xf32>
    %div3A_36 = arith.divf %broadcast_in_dim3A_33, %div3A_35 : vector<1x128xf32>
    %add3A_37 = arith.constant 9.99999974E-6 : f32
    %add3A_38 = vector.broadcast %add3A_37 : f32 to vector<1x128xf32>
    %add3A_39 = arith.addf %div3A_36, %add3A_38 : vector<1x128xf32>
    %rsqrt3A = math.rsqrt %add3A_39 : vector<1x128xf32>
    %mul3A_40 = vector.broadcast %rsqrt3A : vector<1x128xf32> to vector<10000x128xf32>
    %mul3A_41 = arith.mulf %sub3A_29, %mul3A_40 : vector<10000x128xf32>
    %get3A_42 = arith.constant 0 : index
    %get3A_43 = vector.load %arg5[%get3A_42] : memref<128xf32, #tpu.memory_space<vmem>>, vector<128xf32>
    %broadcast_in_dim3A_44 = vector.shape_cast %get3A_43 : vector<128xf32> to vector<1x128xf32>
    %mul3A_45 = vector.broadcast %broadcast_in_dim3A_44 : vector<1x128xf32> to vector<10000x128xf32>
    %mul3A_46 = arith.mulf %mul3A_41, %mul3A_45 : vector<10000x128xf32>
    %get3A_47 = arith.constant 0 : index
    %get3A_48 = vector.load %arg6[%get3A_47] : memref<128xf32, #tpu.memory_space<vmem>>, vector<128xf32>
    %broadcast_in_dim3A_49 = vector.shape_cast %get3A_48 : vector<128xf32> to vector<1x128xf32>
    %add3A_50 = vector.broadcast %broadcast_in_dim3A_49 : vector<1x128xf32> to vector<10000x128xf32>
    %add3A_51 = arith.addf %mul3A_46, %add3A_50 : vector<10000x128xf32>
    %max3A = arith.constant 0.000000e+00 : f32
    %max3A_52 = vector.broadcast %max3A : f32 to vector<10000x128xf32>
    %max3A_53 = arith.maximumf %add3A_51, %max3A_52 : vector<10000x128xf32>
    %mul3A_54 = vector.broadcast %get3A_1 : vector<10000x1xf32> to vector<10000x128xf32>
    %mul3A_55 = arith.mulf %max3A_53, %mul3A_54 : vector<10000x128xf32>
    %swap3A = arith.constant 0 : index
    %swap3A_56 = arith.constant 0 : index
    %swap3A_57 = vector.load %arg7[%swap3A, %swap3A_56] : memref<10000x128xf32, #tpu.memory_space<vmem>>, vector<10000x128xf32>
    tpu.vector_store %arg7[%swap3A, %swap3A_56], %mul3A_55 {strides = array<i32>} : memref<10000x128xf32, #tpu.memory_space<vmem>>, vector<10000x128xf32>,
    return
  }
}

module attributes {stable_mosaic.version = 14 : i64} {
  func.func @body(%arg0: memref<2x10240x128xf32, #tpu.memory_space<vmem>>, %arg1: memref<10000x128xf32, #tpu.memory_space<vmem>>, %arg2: memref<10000x1xf32, #tpu.memory_space<vmem>>, %arg3: memref<128x128xf32, #tpu.memory_space<vmem>>, %arg4: memref<128xf32, #tpu.memory_space<vmem>>, %arg5: memref<128xf32, #tpu.memory_space<vmem>>, %arg6: memref<128xf32, #tpu.memory_space<vmem>>, %arg7: memref<128x64xf32, #tpu.memory_space<vmem>>, %arg8: memref<10000x64xf32, #tpu.memory_space<vmem>>) attributes {dimension_semantics = [], scalar_prefetch = 0 : i64, scratch_operands = 0 : i64, tpu.core_type = #tpu.core_type<tc>} {
    %get3A = arith.constant 0 : index
    %get3A_0 = arith.constant 0 : index
    %get3A_1 = vector.load %arg2[%get3A, %get3A_0] : memref<10000x1xf32, #tpu.memory_space<vmem>>, vector<10000x1xf32>
    %get3A_2 = arith.constant 0 : index
    %get3A_3 = arith.constant 0 : index
    %get3A_4 = arith.constant 0 : index
    %get3A_5 = vector.load %arg0[%get3A_2, %get3A_3, %get3A_4] : memref<2x10240x128xf32, #tpu.memory_space<vmem>>, vector<1x10000x128xf32>
    %get3A_6 = vector.shape_cast %get3A_5 : vector<1x10000x128xf32> to vector<10000x128xf32>
    %get3A_7 = arith.constant 1 : index
    %get3A_8 = arith.constant 0 : index
    %get3A_9 = arith.constant 0 : index
    %get3A_10 = vector.load %arg0[%get3A_7, %get3A_8, %get3A_9] : memref<2x10240x128xf32, #tpu.memory_space<vmem>>, vector<1x10000x128xf32>
    %get3A_11 = vector.shape_cast %get3A_10 : vector<1x10000x128xf32> to vector<10000x128xf32>
    %add3A = arith.addf %get3A_6, %get3A_11 : vector<10000x128xf32>
    %get3A_12 = arith.constant 0 : index
    %get3A_13 = arith.constant 0 : index
    %get3A_14 = vector.load %arg1[%get3A_12, %get3A_13] : memref<10000x128xf32, #tpu.memory_space<vmem>>, vector<10000x128xf32>
    %add3A_15 = arith.addf %add3A, %get3A_14 : vector<10000x128xf32>
    %mul3A = vector.broadcast %get3A_1 : vector<10000x1xf32> to vector<10000x128xf32>
    %mul3A_16 = arith.mulf %add3A_15, %mul3A : vector<10000x128xf32>
    %get3A_17 = arith.constant 0 : index
    %get3A_18 = arith.constant 0 : index
    %get3A_19 = vector.load %arg3[%get3A_17, %get3A_18] : memref<128x128xf32, #tpu.memory_space<vmem>>, vector<128x128xf32>
    %dot_general3A = arith.constant dense<0.000000e+00> : vector<10000x128xf32>
    %dot_general3A_20 = tpu.matmul %mul3A_16, %get3A_19, %dot_general3A {dimension_numbers = #tpu.dot_dimension_numbers<[1], [0], [0], [1], [0, 0, 1, 1], [], []>, transpose_lhs_hint = false} : vector<10000x128xf32>, vector<128x128xf32>, vector<10000x128xf32> -> vector<10000x128xf32>
    %get3A_21 = arith.constant 0 : index
    %get3A_22 = vector.load %arg4[%get3A_21] : memref<128xf32, #tpu.memory_space<vmem>>, vector<128xf32>
    %broadcast_in_dim3A = vector.shape_cast %get3A_22 : vector<128xf32> to vector<1x128xf32>
    %add3A_23 = vector.broadcast %broadcast_in_dim3A : vector<1x128xf32> to vector<10000x128xf32>
    %add3A_24 = arith.addf %dot_general3A_20, %add3A_23 : vector<10000x128xf32>
    %reduce_sum3A = arith.constant dense<0.000000e+00> : vector<128xf32>
    %reduce_sum3A_25 = vector.multi_reduction <add>, %add3A_24, %reduce_sum3A [0] : vector<10000x128xf32> to vector<128xf32>
    %broadcast_in_dim3A_26 = vector.shape_cast %reduce_sum3A_25 : vector<128xf32> to vector<1x128xf32>
    %div3A = arith.constant 1.000000e+04 : f32
    %div3A_27 = vector.broadcast %div3A : f32 to vector<1x128xf32>
    %div3A_28 = arith.divf %broadcast_in_dim3A_26, %div3A_27 : vector<1x128xf32>
    %sub3A = vector.broadcast %div3A_28 : vector<1x128xf32> to vector<10000x128xf32>
    %sub3A_29 = arith.subf %add3A_24, %sub3A : vector<10000x128xf32>
    %mul3A_30 = arith.mulf %sub3A_29, %sub3A_29 : vector<10000x128xf32>
    %reduce_sum3A_31 = arith.constant dense<0.000000e+00> : vector<128xf32>
    %reduce_sum3A_32 = vector.multi_reduction <add>, %mul3A_30, %reduce_sum3A_31 [0] : vector<10000x128xf32> to vector<128xf32>
    %broadcast_in_dim3A_33 = vector.shape_cast %reduce_sum3A_32 : vector<128xf32> to vector<1x128xf32>
    %div3A_34 = arith.constant 1.000000e+04 : f32
    %div3A_35 = vector.broadcast %div3A_34 : f32 to vector<1x128xf32>
    %div3A_36 = arith.divf %broadcast_in_dim3A_33, %div3A_35 : vector<1x128xf32>
    %add3A_37 = arith.constant 9.99999974E-6 : f32
    %add3A_38 = vector.broadcast %add3A_37 : f32 to vector<1x128xf32>
    %add3A_39 = arith.addf %div3A_36, %add3A_38 : vector<1x128xf32>
    %rsqrt3A = math.rsqrt %add3A_39 : vector<1x128xf32>
    %mul3A_40 = vector.broadcast %rsqrt3A : vector<1x128xf32> to vector<10000x128xf32>
    %mul3A_41 = arith.mulf %sub3A_29, %mul3A_40 : vector<10000x128xf32>
    %get3A_42 = arith.constant 0 : index
    %get3A_43 = vector.load %arg5[%get3A_42] : memref<128xf32, #tpu.memory_space<vmem>>, vector<128xf32>
    %broadcast_in_dim3A_44 = vector.shape_cast %get3A_43 : vector<128xf32> to vector<1x128xf32>
    %mul3A_45 = vector.broadcast %broadcast_in_dim3A_44 : vector<1x128xf32> to vector<10000x128xf32>
    %mul3A_46 = arith.mulf %mul3A_41, %mul3A_45 : vector<10000x128xf32>
    %get3A_47 = arith.constant 0 : index
    %get3A_48 = vector.load %arg6[%get3A_47] : memref<128xf32, #tpu.memory_space<vmem>>, vector<128xf32>
    %broadcast_in_dim3A_49 = vector.shape_cast %get3A_48 : vector<128xf32> to vector<1x128xf32>
    %add3A_50 = vector.broadcast %broadcast_in_dim3A_49 : vector<1x128xf32> to vector<10000x128xf32>
    %add3A_51 = arith.addf %mul3A_46, %add3A_50 : vector<10000x128xf32>
    %max3A = arith.constant 0.000000e+00 : f32
    %max3A_52 = vector.broadcast %max3A : f32 to vector<10000x128xf32>
    %max3A_53 = arith.maximumf %add3A_51, %max3A_52 : vector<10000x128xf32>
    %get3A_54 = arith.constant 0 : index
    %get3A_55 = arith.constant 0 : index
    %get3A_56 = vector.load %arg7[%get3A_54, %get3A_55] : memref<128x64xf32, #tpu.memory_space<vmem>>, vector<128x64xf32>
    %dot_general3A_57 = arith.constant dense<0.000000e+00> : vector<10000x64xf32>
    %dot_general3A_58 = tpu.matmul %max3A_53, %get3A_56, %dot_general3A_57 {dimension_numbers = #tpu.dot_dimension_numbers<[1], [0], [0], [1], [0, 0, 1, 1], [], []>, transpose_lhs_hint = false} : vector<10000x128xf32>, vector<128x64xf32>, vector<10000x64xf32> -> vector<10000x64xf32>
    %mul3A_59 = vector.broadcast %get3A_1 : vector<10000x1xf32> to vector<10000x64xf32>
    %mul3A_60 = arith.mulf %dot_general3A_58, %mul3A_59 : vector<10000x64xf32>
    %swap3A = arith.constant 0 : index
    %swap3A_61 = arith.constant 0 : index
    %swap3A_62 = vector.load %arg8[%swap3A, %swap3A_61] : memref<10000x64xf32, #tpu.memory_space<vmem>>, vector<10000x64xf32>
    tpu.vector_store %arg8[%swap3A, %swap3A_61], %mul3A_60 {strides = array<i32>} : memref<10000x64xf32, #tpu.memory_space<vmem>>, vector<10000x64xf32>,
    return
  }
}

module attributes {stable_mosaic.version = 14 : i64} {
  func.func @body(%arg0: memref<2x10240x64xf32, #tpu.memory_space<vmem>>, %arg1: memref<10000x64xf32, #tpu.memory_space<vmem>>, %arg2: memref<10000x1xf32, #tpu.memory_space<vmem>>, %arg3: memref<64xf32, #tpu.memory_space<vmem>>, %arg4: memref<10000x40xf32, #tpu.memory_space<vmem>>) attributes {dimension_semantics = [], scalar_prefetch = 0 : i64, scratch_operands = 0 : i64, tpu.core_type = #tpu.core_type<tc>} {
    %get3A = arith.constant 0 : index
    %get3A_0 = arith.constant 0 : index
    %get3A_1 = arith.constant 0 : index
    %get3A_2 = vector.load %arg0[%get3A, %get3A_0, %get3A_1] : memref<2x10240x64xf32, #tpu.memory_space<vmem>>, vector<1x10000x64xf32>
    %get3A_3 = vector.shape_cast %get3A_2 : vector<1x10000x64xf32> to vector<10000x64xf32>
    %get3A_4 = arith.constant 1 : index
    %get3A_5 = arith.constant 0 : index
    %get3A_6 = arith.constant 0 : index
    %get3A_7 = vector.load %arg0[%get3A_4, %get3A_5, %get3A_6] : memref<2x10240x64xf32, #tpu.memory_space<vmem>>, vector<1x10000x64xf32>
    %get3A_8 = vector.shape_cast %get3A_7 : vector<1x10000x64xf32> to vector<10000x64xf32>
    %add3A = arith.addf %get3A_3, %get3A_8 : vector<10000x64xf32>
    %get3A_9 = arith.constant 0 : index
    %get3A_10 = arith.constant 0 : index
    %get3A_11 = vector.load %arg1[%get3A_9, %get3A_10] : memref<10000x64xf32, #tpu.memory_space<vmem>>, vector<10000x64xf32>
    %add3A_12 = arith.addf %add3A, %get3A_11 : vector<10000x64xf32>
    %get3A_13 = arith.constant 0 : index
    %get3A_14 = arith.constant 0 : index
    %get3A_15 = vector.load %arg2[%get3A_13, %get3A_14] : memref<10000x1xf32, #tpu.memory_space<vmem>>, vector<10000x1xf32>
    %mul3A = vector.broadcast %get3A_15 : vector<10000x1xf32> to vector<10000x64xf32>
    %mul3A_16 = arith.mulf %add3A_12, %mul3A : vector<10000x64xf32>
    %get3A_17 = arith.constant 0 : index
    %get3A_18 = vector.load %arg3[%get3A_17] : memref<64xf32, #tpu.memory_space<vmem>>, vector<64xf32>
    %broadcast_in_dim3A = vector.shape_cast %get3A_18 : vector<64xf32> to vector<1x64xf32>
    %add3A_19 = vector.broadcast %broadcast_in_dim3A : vector<1x64xf32> to vector<10000x64xf32>
    %add3A_20 = arith.addf %mul3A_16, %add3A_19 : vector<10000x64xf32>
    %iota3A = tpu.iota {dimensions = array<i32: 1>} : vector<10000x64xi32>
    %lt3A = arith.constant 40 : i32
    %lt3A_21 = vector.broadcast %lt3A : i32 to vector<10000x64xi32>
    %lt3A_22 = arith.cmpi slt, %iota3A, %lt3A_21 : vector<10000x64xi32>
    %jit3A = arith.constant -1.000000e+30 : f32
    %broadcast_in_dim3A_23 = vector.broadcast %jit3A : f32 to vector<10000x64xf32>
    %select_n3A = arith.select %lt3A_22, %add3A_20, %broadcast_in_dim3A_23 : vector<10000x64xi1>, vector<10000x64xf32>
    %reduce_max3A = arith.constant dense<0xFF800000> : vector<10000xf32>
    %reduce_max3A_24 = vector.multi_reduction <maximumf>, %select_n3A, %reduce_max3A [1] : vector<10000x64xf32> to vector<10000xf32>
    %broadcast_in_dim3A_25 = vector.shape_cast %reduce_max3A_24 : vector<10000xf32> to vector<10000x1xf32>
    %sub3A = vector.broadcast %broadcast_in_dim3A_25 : vector<10000x1xf32> to vector<10000x64xf32>
    %sub3A_26 = arith.subf %add3A_20, %sub3A : vector<10000x64xf32>
    %exp3A = math.exp %sub3A_26 : vector<10000x64xf32>
    %jit3A_27 = arith.constant 0.000000e+00 : f32
    %broadcast_in_dim3A_28 = vector.broadcast %jit3A_27 : f32 to vector<10000x64xf32>
    %select_n3A_29 = arith.select %lt3A_22, %exp3A, %broadcast_in_dim3A_28 : vector<10000x64xi1>, vector<10000x64xf32>
    %reduce_sum3A = arith.constant dense<0.000000e+00> : vector<10000xf32>
    %reduce_sum3A_30 = vector.multi_reduction <add>, %select_n3A_29, %reduce_sum3A [1] : vector<10000x64xf32> to vector<10000xf32>
    %broadcast_in_dim3A_31 = vector.shape_cast %reduce_sum3A_30 : vector<10000xf32> to vector<10000x1xf32>
    %log3A = math.log %broadcast_in_dim3A_31 : vector<10000x1xf32>
    %add3A_32 = arith.addf %log3A, %broadcast_in_dim3A_25 : vector<10000x1xf32>
    %sub3A_33 = vector.broadcast %add3A_32 : vector<10000x1xf32> to vector<10000x64xf32>
    %sub3A_34 = arith.subf %add3A_20, %sub3A_33 : vector<10000x64xf32>
    %slice3A = vector.extract_strided_slice %sub3A_34 {offsets = [0, 0], sizes = [10000, 40], strides = [1, 1]} : vector<10000x64xf32> to vector<10000x40xf32>
    %swap3A = arith.constant 0 : index
    %swap3A_35 = arith.constant 0 : index
    %swap3A_36 = vector.load %arg4[%swap3A, %swap3A_35] : memref<10000x40xf32, #tpu.memory_space<vmem>>, vector<10000x40xf32>
    tpu.vector_store %arg4[%swap3A, %swap3A_35], %slice3A {strides = array<i32>} : memref<10000x40xf32, #tpu.memory_space<vmem>>, vector<10000x40xf32>,
    return
  }
}

</mosaic_0001>

<sc_bundles>
// kernel: kernel.10.cloned.1.call-start
scs
__scs_entry_jumppad:
0x0: {  	(pc) =	sbr.rel $0x88, $3  }
0x1: {  	(tag) =	ssettag $0x0;
	lr =	simm.s32 $0x1  }
0x2: {  	[smem:$0x3F95] =	sst lr;
	_ =	strace $0xD0000000  }
0x3: {  	_ = 	snop  }
0x4: {  	_ = 	snop  }
0x5: {  	_ = 	snop  }
0x6: {  	_ = 	snop  }
0x7: {  	_ = 	snop  }
__scs_overlays_trampoline_lowered:
0x8: {  	[smem:$0x3FA4] =	sst s0  }
0x9: {  	[smem:$0x3FA5] =	sst s1  }
0xa: {  	[smem:$0x3FA6] =	sst s2  }
0xb: {  	[smem:$0x3FA7] =	sst s3  }
0xc: {  	[smem:$0x3FA8] =	sst s4  }
0xd: {  	[smem:$0x3FA9] =	sst s5  }
0xe: {  	[smem:$0x3FAA] =	sst s6  }
0xf: {  	[smem:$0x3FAB] =	sst s7  }
0x10: {  	[smem:$0x3FAC] =	sst s8  }
0x11: {  	[smem:$0x3FAD] =	sst s9;
	s0 =	simm.s32 @!p0 $0x0  }
0x12: {  	s1 =	sld [smem:$0x3F93];
	s0 =	simm.s32 @p0 $0x1  }
0x13: {  	[smem:$0x3FAE] =	sst s0;
	s0 =	simm.s32 @!p1 $0x0  }
0x14: {  	s2 =	sld [smem:$0x3F92];
	s0 =	simm.s32 @p1 $0x1  }
0x15: {  	[smem:$0x3FAF] =	sst s0;
	s0 =	simm.s32 @!p2 $0x0  }
0x16: {  	s3 =	sld [smem:$0x3FDB];
	s0 =	simm.s32 @p2 $0x1  }
0x17: {  	s4 =	simm.s32 $0x1BF5;
	[smem:$0x3FB1] =	sst s0  }
0x18: {  	s0 =	sld [smem:$0x3F94];
	_ =	swait.ge [sflag:s4], $0x0  }
0x19: {  	s7 =	sld [smem:$0x3F95]  }
0x1a: {  	s8 =	sadd.s32 $0xFFFFE003, lr  }
0x1b: {  	s9 =	sadd.s32 $0xFFFFFEF7, lr;
	s5 =	simm.s32 $0xFFFFFFFF;
	p2 =	slt.u32 s8, $0xFFFFF086  }
0x1c: {  	p1 =	slt.u32 s9, $0xF7A;
	s5 =	simm.s32 @!p2 $0x0  }
0x1d: {  	s5 =	simm.s32 @p1 $0x1;
	p0 =	seq.s32 s7, s2  }
0x1e: {  	s7 =	smul.u32 @!p0 $0xF7A, s2;
	p2 =	seq.s32 @!p0 s5, $0x0  }
0x1f: {  	s9 =	smul.u32 $0xF7A, s1;
	s8 =	simm.s32 @!p0 $0x1BF5;
	p2 =	por !p2, p0  }
0x20: {  	[sflag:s8] =	ssyncset.s32 @!p0 $0xFFFFF086;
	s6 =	sadd.s32 @!p0 s3, s7;
	s7 =	simm.s32 @!p0 $0x108  }
0x21: {  	s3 =	sadd.s32 s3, s9;
	s6 =	sadd.s32 @!p0 $0x88, s6;
	s7 =	simm.s32 @p2 $0x1082  }
0x22: {  	[simem:s7], [sflag:s8] =	dma.local @!p0 [hbm:s6], $0xF7A  }
0x23: {  	s9 =	sor.u32 $0xD0000000, s2;
	s6 =	simm.s32 $0x108;
	_ =	swait.ge @!p0 [sflag:s8], $0x0  }
0x24: {  	s3 =	sadd.s32 $0x88, s3;
	s6 =	simm.s32 @!p1 $0x1082;
	[sflag:s4] =	ssyncset.s32 $0xFFFFF086  }
0x25: {  	[simem:s6], [sflag:s4] =	dma.local [hbm:s3], $0xF7A  }
0x26: {  	[smem:$0x3F95] =	sst s1;
	(tag) =	ssettag s2;
	_ =	strace s9  }
0x27: {  	s1 =	sld [smem:$0x3FA5]  }
0x28: {  	s2 =	sld [smem:$0x3FA6]  }
0x29: {  	s4 =	sld [smem:$0x3FA8]  }
0x2a: {  	p0 =	seq.s32 s5, $0x0;
	s5 =	sld [smem:$0x3FA9]  }
0x2b: {  	s6 =	sld [smem:$0x3FAA]  }
0x2c: {  	s7 =	sld [smem:$0x3FAB]  }
0x2d: {  	s3 =	simm.s32 $0x108;
	s8 =	sld [smem:$0x3FAC]  }
0x2e: {  	s3 =	simm.s32 @!p0 $0x1082;
	s9 =	sld [smem:$0x3FAD]  }
0x2f: {  	lr =	sadd.s32 s0, s3;
	s0 =	sld [smem:$0x3FA4]  }
0x30: {  	s3 =	sld [smem:$0x3FA7]  }
0x31: {  	[smem:$0x3FB0] =	sst s10  }
0x32: {  	s10 =	sld [smem:$0x3FAE];
	_ =	sdelay $0x3  }
0x33: {  	p0 =	seq.s32 s10, $0x1;
	s10 =	sld [smem:$0x3FB0];
	_ =	sdelay $0x3  }
0x34: {  	[smem:$0x3FB0] =	sst s10  }
0x35: {  	s10 =	sld [smem:$0x3FAF];
	_ =	sdelay $0x3  }
0x36: {  	p1 =	seq.s32 s10, $0x1;
	s10 =	sld [smem:$0x3FB0];
	_ =	sdelay $0x3  }
0x37: {  	[smem:$0x3FB0] =	sst s10  }
0x38: {  	s10 =	sld [smem:$0x3FB1]  }
0x39: {  	_ = 	snop;
	(pc) =	sbr.ind lr, $3  }
0x3a: {  	_ = 	snop  }
0x3b: {  	_ = 	snop  }
0x3c: {  	p2 =	seq.s32 s10, $0x1;
	s10 =	sld [smem:$0x3FB0]  }
0x3d: {  	_ =	shalt  }
0x3e: {  	_ =	shalt  }
0x3f: {  	_ =	shalt  }
0x40: {  	_ =	shalt  }
0x41: {  	_ =	shalt  }
0x42: {  	_ =	shalt  }
0x43: {  	_ =	shalt  }
0x44: {  	_ =	shalt  }
0x45: {  	_ =	shalt  }
0x46: {  	_ =	shalt  }
0x47: {  	_ =	shalt  }
0x48: {  	_ =	shalt  }
0x49: {  	_ =	shalt  }
0x4a: {  	_ =	shalt  }
0x4b: {  	_ =	shalt  }
0x4c: {  	_ =	shalt  }
0x4d: {  	_ =	shalt  }
0x4e: {  	_ =	shalt  }
0x4f: {  	_ =	shalt  }
0x50: {  	_ =	shalt  }
0x51: {  	_ =	shalt  }
0x52: {  	_ =	shalt  }
0x53: {  	_ =	shalt  }
0x54: {  	_ =	shalt  }
0x55: {  	_ =	shalt  }
0x56: {  	_ =	shalt  }
0x57: {  	_ =	shalt  }
0x58: {  	_ =	shalt  }
0x59: {  	_ =	shalt  }
0x5a: {  	_ =	shalt  }
0x5b: {  	_ =	shalt  }
0x5c: {  	_ =	shalt  }
0x5d: {  	_ =	shalt  }
0x5e: {  	_ =	shalt  }
0x5f: {  	_ =	shalt  }
0x60: {  	_ =	shalt  }
0x61: {  	_ =	shalt  }
0x62: {  	_ =	shalt  }
0x63: {  	_ =	shalt  }
0x64: {  	_ =	shalt  }
0x65: {  	_ =	shalt  }
0x66: {  	_ =	shalt  }
0x67: {  	_ =	shalt  }
0x68: {  	_ =	shalt  }
0x69: {  	_ =	shalt  }
0x6a: {  	_ =	shalt  }
0x6b: {  	_ =	shalt  }
0x6c: {  	_ =	shalt  }
0x6d: {  	_ =	shalt  }
0x6e: {  	_ =	shalt  }
0x6f: {  	_ =	shalt  }
0x70: {  	_ =	shalt  }
0x71: {  	_ =	shalt  }
0x72: {  	_ =	shalt  }
0x73: {  	_ =	shalt  }
0x74: {  	_ =	shalt  }
0x75: {  	_ =	shalt  }
0x76: {  	_ =	shalt  }
0x77: {  	_ =	shalt  }
0x78: {  	_ =	shalt  }
0x79: {  	_ =	shalt  }
0x7a: {  	_ =	shalt  }
0x7b: {  	_ =	shalt  }
0x7c: {  	_ =	shalt  }
0x7d: {  	_ =	shalt  }
0x7e: {  	_ =	shalt  }
0x7f: {  	_ =	shalt  }
0x80: {  	_ =	shalt  }
0x81: {  	_ =	shalt  }
0x82: {  	_ =	shalt  }
0x83: {  	_ =	shalt  }
0x84: {  	_ =	shalt  }
0x85: {  	_ =	shalt  }
0x86: {  	_ =	shalt  }
0x87: {  	_ =	shalt  }
.Lfunc_end0:
.L_simem_size_0:
called_computation_lowered:
.L_overlay_start_0:
0x88: {  	s2 =	sld [smem:$0x3FD9]  }
0x89: {  	s3 =	sld [smem:$0x3FFE];
	_ =	sdelay $0x1  }
0x8a: {  	s1 =	srdreg.scid  }
0x8b: {  	s0 =	sand.u32 $0x1, s1  }
0x8c: {  	s17 =	sshll.u32 s0, $0xA;
	s2 =	sadd.s32 s3, s2  }
0x8d: {  	s2 =	sadd.s32 s2, s17  }
0x8e: {  	[smem:$0x3FBC] =	sst s2  }
0x8f: {  	_ = 	snop  }
0x90: {  	s2 =	sld [smem:$0x3FD0];
	(tm) =	ssettm $0x1  }
0x91: {  	s18 =	sld [smem:$0x3FFB];
	_ =	sdelay $0x3  }
0x92: {  	_ =	strace s18  }
0x93: {  	s3 =	sld [smem:$0x3FFC];
	_ =	sdelay $0x3  }
0x94: {  	_ =	strace s3  }
0x95: {  	s3 =	sld [smem:$0x3FFD];
	_ =	sdelay $0x3  }
0x96: {  	_ =	strace s3  }
0x97: {  	_ =	strace $0x8FFFFFFF  }
0x98: {  	s19 =	sld [smem:$0x3FDB];
	_ =	sdelay $0x1  }
0x99: {  	s4 =	simm.s32 $_scs_section_size  }
0x9a: {  	s5 =	simm.s32 $_size__tile_overlayer_lowered;
	s6 =	simm.s32 $_tile_overlayer_lowered  }
0x9b: {  	s22 =	simm.s32 $0x1BFF;
	s21 =	sshll.u32 s6, $0x1;
	s3 =	sadd.s32 s4, s19  }
0x9c: {  	s7 =	simm.s32 $0x0;
	s20 =	sshll.u32 s5, $0x1;
	s5 =	sadd.s32 s21, s3  }
0x9d: {  	[timem:s7], [sflag:s22] =	dma.local [hbm:s5], s20  }
0x9e: {  	_ =	swait.ge [sflag:s22], s20  }
0x9f: {  	s4 =	ssub.s32 $0x0, s20;
	[sflag:s22] =	ssyncset.done $0x0  }
0xa0: {  	[sflag:s22] =	ssyncadd.s32 s4;
	_ =	sdelay $0x1  }
0xa1: {  	s23 =	simm.s32 $0x1B8B  }
0xa2: {  	_ =	swait.ge [sflag:s23], $0x1  }
0xa3: {  	[sflag:s23] =	ssyncset.done $0x0  }
0xa4: {  	s25 =	simm.s32 $0x1B8E;
	s24 =	sld [smem:$0x3FFE];
	[sflag:s23] =	ssyncadd.s32 $0xFFFFFFFF  }
0xa5: {  	s26 =	simm.s32 $execute0_lowered;
	[smem:$0x3FD2] =	sst s25  }
0xa6: {  	s5 =	sshll.u32 s26, $0x1;
	_ =	strace $0x80000046;
	[dreg:$0x1] =	wrdreg $0xFFFFFFFF  }
0xa7: {  	s28 =	simm.s32 $_size_execute0_lowered;
	s3 =	sadd.s32 s3, s5;
	[dreg:$0x0] =	wrdreg $0x0  }
0xa8: {  	s5 =	sshll.u32 s28, $0x1;
	[dreg:$0x2] =	wrdreg s3  }
0xa9: {  	[dreg:$0x3] =	wrdreg s5  }
0xaa: {  	[dreg:$0x4] =	wrdreg $0xC0  }
0xab: {  	_ =	task [dreg:s7], $0x5FFFF  }
0xac: {  	[dreg:$0x1] =	wrdreg $0xFFFFFFFF  }
0xad: {  	[dreg:$0x0] =	wrdreg $0x60  }
0xae: {  	[dreg:$0x2] =	wrdreg s2  }
0xaf: {  	[dreg:$0x3] =	wrdreg s24  }
0xb0: {  	[dreg:$0x4] =	wrdreg $0x10000  }
0xb1: {  	[dreg:$0x5] =	wrdreg $0x9  }
0xb2: {  	_ =	task.clear_ibuf [dreg:s7], $0x6FFFF;
	_ =	strace $0x90000046  }
0xb3: {  	s29 =	simm.s32 $0x9;
	_ =	strace $0x80000048  }
0xb4: {  	_ =	swait.ge [sflag:s29], $0x1  }
0xb5: {  	[sflag:s29] =	ssyncadd.s32 $0xFFFFFFFF  }
0xb6: {  	_ =	strace $0x90000048  }
0xb7: {  	_ =	sfence  }
0xb8: {  	s30 =	sld [smem:$0x0];
	_ =	sdelay $0x2  }
0xb9: {  	s31 =	sshll.u32 s1, $0xD;
	s1 =	sshrl.u32 s1, $0x2  }
0xba: {  	s3 =	sand.u32 $0x4000, s31;
	s1 =	sadd.s32 s1, s30  }
0xbb: {  	s0 =	sor.u32 s3, s0;
	s1 =	sshll.u32 s1, $0x11  }
0xbc: {  	s0 =	sor.u32 s1, s0  }
0xbd: {  	s0 =	sadd.s32 $0x8F2B, s0  }
0xbe: {  	[sflag:s0] =	ssyncadd.remote.s32 $0x1  }
0xbf: {  	_ =	sfence.sel $0xFFFF  }
0xc0: {  	[dreg:$0x0] =	wrdreg $0xFFFFFFFF;
	(pc) =	sbr.abs _section_cstart, $3  }
0xc1: {  	[dreg:$0x1] =	wrdreg $0xFFFFFFFF  }
0xc2: {  	_ =	task.clear_ibuf [dreg:s7], $0x2FFFF;
	_ =	strace $0x9FFFFFFF  }
0xc3: {  	(tm) =	ssettm $0x7FFFFFFF  }
tec
execute0_lowered:
.L_overlay_start_1:
0x0: {  	(tag) =	ssettag $0x1  }
0x1: {  	s5 =	rddreg [dreg:$0x0]  }
0x2: {  	s10 =	rddreg [dreg:$0x1]  }
0x3: {  	s1 =	rddreg [dreg:$0x2]  }
0x4: {  	s2 =	srdreg.scid;
	s0 =	rddreg [dreg:$0x3]  }
0x5: {  	s3 =	simm.s32 $0x0;
	s12 =	simm.s32 $0x4E00;
	s13 =	simm.s32 $0x1  }
0x6: {  	s14 =	simm.s32 $0x7D0;
	s17 =	simm.s32 $0x0;
	s6 =	sand.u32 $0x1, s2  }
0x7: {  	s2 =	stileid.u32;
	[smem:$0x7FF] =	sst s3;
	s4 =	sshll.u32 s6, $0x4  }
0x8: {  	s7 =	ssub.s32 $0x2, s6;
	s8 =	smul.u32 $0x280, s2;
	_ =	strace $0x80000047  }
0x9: {  	p0 =	seq.s32 s6, $0x1;
	s15 =	sshll.u32 s2, $0x6;
	s4 =	sor.u32 s2, s4  }
0xa: {  	s9 =	sshrl.u32 s7, $0x1;
	s12 =	simm.s32 @!p0 $0x4800;
	s11 =	smul.u32 $0x2710, s4  }
0xb: {  	s15 =	sor.u32 $0x1C01, s15;
	s7 =	ssub.s32 s7, s9;
	s4 =	sadd.s32 s8, s1  }
0xc: {  	s31 =	sshrl.u32 s8, $0x3;
	s12 =	sadd.s32 s12, s10;
	s30 =	sshrl.u32 s11, $0x3  }
0xd: {  	s6 =	smax.u32 s7, $0x1;
	s16 =	sshrl.u32 s4, $0x3;
	s5 =	sadd.s32 s5, s30  }
0xe: {  	s11 =	sadd.s32 s12, s31;
	s12 =	simm.s32 $0x800;
	s7 =	sadd.s32 $0xFA, s5  }
0xf: {  	v0 =	vimm.f32 $0.0e+00;
	v1 =	vimm.f32 $1.000000000e+00;
	s8 =	sadd.s32 $0x1F4, s5;
	s9 =	sadd.s32 $0x2EE, s5;
	s10 =	sadd.s32 $0x3E8, s5  }
.LBB2_1:
0x10: {  	p0 =	por $0x1, $0x1  }
0x11: {  	v2 =	vpsel !p0, $0x3F800000, v0  }
0x12: {  	s18 =	simm.s32 $0x1;
	s19 =	simm.s32 $0x800;
	[tilespmem:s12+$0x0] =	vst v2  }
.LBB2_2:
0x13: {  	p1 =	sne.s32 s18, $0x7C  }
.Ltmp0:
0x14: {  	_ = 	snop;
	(pc) =	sbr.rel @p1 .LBB2_2-.Ltmp0, $4  }
0x15: {  	_ = 	snop  }
0x16: {  	p0 =	slt.u32 s18, $0x28;
	s18 =	sadd.s32 $0x1, s18  }
0x17: {  	s19 =	sadd.s32 $0x10, s19;
	v2 =	vpsel !p0, $0x3F800000, v0  }
0x18: {  	[tilespmem:s19+$0x0] =	vst v2  }
0x19: {  	[spmem:s4] =	stream.linear.scatter [tilespmem:s12], [sflag:$0x1], $0x280, $0x38;
	[tilespmem:$0x1280] =	vst v63  }
0x1a: {  	_ =	swait.ge [sflag:s13], $0x280  }
0x1b: {  	[sflag:s13] =	ssyncset.done $0x0  }
0x1c: {  	[sflag:s13] =	ssyncadd.s32 $0xFFFFFD80  }
0x1d: {  	[bflag:$0x0] =	sbarrier.arrive $0xFFFF  }
0x1e: {  	[tilespmem:$0x800] =	vst v1  }
0x1f: {  	[tilespmem:$0x810] =	vst v1  }
0x20: {  	[tilespmem:$0x820] =	vst v1  }
0x21: {  	[tilespmem:$0x830] =	vst v1  }
0x22: {  	[tilespmem:$0x840] =	vst v1  }
0x23: {  	[tilespmem:$0x850] =	vst v1  }
0x24: {  	[tilespmem:$0x860] =	vst v1  }
0x25: {  	[tilespmem:$0x870] =	vst v1  }
0x26: {  	[tilespmem:$0x880] =	vst v1  }
0x27: {  	[tilespmem:$0x890] =	vst v1  }
0x28: {  	[tilespmem:$0x8A0] =	vst v1  }
0x29: {  	[tilespmem:$0x8B0] =	vst v1  }
0x2a: {  	[tilespmem:$0x8C0] =	vst v1  }
0x2b: {  	[tilespmem:$0x8D0] =	vst v1  }
0x2c: {  	[tilespmem:$0x8E0] =	vst v1  }
0x2d: {  	[tilespmem:$0x8F0] =	vst v1  }
0x2e: {  	[tilespmem:$0x900] =	vst v1  }
0x2f: {  	[tilespmem:$0x910] =	vst v1  }
0x30: {  	[tilespmem:$0x920] =	vst v1  }
0x31: {  	[tilespmem:$0x930] =	vst v1  }
0x32: {  	[tilespmem:$0x940] =	vst v1  }
0x33: {  	[tilespmem:$0x950] =	vst v1  }
0x34: {  	[tilespmem:$0x960] =	vst v1  }
0x35: {  	[tilespmem:$0x970] =	vst v1  }
0x36: {  	[tilespmem:$0x980] =	vst v1  }
0x37: {  	[tilespmem:$0x990] =	vst v1  }
0x38: {  	[tilespmem:$0x9A0] =	vst v1  }
0x39: {  	[tilespmem:$0x9B0] =	vst v1  }
0x3a: {  	[tilespmem:$0x9C0] =	vst v1  }
0x3b: {  	[tilespmem:$0x9D0] =	vst v1  }
0x3c: {  	[tilespmem:$0x9E0] =	vst v1  }
0x3d: {  	[tilespmem:$0x9F0] =	vst v1  }
0x3e: {  	[tilespmem:$0xA00] =	vst v1  }
0x3f: {  	[tilespmem:$0xA10] =	vst v1  }
0x40: {  	[tilespmem:$0xA20] =	vst v1  }
0x41: {  	[tilespmem:$0xA30] =	vst v1  }
0x42: {  	[tilespmem:$0xA40] =	vst v1  }
0x43: {  	[tilespmem:$0xA50] =	vst v1  }
0x44: {  	[tilespmem:$0xA60] =	vst v1  }
0x45: {  	[tilespmem:$0xA70] =	vst v1  }
0x46: {  	[tilespmem:s3], [sflag:$0x1] =	stream.linear.gather [hbm4b:s5+s3], $0x7D0, $0x38;
	[tilespmem:$0x1280] =	vst v63  }
0x47: {  	_ =	swait.ge [sflag:s13], $0x7D0  }
0x48: {  	[sflag:s13] =	ssyncset.done $0x0  }
0x49: {  	[sflag:s13] =	ssyncadd.s32 $0xFFFFF830  }
0x4a: {  	[spmem:s1] =	stream.indirect.scatter.add.f32 [tilespmem:s12], [sflag:$0x1], $0x1, s3, s14, $0xb8;
	[tilespmem:$0x1280] =	vst v63  }
0x4b: {  	_ =	swait.ge [sflag:s13], $0x7D0  }
0x4c: {  	[sflag:s13] =	ssyncset.done $0x0  }
0x4d: {  	[sflag:s13] =	ssyncadd.s32 $0xFFFFF830  }
0x4e: {  	[tilespmem:s3], [sflag:$0x1] =	stream.linear.gather [hbm4b:s7+s3], $0x7D0, $0x38;
	[tilespmem:$0x1280] =	vst v63  }
0x4f: {  	_ =	swait.ge [sflag:s13], $0x7D0  }
0x50: {  	[sflag:s13] =	ssyncset.done $0x0  }
0x51: {  	[sflag:s13] =	ssyncadd.s32 $0xFFFFF830  }
0x52: {  	[spmem:s1] =	stream.indirect.scatter.add.f32 [tilespmem:s12], [sflag:$0x1], $0x1, s3, s14, $0xb8;
	[tilespmem:$0x1280] =	vst v63  }
0x53: {  	_ =	swait.ge [sflag:s13], $0x7D0  }
0x54: {  	[sflag:s13] =	ssyncset.done $0x0  }
0x55: {  	[sflag:s13] =	ssyncadd.s32 $0xFFFFF830  }
0x56: {  	[tilespmem:s3], [sflag:$0x1] =	stream.linear.gather [hbm4b:s8+s3], $0x7D0, $0x38;
	[tilespmem:$0x1280] =	vst v63  }
0x57: {  	_ =	swait.ge [sflag:s13], $0x7D0  }
0x58: {  	[sflag:s13] =	ssyncset.done $0x0  }
0x59: {  	[sflag:s13] =	ssyncadd.s32 $0xFFFFF830  }
0x5a: {  	[spmem:s1] =	stream.indirect.scatter.add.f32 [tilespmem:s12], [sflag:$0x1], $0x1, s3, s14, $0xb8;
	[tilespmem:$0x1280] =	vst v63  }
0x5b: {  	_ =	swait.ge [sflag:s13], $0x7D0  }
0x5c: {  	[sflag:s13] =	ssyncset.done $0x0  }
0x5d: {  	[sflag:s13] =	ssyncadd.s32 $0xFFFFF830  }
0x5e: {  	[tilespmem:s3], [sflag:$0x1] =	stream.linear.gather [hbm4b:s9+s3], $0x7D0, $0x38;
	[tilespmem:$0x1280] =	vst v63  }
0x5f: {  	_ =	swait.ge [sflag:s13], $0x7D0  }
0x60: {  	[sflag:s13] =	ssyncset.done $0x0  }
0x61: {  	[sflag:s13] =	ssyncadd.s32 $0xFFFFF830  }
0x62: {  	[spmem:s1] =	stream.indirect.scatter.add.f32 [tilespmem:s12], [sflag:$0x1], $0x1, s3, s14, $0xb8;
	[tilespmem:$0x1280] =	vst v63  }
0x63: {  	_ =	swait.ge [sflag:s13], $0x7D0  }
0x64: {  	[sflag:s13] =	ssyncset.done $0x0  }
0x65: {  	[sflag:s13] =	ssyncadd.s32 $0xFFFFF830  }
0x66: {  	[tilespmem:s3], [sflag:$0x1] =	stream.linear.gather [hbm4b:s10+s3], $0x7D0, $0x38;
	[tilespmem:$0x1280] =	vst v63  }
0x67: {  	_ =	swait.ge [sflag:s13], $0x7D0  }
0x68: {  	[sflag:s13] =	ssyncset.done $0x0  }
0x69: {  	[sflag:s13] =	ssyncadd.s32 $0xFFFFF830  }
0x6a: {  	[spmem:s1] =	stream.indirect.scatter.add.f32 [tilespmem:s12], [sflag:$0x1], $0x1, s3, s14, $0xb8;
	[tilespmem:$0x1280] =	vst v63  }
0x6b: {  	_ =	swait.ge [sflag:s13], $0x7D0  }
0x6c: {  	s17 =	sadd.s32 $0x1, s17;
	[sflag:s13] =	ssyncset.done $0x0  }
0x6d: {  	p0 =	sne.s32 s17, s6;
	[sflag:s13] =	ssyncadd.s32 $0xFFFFF830  }
.Ltmp1:
0x6e: {  	[bflag:$0x0] =	sbarrier.arrive $0xFFFF;
	(pc) =	sbr.rel @p0 .LBB2_1-.Ltmp1, $4  }
0x6f: {  	[hbm:s11], [sflag:s15] =	dma.local [spmem:s16], $0x50  }
0x70: {  	_ =	swait.ge [sflag:s13], $0x50  }
0x71: {  	[sflag:s13] =	ssyncset.done $0x0  }
0x72: {  	[sflag:s13] =	ssyncadd.s32 $0xFFFFFFB0  }
0x73: {  	_ =	sfence.sel $0x180000  }
0x74: {  	[bflag:$0x0] =	sbarrier.arrive $0xFFFF  }
0x75: {  	p0 =	sne.s32 s2, $0x0;
	_ =	strace $0x90000047  }
0x76: {  	s0 =	sadd.s32 @!p0 $0x100000, s0;
	[bflag:$0x2] =	sbarrier.arrive $0xFFFF  }
0x77: {  	[sflag:s0] =	ssyncadd.tile.s32 @!p0 $0x1;
	_ =	shalt  }
.Lfunc_end2:
_tile_overlayer_lowered:
.L_overlay_start_2:
0x78: {  	(tag) =	ssettag $0x2  }
0x79: {  	s0 =	rddreg [dreg:$0x0];
	s2 =	stileid.u32  }
0x7a: {  	s1 =	rddreg [dreg:$0x1];
	p0 =	sne.s32 s2, $0x0  }
0x7b: {  	s3 =	rddreg [dreg:$0x2];
	[bflag:$0x3] =	sbarrier.arrive $0xFFFF;
	s2 =	simm.s32 @!p0 $0x1C01  }
0x7c: {  	[timem:s3], [sflag:s2] =	dma.local @!p0 [hbm:s0], s1  }
0x7d: {  	s0 =	simm.s32 @!p0 $0x1  }
0x7e: {  	_ =	swait.ge @!p0 [sflag:s0], s1  }
0x7f: {  	s1 =	ssub.s32 @!p0 $0x0, s1;
	[sflag:s0] =	ssyncset.done @!p0 $0x0  }
0x80: {  	[sflag:s0] =	ssyncadd.s32 @!p0 s1  }
0x81: {  	[bflag:$0x3] =	sbarrier.arrive $0xFFFF  }
0x82: {  	_ =	shalt  }

// kernel: kernel.13.cloned.1.call-start
scs
__scs_entry_jumppad:
0x0: {  	(pc) =	sbr.rel $0x88, $3  }
0x1: {  	(tag) =	ssettag $0x0;
	lr =	simm.s32 $0x1  }
0x2: {  	[smem:$0x3F95] =	sst lr;
	_ =	strace $0xD0000000  }
0x3: {  	_ = 	snop  }
0x4: {  	_ = 	snop  }
0x5: {  	_ = 	snop  }
0x6: {  	_ = 	snop  }
0x7: {  	_ = 	snop  }
__scs_overlays_trampoline_lowered:
0x8: {  	[smem:$0x3FA4] =	sst s0  }
0x9: {  	[smem:$0x3FA5] =	sst s1  }
0xa: {  	[smem:$0x3FA6] =	sst s2  }
0xb: {  	[smem:$0x3FA7] =	sst s3  }
0xc: {  	[smem:$0x3FA8] =	sst s4  }
0xd: {  	[smem:$0x3FA9] =	sst s5  }
0xe: {  	[smem:$0x3FAA] =	sst s6  }
0xf: {  	[smem:$0x3FAB] =	sst s7  }
0x10: {  	[smem:$0x3FAC] =	sst s8  }
0x11: {  	[smem:$0x3FAD] =	sst s9;
	s0 =	simm.s32 @!p0 $0x0  }
0x12: {  	s1 =	sld [smem:$0x3F93];
	s0 =	simm.s32 @p0 $0x1  }
0x13: {  	[smem:$0x3FAE] =	sst s0;
	s0 =	simm.s32 @!p1 $0x0  }
0x14: {  	s2 =	sld [smem:$0x3F92];
	s0 =	simm.s32 @p1 $0x1  }
0x15: {  	[smem:$0x3FAF] =	sst s0;
	s0 =	simm.s32 @!p2 $0x0  }
0x16: {  	s3 =	sld [smem:$0x3FDB];
	s0 =	simm.s32 @p2 $0x1  }
0x17: {  	s4 =	simm.s32 $0x1BF5;
	[smem:$0x3FB1] =	sst s0  }
0x18: {  	s0 =	sld [smem:$0x3F94];
	_ =	swait.ge [sflag:s4], $0x0  }
0x19: {  	s7 =	sld [smem:$0x3F95]  }
0x1a: {  	s8 =	sadd.s32 $0xFFFFE003, lr  }
0x1b: {  	s9 =	sadd.s32 $0xFFFFFEF7, lr;
	s5 =	simm.s32 $0xFFFFFFFF;
	p2 =	slt.u32 s8, $0xFFFFF086  }
0x1c: {  	p1 =	slt.u32 s9, $0xF7A;
	s5 =	simm.s32 @!p2 $0x0  }
0x1d: {  	s5 =	simm.s32 @p1 $0x1;
	p0 =	seq.s32 s7, s2  }
0x1e: {  	s7 =	smul.u32 @!p0 $0xF7A, s2;
	p2 =	seq.s32 @!p0 s5, $0x0  }
0x1f: {  	s9 =	smul.u32 $0xF7A, s1;
	s8 =	simm.s32 @!p0 $0x1BF5;
	p2 =	por !p2, p0  }
0x20: {  	[sflag:s8] =	ssyncset.s32 @!p0 $0xFFFFF086;
	s6 =	sadd.s32 @!p0 s3, s7;
	s7 =	simm.s32 @!p0 $0x108  }
0x21: {  	s3 =	sadd.s32 s3, s9;
	s6 =	sadd.s32 @!p0 $0x88, s6;
	s7 =	simm.s32 @p2 $0x1082  }
0x22: {  	[simem:s7], [sflag:s8] =	dma.local @!p0 [hbm:s6], $0xF7A  }
0x23: {  	s9 =	sor.u32 $0xD0000000, s2;
	s6 =	simm.s32 $0x108;
	_ =	swait.ge @!p0 [sflag:s8], $0x0  }
0x24: {  	s3 =	sadd.s32 $0x88, s3;
	s6 =	simm.s32 @!p1 $0x1082;
	[sflag:s4] =	ssyncset.s32 $0xFFFFF086  }
0x25: {  	[simem:s6], [sflag:s4] =	dma.local [hbm:s3], $0xF7A  }
0x26: {  	[smem:$0x3F95] =	sst s1;
	(tag) =	ssettag s2;
	_ =	strace s9  }
0x27: {  	s1 =	sld [smem:$0x3FA5]  }
0x28: {  	s2 =	sld [smem:$0x3FA6]  }
0x29: {  	s4 =	sld [smem:$0x3FA8]  }
0x2a: {  	p0 =	seq.s32 s5, $0x0;
	s5 =	sld [smem:$0x3FA9]  }
0x2b: {  	s6 =	sld [smem:$0x3FAA]  }
0x2c: {  	s7 =	sld [smem:$0x3FAB]  }
0x2d: {  	s3 =	simm.s32 $0x108;
	s8 =	sld [smem:$0x3FAC]  }
0x2e: {  	s3 =	simm.s32 @!p0 $0x1082;
	s9 =	sld [smem:$0x3FAD]  }
0x2f: {  	lr =	sadd.s32 s0, s3;
	s0 =	sld [smem:$0x3FA4]  }
0x30: {  	s3 =	sld [smem:$0x3FA7]  }
0x31: {  	[smem:$0x3FB0] =	sst s10  }
0x32: {  	s10 =	sld [smem:$0x3FAE];
	_ =	sdelay $0x3  }
0x33: {  	p0 =	seq.s32 s10, $0x1;
	s10 =	sld [smem:$0x3FB0];
	_ =	sdelay $0x3  }
0x34: {  	[smem:$0x3FB0] =	sst s10  }
0x35: {  	s10 =	sld [smem:$0x3FAF];
	_ =	sdelay $0x3  }
0x36: {  	p1 =	seq.s32 s10, $0x1;
	s10 =	sld [smem:$0x3FB0];
	_ =	sdelay $0x3  }
0x37: {  	[smem:$0x3FB0] =	sst s10  }
0x38: {  	s10 =	sld [smem:$0x3FB1]  }
0x39: {  	_ = 	snop;
	(pc) =	sbr.ind lr, $3  }
0x3a: {  	_ = 	snop  }
0x3b: {  	_ = 	snop  }
0x3c: {  	p2 =	seq.s32 s10, $0x1;
	s10 =	sld [smem:$0x3FB0]  }
0x3d: {  	_ =	shalt  }
0x3e: {  	_ =	shalt  }
0x3f: {  	_ =	shalt  }
0x40: {  	_ =	shalt  }
0x41: {  	_ =	shalt  }
0x42: {  	_ =	shalt  }
0x43: {  	_ =	shalt  }
0x44: {  	_ =	shalt  }
0x45: {  	_ =	shalt  }
0x46: {  	_ =	shalt  }
0x47: {  	_ =	shalt  }
0x48: {  	_ =	shalt  }
0x49: {  	_ =	shalt  }
0x4a: {  	_ =	shalt  }
0x4b: {  	_ =	shalt  }
0x4c: {  	_ =	shalt  }
0x4d: {  	_ =	shalt  }
0x4e: {  	_ =	shalt  }
0x4f: {  	_ =	shalt  }
0x50: {  	_ =	shalt  }
0x51: {  	_ =	shalt  }
0x52: {  	_ =	shalt  }
0x53: {  	_ =	shalt  }
0x54: {  	_ =	shalt  }
0x55: {  	_ =	shalt  }
0x56: {  	_ =	shalt  }
0x57: {  	_ =	shalt  }
0x58: {  	_ =	shalt  }
0x59: {  	_ =	shalt  }
0x5a: {  	_ =	shalt  }
0x5b: {  	_ =	shalt  }
0x5c: {  	_ =	shalt  }
0x5d: {  	_ =	shalt  }
0x5e: {  	_ =	shalt  }
0x5f: {  	_ =	shalt  }
0x60: {  	_ =	shalt  }
0x61: {  	_ =	shalt  }
0x62: {  	_ =	shalt  }
0x63: {  	_ =	shalt  }
0x64: {  	_ =	shalt  }
0x65: {  	_ =	shalt  }
0x66: {  	_ =	shalt  }
0x67: {  	_ =	shalt  }
0x68: {  	_ =	shalt  }
0x69: {  	_ =	shalt  }
0x6a: {  	_ =	shalt  }
0x6b: {  	_ =	shalt  }
0x6c: {  	_ =	shalt  }
0x6d: {  	_ =	shalt  }
0x6e: {  	_ =	shalt  }
0x6f: {  	_ =	shalt  }
0x70: {  	_ =	shalt  }
0x71: {  	_ =	shalt  }
0x72: {  	_ =	shalt  }
0x73: {  	_ =	shalt  }
0x74: {  	_ =	shalt  }
0x75: {  	_ =	shalt  }
0x76: {  	_ =	shalt  }
0x77: {  	_ =	shalt  }
0x78: {  	_ =	shalt  }
0x79: {  	_ =	shalt  }
0x7a: {  	_ =	shalt  }
0x7b: {  	_ =	shalt  }
0x7c: {  	_ =	shalt  }
0x7d: {  	_ =	shalt  }
0x7e: {  	_ =	shalt  }
0x7f: {  	_ =	shalt  }
0x80: {  	_ =	shalt  }
0x81: {  	_ =	shalt  }
0x82: {  	_ =	shalt  }
0x83: {  	_ =	shalt  }
0x84: {  	_ =	shalt  }
0x85: {  	_ =	shalt  }
0x86: {  	_ =	shalt  }
0x87: {  	_ =	shalt  }
.Lfunc_end0:
.L_simem_size_0:
called_computation.1_lowered:
.L_overlay_start_0:
0x88: {  	s2 =	sld [smem:$0x3FD9]  }
0x89: {  	s3 =	sld [smem:$0x3FFE];
	_ =	sdelay $0x1  }
0x8a: {  	s1 =	srdreg.scid  }
0x8b: {  	s0 =	sand.u32 $0x1, s1  }
0x8c: {  	s16 =	sshll.u32 s0, $0xA;
	s2 =	sadd.s32 s3, s2  }
0x8d: {  	s2 =	sadd.s32 s2, s16  }
0x8e: {  	[smem:$0x3FBC] =	sst s2  }
0x8f: {  	_ = 	snop  }
0x90: {  	(tm) =	ssettm $0x1  }
0x91: {  	s17 =	sld [smem:$0x3FFB];
	_ =	sdelay $0x3  }
0x92: {  	_ =	strace s17  }
0x93: {  	s2 =	sld [smem:$0x3FFC];
	_ =	sdelay $0x3  }
0x94: {  	_ =	strace s2  }
0x95: {  	s2 =	sld [smem:$0x3FFD];
	_ =	sdelay $0x3  }
0x96: {  	_ =	strace s2  }
0x97: {  	_ =	strace $0x8FFFFFFF  }
0x98: {  	s18 =	sld [smem:$0x3FDB];
	_ =	sdelay $0x1  }
0x99: {  	s19 =	simm.s32 $_scs_section_size  }
0x9a: {  	s4 =	simm.s32 $_size__tile_overlayer_lowered;
	s5 =	simm.s32 $_tile_overlayer_lowered  }
0x9b: {  	s22 =	simm.s32 $0x1BFF;
	s21 =	sshll.u32 s5, $0x1;
	s2 =	sadd.s32 s19, s18  }
0x9c: {  	s6 =	simm.s32 $0x0;
	s20 =	sshll.u32 s4, $0x1;
	s4 =	sadd.s32 s21, s2  }
0x9d: {  	[timem:s6], [sflag:s22] =	dma.local [hbm:s4], s20  }
0x9e: {  	_ =	swait.ge [sflag:s22], s20  }
0x9f: {  	s3 =	ssub.s32 $0x0, s20;
	[sflag:s22] =	ssyncset.done $0x0  }
0xa0: {  	[sflag:s22] =	ssyncadd.s32 s3;
	_ =	sdelay $0x1  }
0xa1: {  	s23 =	simm.s32 $0x1B8B  }
0xa2: {  	_ =	swait.ge [sflag:s23], $0x1  }
0xa3: {  	[sflag:s23] =	ssyncset.done $0x0  }
0xa4: {  	s25 =	simm.s32 $0x1B8E;
	s24 =	sld [smem:$0x3FFE];
	[sflag:s23] =	ssyncadd.s32 $0xFFFFFFFF  }
0xa5: {  	s26 =	simm.s32 $execute0_lowered;
	[smem:$0x3FD2] =	sst s25  }
0xa6: {  	s4 =	sshll.u32 s26, $0x1;
	_ =	strace $0x80000049;
	[dreg:$0x1] =	wrdreg $0xFFFFFFFF  }
0xa7: {  	s28 =	simm.s32 $_size_execute0_lowered;
	s2 =	sadd.s32 s2, s4;
	[dreg:$0x0] =	wrdreg $0x0  }
0xa8: {  	s4 =	sshll.u32 s28, $0x1;
	[dreg:$0x2] =	wrdreg s2  }
0xa9: {  	[dreg:$0x3] =	wrdreg s4  }
0xaa: {  	[dreg:$0x4] =	wrdreg $0xC0  }
0xab: {  	_ =	task [dreg:s6], $0x5FFFF  }
0xac: {  	[dreg:$0x1] =	wrdreg $0xFFFFFFFF  }
0xad: {  	[dreg:$0x0] =	wrdreg $0x60  }
0xae: {  	[dreg:$0x2] =	wrdreg s24  }
0xaf: {  	[dreg:$0x3] =	wrdreg $0x85000  }
0xb0: {  	[dreg:$0x4] =	wrdreg $0x9  }
0xb1: {  	_ =	task.clear_ibuf [dreg:s6], $0x5FFFF;
	_ =	strace $0x90000049  }
0xb2: {  	s29 =	simm.s32 $0x9;
	_ =	strace $0x8000004B  }
0xb3: {  	_ =	swait.ge [sflag:s29], $0x1  }
0xb4: {  	[sflag:s29] =	ssyncadd.s32 $0xFFFFFFFF  }
0xb5: {  	_ =	strace $0x9000004B  }
0xb6: {  	_ =	sfence  }
0xb7: {  	s30 =	sld [smem:$0x0];
	_ =	sdelay $0x2  }
0xb8: {  	s31 =	sshll.u32 s1, $0xD;
	s1 =	sshrl.u32 s1, $0x2  }
0xb9: {  	s3 =	sand.u32 $0x4000, s31;
	s1 =	sadd.s32 s1, s30  }
0xba: {  	s0 =	sor.u32 s3, s0;
	s1 =	sshll.u32 s1, $0x11  }
0xbb: {  	s0 =	sor.u32 s1, s0  }
0xbc: {  	s0 =	sadd.s32 $0x8F2B, s0  }
0xbd: {  	[sflag:s0] =	ssyncadd.remote.s32 $0x1  }
0xbe: {  	_ =	sfence.sel $0xFFFF  }
0xbf: {  	[dreg:$0x0] =	wrdreg $0xFFFFFFFF;
	(pc) =	sbr.abs _section_cstart, $3  }
0xc0: {  	[dreg:$0x1] =	wrdreg $0xFFFFFFFF  }
0xc1: {  	_ =	task.clear_ibuf [dreg:s6], $0x2FFFF;
	_ =	strace $0x9FFFFFFF  }
0xc2: {  	(tm) =	ssettm $0x7FFFFFFF  }
0xc3: {  	_ =	shalt  }
tec
execute0_lowered:
.L_overlay_start_1:
0x0: {  	(tag) =	ssettag $0x1  }
0x1: {  	s0 =	rddreg [dreg:$0x0]  }
0x2: {  	s1 =	rddreg [dreg:$0x1];
	s2 =	srdreg.scid;
	s3 =	simm.s32 $0x0  }
0x3: {  	s20 =	stileid.u32;
	s28 =	simm.s32 $0x300;
	s29 =	simm.s32 $0x3  }
0x4: {  	s30 =	simm.s32 $0x80;
	s31 =	simm.s32 $0x400;
	s2 =	sand.u32 $0x1, s2  }
0x5: {  	[smem:$0x7FF] =	sst s3;
	s5 =	sadd.s32 $0x5400, s0;
	s24 =	smul.u32 $0x50000, s20  }
0x6: {  	s14 =	sadd.s32 $0x40200, s0;
	s13 =	smul.u32 $0x14000, s20;
	s4 =	sshll.u32 s2, $0x4  }
0x7: {  	_ =	strace $0x8000004A;
	s7 =	ssub.s32 $0x2, s2;
	s17 =	smul.u32 $0x140000, s2  }
0x8: {  	s2 =	smul.u32 $0x4E0, s2;
	s4 =	sor.u32 s20, s4;
	s9 =	sshrl.u32 s7, $0x1  }
0x9: {  	s26 =	sshrl.u32 s24, $0x2;
	s15 =	sadd.s32 $0x8000, s13;
	s20 =	smul.u32 $0x4E, s20  }
0xa: {  	s16 =	sadd.s32 $0xC000, s13;
	s18 =	sadd.s32 $0x10000, s13;
	s8 =	smul.u32 $0x9C0, s4  }
0xb: {  	s6 =	sshll.u32 s4, $0x5;
	s10 =	smul.u32 $0x4E00, s4;
	s4 =	sadd.s32 $0x19000, s0  }
0xc: {  	s7 =	ssub.s32 s7, s9;
	s11 =	sadd.s32 s15, s1;
	s19 =	sadd.s32 s13, s17  }
0xd: {  	s15 =	sadd.s32 s17, s15;
	s6 =	sadd.s32 s6, s0;
	s0 =	sadd.s32 $0x5420, s0  }
0xe: {  	s2 =	sadd.s32 s20, s2;
	s19 =	sshrl.u32 s19, $0x3;
	s15 =	sshrl.u32 s15, $0x3  }
0xf: {  	s22 =	sadd.s32 s5, s8;
	s23 =	sshrl.u32 s10, $0x3;
	s8 =	sadd.s32 s8, s0  }
0x10: {  	s10 =	sadd.s32 $0x4000, s13;
	s13 =	sadd.s32 s18, s1;
	s21 =	sadd.s32 s14, s15  }
0x11: {  	s2 =	sshll.u32 s2, $0x5;
	s15 =	simm.s32 $0x6;
	[dreg:$0x4] =	wrdreg s22  }
0x12: {  	s9 =	sadd.s32 s5, s23;
	[dreg:$0x5] =	wrdreg s8;
	s8 =	sadd.s32 s26, s1  }
0x13: {  	s12 =	sadd.s32 s10, s1;
	[dreg:$0xe] =	wrdreg s21;
	s0 =	sadd.s32 s0, s2  }
0x14: {  	s2 =	sadd.s32 s5, s2;
	s25 =	sadd.s32 $0x40, s9;
	[dreg:$0x8] =	wrdreg s8  }
0x15: {  	s9 =	sadd.s32 $0x60, s9;
	[dreg:$0x9] =	wrdreg s12;
	s12 =	sadd.s32 s16, s1  }
0x16: {  	s8 =	sadd.s32 s17, s10;
	s16 =	sadd.s32 s17, s16;
	[dreg:$0x6] =	wrdreg s25  }
0x17: {  	s17 =	sadd.s32 s17, s18;
	s18 =	sadd.s32 $0x18C00, s6;
	[dreg:$0x7] =	wrdreg s9  }
0x18: {  	s5 =	simm.s32 $0x4;
	s6 =	sadd.s32 $0x18C10, s6;
	[dreg:$0xa] =	wrdreg s18  }
0x19: {  	s21 =	simm.s32 $0x0;
	s26 =	sadd.s32 $0xC0, s0;
	[dreg:$0xb] =	wrdreg s6  }
0x1a: {  	s8 =	sshrl.u32 s8, $0x3;
	s6 =	sadd.s32 s14, s19;
	s22 =	sshrl.u32 s16, $0x3  }
0x1b: {  	s23 =	sshrl.u32 s17, $0x3;
	s25 =	smax.u32 s7, $0x1;
	[dreg:$0x3] =	wrdreg s26  }
0x1c: {  	s26 =	simm.s32 $0x200;
	s7 =	simm.s32 $0x5;
	s16 =	simm.s32 $0x280  }
0x1d: {  	s17 =	simm.s32 $0x380;
	[dreg:$0xc] =	wrdreg s6;
	s20 =	sadd.s32 s14, s8  }
0x1e: {  	s6 =	sadd.s32 s14, s22;
	s24 =	sadd.s32 s14, s23;
	[dreg:$0x11] =	wrdreg s25  }
0x1f: {  	s22 =	sadd.s32 $0xC0, s2;
	s23 =	sadd.s32 $0x80, s0;
	[dreg:$0xd] =	wrdreg s20  }
0x20: {  	s25 =	simm.s32 $0x100;
	s0 =	simm.s32 $0x4400;
	[dreg:$0xf] =	wrdreg s6  }
0x21: {  	s8 =	simm.s32 $0x2;
	s14 =	simm.s32 $0x180;
	[dreg:$0x10] =	wrdreg s24  }
0x22: {  	v0 =	vimm.f32 $0.0e+00;
	s24 =	sadd.s32 $0x80, s2;
	s2 =	simm.s32 $0x7;
	s6 =	simm.s32 $0x1  }
.LBB2_1:
0x23: {  	s9 =	rddreg [dreg:$0x4]  }
0x24: {  	[tilespmem:s3], [sflag:$0x3] =	stream.linear.gather [hbm4b:s9+s3], $0x100, $0x38;
	[tilespmem:$0x1C500] =	vst v63  }
0x25: {  	s18 =	rddreg [dreg:$0x5]  }
0x26: {  	[tilespmem:s25], [sflag:$0x4] =	stream.linear.gather [hbm4b:s18+s3], $0x100, $0x38;
	[tilespmem:$0x1C500] =	vst v63  }
0x27: {  	s19 =	rddreg [dreg:$0x6]  }
0x28: {  	[tilespmem:s26], [sflag:$0x5] =	stream.linear.gather [hbm4b:s19+s3], $0x100, $0x38;
	[tilespmem:$0x1C500] =	vst v63  }
0x29: {  	s20 =	rddreg [dreg:$0x7];
	s18 =	simm.s32 $0x0;
	s19 =	simm.s32 $0x200  }
0x2a: {  	[tilespmem:s28], [sflag:$0x6] =	stream.linear.gather [hbm4b:s20+s3], $0x100, $0x38;
	[tilespmem:$0x1C500] =	vst v63  }
.LBB2_2:
0x2b: {  	p0 =	sne.s32 s19, $0xFE00;
	[tilespmem:s18+$0x4470] =	vst v0  }
0x2c: {  	[tilespmem:s18+$0x4400] =	vst v0  }
0x2d: {  	[tilespmem:s18+$0x4410] =	vst v0  }
.Ltmp0:
0x2e: {  	[tilespmem:s18+$0x4420] =	vst v0;
	(pc) =	sbr.rel @p0 .LBB2_2-.Ltmp0, $4  }
0x2f: {  	[tilespmem:s18+$0x4430] =	vst v0  }
0x30: {  	[tilespmem:s18+$0x4440] =	vst v0  }
0x31: {  	[tilespmem:s18+$0x4450] =	vst v0  }
0x32: {  	[tilespmem:s18+$0x4460] =	vst v0;
	s18 =	sshra.s32 s19, $0x2;
	s19 =	sadd.s32 $0x200, s19  }
0x33: {  	[tilespmem:s18+$0x4470] =	vst v0  }
0x34: {  	[tilespmem:s18+$0x4400] =	vst v0  }
0x35: {  	[tilespmem:s18+$0x4410] =	vst v0  }
0x36: {  	[tilespmem:s18+$0x4420] =	vst v0  }
0x37: {  	[tilespmem:s18+$0x4430] =	vst v0  }
0x38: {  	[tilespmem:s18+$0x4440] =	vst v0  }
0x39: {  	[tilespmem:s18+$0x4450] =	vst v0  }
0x3a: {  	[tilespmem:s18+$0x4460] =	vst v0  }
0x3b: {  	_ =	swait.ge [sflag:s29], $0x100  }
0x3c: {  	[sflag:s29] =	ssyncset.done $0x0  }
0x3d: {  	s10 =	simm.s32 $0x0;
	[sflag:s29] =	ssyncadd.s32 $0xFFFFFF00  }
0x3e: {  	[tilespmem:s31], [sflag:$0x1] =	stream.indirect.gather [hbm4b:s4+s30], $0x80, s10, s30, $0xb8;
	[tilespmem:$0x1C500] =	vst v63  }
0x3f: {  	s9 =	rddreg [dreg:$0x8]  }
0x40: {  	[spmem:s9] =	stream.linear.scatter [tilespmem:s0], [sflag:$0x7], $0x4000, $0x38;
	[tilespmem:$0x1C500] =	vst v63  }
0x41: {  	_ =	swait.ge [sflag:s2], $0x4000  }
0x42: {  	[sflag:s2] =	ssyncset.done $0x0  }
0x43: {  	s18 =	rddreg [dreg:$0x9];
	[sflag:s2] =	ssyncadd.s32 $0xFFFFC000  }
0x44: {  	[spmem:s18] =	stream.linear.scatter [tilespmem:s0], [sflag:$0x7], $0x4000, $0x38;
	[tilespmem:$0x1C500] =	vst v63  }
0x45: {  	_ =	swait.ge [sflag:s2], $0x4000  }
0x46: {  	[sflag:s2] =	ssyncset.done $0x0  }
0x47: {  	[sflag:s2] =	ssyncadd.s32 $0xFFFFC000  }
0x48: {  	[spmem:s11] =	stream.linear.scatter [tilespmem:s0], [sflag:$0x7], $0x4000, $0x38;
	[tilespmem:$0x1C500] =	vst v63  }
0x49: {  	_ =	swait.ge [sflag:s2], $0x4000  }
0x4a: {  	[sflag:s2] =	ssyncset.done $0x0  }
0x4b: {  	[sflag:s2] =	ssyncadd.s32 $0xFFFFC000  }
0x4c: {  	[spmem:s12] =	stream.linear.scatter [tilespmem:s0], [sflag:$0x7], $0x4000, $0x38;
	[tilespmem:$0x1C500] =	vst v63  }
0x4d: {  	_ =	swait.ge [sflag:s2], $0x4000  }
0x4e: {  	[sflag:s2] =	ssyncset.done $0x0  }
0x4f: {  	[sflag:s2] =	ssyncadd.s32 $0xFFFFC000  }
0x50: {  	[spmem:s13] =	stream.linear.scatter [tilespmem:s0], [sflag:$0x7], $0x4000, $0x38;
	[tilespmem:$0x1C500] =	vst v63  }
0x51: {  	_ =	swait.ge [sflag:s2], $0x4000  }
0x52: {  	[sflag:s2] =	ssyncset.done $0x0  }
0x53: {  	[sflag:s2] =	ssyncadd.s32 $0xFFFFC000  }
0x54: {  	[bflag:$0x0] =	sbarrier.arrive $0xFFFF  }
0x55: {  	_ =	swait.ge [sflag:s5], $0x100  }
0x56: {  	[sflag:s5] =	ssyncset.done $0x0  }
0x57: {  	[sflag:s5] =	ssyncadd.s32 $0xFFFFFF00  }
0x58: {  	[tilespmem:s0], [sflag:$0x2] =	stream.indirect.gather [hbm4b:s4+s30], $0x80, s25, s30, $0xb8;
	[tilespmem:$0x1C500] =	vst v63  }
0x59: {  	_ =	swait.ge [sflag:s6], $0x4000  }
0x5a: {  	[sflag:s6] =	ssyncset.done $0x0  }
0x5b: {  	[sflag:s6] =	ssyncadd.s32 $0xFFFFC000  }
0x5c: {  	[spmem:s1] =	stream.indirect.scatter.add.f32 [tilespmem:s31], [sflag:$0x7], $0x80, s30, s30, $0xb8;
	[tilespmem:$0x1C500] =	vst v63  }
0x5d: {  	_ =	swait.ge [sflag:s2], $0x4000  }
0x5e: {  	[sflag:s2] =	ssyncset.done $0x0  }
0x5f: {  	s19 =	sadd.s32 $0x0, s24;
	[sflag:s2] =	ssyncadd.s32 $0xFFFFC000  }
0x60: {  	[tilespmem:s3], [sflag:$0x3] =	stream.linear.gather [hbm4b:s19+s3], $0x100, $0x38;
	[tilespmem:$0x1C500] =	vst v63  }
0x61: {  	_ =	swait.ge [sflag:s7], $0x100  }
0x62: {  	[sflag:s7] =	ssyncset.done $0x0  }
0x63: {  	[sflag:s7] =	ssyncadd.s32 $0xFFFFFF00  }
0x64: {  	[tilespmem:s31], [sflag:$0x1] =	stream.indirect.gather [hbm4b:s4+s30], $0x80, s26, s30, $0xb8;
	[tilespmem:$0x1C500] =	vst v63  }
0x65: {  	_ =	swait.ge [sflag:s8], $0x4000  }
0x66: {  	[sflag:s8] =	ssyncset.done $0x0  }
0x67: {  	[sflag:s8] =	ssyncadd.s32 $0xFFFFC000  }
0x68: {  	[spmem:s1] =	stream.indirect.scatter.add.f32 [tilespmem:s0], [sflag:$0x7], $0x80, s14, s30, $0xb8;
	[tilespmem:$0x1C500] =	vst v63  }
0x69: {  	_ =	swait.ge [sflag:s2], $0x4000  }
0x6a: {  	[sflag:s2] =	ssyncset.done $0x0  }
0x6b: {  	s20 =	sadd.s32 $0x0, s23;
	[sflag:s2] =	ssyncadd.s32 $0xFFFFC000  }
0x6c: {  	[tilespmem:s25], [sflag:$0x4] =	stream.linear.gather [hbm4b:s20+s3], $0x100, $0x38;
	[tilespmem:$0x1C500] =	vst v63  }
0x6d: {  	_ =	swait.ge [sflag:s15], $0x100  }
0x6e: {  	[sflag:s15] =	ssyncset.done $0x0  }
0x6f: {  	[sflag:s15] =	ssyncadd.s32 $0xFFFFFF00  }
0x70: {  	[tilespmem:s0], [sflag:$0x2] =	stream.indirect.gather [hbm4b:s4+s30], $0x80, s28, s30, $0xb8;
	[tilespmem:$0x1C500] =	vst v63  }
0x71: {  	_ =	swait.ge [sflag:s6], $0x4000  }
0x72: {  	[sflag:s6] =	ssyncset.done $0x0  }
0x73: {  	[sflag:s6] =	ssyncadd.s32 $0xFFFFC000  }
0x74: {  	[spmem:s1] =	stream.indirect.scatter.add.f32 [tilespmem:s31], [sflag:$0x7], $0x80, s16, s30, $0xb8;
	[tilespmem:$0x1C500] =	vst v63  }
0x75: {  	p0 =	por $0x0, $0x0;
	_ =	swait.ge [sflag:s2], $0x4000  }
0x76: {  	s18 =	sadd.s32 @!p0 $0x0, s22;
	[sflag:s2] =	ssyncset.done $0x0  }
0x77: {  	s19 =	simm.s32 @!p0 $0x0;
	s20 =	simm.s32 @!p0 $0x200;
	[sflag:s2] =	ssyncadd.s32 $0xFFFFC000  }
0x78: {  	[tilespmem:s20], [sflag:$0x5] =	stream.linear.gather @!p0 [hbm4b:s18+s19], $0x100, $0x38;
	[tilespmem:$0x1C500] =	vst v63  }
0x79: {  	_ =	swait.ge [sflag:s29], $0x100  }
0x7a: {  	[sflag:s29] =	ssyncset.done $0x0  }
0x7b: {  	[sflag:s29] =	ssyncadd.s32 $0xFFFFFF00  }
0x7c: {  	[tilespmem:s31], [sflag:$0x1] =	stream.indirect.gather [hbm4b:s4+s30], $0x80, s3, s30, $0xb8;
	[tilespmem:$0x1C500] =	vst v63  }
0x7d: {  	_ =	swait.ge [sflag:s8], $0x4000  }
0x7e: {  	[sflag:s8] =	ssyncset.done $0x0  }
0x7f: {  	[sflag:s8] =	ssyncadd.s32 $0xFFFFC000  }
0x80: {  	[spmem:s1] =	stream.indirect.scatter.add.f32 [tilespmem:s0], [sflag:$0x7], $0x80, s17, s30, $0xb8;
	[tilespmem:$0x1C500] =	vst v63  }
0x81: {  	_ =	swait.ge [sflag:s2], $0x4000  }
0x82: {  	s18 =	rddreg [dreg:$0x3];
	[sflag:s2] =	ssyncset.done $0x0  }
0x83: {  	s20 =	simm.s32 @!p0 $0x300;
	[sflag:s2] =	ssyncadd.s32 $0xFFFFC000;
	s18 =	sadd.s32 @!p0 $0x0, s18  }
0x84: {  	[tilespmem:s20], [sflag:$0x6] =	stream.linear.gather @!p0 [hbm4b:s18+s19], $0x100, $0x38;
	[tilespmem:$0x1C500] =	vst v63  }
0x85: {  	_ =	swait.ge [sflag:s5], $0x100  }
0x86: {  	s18 =	simm.s32 $0x80;
	[sflag:s5] =	ssyncset.done $0x0  }
.LBB2_4:
0x87: {  	[sflag:s5] =	ssyncadd.s32 $0xFFFFFF00  }
0x88: {  	[tilespmem:s0], [sflag:$0x2] =	stream.indirect.gather [hbm4b:s4+s30], $0x80, s25, s30, $0xb8;
	[tilespmem:$0x1C500] =	vst v63  }
0x89: {  	_ =	swait.ge [sflag:s6], $0x4000  }
0x8a: {  	[sflag:s6] =	ssyncset.done $0x0  }
0x8b: {  	[sflag:s6] =	ssyncadd.s32 $0xFFFFC000  }
0x8c: {  	[spmem:s1] =	stream.indirect.scatter.add.f32 [tilespmem:s31], [sflag:$0x7], $0x80, s30, s30, $0xb8;
	[tilespmem:$0x1C500] =	vst v63  }
0x8d: {  	_ =	swait.ge [sflag:s2], $0x4000  }
0x8e: {  	s19 =	smov.u32 s18;
	[sflag:s2] =	ssyncset.done $0x0  }
0x8f: {  	s20 =	sadd.s32 s19, s24;
	[sflag:s2] =	ssyncadd.s32 $0xFFFFC000  }
0x90: {  	[tilespmem:s3], [sflag:$0x3] =	stream.linear.gather [hbm4b:s20+s3], $0x100, $0x38;
	[tilespmem:$0x1C500] =	vst v63  }
0x91: {  	_ =	swait.ge [sflag:s7], $0x100  }
0x92: {  	[sflag:s7] =	ssyncset.done $0x0  }
0x93: {  	[sflag:s7] =	ssyncadd.s32 $0xFFFFFF00  }
0x94: {  	[tilespmem:s31], [sflag:$0x1] =	stream.indirect.gather [hbm4b:s4+s30], $0x80, s26, s30, $0xb8;
	[tilespmem:$0x1C500] =	vst v63  }
0x95: {  	_ =	swait.ge [sflag:s8], $0x4000  }
0x96: {  	[sflag:s8] =	ssyncset.done $0x0  }
0x97: {  	[sflag:s8] =	ssyncadd.s32 $0xFFFFC000  }
0x98: {  	[spmem:s1] =	stream.indirect.scatter.add.f32 [tilespmem:s0], [sflag:$0x7], $0x80, s14, s30, $0xb8;
	[tilespmem:$0x1C500] =	vst v63  }
0x99: {  	_ =	swait.ge [sflag:s2], $0x4000  }
0x9a: {  	[sflag:s2] =	ssyncset.done $0x0  }
0x9b: {  	s10 =	sadd.s32 s19, s23;
	[sflag:s2] =	ssyncadd.s32 $0xFFFFC000  }
0x9c: {  	[tilespmem:s25], [sflag:$0x4] =	stream.linear.gather [hbm4b:s10+s3], $0x100, $0x38;
	[tilespmem:$0x1C500] =	vst v63  }
0x9d: {  	_ =	swait.ge [sflag:s15], $0x100  }
0x9e: {  	[sflag:s15] =	ssyncset.done $0x0  }
0x9f: {  	[sflag:s15] =	ssyncadd.s32 $0xFFFFFF00  }
0xa0: {  	[tilespmem:s0], [sflag:$0x2] =	stream.indirect.gather [hbm4b:s4+s30], $0x80, s28, s30, $0xb8;
	[tilespmem:$0x1C500] =	vst v63  }
0xa1: {  	_ =	swait.ge [sflag:s6], $0x4000  }
0xa2: {  	[sflag:s6] =	ssyncset.done $0x0  }
0xa3: {  	[sflag:s6] =	ssyncadd.s32 $0xFFFFC000  }
0xa4: {  	[spmem:s1] =	stream.indirect.scatter.add.f32 [tilespmem:s31], [sflag:$0x7], $0x80, s16, s30, $0xb8;
	[tilespmem:$0x1C500] =	vst v63  }
0xa5: {  	p1 =	seq.s32 s19, $0x900;
	_ =	swait.ge [sflag:s2], $0x4000  }
0xa6: {  	s9 =	simm.s32 @!p1 $0x0;
	[sflag:s2] =	ssyncset.done $0x0  }
0xa7: {  	s20 =	sadd.s32 @!p1 s19, s22;
	s10 =	simm.s32 @!p1 $0x200;
	[sflag:s2] =	ssyncadd.s32 $0xFFFFC000  }
0xa8: {  	[tilespmem:s10], [sflag:$0x5] =	stream.linear.gather @!p1 [hbm4b:s20+s9], $0x100, $0x38;
	[tilespmem:$0x1C500] =	vst v63  }
0xa9: {  	_ =	swait.ge [sflag:s29], $0x100  }
0xaa: {  	[sflag:s29] =	ssyncset.done $0x0  }
0xab: {  	[sflag:s29] =	ssyncadd.s32 $0xFFFFFF00  }
0xac: {  	[tilespmem:s31], [sflag:$0x1] =	stream.indirect.gather [hbm4b:s4+s30], $0x80, s3, s30, $0xb8;
	[tilespmem:$0x1C500] =	vst v63  }
0xad: {  	_ =	swait.ge [sflag:s8], $0x4000  }
0xae: {  	[sflag:s8] =	ssyncset.done $0x0  }
0xaf: {  	s18 =	sadd.s32 $0x80, s18;
	[sflag:s8] =	ssyncadd.s32 $0xFFFFC000  }
0xb0: {  	[spmem:s1] =	stream.indirect.scatter.add.f32 [tilespmem:s0], [sflag:$0x7], $0x80, s17, s30, $0xb8;
	[tilespmem:$0x1C500] =	vst v63  }
0xb1: {  	p0 =	sne.s32 s18, $0x980;
	_ =	swait.ge [sflag:s2], $0x4000  }
.Ltmp1:
0xb2: {  	[sflag:s2] =	ssyncset.done $0x0;
	s10 =	rddreg [dreg:$0x3];
	(pc) =	sbr.rel @p0 .LBB2_4-.Ltmp1, $4  }
0xb3: {  	s20 =	simm.s32 @!p1 $0x300;
	[sflag:s2] =	ssyncadd.s32 $0xFFFFC000;
	s10 =	sadd.s32 @!p1 s19, s10  }
0xb4: {  	[tilespmem:s20], [sflag:$0x6] =	stream.linear.gather @!p1 [hbm4b:s10+s9], $0x100, $0x38;
	[tilespmem:$0x1C500] =	vst v63  }
0xb5: {  	_ =	swait.ge [sflag:s5], $0x100  }
0xb6: {  	[sflag:s5] =	ssyncset.done $0x0  }
0xb7: {  	[sflag:s5] =	ssyncadd.s32 $0xFFFFFF00  }
0xb8: {  	[tilespmem:s0], [sflag:$0x2] =	stream.indirect.gather [hbm4b:s4+s30], $0x80, s25, s30, $0xb8;
	[tilespmem:$0x1C500] =	vst v63  }
0xb9: {  	_ =	swait.ge [sflag:s6], $0x4000  }
0xba: {  	[sflag:s6] =	ssyncset.done $0x0  }
0xbb: {  	[sflag:s6] =	ssyncadd.s32 $0xFFFFC000  }
0xbc: {  	[spmem:s1] =	stream.indirect.scatter.add.f32 [tilespmem:s31], [sflag:$0x7], $0x80, s30, s30, $0xb8;
	[tilespmem:$0x1C500] =	vst v63  }
0xbd: {  	_ =	swait.ge [sflag:s2], $0x4000  }
0xbe: {  	[sflag:s2] =	ssyncset.done $0x0  }
0xbf: {  	[sflag:s2] =	ssyncadd.s32 $0xFFFFC000  }
0xc0: {  	_ =	swait.ge [sflag:s8], $0x4000  }
0xc1: {  	[sflag:s8] =	ssyncset.done $0x0  }
0xc2: {  	[sflag:s8] =	ssyncadd.s32 $0xFFFFC000  }
0xc3: {  	[spmem:s1] =	stream.indirect.scatter.add.f32 [tilespmem:s0], [sflag:$0x7], $0x80, s14, s30, $0xb8;
	[tilespmem:$0x1C500] =	vst v63  }
0xc4: {  	_ =	swait.ge [sflag:s2], $0x4000  }
0xc5: {  	[sflag:s2] =	ssyncset.done $0x0  }
0xc6: {  	s10 =	simm.s32 $0x8400;
	s9 =	rddreg [dreg:$0xa];
	[sflag:s2] =	ssyncadd.s32 $0xFFFFC000  }
0xc7: {  	[tilespmem:s10], [sflag:$0x7] =	stream.linear.gather [hbm4b:s9+s3], $0x80, $0x38;
	[tilespmem:$0x1C500] =	vst v63  }
0xc8: {  	_ =	swait.ge [sflag:s2], $0x80  }
0xc9: {  	[sflag:s2] =	ssyncset.done $0x0  }
0xca: {  	s18 =	simm.s32 $0x8480;
	s19 =	rddreg [dreg:$0xb];
	[sflag:s2] =	ssyncadd.s32 $0xFFFFFF80  }
0xcb: {  	[tilespmem:s18], [sflag:$0x7] =	stream.linear.gather [hbm4b:s19+s3], $0x80, $0x38;
	[tilespmem:$0x1C500] =	vst v63  }
0xcc: {  	_ =	swait.ge [sflag:s2], $0x80  }
0xcd: {  	[sflag:s2] =	ssyncset.done $0x0  }
0xce: {  	s20 =	simm.s32 $0x10;
	[sflag:s2] =	ssyncadd.s32 $0xFFFFFF80  }
0xcf: {  	[tilespmem:s31], [sflag:$0x1] =	stream.indirect.gather [hbm4b:s4+s20], $0x80, s10, s20, $0xb8;
	[tilespmem:$0x1C500] =	vst v63  }
0xd0: {  	_ =	swait.ge [sflag:s6], $0x800  }
0xd1: {  	[sflag:s6] =	ssyncset.done $0x0  }
0xd2: {  	[sflag:s6] =	ssyncadd.s32 $0xFFFFF800  }
0xd3: {  	[spmem:s1] =	stream.indirect.scatter.add.f32 [tilespmem:s31], [sflag:$0x7], $0x80, s18, s20, $0xb8;
	[tilespmem:$0x1C500] =	vst v63  }
0xd4: {  	_ =	swait.ge [sflag:s2], $0x800  }
0xd5: {  	[sflag:s2] =	ssyncset.done $0x0  }
0xd6: {  	[sflag:s2] =	ssyncadd.s32 $0xFFFFF800  }
0xd7: {  	s18 =	stileid.u32;
	[bflag:$0x0] =	sbarrier.arrive $0xFFFF  }
0xd8: {  	s9 =	sshll.u32 s18, $0x6;
	s19 =	rddreg [dreg:$0x8]  }
0xd9: {  	s9 =	sor.u32 $0x1C07, s9;
	s20 =	rddreg [dreg:$0xc];
	s10 =	sshrl.u32 s19, $0x3  }
0xda: {  	[hbm:s20], [sflag:s9] =	dma.local [spmem:s10], $0x800  }
0xdb: {  	_ =	swait.ge [sflag:s2], $0x800  }
0xdc: {  	[sflag:s2] =	ssyncset.done $0x0;
	s19 =	rddreg [dreg:$0x9]  }
0xdd: {  	s20 =	rddreg [dreg:$0xd];
	[sflag:s2] =	ssyncadd.s32 $0xFFFFF800;
	s10 =	sshrl.u32 s19, $0x3  }
0xde: {  	[hbm:s20], [sflag:s9] =	dma.local [spmem:s10], $0x800  }
0xdf: {  	_ =	swait.ge [sflag:s2], $0x800  }
0xe0: {  	[sflag:s2] =	ssyncset.done $0x0  }
0xe1: {  	s19 =	sshrl.u32 s11, $0x3;
	s20 =	rddreg [dreg:$0xe];
	[sflag:s2] =	ssyncadd.s32 $0xFFFFF800  }
0xe2: {  	[hbm:s20], [sflag:s9] =	dma.local [spmem:s19], $0x800  }
0xe3: {  	_ =	swait.ge [sflag:s2], $0x800  }
0xe4: {  	[sflag:s2] =	ssyncset.done $0x0  }
0xe5: {  	s19 =	sshrl.u32 s12, $0x3;
	s20 =	rddreg [dreg:$0xf];
	[sflag:s2] =	ssyncadd.s32 $0xFFFFF800  }
0xe6: {  	[hbm:s20], [sflag:s9] =	dma.local [spmem:s19], $0x800  }
0xe7: {  	_ =	swait.ge [sflag:s2], $0x800  }
0xe8: {  	[sflag:s2] =	ssyncset.done $0x0  }
0xe9: {  	s18 =	sshrl.u32 s13, $0x3;
	s19 =	rddreg [dreg:$0x10];
	[sflag:s2] =	ssyncadd.s32 $0xFFFFF800  }
0xea: {  	[hbm:s19], [sflag:s9] =	dma.local [spmem:s18], $0x800  }
0xeb: {  	_ =	swait.ge [sflag:s2], $0x800  }
0xec: {  	s21 =	sadd.s32 $0x1, s21;
	s20 =	rddreg [dreg:$0x11]  }
0xed: {  	p0 =	sne.s32 s21, s20  }
.Ltmp2:
0xee: {  	_ = 	snop;
	(pc) =	sbr.rel @p0 .LBB2_1-.Ltmp2, $3  }
0xef: {  	_ =	sdelay $0x1  }
0xf0: {  	[sflag:s2] =	ssyncset.done $0x0  }
0xf1: {  	[sflag:s2] =	ssyncadd.s32 $0xFFFFF800  }
0xf2: {  	_ =	sfence.sel $0x180000  }
0xf3: {  	[bflag:$0x0] =	sbarrier.arrive $0xFFFF  }
0xf4: {  	_ =	strace $0x9000004A  }
0xf5: {  	s0 =	stileid.u32;
	[bflag:$0x2] =	sbarrier.arrive $0xFFFF  }
0xf6: {  	p0 =	sne.s32 s0, $0x0;
	s0 =	rddreg [dreg:$0x2]  }
0xf7: {  	s0 =	sadd.s32 @!p0 $0x100000, s0  }
0xf8: {  	[sflag:s0] =	ssyncadd.tile.s32 @!p0 $0x1;
	_ =	shalt  }
.Lfunc_end2:
_tile_overlayer_lowered:
.L_overlay_start_2:
0xf9: {  	(tag) =	ssettag $0x2  }
0xfa: {  	s0 =	rddreg [dreg:$0x0];
	s2 =	stileid.u32  }
0xfb: {  	s1 =	rddreg [dreg:$0x1];
	p0 =	sne.s32 s2, $0x0  }
0xfc: {  	s3 =	rddreg [dreg:$0x2];
	[bflag:$0x3] =	sbarrier.arrive $0xFFFF;
	s2 =	simm.s32 @!p0 $0x1C07  }
0xfd: {  	[timem:s3], [sflag:s2] =	dma.local @!p0 [hbm:s0], s1  }
0xfe: {  	s0 =	simm.s32 @!p0 $0x7  }
0xff: {  	_ =	swait.ge @!p0 [sflag:s0], s1  }
0x100: {  	s1 =	ssub.s32 @!p0 $0x0, s1;
	[sflag:s0] =	ssyncset.done @!p0 $0x0  }
0x101: {  	[sflag:s0] =	ssyncadd.s32 @!p0 s1  }
0x102: {  	[bflag:$0x3] =	sbarrier.arrive $0xFFFF  }
0x103: {  	_ =	shalt  }

// kernel: kernel.16.cloned.1.call-start
scs
__scs_entry_jumppad:
0x0: {  	(pc) =	sbr.rel $0x88, $3  }
0x1: {  	(tag) =	ssettag $0x0;
	lr =	simm.s32 $0x1  }
0x2: {  	[smem:$0x3F95] =	sst lr;
	_ =	strace $0xD0000000  }
0x3: {  	_ = 	snop  }
0x4: {  	_ = 	snop  }
0x5: {  	_ = 	snop  }
0x6: {  	_ = 	snop  }
0x7: {  	_ = 	snop  }
__scs_overlays_trampoline_lowered:
0x8: {  	[smem:$0x3FA4] =	sst s0  }
0x9: {  	[smem:$0x3FA5] =	sst s1  }
0xa: {  	[smem:$0x3FA6] =	sst s2  }
0xb: {  	[smem:$0x3FA7] =	sst s3  }
0xc: {  	[smem:$0x3FA8] =	sst s4  }
0xd: {  	[smem:$0x3FA9] =	sst s5  }
0xe: {  	[smem:$0x3FAA] =	sst s6  }
0xf: {  	[smem:$0x3FAB] =	sst s7  }
0x10: {  	[smem:$0x3FAC] =	sst s8  }
0x11: {  	[smem:$0x3FAD] =	sst s9;
	s0 =	simm.s32 @!p0 $0x0  }
0x12: {  	s1 =	sld [smem:$0x3F93];
	s0 =	simm.s32 @p0 $0x1  }
0x13: {  	[smem:$0x3FAE] =	sst s0;
	s0 =	simm.s32 @!p1 $0x0  }
0x14: {  	s2 =	sld [smem:$0x3F92];
	s0 =	simm.s32 @p1 $0x1  }
0x15: {  	[smem:$0x3FAF] =	sst s0;
	s0 =	simm.s32 @!p2 $0x0  }
0x16: {  	s3 =	sld [smem:$0x3FDB];
	s0 =	simm.s32 @p2 $0x1  }
0x17: {  	s4 =	simm.s32 $0x1BF5;
	[smem:$0x3FB1] =	sst s0  }
0x18: {  	s0 =	sld [smem:$0x3F94];
	_ =	swait.ge [sflag:s4], $0x0  }
0x19: {  	s7 =	sld [smem:$0x3F95]  }
0x1a: {  	s8 =	sadd.s32 $0xFFFFE003, lr  }
0x1b: {  	s9 =	sadd.s32 $0xFFFFFEF7, lr;
	s5 =	simm.s32 $0xFFFFFFFF;
	p2 =	slt.u32 s8, $0xFFFFF086  }
0x1c: {  	p1 =	slt.u32 s9, $0xF7A;
	s5 =	simm.s32 @!p2 $0x0  }
0x1d: {  	s5 =	simm.s32 @p1 $0x1;
	p0 =	seq.s32 s7, s2  }
0x1e: {  	s7 =	smul.u32 @!p0 $0xF7A, s2;
	p2 =	seq.s32 @!p0 s5, $0x0  }
0x1f: {  	s9 =	smul.u32 $0xF7A, s1;
	s8 =	simm.s32 @!p0 $0x1BF5;
	p2 =	por !p2, p0  }
0x20: {  	[sflag:s8] =	ssyncset.s32 @!p0 $0xFFFFF086;
	s6 =	sadd.s32 @!p0 s3, s7;
	s7 =	simm.s32 @!p0 $0x108  }
0x21: {  	s3 =	sadd.s32 s3, s9;
	s6 =	sadd.s32 @!p0 $0x88, s6;
	s7 =	simm.s32 @p2 $0x1082  }
0x22: {  	[simem:s7], [sflag:s8] =	dma.local @!p0 [hbm:s6], $0xF7A  }
0x23: {  	s9 =	sor.u32 $0xD0000000, s2;
	s6 =	simm.s32 $0x108;
	_ =	swait.ge @!p0 [sflag:s8], $0x0  }
0x24: {  	s3 =	sadd.s32 $0x88, s3;
	s6 =	simm.s32 @!p1 $0x1082;
	[sflag:s4] =	ssyncset.s32 $0xFFFFF086  }
0x25: {  	[simem:s6], [sflag:s4] =	dma.local [hbm:s3], $0xF7A  }
0x26: {  	[smem:$0x3F95] =	sst s1;
	(tag) =	ssettag s2;
	_ =	strace s9  }
0x27: {  	s1 =	sld [smem:$0x3FA5]  }
0x28: {  	s2 =	sld [smem:$0x3FA6]  }
0x29: {  	s4 =	sld [smem:$0x3FA8]  }
0x2a: {  	p0 =	seq.s32 s5, $0x0;
	s5 =	sld [smem:$0x3FA9]  }
0x2b: {  	s6 =	sld [smem:$0x3FAA]  }
0x2c: {  	s7 =	sld [smem:$0x3FAB]  }
0x2d: {  	s3 =	simm.s32 $0x108;
	s8 =	sld [smem:$0x3FAC]  }
0x2e: {  	s3 =	simm.s32 @!p0 $0x1082;
	s9 =	sld [smem:$0x3FAD]  }
0x2f: {  	lr =	sadd.s32 s0, s3;
	s0 =	sld [smem:$0x3FA4]  }
0x30: {  	s3 =	sld [smem:$0x3FA7]  }
0x31: {  	[smem:$0x3FB0] =	sst s10  }
0x32: {  	s10 =	sld [smem:$0x3FAE];
	_ =	sdelay $0x3  }
0x33: {  	p0 =	seq.s32 s10, $0x1;
	s10 =	sld [smem:$0x3FB0];
	_ =	sdelay $0x3  }
0x34: {  	[smem:$0x3FB0] =	sst s10  }
0x35: {  	s10 =	sld [smem:$0x3FAF];
	_ =	sdelay $0x3  }
0x36: {  	p1 =	seq.s32 s10, $0x1;
	s10 =	sld [smem:$0x3FB0];
	_ =	sdelay $0x3  }
0x37: {  	[smem:$0x3FB0] =	sst s10  }
0x38: {  	s10 =	sld [smem:$0x3FB1]  }
0x39: {  	_ = 	snop;
	(pc) =	sbr.ind lr, $3  }
0x3a: {  	_ = 	snop  }
0x3b: {  	_ = 	snop  }
0x3c: {  	p2 =	seq.s32 s10, $0x1;
	s10 =	sld [smem:$0x3FB0]  }
0x3d: {  	_ =	shalt  }
0x3e: {  	_ =	shalt  }
0x3f: {  	_ =	shalt  }
0x40: {  	_ =	shalt  }
0x41: {  	_ =	shalt  }
0x42: {  	_ =	shalt  }
0x43: {  	_ =	shalt  }
0x44: {  	_ =	shalt  }
0x45: {  	_ =	shalt  }
0x46: {  	_ =	shalt  }
0x47: {  	_ =	shalt  }
0x48: {  	_ =	shalt  }
0x49: {  	_ =	shalt  }
0x4a: {  	_ =	shalt  }
0x4b: {  	_ =	shalt  }
0x4c: {  	_ =	shalt  }
0x4d: {  	_ =	shalt  }
0x4e: {  	_ =	shalt  }
0x4f: {  	_ =	shalt  }
0x50: {  	_ =	shalt  }
0x51: {  	_ =	shalt  }
0x52: {  	_ =	shalt  }
0x53: {  	_ =	shalt  }
0x54: {  	_ =	shalt  }
0x55: {  	_ =	shalt  }
0x56: {  	_ =	shalt  }
0x57: {  	_ =	shalt  }
0x58: {  	_ =	shalt  }
0x59: {  	_ =	shalt  }
0x5a: {  	_ =	shalt  }
0x5b: {  	_ =	shalt  }
0x5c: {  	_ =	shalt  }
0x5d: {  	_ =	shalt  }
0x5e: {  	_ =	shalt  }
0x5f: {  	_ =	shalt  }
0x60: {  	_ =	shalt  }
0x61: {  	_ =	shalt  }
0x62: {  	_ =	shalt  }
0x63: {  	_ =	shalt  }
0x64: {  	_ =	shalt  }
0x65: {  	_ =	shalt  }
0x66: {  	_ =	shalt  }
0x67: {  	_ =	shalt  }
0x68: {  	_ =	shalt  }
0x69: {  	_ =	shalt  }
0x6a: {  	_ =	shalt  }
0x6b: {  	_ =	shalt  }
0x6c: {  	_ =	shalt  }
0x6d: {  	_ =	shalt  }
0x6e: {  	_ =	shalt  }
0x6f: {  	_ =	shalt  }
0x70: {  	_ =	shalt  }
0x71: {  	_ =	shalt  }
0x72: {  	_ =	shalt  }
0x73: {  	_ =	shalt  }
0x74: {  	_ =	shalt  }
0x75: {  	_ =	shalt  }
0x76: {  	_ =	shalt  }
0x77: {  	_ =	shalt  }
0x78: {  	_ =	shalt  }
0x79: {  	_ =	shalt  }
0x7a: {  	_ =	shalt  }
0x7b: {  	_ =	shalt  }
0x7c: {  	_ =	shalt  }
0x7d: {  	_ =	shalt  }
0x7e: {  	_ =	shalt  }
0x7f: {  	_ =	shalt  }
0x80: {  	_ =	shalt  }
0x81: {  	_ =	shalt  }
0x82: {  	_ =	shalt  }
0x83: {  	_ =	shalt  }
0x84: {  	_ =	shalt  }
0x85: {  	_ =	shalt  }
0x86: {  	_ =	shalt  }
0x87: {  	_ =	shalt  }
.Lfunc_end0:
.L_simem_size_0:
called_computation.2_lowered:
.L_overlay_start_0:
0x88: {  	s2 =	sld [smem:$0x3FD9]  }
0x89: {  	s3 =	sld [smem:$0x3FFE];
	_ =	sdelay $0x1  }
0x8a: {  	s1 =	srdreg.scid  }
0x8b: {  	s0 =	sand.u32 $0x1, s1  }
0x8c: {  	s16 =	sshll.u32 s0, $0xA;
	s2 =	sadd.s32 s3, s2  }
0x8d: {  	s2 =	sadd.s32 s2, s16  }
0x8e: {  	[smem:$0x3FBC] =	sst s2  }
0x8f: {  	_ = 	snop  }
0x90: {  	(tm) =	ssettm $0x1  }
0x91: {  	s17 =	sld [smem:$0x3FFB];
	_ =	sdelay $0x3  }
0x92: {  	_ =	strace s17  }
0x93: {  	s2 =	sld [smem:$0x3FFC];
	_ =	sdelay $0x3  }
0x94: {  	_ =	strace s2  }
0x95: {  	s2 =	sld [smem:$0x3FFD];
	_ =	sdelay $0x3  }
0x96: {  	_ =	strace s2  }
0x97: {  	_ =	strace $0x8FFFFFFF  }
0x98: {  	s18 =	sld [smem:$0x3FDB];
	_ =	sdelay $0x1  }
0x99: {  	s19 =	simm.s32 $_scs_section_size  }
0x9a: {  	s4 =	simm.s32 $_size__tile_overlayer_lowered;
	s5 =	simm.s32 $_tile_overlayer_lowered  }
0x9b: {  	s22 =	simm.s32 $0x1BFF;
	s21 =	sshll.u32 s5, $0x1;
	s2 =	sadd.s32 s19, s18  }
0x9c: {  	s6 =	simm.s32 $0x0;
	s20 =	sshll.u32 s4, $0x1;
	s4 =	sadd.s32 s21, s2  }
0x9d: {  	[timem:s6], [sflag:s22] =	dma.local [hbm:s4], s20  }
0x9e: {  	_ =	swait.ge [sflag:s22], s20  }
0x9f: {  	s3 =	ssub.s32 $0x0, s20;
	[sflag:s22] =	ssyncset.done $0x0  }
0xa0: {  	[sflag:s22] =	ssyncadd.s32 s3;
	_ =	sdelay $0x1  }
0xa1: {  	s23 =	simm.s32 $0x1B8B  }
0xa2: {  	_ =	swait.ge [sflag:s23], $0x1  }
0xa3: {  	[sflag:s23] =	ssyncset.done $0x0  }
0xa4: {  	s25 =	simm.s32 $0x1B8E;
	s24 =	sld [smem:$0x3FFE];
	[sflag:s23] =	ssyncadd.s32 $0xFFFFFFFF  }
0xa5: {  	s26 =	simm.s32 $execute0_lowered;
	[smem:$0x3FD2] =	sst s25  }
0xa6: {  	s4 =	sshll.u32 s26, $0x1;
	_ =	strace $0x8000004C;
	[dreg:$0x1] =	wrdreg $0xFFFFFFFF  }
0xa7: {  	s28 =	simm.s32 $_size_execute0_lowered;
	s2 =	sadd.s32 s2, s4;
	[dreg:$0x0] =	wrdreg $0x0  }
0xa8: {  	s4 =	sshll.u32 s28, $0x1;
	[dreg:$0x2] =	wrdreg s2  }
0xa9: {  	[dreg:$0x3] =	wrdreg s4  }
0xaa: {  	[dreg:$0x4] =	wrdreg $0xC0  }
0xab: {  	_ =	task [dreg:s6], $0x5FFFF  }
0xac: {  	[dreg:$0x1] =	wrdreg $0xFFFFFFFF  }
0xad: {  	[dreg:$0x0] =	wrdreg $0x60  }
0xae: {  	[dreg:$0x2] =	wrdreg s24  }
0xaf: {  	[dreg:$0x3] =	wrdreg $0x85000  }
0xb0: {  	[dreg:$0x4] =	wrdreg $0x9  }
0xb1: {  	_ =	task.clear_ibuf [dreg:s6], $0x5FFFF;
	_ =	strace $0x9000004C  }
0xb2: {  	s29 =	simm.s32 $0x9;
	_ =	strace $0x8000004E  }
0xb3: {  	_ =	swait.ge [sflag:s29], $0x1  }
0xb4: {  	[sflag:s29] =	ssyncadd.s32 $0xFFFFFFFF  }
0xb5: {  	_ =	strace $0x9000004E  }
0xb6: {  	_ =	sfence  }
0xb7: {  	s30 =	sld [smem:$0x0];
	_ =	sdelay $0x2  }
0xb8: {  	s31 =	sshll.u32 s1, $0xD;
	s1 =	sshrl.u32 s1, $0x2  }
0xb9: {  	s3 =	sand.u32 $0x4000, s31;
	s1 =	sadd.s32 s1, s30  }
0xba: {  	s0 =	sor.u32 s3, s0;
	s1 =	sshll.u32 s1, $0x11  }
0xbb: {  	s0 =	sor.u32 s1, s0  }
0xbc: {  	s0 =	sadd.s32 $0x8F2B, s0  }
0xbd: {  	[sflag:s0] =	ssyncadd.remote.s32 $0x1  }
0xbe: {  	_ =	sfence.sel $0xFFFF  }
0xbf: {  	[dreg:$0x0] =	wrdreg $0xFFFFFFFF;
	(pc) =	sbr.abs _section_cstart, $3  }
0xc0: {  	[dreg:$0x1] =	wrdreg $0xFFFFFFFF  }
0xc1: {  	_ =	task.clear_ibuf [dreg:s6], $0x2FFFF;
	_ =	strace $0x9FFFFFFF  }
0xc2: {  	(tm) =	ssettm $0x7FFFFFFF  }
0xc3: {  	_ =	shalt  }
tec
execute0_lowered:
.L_overlay_start_1:
0x0: {  	(tag) =	ssettag $0x1  }
0x1: {  	s0 =	rddreg [dreg:$0x0]  }
0x2: {  	s1 =	rddreg [dreg:$0x1];
	s2 =	srdreg.scid;
	s3 =	simm.s32 $0x0  }
0x3: {  	s20 =	stileid.u32;
	s28 =	simm.s32 $0x300;
	s29 =	simm.s32 $0x3  }
0x4: {  	s30 =	simm.s32 $0x80;
	s31 =	simm.s32 $0x400;
	s2 =	sand.u32 $0x1, s2  }
0x5: {  	[smem:$0x7FF] =	sst s3;
	s5 =	sadd.s32 $0x5400, s0;
	s24 =	smul.u32 $0x50000, s20  }
0x6: {  	s14 =	sadd.s32 $0x40200, s0;
	s13 =	smul.u32 $0x14000, s20;
	s4 =	sshll.u32 s2, $0x4  }
0x7: {  	_ =	strace $0x8000004D;
	s7 =	ssub.s32 $0x2, s2;
	s17 =	smul.u32 $0x140000, s2  }
0x8: {  	s2 =	smul.u32 $0x4E0, s2;
	s4 =	sor.u32 s20, s4;
	s9 =	sshrl.u32 s7, $0x1  }
0x9: {  	s26 =	sshrl.u32 s24, $0x2;
	s15 =	sadd.s32 $0x8000, s13;
	s20 =	smul.u32 $0x4E, s20  }
0xa: {  	s16 =	sadd.s32 $0xC000, s13;
	s18 =	sadd.s32 $0x10000, s13;
	s8 =	smul.u32 $0x9C0, s4  }
0xb: {  	s6 =	sshll.u32 s4, $0x5;
	s10 =	smul.u32 $0x4E00, s4;
	s4 =	sadd.s32 $0x19000, s0  }
0xc: {  	s7 =	ssub.s32 s7, s9;
	s11 =	sadd.s32 s15, s1;
	s19 =	sadd.s32 s13, s17  }
0xd: {  	s15 =	sadd.s32 s17, s15;
	s6 =	sadd.s32 s6, s0;
	s0 =	sadd.s32 $0x5420, s0  }
0xe: {  	s2 =	sadd.s32 s20, s2;
	s19 =	sshrl.u32 s19, $0x3;
	s15 =	sshrl.u32 s15, $0x3  }
0xf: {  	s22 =	sadd.s32 s5, s8;
	s23 =	sshrl.u32 s10, $0x3;
	s8 =	sadd.s32 s8, s0  }
0x10: {  	s10 =	sadd.s32 $0x4000, s13;
	s13 =	sadd.s32 s18, s1;
	s21 =	sadd.s32 s14, s15  }
0x11: {  	s2 =	sshll.u32 s2, $0x5;
	s15 =	simm.s32 $0x6;
	[dreg:$0x4] =	wrdreg s22  }
0x12: {  	s9 =	sadd.s32 s5, s23;
	[dreg:$0x5] =	wrdreg s8;
	s8 =	sadd.s32 s26, s1  }
0x13: {  	s12 =	sadd.s32 s10, s1;
	[dreg:$0xe] =	wrdreg s21;
	s0 =	sadd.s32 s0, s2  }
0x14: {  	s2 =	sadd.s32 s5, s2;
	s25 =	sadd.s32 $0x40, s9;
	[dreg:$0x8] =	wrdreg s8  }
0x15: {  	s9 =	sadd.s32 $0x60, s9;
	[dreg:$0x9] =	wrdreg s12;
	s12 =	sadd.s32 s16, s1  }
0x16: {  	s8 =	sadd.s32 s17, s10;
	s16 =	sadd.s32 s17, s16;
	[dreg:$0x6] =	wrdreg s25  }
0x17: {  	s17 =	sadd.s32 s17, s18;
	s18 =	sadd.s32 $0x18C00, s6;
	[dreg:$0x7] =	wrdreg s9  }
0x18: {  	s5 =	simm.s32 $0x4;
	s6 =	sadd.s32 $0x18C10, s6;
	[dreg:$0xa] =	wrdreg s18  }
0x19: {  	s21 =	simm.s32 $0x0;
	s26 =	sadd.s32 $0xC0, s0;
	[dreg:$0xb] =	wrdreg s6  }
0x1a: {  	s8 =	sshrl.u32 s8, $0x3;
	s6 =	sadd.s32 s14, s19;
	s22 =	sshrl.u32 s16, $0x3  }
0x1b: {  	s23 =	sshrl.u32 s17, $0x3;
	s25 =	smax.u32 s7, $0x1;
	[dreg:$0x3] =	wrdreg s26  }
0x1c: {  	s26 =	simm.s32 $0x200;
	s7 =	simm.s32 $0x5;
	s16 =	simm.s32 $0x280  }
0x1d: {  	s17 =	simm.s32 $0x380;
	[dreg:$0xc] =	wrdreg s6;
	s20 =	sadd.s32 s14, s8  }
0x1e: {  	s6 =	sadd.s32 s14, s22;
	s24 =	sadd.s32 s14, s23;
	[dreg:$0x11] =	wrdreg s25  }
0x1f: {  	s22 =	sadd.s32 $0xC0, s2;
	s23 =	sadd.s32 $0x80, s0;
	[dreg:$0xd] =	wrdreg s20  }
0x20: {  	s25 =	simm.s32 $0x100;
	s0 =	simm.s32 $0x4400;
	[dreg:$0xf] =	wrdreg s6  }
0x21: {  	s8 =	simm.s32 $0x2;
	s14 =	simm.s32 $0x180;
	[dreg:$0x10] =	wrdreg s24  }
0x22: {  	v0 =	vimm.f32 $0.0e+00;
	s24 =	sadd.s32 $0x80, s2;
	s2 =	simm.s32 $0x7;
	s6 =	simm.s32 $0x1  }
.LBB2_1:
0x23: {  	s9 =	rddreg [dreg:$0x4]  }
0x24: {  	[tilespmem:s3], [sflag:$0x3] =	stream.linear.gather [hbm4b:s9+s3], $0x100, $0x38;
	[tilespmem:$0x1C500] =	vst v63  }
0x25: {  	s18 =	rddreg [dreg:$0x5]  }
0x26: {  	[tilespmem:s25], [sflag:$0x4] =	stream.linear.gather [hbm4b:s18+s3], $0x100, $0x38;
	[tilespmem:$0x1C500] =	vst v63  }
0x27: {  	s19 =	rddreg [dreg:$0x6]  }
0x28: {  	[tilespmem:s26], [sflag:$0x5] =	stream.linear.gather [hbm4b:s19+s3], $0x100, $0x38;
	[tilespmem:$0x1C500] =	vst v63  }
0x29: {  	s20 =	rddreg [dreg:$0x7];
	s18 =	simm.s32 $0x0;
	s19 =	simm.s32 $0x200  }
0x2a: {  	[tilespmem:s28], [sflag:$0x6] =	stream.linear.gather [hbm4b:s20+s3], $0x100, $0x38;
	[tilespmem:$0x1C500] =	vst v63  }
.LBB2_2:
0x2b: {  	p0 =	sne.s32 s19, $0xFE00;
	[tilespmem:s18+$0x4470] =	vst v0  }
0x2c: {  	[tilespmem:s18+$0x4400] =	vst v0  }
0x2d: {  	[tilespmem:s18+$0x4410] =	vst v0  }
.Ltmp0:
0x2e: {  	[tilespmem:s18+$0x4420] =	vst v0;
	(pc) =	sbr.rel @p0 .LBB2_2-.Ltmp0, $4  }
0x2f: {  	[tilespmem:s18+$0x4430] =	vst v0  }
0x30: {  	[tilespmem:s18+$0x4440] =	vst v0  }
0x31: {  	[tilespmem:s18+$0x4450] =	vst v0  }
0x32: {  	[tilespmem:s18+$0x4460] =	vst v0;
	s18 =	sshra.s32 s19, $0x2;
	s19 =	sadd.s32 $0x200, s19  }
0x33: {  	[tilespmem:s18+$0x4470] =	vst v0  }
0x34: {  	[tilespmem:s18+$0x4400] =	vst v0  }
0x35: {  	[tilespmem:s18+$0x4410] =	vst v0  }
0x36: {  	[tilespmem:s18+$0x4420] =	vst v0  }
0x37: {  	[tilespmem:s18+$0x4430] =	vst v0  }
0x38: {  	[tilespmem:s18+$0x4440] =	vst v0  }
0x39: {  	[tilespmem:s18+$0x4450] =	vst v0  }
0x3a: {  	[tilespmem:s18+$0x4460] =	vst v0  }
0x3b: {  	_ =	swait.ge [sflag:s29], $0x100  }
0x3c: {  	[sflag:s29] =	ssyncset.done $0x0  }
0x3d: {  	s10 =	simm.s32 $0x0;
	[sflag:s29] =	ssyncadd.s32 $0xFFFFFF00  }
0x3e: {  	[tilespmem:s31], [sflag:$0x1] =	stream.indirect.gather [hbm4b:s4+s30], $0x80, s10, s30, $0xb8;
	[tilespmem:$0x1C500] =	vst v63  }
0x3f: {  	s9 =	rddreg [dreg:$0x8]  }
0x40: {  	[spmem:s9] =	stream.linear.scatter [tilespmem:s0], [sflag:$0x7], $0x4000, $0x38;
	[tilespmem:$0x1C500] =	vst v63  }
0x41: {  	_ =	swait.ge [sflag:s2], $0x4000  }
0x42: {  	[sflag:s2] =	ssyncset.done $0x0  }
0x43: {  	s18 =	rddreg [dreg:$0x9];
	[sflag:s2] =	ssyncadd.s32 $0xFFFFC000  }
0x44: {  	[spmem:s18] =	stream.linear.scatter [tilespmem:s0], [sflag:$0x7], $0x4000, $0x38;
	[tilespmem:$0x1C500] =	vst v63  }
0x45: {  	_ =	swait.ge [sflag:s2], $0x4000  }
0x46: {  	[sflag:s2] =	ssyncset.done $0x0  }
0x47: {  	[sflag:s2] =	ssyncadd.s32 $0xFFFFC000  }
0x48: {  	[spmem:s11] =	stream.linear.scatter [tilespmem:s0], [sflag:$0x7], $0x4000, $0x38;
	[tilespmem:$0x1C500] =	vst v63  }
0x49: {  	_ =	swait.ge [sflag:s2], $0x4000  }
0x4a: {  	[sflag:s2] =	ssyncset.done $0x0  }
0x4b: {  	[sflag:s2] =	ssyncadd.s32 $0xFFFFC000  }
0x4c: {  	[spmem:s12] =	stream.linear.scatter [tilespmem:s0], [sflag:$0x7], $0x4000, $0x38;
	[tilespmem:$0x1C500] =	vst v63  }
0x4d: {  	_ =	swait.ge [sflag:s2], $0x4000  }
0x4e: {  	[sflag:s2] =	ssyncset.done $0x0  }
0x4f: {  	[sflag:s2] =	ssyncadd.s32 $0xFFFFC000  }
0x50: {  	[spmem:s13] =	stream.linear.scatter [tilespmem:s0], [sflag:$0x7], $0x4000, $0x38;
	[tilespmem:$0x1C500] =	vst v63  }
0x51: {  	_ =	swait.ge [sflag:s2], $0x4000  }
0x52: {  	[sflag:s2] =	ssyncset.done $0x0  }
0x53: {  	[sflag:s2] =	ssyncadd.s32 $0xFFFFC000  }
0x54: {  	[bflag:$0x0] =	sbarrier.arrive $0xFFFF  }
0x55: {  	_ =	swait.ge [sflag:s5], $0x100  }
0x56: {  	[sflag:s5] =	ssyncset.done $0x0  }
0x57: {  	[sflag:s5] =	ssyncadd.s32 $0xFFFFFF00  }
0x58: {  	[tilespmem:s0], [sflag:$0x2] =	stream.indirect.gather [hbm4b:s4+s30], $0x80, s25, s30, $0xb8;
	[tilespmem:$0x1C500] =	vst v63  }
0x59: {  	_ =	swait.ge [sflag:s6], $0x4000  }
0x5a: {  	[sflag:s6] =	ssyncset.done $0x0  }
0x5b: {  	[sflag:s6] =	ssyncadd.s32 $0xFFFFC000  }
0x5c: {  	[spmem:s1] =	stream.indirect.scatter.add.f32 [tilespmem:s31], [sflag:$0x7], $0x80, s30, s30, $0xb8;
	[tilespmem:$0x1C500] =	vst v63  }
0x5d: {  	_ =	swait.ge [sflag:s2], $0x4000  }
0x5e: {  	[sflag:s2] =	ssyncset.done $0x0  }
0x5f: {  	s19 =	sadd.s32 $0x0, s24;
	[sflag:s2] =	ssyncadd.s32 $0xFFFFC000  }
0x60: {  	[tilespmem:s3], [sflag:$0x3] =	stream.linear.gather [hbm4b:s19+s3], $0x100, $0x38;
	[tilespmem:$0x1C500] =	vst v63  }
0x61: {  	_ =	swait.ge [sflag:s7], $0x100  }
0x62: {  	[sflag:s7] =	ssyncset.done $0x0  }
0x63: {  	[sflag:s7] =	ssyncadd.s32 $0xFFFFFF00  }
0x64: {  	[tilespmem:s31], [sflag:$0x1] =	stream.indirect.gather [hbm4b:s4+s30], $0x80, s26, s30, $0xb8;
	[tilespmem:$0x1C500] =	vst v63  }
0x65: {  	_ =	swait.ge [sflag:s8], $0x4000  }
0x66: {  	[sflag:s8] =	ssyncset.done $0x0  }
0x67: {  	[sflag:s8] =	ssyncadd.s32 $0xFFFFC000  }
0x68: {  	[spmem:s1] =	stream.indirect.scatter.add.f32 [tilespmem:s0], [sflag:$0x7], $0x80, s14, s30, $0xb8;
	[tilespmem:$0x1C500] =	vst v63  }
0x69: {  	_ =	swait.ge [sflag:s2], $0x4000  }
0x6a: {  	[sflag:s2] =	ssyncset.done $0x0  }
0x6b: {  	s20 =	sadd.s32 $0x0, s23;
	[sflag:s2] =	ssyncadd.s32 $0xFFFFC000  }
0x6c: {  	[tilespmem:s25], [sflag:$0x4] =	stream.linear.gather [hbm4b:s20+s3], $0x100, $0x38;
	[tilespmem:$0x1C500] =	vst v63  }
0x6d: {  	_ =	swait.ge [sflag:s15], $0x100  }
0x6e: {  	[sflag:s15] =	ssyncset.done $0x0  }
0x6f: {  	[sflag:s15] =	ssyncadd.s32 $0xFFFFFF00  }
0x70: {  	[tilespmem:s0], [sflag:$0x2] =	stream.indirect.gather [hbm4b:s4+s30], $0x80, s28, s30, $0xb8;
	[tilespmem:$0x1C500] =	vst v63  }
0x71: {  	_ =	swait.ge [sflag:s6], $0x4000  }
0x72: {  	[sflag:s6] =	ssyncset.done $0x0  }
0x73: {  	[sflag:s6] =	ssyncadd.s32 $0xFFFFC000  }
0x74: {  	[spmem:s1] =	stream.indirect.scatter.add.f32 [tilespmem:s31], [sflag:$0x7], $0x80, s16, s30, $0xb8;
	[tilespmem:$0x1C500] =	vst v63  }
0x75: {  	p0 =	por $0x0, $0x0;
	_ =	swait.ge [sflag:s2], $0x4000  }
0x76: {  	s18 =	sadd.s32 @!p0 $0x0, s22;
	[sflag:s2] =	ssyncset.done $0x0  }
0x77: {  	s19 =	simm.s32 @!p0 $0x0;
	s20 =	simm.s32 @!p0 $0x200;
	[sflag:s2] =	ssyncadd.s32 $0xFFFFC000  }
0x78: {  	[tilespmem:s20], [sflag:$0x5] =	stream.linear.gather @!p0 [hbm4b:s18+s19], $0x100, $0x38;
	[tilespmem:$0x1C500] =	vst v63  }
0x79: {  	_ =	swait.ge [sflag:s29], $0x100  }
0x7a: {  	[sflag:s29] =	ssyncset.done $0x0  }
0x7b: {  	[sflag:s29] =	ssyncadd.s32 $0xFFFFFF00  }
0x7c: {  	[tilespmem:s31], [sflag:$0x1] =	stream.indirect.gather [hbm4b:s4+s30], $0x80, s3, s30, $0xb8;
	[tilespmem:$0x1C500] =	vst v63  }
0x7d: {  	_ =	swait.ge [sflag:s8], $0x4000  }
0x7e: {  	[sflag:s8] =	ssyncset.done $0x0  }
0x7f: {  	[sflag:s8] =	ssyncadd.s32 $0xFFFFC000  }
0x80: {  	[spmem:s1] =	stream.indirect.scatter.add.f32 [tilespmem:s0], [sflag:$0x7], $0x80, s17, s30, $0xb8;
	[tilespmem:$0x1C500] =	vst v63  }
0x81: {  	_ =	swait.ge [sflag:s2], $0x4000  }
0x82: {  	s18 =	rddreg [dreg:$0x3];
	[sflag:s2] =	ssyncset.done $0x0  }
0x83: {  	s20 =	simm.s32 @!p0 $0x300;
	[sflag:s2] =	ssyncadd.s32 $0xFFFFC000;
	s18 =	sadd.s32 @!p0 $0x0, s18  }
0x84: {  	[tilespmem:s20], [sflag:$0x6] =	stream.linear.gather @!p0 [hbm4b:s18+s19], $0x100, $0x38;
	[tilespmem:$0x1C500] =	vst v63  }
0x85: {  	_ =	swait.ge [sflag:s5], $0x100  }
0x86: {  	s18 =	simm.s32 $0x80;
	[sflag:s5] =	ssyncset.done $0x0  }
.LBB2_4:
0x87: {  	[sflag:s5] =	ssyncadd.s32 $0xFFFFFF00  }
0x88: {  	[tilespmem:s0], [sflag:$0x2] =	stream.indirect.gather [hbm4b:s4+s30], $0x80, s25, s30, $0xb8;
	[tilespmem:$0x1C500] =	vst v63  }
0x89: {  	_ =	swait.ge [sflag:s6], $0x4000  }
0x8a: {  	[sflag:s6] =	ssyncset.done $0x0  }
0x8b: {  	[sflag:s6] =	ssyncadd.s32 $0xFFFFC000  }
0x8c: {  	[spmem:s1] =	stream.indirect.scatter.add.f32 [tilespmem:s31], [sflag:$0x7], $0x80, s30, s30, $0xb8;
	[tilespmem:$0x1C500] =	vst v63  }
0x8d: {  	_ =	swait.ge [sflag:s2], $0x4000  }
0x8e: {  	s19 =	smov.u32 s18;
	[sflag:s2] =	ssyncset.done $0x0  }
0x8f: {  	s20 =	sadd.s32 s19, s24;
	[sflag:s2] =	ssyncadd.s32 $0xFFFFC000  }
0x90: {  	[tilespmem:s3], [sflag:$0x3] =	stream.linear.gather [hbm4b:s20+s3], $0x100, $0x38;
	[tilespmem:$0x1C500] =	vst v63  }
0x91: {  	_ =	swait.ge [sflag:s7], $0x100  }
0x92: {  	[sflag:s7] =	ssyncset.done $0x0  }
0x93: {  	[sflag:s7] =	ssyncadd.s32 $0xFFFFFF00  }
0x94: {  	[tilespmem:s31], [sflag:$0x1] =	stream.indirect.gather [hbm4b:s4+s30], $0x80, s26, s30, $0xb8;
	[tilespmem:$0x1C500] =	vst v63  }
0x95: {  	_ =	swait.ge [sflag:s8], $0x4000  }
0x96: {  	[sflag:s8] =	ssyncset.done $0x0  }
0x97: {  	[sflag:s8] =	ssyncadd.s32 $0xFFFFC000  }
0x98: {  	[spmem:s1] =	stream.indirect.scatter.add.f32 [tilespmem:s0], [sflag:$0x7], $0x80, s14, s30, $0xb8;
	[tilespmem:$0x1C500] =	vst v63  }
0x99: {  	_ =	swait.ge [sflag:s2], $0x4000  }
0x9a: {  	[sflag:s2] =	ssyncset.done $0x0  }
0x9b: {  	s10 =	sadd.s32 s19, s23;
	[sflag:s2] =	ssyncadd.s32 $0xFFFFC000  }
0x9c: {  	[tilespmem:s25], [sflag:$0x4] =	stream.linear.gather [hbm4b:s10+s3], $0x100, $0x38;
	[tilespmem:$0x1C500] =	vst v63  }
0x9d: {  	_ =	swait.ge [sflag:s15], $0x100  }
0x9e: {  	[sflag:s15] =	ssyncset.done $0x0  }
0x9f: {  	[sflag:s15] =	ssyncadd.s32 $0xFFFFFF00  }
0xa0: {  	[tilespmem:s0], [sflag:$0x2] =	stream.indirect.gather [hbm4b:s4+s30], $0x80, s28, s30, $0xb8;
	[tilespmem:$0x1C500] =	vst v63  }
0xa1: {  	_ =	swait.ge [sflag:s6], $0x4000  }
0xa2: {  	[sflag:s6] =	ssyncset.done $0x0  }
0xa3: {  	[sflag:s6] =	ssyncadd.s32 $0xFFFFC000  }
0xa4: {  	[spmem:s1] =	stream.indirect.scatter.add.f32 [tilespmem:s31], [sflag:$0x7], $0x80, s16, s30, $0xb8;
	[tilespmem:$0x1C500] =	vst v63  }
0xa5: {  	p1 =	seq.s32 s19, $0x900;
	_ =	swait.ge [sflag:s2], $0x4000  }
0xa6: {  	s9 =	simm.s32 @!p1 $0x0;
	[sflag:s2] =	ssyncset.done $0x0  }
0xa7: {  	s20 =	sadd.s32 @!p1 s19, s22;
	s10 =	simm.s32 @!p1 $0x200;
	[sflag:s2] =	ssyncadd.s32 $0xFFFFC000  }
0xa8: {  	[tilespmem:s10], [sflag:$0x5] =	stream.linear.gather @!p1 [hbm4b:s20+s9], $0x100, $0x38;
	[tilespmem:$0x1C500] =	vst v63  }
0xa9: {  	_ =	swait.ge [sflag:s29], $0x100  }
0xaa: {  	[sflag:s29] =	ssyncset.done $0x0  }
0xab: {  	[sflag:s29] =	ssyncadd.s32 $0xFFFFFF00  }
0xac: {  	[tilespmem:s31], [sflag:$0x1] =	stream.indirect.gather [hbm4b:s4+s30], $0x80, s3, s30, $0xb8;
	[tilespmem:$0x1C500] =	vst v63  }
0xad: {  	_ =	swait.ge [sflag:s8], $0x4000  }
0xae: {  	[sflag:s8] =	ssyncset.done $0x0  }
0xaf: {  	s18 =	sadd.s32 $0x80, s18;
	[sflag:s8] =	ssyncadd.s32 $0xFFFFC000  }
0xb0: {  	[spmem:s1] =	stream.indirect.scatter.add.f32 [tilespmem:s0], [sflag:$0x7], $0x80, s17, s30, $0xb8;
	[tilespmem:$0x1C500] =	vst v63  }
0xb1: {  	p0 =	sne.s32 s18, $0x980;
	_ =	swait.ge [sflag:s2], $0x4000  }
.Ltmp1:
0xb2: {  	[sflag:s2] =	ssyncset.done $0x0;
	s10 =	rddreg [dreg:$0x3];
	(pc) =	sbr.rel @p0 .LBB2_4-.Ltmp1, $4  }
0xb3: {  	s20 =	simm.s32 @!p1 $0x300;
	[sflag:s2] =	ssyncadd.s32 $0xFFFFC000;
	s10 =	sadd.s32 @!p1 s19, s10  }
0xb4: {  	[tilespmem:s20], [sflag:$0x6] =	stream.linear.gather @!p1 [hbm4b:s10+s9], $0x100, $0x38;
	[tilespmem:$0x1C500] =	vst v63  }
0xb5: {  	_ =	swait.ge [sflag:s5], $0x100  }
0xb6: {  	[sflag:s5] =	ssyncset.done $0x0  }
0xb7: {  	[sflag:s5] =	ssyncadd.s32 $0xFFFFFF00  }
0xb8: {  	[tilespmem:s0], [sflag:$0x2] =	stream.indirect.gather [hbm4b:s4+s30], $0x80, s25, s30, $0xb8;
	[tilespmem:$0x1C500] =	vst v63  }
0xb9: {  	_ =	swait.ge [sflag:s6], $0x4000  }
0xba: {  	[sflag:s6] =	ssyncset.done $0x0  }
0xbb: {  	[sflag:s6] =	ssyncadd.s32 $0xFFFFC000  }
0xbc: {  	[spmem:s1] =	stream.indirect.scatter.add.f32 [tilespmem:s31], [sflag:$0x7], $0x80, s30, s30, $0xb8;
	[tilespmem:$0x1C500] =	vst v63  }
0xbd: {  	_ =	swait.ge [sflag:s2], $0x4000  }
0xbe: {  	[sflag:s2] =	ssyncset.done $0x0  }
0xbf: {  	[sflag:s2] =	ssyncadd.s32 $0xFFFFC000  }
0xc0: {  	_ =	swait.ge [sflag:s8], $0x4000  }
0xc1: {  	[sflag:s8] =	ssyncset.done $0x0  }
0xc2: {  	[sflag:s8] =	ssyncadd.s32 $0xFFFFC000  }
0xc3: {  	[spmem:s1] =	stream.indirect.scatter.add.f32 [tilespmem:s0], [sflag:$0x7], $0x80, s14, s30, $0xb8;
	[tilespmem:$0x1C500] =	vst v63  }
0xc4: {  	_ =	swait.ge [sflag:s2], $0x4000  }
0xc5: {  	[sflag:s2] =	ssyncset.done $0x0  }
0xc6: {  	s10 =	simm.s32 $0x8400;
	s9 =	rddreg [dreg:$0xa];
	[sflag:s2] =	ssyncadd.s32 $0xFFFFC000  }
0xc7: {  	[tilespmem:s10], [sflag:$0x7] =	stream.linear.gather [hbm4b:s9+s3], $0x80, $0x38;
	[tilespmem:$0x1C500] =	vst v63  }
0xc8: {  	_ =	swait.ge [sflag:s2], $0x80  }
0xc9: {  	[sflag:s2] =	ssyncset.done $0x0  }
0xca: {  	s18 =	simm.s32 $0x8480;
	s19 =	rddreg [dreg:$0xb];
	[sflag:s2] =	ssyncadd.s32 $0xFFFFFF80  }
0xcb: {  	[tilespmem:s18], [sflag:$0x7] =	stream.linear.gather [hbm4b:s19+s3], $0x80, $0x38;
	[tilespmem:$0x1C500] =	vst v63  }
0xcc: {  	_ =	swait.ge [sflag:s2], $0x80  }
0xcd: {  	[sflag:s2] =	ssyncset.done $0x0  }
0xce: {  	s20 =	simm.s32 $0x10;
	[sflag:s2] =	ssyncadd.s32 $0xFFFFFF80  }
0xcf: {  	[tilespmem:s31], [sflag:$0x1] =	stream.indirect.gather [hbm4b:s4+s20], $0x80, s10, s20, $0xb8;
	[tilespmem:$0x1C500] =	vst v63  }
0xd0: {  	_ =	swait.ge [sflag:s6], $0x800  }
0xd1: {  	[sflag:s6] =	ssyncset.done $0x0  }
0xd2: {  	[sflag:s6] =	ssyncadd.s32 $0xFFFFF800  }
0xd3: {  	[spmem:s1] =	stream.indirect.scatter.add.f32 [tilespmem:s31], [sflag:$0x7], $0x80, s18, s20, $0xb8;
	[tilespmem:$0x1C500] =	vst v63  }
0xd4: {  	_ =	swait.ge [sflag:s2], $0x800  }
0xd5: {  	[sflag:s2] =	ssyncset.done $0x0  }
0xd6: {  	[sflag:s2] =	ssyncadd.s32 $0xFFFFF800  }
0xd7: {  	s18 =	stileid.u32;
	[bflag:$0x0] =	sbarrier.arrive $0xFFFF  }
0xd8: {  	s9 =	sshll.u32 s18, $0x6;
	s19 =	rddreg [dreg:$0x8]  }
0xd9: {  	s9 =	sor.u32 $0x1C07, s9;
	s20 =	rddreg [dreg:$0xc];
	s10 =	sshrl.u32 s19, $0x3  }
0xda: {  	[hbm:s20], [sflag:s9] =	dma.local [spmem:s10], $0x800  }
0xdb: {  	_ =	swait.ge [sflag:s2], $0x800  }
0xdc: {  	[sflag:s2] =	ssyncset.done $0x0;
	s19 =	rddreg [dreg:$0x9]  }
0xdd: {  	s20 =	rddreg [dreg:$0xd];
	[sflag:s2] =	ssyncadd.s32 $0xFFFFF800;
	s10 =	sshrl.u32 s19, $0x3  }
0xde: {  	[hbm:s20], [sflag:s9] =	dma.local [spmem:s10], $0x800  }
0xdf: {  	_ =	swait.ge [sflag:s2], $0x800  }
0xe0: {  	[sflag:s2] =	ssyncset.done $0x0  }
0xe1: {  	s19 =	sshrl.u32 s11, $0x3;
	s20 =	rddreg [dreg:$0xe];
	[sflag:s2] =	ssyncadd.s32 $0xFFFFF800  }
0xe2: {  	[hbm:s20], [sflag:s9] =	dma.local [spmem:s19], $0x800  }
0xe3: {  	_ =	swait.ge [sflag:s2], $0x800  }
0xe4: {  	[sflag:s2] =	ssyncset.done $0x0  }
0xe5: {  	s19 =	sshrl.u32 s12, $0x3;
	s20 =	rddreg [dreg:$0xf];
	[sflag:s2] =	ssyncadd.s32 $0xFFFFF800  }
0xe6: {  	[hbm:s20], [sflag:s9] =	dma.local [spmem:s19], $0x800  }
0xe7: {  	_ =	swait.ge [sflag:s2], $0x800  }
0xe8: {  	[sflag:s2] =	ssyncset.done $0x0  }
0xe9: {  	s18 =	sshrl.u32 s13, $0x3;
	s19 =	rddreg [dreg:$0x10];
	[sflag:s2] =	ssyncadd.s32 $0xFFFFF800  }
0xea: {  	[hbm:s19], [sflag:s9] =	dma.local [spmem:s18], $0x800  }
0xeb: {  	_ =	swait.ge [sflag:s2], $0x800  }
0xec: {  	s21 =	sadd.s32 $0x1, s21;
	s20 =	rddreg [dreg:$0x11]  }
0xed: {  	p0 =	sne.s32 s21, s20  }
.Ltmp2:
0xee: {  	_ = 	snop;
	(pc) =	sbr.rel @p0 .LBB2_1-.Ltmp2, $3  }
0xef: {  	_ =	sdelay $0x1  }
0xf0: {  	[sflag:s2] =	ssyncset.done $0x0  }
0xf1: {  	[sflag:s2] =	ssyncadd.s32 $0xFFFFF800  }
0xf2: {  	_ =	sfence.sel $0x180000  }
0xf3: {  	[bflag:$0x0] =	sbarrier.arrive $0xFFFF  }
0xf4: {  	_ =	strace $0x9000004D  }
0xf5: {  	s0 =	stileid.u32;
	[bflag:$0x2] =	sbarrier.arrive $0xFFFF  }
0xf6: {  	p0 =	sne.s32 s0, $0x0;
	s0 =	rddreg [dreg:$0x2]  }
0xf7: {  	s0 =	sadd.s32 @!p0 $0x100000, s0  }
0xf8: {  	[sflag:s0] =	ssyncadd.tile.s32 @!p0 $0x1;
	_ =	shalt  }
.Lfunc_end2:
_tile_overlayer_lowered:
.L_overlay_start_2:
0xf9: {  	(tag) =	ssettag $0x2  }
0xfa: {  	s0 =	rddreg [dreg:$0x0];
	s2 =	stileid.u32  }
0xfb: {  	s1 =	rddreg [dreg:$0x1];
	p0 =	sne.s32 s2, $0x0  }
0xfc: {  	s3 =	rddreg [dreg:$0x2];
	[bflag:$0x3] =	sbarrier.arrive $0xFFFF;
	s2 =	simm.s32 @!p0 $0x1C07  }
0xfd: {  	[timem:s3], [sflag:s2] =	dma.local @!p0 [hbm:s0], s1  }
0xfe: {  	s0 =	simm.s32 @!p0 $0x7  }
0xff: {  	_ =	swait.ge @!p0 [sflag:s0], s1  }
0x100: {  	s1 =	ssub.s32 @!p0 $0x0, s1;
	[sflag:s0] =	ssyncset.done @!p0 $0x0  }
0x101: {  	[sflag:s0] =	ssyncadd.s32 @!p0 s1  }
0x102: {  	[bflag:$0x3] =	sbarrier.arrive $0xFFFF  }
0x103: {  	_ =	shalt  }

// kernel: kernel.19.cloned.1.call-start
scs
__scs_entry_jumppad:
0x0: {  	(pc) =	sbr.rel $0x88, $3  }
0x1: {  	(tag) =	ssettag $0x0;
	lr =	simm.s32 $0x1  }
0x2: {  	[smem:$0x3F95] =	sst lr;
	_ =	strace $0xD0000000  }
0x3: {  	_ = 	snop  }
0x4: {  	_ = 	snop  }
0x5: {  	_ = 	snop  }
0x6: {  	_ = 	snop  }
0x7: {  	_ = 	snop  }
__scs_overlays_trampoline_lowered:
0x8: {  	[smem:$0x3FA4] =	sst s0  }
0x9: {  	[smem:$0x3FA5] =	sst s1  }
0xa: {  	[smem:$0x3FA6] =	sst s2  }
0xb: {  	[smem:$0x3FA7] =	sst s3  }
0xc: {  	[smem:$0x3FA8] =	sst s4  }
0xd: {  	[smem:$0x3FA9] =	sst s5  }
0xe: {  	[smem:$0x3FAA] =	sst s6  }
0xf: {  	[smem:$0x3FAB] =	sst s7  }
0x10: {  	[smem:$0x3FAC] =	sst s8  }
0x11: {  	[smem:$0x3FAD] =	sst s9;
	s0 =	simm.s32 @!p0 $0x0  }
0x12: {  	s1 =	sld [smem:$0x3F93];
	s0 =	simm.s32 @p0 $0x1  }
0x13: {  	[smem:$0x3FAE] =	sst s0;
	s0 =	simm.s32 @!p1 $0x0  }
0x14: {  	s2 =	sld [smem:$0x3F92];
	s0 =	simm.s32 @p1 $0x1  }
0x15: {  	[smem:$0x3FAF] =	sst s0;
	s0 =	simm.s32 @!p2 $0x0  }
0x16: {  	s3 =	sld [smem:$0x3FDB];
	s0 =	simm.s32 @p2 $0x1  }
0x17: {  	s4 =	simm.s32 $0x1BF5;
	[smem:$0x3FB1] =	sst s0  }
0x18: {  	s0 =	sld [smem:$0x3F94];
	_ =	swait.ge [sflag:s4], $0x0  }
0x19: {  	s7 =	sld [smem:$0x3F95]  }
0x1a: {  	s8 =	sadd.s32 $0xFFFFE003, lr  }
0x1b: {  	s9 =	sadd.s32 $0xFFFFFEF7, lr;
	s5 =	simm.s32 $0xFFFFFFFF;
	p2 =	slt.u32 s8, $0xFFFFF086  }
0x1c: {  	p1 =	slt.u32 s9, $0xF7A;
	s5 =	simm.s32 @!p2 $0x0  }
0x1d: {  	s5 =	simm.s32 @p1 $0x1;
	p0 =	seq.s32 s7, s2  }
0x1e: {  	s7 =	smul.u32 @!p0 $0xF7A, s2;
	p2 =	seq.s32 @!p0 s5, $0x0  }
0x1f: {  	s9 =	smul.u32 $0xF7A, s1;
	s8 =	simm.s32 @!p0 $0x1BF5;
	p2 =	por !p2, p0  }
0x20: {  	[sflag:s8] =	ssyncset.s32 @!p0 $0xFFFFF086;
	s6 =	sadd.s32 @!p0 s3, s7;
	s7 =	simm.s32 @!p0 $0x108  }
0x21: {  	s3 =	sadd.s32 s3, s9;
	s6 =	sadd.s32 @!p0 $0x88, s6;
	s7 =	simm.s32 @p2 $0x1082  }
0x22: {  	[simem:s7], [sflag:s8] =	dma.local @!p0 [hbm:s6], $0xF7A  }
0x23: {  	s9 =	sor.u32 $0xD0000000, s2;
	s6 =	simm.s32 $0x108;
	_ =	swait.ge @!p0 [sflag:s8], $0x0  }
0x24: {  	s3 =	sadd.s32 $0x88, s3;
	s6 =	simm.s32 @!p1 $0x1082;
	[sflag:s4] =	ssyncset.s32 $0xFFFFF086  }
0x25: {  	[simem:s6], [sflag:s4] =	dma.local [hbm:s3], $0xF7A  }
0x26: {  	[smem:$0x3F95] =	sst s1;
	(tag) =	ssettag s2;
	_ =	strace s9  }
0x27: {  	s1 =	sld [smem:$0x3FA5]  }
0x28: {  	s2 =	sld [smem:$0x3FA6]  }
0x29: {  	s4 =	sld [smem:$0x3FA8]  }
0x2a: {  	p0 =	seq.s32 s5, $0x0;
	s5 =	sld [smem:$0x3FA9]  }
0x2b: {  	s6 =	sld [smem:$0x3FAA]  }
0x2c: {  	s7 =	sld [smem:$0x3FAB]  }
0x2d: {  	s3 =	simm.s32 $0x108;
	s8 =	sld [smem:$0x3FAC]  }
0x2e: {  	s3 =	simm.s32 @!p0 $0x1082;
	s9 =	sld [smem:$0x3FAD]  }
0x2f: {  	lr =	sadd.s32 s0, s3;
	s0 =	sld [smem:$0x3FA4]  }
0x30: {  	s3 =	sld [smem:$0x3FA7]  }
0x31: {  	[smem:$0x3FB0] =	sst s10  }
0x32: {  	s10 =	sld [smem:$0x3FAE];
	_ =	sdelay $0x3  }
0x33: {  	p0 =	seq.s32 s10, $0x1;
	s10 =	sld [smem:$0x3FB0];
	_ =	sdelay $0x3  }
0x34: {  	[smem:$0x3FB0] =	sst s10  }
0x35: {  	s10 =	sld [smem:$0x3FAF];
	_ =	sdelay $0x3  }
0x36: {  	p1 =	seq.s32 s10, $0x1;
	s10 =	sld [smem:$0x3FB0];
	_ =	sdelay $0x3  }
0x37: {  	[smem:$0x3FB0] =	sst s10  }
0x38: {  	s10 =	sld [smem:$0x3FB1]  }
0x39: {  	_ = 	snop;
	(pc) =	sbr.ind lr, $3  }
0x3a: {  	_ = 	snop  }
0x3b: {  	_ = 	snop  }
0x3c: {  	p2 =	seq.s32 s10, $0x1;
	s10 =	sld [smem:$0x3FB0]  }
0x3d: {  	_ =	shalt  }
0x3e: {  	_ =	shalt  }
0x3f: {  	_ =	shalt  }
0x40: {  	_ =	shalt  }
0x41: {  	_ =	shalt  }
0x42: {  	_ =	shalt  }
0x43: {  	_ =	shalt  }
0x44: {  	_ =	shalt  }
0x45: {  	_ =	shalt  }
0x46: {  	_ =	shalt  }
0x47: {  	_ =	shalt  }
0x48: {  	_ =	shalt  }
0x49: {  	_ =	shalt  }
0x4a: {  	_ =	shalt  }
0x4b: {  	_ =	shalt  }
0x4c: {  	_ =	shalt  }
0x4d: {  	_ =	shalt  }
0x4e: {  	_ =	shalt  }
0x4f: {  	_ =	shalt  }
0x50: {  	_ =	shalt  }
0x51: {  	_ =	shalt  }
0x52: {  	_ =	shalt  }
0x53: {  	_ =	shalt  }
0x54: {  	_ =	shalt  }
0x55: {  	_ =	shalt  }
0x56: {  	_ =	shalt  }
0x57: {  	_ =	shalt  }
0x58: {  	_ =	shalt  }
0x59: {  	_ =	shalt  }
0x5a: {  	_ =	shalt  }
0x5b: {  	_ =	shalt  }
0x5c: {  	_ =	shalt  }
0x5d: {  	_ =	shalt  }
0x5e: {  	_ =	shalt  }
0x5f: {  	_ =	shalt  }
0x60: {  	_ =	shalt  }
0x61: {  	_ =	shalt  }
0x62: {  	_ =	shalt  }
0x63: {  	_ =	shalt  }
0x64: {  	_ =	shalt  }
0x65: {  	_ =	shalt  }
0x66: {  	_ =	shalt  }
0x67: {  	_ =	shalt  }
0x68: {  	_ =	shalt  }
0x69: {  	_ =	shalt  }
0x6a: {  	_ =	shalt  }
0x6b: {  	_ =	shalt  }
0x6c: {  	_ =	shalt  }
0x6d: {  	_ =	shalt  }
0x6e: {  	_ =	shalt  }
0x6f: {  	_ =	shalt  }
0x70: {  	_ =	shalt  }
0x71: {  	_ =	shalt  }
0x72: {  	_ =	shalt  }
0x73: {  	_ =	shalt  }
0x74: {  	_ =	shalt  }
0x75: {  	_ =	shalt  }
0x76: {  	_ =	shalt  }
0x77: {  	_ =	shalt  }
0x78: {  	_ =	shalt  }
0x79: {  	_ =	shalt  }
0x7a: {  	_ =	shalt  }
0x7b: {  	_ =	shalt  }
0x7c: {  	_ =	shalt  }
0x7d: {  	_ =	shalt  }
0x7e: {  	_ =	shalt  }
0x7f: {  	_ =	shalt  }
0x80: {  	_ =	shalt  }
0x81: {  	_ =	shalt  }
0x82: {  	_ =	shalt  }
0x83: {  	_ =	shalt  }
0x84: {  	_ =	shalt  }
0x85: {  	_ =	shalt  }
0x86: {  	_ =	shalt  }
0x87: {  	_ =	shalt  }
.Lfunc_end0:
.L_simem_size_0:
called_computation.3_lowered:
.L_overlay_start_0:
0x88: {  	s2 =	sld [smem:$0x3FD9]  }
0x89: {  	s3 =	sld [smem:$0x3FFE];
	_ =	sdelay $0x1  }
0x8a: {  	s1 =	srdreg.scid  }
0x8b: {  	s0 =	sand.u32 $0x1, s1  }
0x8c: {  	s17 =	sshll.u32 s0, $0xA;
	s2 =	sadd.s32 s3, s2  }
0x8d: {  	s2 =	sadd.s32 s2, s17  }
0x8e: {  	[smem:$0x3FBC] =	sst s2  }
0x8f: {  	_ = 	snop  }
0x90: {  	s2 =	sld [smem:$0x3FD0];
	(tm) =	ssettm $0x1  }
0x91: {  	s18 =	sld [smem:$0x3FFB];
	_ =	sdelay $0x3  }
0x92: {  	_ =	strace s18  }
0x93: {  	s3 =	sld [smem:$0x3FFC];
	_ =	sdelay $0x3  }
0x94: {  	_ =	strace s3  }
0x95: {  	s3 =	sld [smem:$0x3FFD];
	_ =	sdelay $0x3  }
0x96: {  	_ =	strace s3  }
0x97: {  	_ =	strace $0x8FFFFFFF  }
0x98: {  	s19 =	sld [smem:$0x3FDB];
	_ =	sdelay $0x1  }
0x99: {  	s4 =	simm.s32 $_scs_section_size  }
0x9a: {  	s5 =	simm.s32 $_size__tile_overlayer_lowered;
	s6 =	simm.s32 $_tile_overlayer_lowered  }
0x9b: {  	s22 =	simm.s32 $0x1BFF;
	s21 =	sshll.u32 s6, $0x1;
	s3 =	sadd.s32 s4, s19  }
0x9c: {  	s7 =	simm.s32 $0x0;
	s20 =	sshll.u32 s5, $0x1;
	s5 =	sadd.s32 s21, s3  }
0x9d: {  	[timem:s7], [sflag:s22] =	dma.local [hbm:s5], s20  }
0x9e: {  	_ =	swait.ge [sflag:s22], s20  }
0x9f: {  	s4 =	ssub.s32 $0x0, s20;
	[sflag:s22] =	ssyncset.done $0x0  }
0xa0: {  	[sflag:s22] =	ssyncadd.s32 s4;
	_ =	sdelay $0x1  }
0xa1: {  	s23 =	simm.s32 $0x1B8B  }
0xa2: {  	_ =	swait.ge [sflag:s23], $0x1  }
0xa3: {  	[sflag:s23] =	ssyncset.done $0x0  }
0xa4: {  	s25 =	simm.s32 $0x1B8E;
	s24 =	sld [smem:$0x3FFE];
	[sflag:s23] =	ssyncadd.s32 $0xFFFFFFFF  }
0xa5: {  	s26 =	simm.s32 $execute0_lowered;
	[smem:$0x3FD2] =	sst s25  }
0xa6: {  	s5 =	sshll.u32 s26, $0x1;
	_ =	strace $0x8000004F;
	[dreg:$0x1] =	wrdreg $0xFFFFFFFF  }
0xa7: {  	s28 =	simm.s32 $_size_execute0_lowered;
	s3 =	sadd.s32 s3, s5;
	[dreg:$0x0] =	wrdreg $0x0  }
0xa8: {  	s5 =	sshll.u32 s28, $0x1;
	[dreg:$0x2] =	wrdreg s3  }
0xa9: {  	[dreg:$0x3] =	wrdreg s5  }
0xaa: {  	[dreg:$0x4] =	wrdreg $0xC0  }
0xab: {  	_ =	task [dreg:s7], $0x5FFFF  }
0xac: {  	[dreg:$0x1] =	wrdreg $0xFFFFFFFF  }
0xad: {  	[dreg:$0x0] =	wrdreg $0x60  }
0xae: {  	[dreg:$0x2] =	wrdreg s24  }
0xaf: {  	[dreg:$0x3] =	wrdreg s2  }
0xb0: {  	[dreg:$0x4] =	wrdreg $0x88200  }
0xb1: {  	[dreg:$0x5] =	wrdreg $0x9  }
0xb2: {  	_ =	task.clear_ibuf [dreg:s7], $0x6FFFF;
	_ =	strace $0x9000004F  }
0xb3: {  	s29 =	simm.s32 $0x9;
	_ =	strace $0x80000051  }
0xb4: {  	_ =	swait.ge [sflag:s29], $0x1  }
0xb5: {  	[sflag:s29] =	ssyncadd.s32 $0xFFFFFFFF  }
0xb6: {  	_ =	strace $0x90000051  }
0xb7: {  	_ =	sfence  }
0xb8: {  	s30 =	sld [smem:$0x0];
	_ =	sdelay $0x2  }
0xb9: {  	s31 =	sshll.u32 s1, $0xD;
	s1 =	sshrl.u32 s1, $0x2  }
0xba: {  	s3 =	sand.u32 $0x4000, s31;
	s1 =	sadd.s32 s1, s30  }
0xbb: {  	s0 =	sor.u32 s3, s0;
	s1 =	sshll.u32 s1, $0x11  }
0xbc: {  	s0 =	sor.u32 s1, s0  }
0xbd: {  	s0 =	sadd.s32 $0x8F2B, s0  }
0xbe: {  	[sflag:s0] =	ssyncadd.remote.s32 $0x1  }
0xbf: {  	_ =	sfence.sel $0xFFFF  }
0xc0: {  	[dreg:$0x0] =	wrdreg $0xFFFFFFFF;
	(pc) =	sbr.abs _section_cstart, $3  }
0xc1: {  	[dreg:$0x1] =	wrdreg $0xFFFFFFFF  }
0xc2: {  	_ =	task.clear_ibuf [dreg:s7], $0x2FFFF;
	_ =	strace $0x9FFFFFFF  }
0xc3: {  	(tm) =	ssettm $0x7FFFFFFF  }
tec
execute0_lowered:
.L_overlay_start_1:
0x0: {  	(tag) =	ssettag $0x1  }
0x1: {  	s0 =	rddreg [dreg:$0x0]  }
0x2: {  	s2 =	rddreg [dreg:$0x1]  }
0x3: {  	s1 =	rddreg [dreg:$0x2]  }
0x4: {  	s3 =	srdreg.scid;
	s20 =	stileid.u32  }
0x5: {  	s28 =	simm.s32 $0x400;
	s29 =	simm.s32 $0x600;
	s30 =	simm.s32 $0x3  }
0x6: {  	s31 =	simm.s32 $0x100;
	s5 =	sand.u32 $0x1, s3;
	s3 =	simm.s32 $0x0  }
0x7: {  	s8 =	sadd.s32 $0x90200, s0;
	s14 =	smul.u32 $0xA000, s20;
	s4 =	sshll.u32 s5, $0x4  }
0x8: {  	[smem:$0x7FF] =	sst s3;
	s9 =	ssub.s32 $0x2, s5;
	s18 =	smul.u32 $0xA0000, s5  }
0x9: {  	s5 =	smul.u32 $0x270, s5;
	s6 =	sor.u32 s20, s4;
	_ =	strace $0x80000050  }
0xa: {  	s4 =	sadd.s32 $0x4800, s0;
	s0 =	sadd.s32 $0x18200, s0;
	s11 =	sshrl.u32 s9, $0x1  }
0xb: {  	s24 =	sadd.s32 $0x2000, s14;
	s25 =	sadd.s32 s14, s1;
	s20 =	smul.u32 $0x27, s20  }
0xc: {  	s16 =	sadd.s32 $0x4000, s14;
	s17 =	sadd.s32 $0x6000, s14;
	s7 =	smul.u32 $0x4E00, s6  }
0xd: {  	s19 =	sadd.s32 $0x8000, s14;
	s10 =	smul.u32 $0x9C0, s6;
	s15 =	ssub.s32 s9, s11  }
0xe: {  	[dreg:$0x8] =	wrdreg s25;
	s26 =	sadd.s32 s24, s1;
	s11 =	sadd.s32 s16, s1  }
0xf: {  	s12 =	sadd.s32 s17, s1;
	s6 =	sshll.u32 s6, $0x2;
	s13 =	sadd.s32 s19, s1  }
0x10: {  	s16 =	sadd.s32 s18, s16;
	s17 =	sadd.s32 s18, s17;
	s19 =	sadd.s32 s18, s19  }
0x11: {  	[dreg:$0x9] =	wrdreg s26;
	s6 =	sadd.s32 s2, s6;
	s5 =	sadd.s32 s20, s5  }
0x12: {  	s25 =	smax.u32 s15, $0x1;
	s15 =	simm.s32 $0x2;
	s7 =	sshrl.u32 s7, $0x3  }
0x13: {  	s21 =	sadd.s32 s8, s10;
	s10 =	sadd.s32 s14, s18;
	[dreg:$0xa] =	wrdreg s6  }
0x14: {  	s6 =	sadd.s32 $0x2, s6;
	s14 =	sadd.s32 s18, s24;
	s24 =	sshrl.u32 s19, $0x3  }
0x15: {  	s5 =	sshll.u32 s5, $0x6;
	[dreg:$0x11] =	wrdreg s25;
	s18 =	simm.s32 $0x700  }
0x16: {  	s19 =	simm.s32 $0x0;
	s7 =	sadd.s32 s8, s7;
	[dreg:$0x4] =	wrdreg s21  }
0x17: {  	[dreg:$0xb] =	wrdreg s6;
	s2 =	sshrl.u32 s10, $0x3;
	s6 =	sshrl.u32 s14, $0x3  }
0x18: {  	s26 =	sadd.s32 s5, s8;
	s5 =	simm.s32 $0x7;
	s22 =	sadd.s32 $0x40, s7  }
0x19: {  	s8 =	simm.s32 $0x5;
	s23 =	sadd.s32 $0x80, s7;
	[dreg:$0x5] =	wrdreg s22  }
0x1a: {  	s14 =	simm.s32 $0x300;
	s7 =	sadd.s32 $0xC0, s7;
	[dreg:$0x6] =	wrdreg s23  }
0x1b: {  	s2 =	sadd.s32 s0, s2;
	s21 =	sadd.s32 s0, s6;
	[dreg:$0x7] =	wrdreg s7  }
0x1c: {  	s25 =	sadd.s32 $0x100, s26;
	s6 =	simm.s32 $0x4;
	[dreg:$0xc] =	wrdreg s2  }
0x1d: {  	[dreg:$0xd] =	wrdreg s21;
	s22 =	sshrl.u32 s16, $0x3;
	s23 =	sshrl.u32 s17, $0x3  }
0x1e: {  	s7 =	simm.s32 $0x1;
	s16 =	simm.s32 $0x6;
	s2 =	sadd.s32 s0, s22  }
0x1f: {  	s17 =	simm.s32 $0x500;
	s22 =	sadd.s32 $0x1C0, s26;
	[dreg:$0xe] =	wrdreg s2  }
0x20: {  	s2 =	sadd.s32 s0, s23;
	s0 =	sadd.s32 s0, s24;
	s23 =	sadd.s32 $0x180, s26  }
0x21: {  	s24 =	sadd.s32 $0x140, s26;
	s26 =	simm.s32 $0x200;
	[dreg:$0xf] =	wrdreg s2  }
0x22: {  	v0 =	vimm.f32 $0.0e+00;
	[dreg:$0x10] =	wrdreg s0;
	s0 =	simm.s32 $0x800;
	s2 =	simm.s32 $0x4800  }
.LBB2_1:
0x23: {  	s9 =	rddreg [dreg:$0x4]  }
0x24: {  	[tilespmem:s3], [sflag:$0x3] =	stream.linear.gather [hbm4b:s9+s3], $0x200, $0x38;
	[tilespmem:$0x12820] =	vst v63  }
0x25: {  	s10 =	rddreg [dreg:$0x5]  }
0x26: {  	[tilespmem:s26], [sflag:$0x4] =	stream.linear.gather [hbm4b:s10+s3], $0x200, $0x38;
	[tilespmem:$0x12820] =	vst v63  }
0x27: {  	s20 =	rddreg [dreg:$0x6]  }
0x28: {  	[tilespmem:s28], [sflag:$0x5] =	stream.linear.gather [hbm4b:s20+s3], $0x200, $0x38;
	[tilespmem:$0x12820] =	vst v63  }
0x29: {  	s21 =	rddreg [dreg:$0x7]  }
0x2a: {  	[tilespmem:s29], [sflag:$0x6] =	stream.linear.gather [hbm4b:s21+s3], $0x200, $0x38;
	[tilespmem:$0x12820] =	vst v63  }
0x2b: {  	s20 =	simm.s32 $0x0;
	s21 =	simm.s32 $0x100  }
.LBB2_2:
0x2c: {  	p0 =	sne.s32 s21, $0x7F00;
	[tilespmem:s20+$0x4830] =	vst v0;
	s9 =	smov.u32 s21;
	s21 =	sadd.s32 $0x100, s21  }
.Ltmp0:
0x2d: {  	[tilespmem:s20+$0x4820] =	vst v0;
	(pc) =	sbr.rel @p0 .LBB2_2-.Ltmp0, $3  }
0x2e: {  	[tilespmem:s20+$0x4800] =	vst v0  }
0x2f: {  	[tilespmem:s20+$0x4810] =	vst v0;
	_ =	sdelay $0x1  }
0x30: {  	s20 =	sshra.s32 s9, $0x2  }
0x31: {  	[tilespmem:s20+$0x4830] =	vst v0  }
0x32: {  	[tilespmem:s20+$0x4820] =	vst v0  }
0x33: {  	[tilespmem:s20+$0x4800] =	vst v0  }
0x34: {  	[tilespmem:s20+$0x4810] =	vst v0  }
0x35: {  	_ =	swait.ge [sflag:s30], $0x200  }
0x36: {  	[sflag:s30] =	ssyncset.done $0x0  }
0x37: {  	s9 =	simm.s32 $0x0;
	[sflag:s30] =	ssyncadd.s32 $0xFFFFFE00  }
0x38: {  	[tilespmem:s0], [sflag:$0x1] =	stream.indirect.gather [hbm4b:s4+s31], $0x40, s9, s31, $0xb8;
	[tilespmem:$0x12820] =	vst v63  }
0x39: {  	s20 =	rddreg [dreg:$0x8]  }
0x3a: {  	[spmem:s20] =	stream.linear.scatter [tilespmem:s2], [sflag:$0x7], $0x2000, $0x38;
	[tilespmem:$0x12820] =	vst v63  }
0x3b: {  	_ =	swait.ge [sflag:s5], $0x2000  }
0x3c: {  	[sflag:s5] =	ssyncset.done $0x0  }
0x3d: {  	s21 =	rddreg [dreg:$0x9];
	[sflag:s5] =	ssyncadd.s32 $0xFFFFE000  }
0x3e: {  	[spmem:s21] =	stream.linear.scatter [tilespmem:s2], [sflag:$0x7], $0x2000, $0x38;
	[tilespmem:$0x12820] =	vst v63  }
0x3f: {  	_ =	swait.ge [sflag:s5], $0x2000  }
0x40: {  	[sflag:s5] =	ssyncset.done $0x0  }
0x41: {  	[sflag:s5] =	ssyncadd.s32 $0xFFFFE000  }
0x42: {  	[spmem:s11] =	stream.linear.scatter [tilespmem:s2], [sflag:$0x7], $0x2000, $0x38;
	[tilespmem:$0x12820] =	vst v63  }
0x43: {  	_ =	swait.ge [sflag:s5], $0x2000  }
0x44: {  	[sflag:s5] =	ssyncset.done $0x0  }
0x45: {  	[sflag:s5] =	ssyncadd.s32 $0xFFFFE000  }
0x46: {  	[spmem:s12] =	stream.linear.scatter [tilespmem:s2], [sflag:$0x7], $0x2000, $0x38;
	[tilespmem:$0x12820] =	vst v63  }
0x47: {  	_ =	swait.ge [sflag:s5], $0x2000  }
0x48: {  	[sflag:s5] =	ssyncset.done $0x0  }
0x49: {  	[sflag:s5] =	ssyncadd.s32 $0xFFFFE000  }
0x4a: {  	[spmem:s13] =	stream.linear.scatter [tilespmem:s2], [sflag:$0x7], $0x2000, $0x38;
	[tilespmem:$0x12820] =	vst v63  }
0x4b: {  	_ =	swait.ge [sflag:s5], $0x2000  }
0x4c: {  	[sflag:s5] =	ssyncset.done $0x0  }
0x4d: {  	[sflag:s5] =	ssyncadd.s32 $0xFFFFE000  }
0x4e: {  	[bflag:$0x0] =	sbarrier.arrive $0xFFFF  }
0x4f: {  	_ =	swait.ge [sflag:s6], $0x200  }
0x50: {  	[sflag:s6] =	ssyncset.done $0x0  }
0x51: {  	[sflag:s6] =	ssyncadd.s32 $0xFFFFFE00  }
0x52: {  	[tilespmem:s2], [sflag:$0x2] =	stream.indirect.gather [hbm4b:s4+s31], $0x40, s26, s31, $0xb8;
	[tilespmem:$0x12820] =	vst v63  }
0x53: {  	_ =	swait.ge [sflag:s7], $0x4000  }
0x54: {  	[sflag:s7] =	ssyncset.done $0x0  }
0x55: {  	[sflag:s7] =	ssyncadd.s32 $0xFFFFC000  }
0x56: {  	[spmem:s1] =	stream.indirect.scatter.add.f32 [tilespmem:s0], [sflag:$0x7], $0x40, s31, s31, $0xb8;
	[tilespmem:$0x12820] =	vst v63  }
0x57: {  	_ =	swait.ge [sflag:s5], $0x4000  }
0x58: {  	[sflag:s5] =	ssyncset.done $0x0  }
0x59: {  	s10 =	sadd.s32 $0x0, s25;
	[sflag:s5] =	ssyncadd.s32 $0xFFFFC000  }
0x5a: {  	[tilespmem:s3], [sflag:$0x3] =	stream.linear.gather [hbm4b:s10+s3], $0x200, $0x38;
	[tilespmem:$0x12820] =	vst v63  }
0x5b: {  	_ =	swait.ge [sflag:s8], $0x200  }
0x5c: {  	[sflag:s8] =	ssyncset.done $0x0  }
0x5d: {  	[sflag:s8] =	ssyncadd.s32 $0xFFFFFE00  }
0x5e: {  	[tilespmem:s0], [sflag:$0x1] =	stream.indirect.gather [hbm4b:s4+s31], $0x40, s28, s31, $0xb8;
	[tilespmem:$0x12820] =	vst v63  }
0x5f: {  	_ =	swait.ge [sflag:s15], $0x4000  }
0x60: {  	[sflag:s15] =	ssyncset.done $0x0  }
0x61: {  	[sflag:s15] =	ssyncadd.s32 $0xFFFFC000  }
0x62: {  	[spmem:s1] =	stream.indirect.scatter.add.f32 [tilespmem:s2], [sflag:$0x7], $0x40, s14, s31, $0xb8;
	[tilespmem:$0x12820] =	vst v63  }
0x63: {  	_ =	swait.ge [sflag:s5], $0x4000  }
0x64: {  	[sflag:s5] =	ssyncset.done $0x0  }
0x65: {  	s20 =	sadd.s32 $0x0, s24;
	[sflag:s5] =	ssyncadd.s32 $0xFFFFC000  }
0x66: {  	[tilespmem:s26], [sflag:$0x4] =	stream.linear.gather [hbm4b:s20+s3], $0x200, $0x38;
	[tilespmem:$0x12820] =	vst v63  }
0x67: {  	_ =	swait.ge [sflag:s16], $0x200  }
0x68: {  	[sflag:s16] =	ssyncset.done $0x0  }
0x69: {  	[sflag:s16] =	ssyncadd.s32 $0xFFFFFE00  }
0x6a: {  	[tilespmem:s2], [sflag:$0x2] =	stream.indirect.gather [hbm4b:s4+s31], $0x40, s29, s31, $0xb8;
	[tilespmem:$0x12820] =	vst v63  }
0x6b: {  	_ =	swait.ge [sflag:s7], $0x4000  }
0x6c: {  	[sflag:s7] =	ssyncset.done $0x0  }
0x6d: {  	[sflag:s7] =	ssyncadd.s32 $0xFFFFC000  }
0x6e: {  	[spmem:s1] =	stream.indirect.scatter.add.f32 [tilespmem:s0], [sflag:$0x7], $0x40, s17, s31, $0xb8;
	[tilespmem:$0x12820] =	vst v63  }
0x6f: {  	_ =	swait.ge [sflag:s5], $0x4000  }
0x70: {  	[sflag:s5] =	ssyncset.done $0x0  }
0x71: {  	s21 =	sadd.s32 $0x0, s23;
	[sflag:s5] =	ssyncadd.s32 $0xFFFFC000  }
0x72: {  	[tilespmem:s28], [sflag:$0x5] =	stream.linear.gather [hbm4b:s21+s3], $0x200, $0x38;
	[tilespmem:$0x12820] =	vst v63  }
0x73: {  	_ =	swait.ge [sflag:s30], $0x200  }
0x74: {  	[sflag:s30] =	ssyncset.done $0x0  }
0x75: {  	[sflag:s30] =	ssyncadd.s32 $0xFFFFFE00  }
0x76: {  	[tilespmem:s0], [sflag:$0x1] =	stream.indirect.gather [hbm4b:s4+s31], $0x40, s3, s31, $0xb8;
	[tilespmem:$0x12820] =	vst v63  }
0x77: {  	_ =	swait.ge [sflag:s15], $0x4000  }
0x78: {  	[sflag:s15] =	ssyncset.done $0x0  }
0x79: {  	[sflag:s15] =	ssyncadd.s32 $0xFFFFC000  }
0x7a: {  	[spmem:s1] =	stream.indirect.scatter.add.f32 [tilespmem:s2], [sflag:$0x7], $0x40, s18, s31, $0xb8;
	[tilespmem:$0x12820] =	vst v63  }
0x7b: {  	p0 =	por $0x0, $0x0;
	_ =	swait.ge [sflag:s5], $0x4000  }
0x7c: {  	s9 =	sadd.s32 @!p0 $0x0, s22;
	[sflag:s5] =	ssyncset.done $0x0  }
0x7d: {  	s20 =	simm.s32 @!p0 $0x0;
	s21 =	simm.s32 @!p0 $0x600;
	[sflag:s5] =	ssyncadd.s32 $0xFFFFC000  }
0x7e: {  	[tilespmem:s21], [sflag:$0x6] =	stream.linear.gather @!p0 [hbm4b:s9+s20], $0x200, $0x38;
	[tilespmem:$0x12820] =	vst v63  }
0x7f: {  	_ =	swait.ge [sflag:s6], $0x200  }
0x80: {  	s20 =	simm.s32 $0x100;
	[sflag:s6] =	ssyncset.done $0x0  }
.LBB2_4:
0x81: {  	[sflag:s6] =	ssyncadd.s32 $0xFFFFFE00;
	s21 =	smov.u32 s20;
	s20 =	sadd.s32 $0x100, s20  }
0x82: {  	[tilespmem:s2], [sflag:$0x2] =	stream.indirect.gather [hbm4b:s4+s31], $0x40, s26, s31, $0xb8;
	[tilespmem:$0x12820] =	vst v63  }
0x83: {  	p0 =	sne.s32 s20, $0x900;
	_ =	swait.ge [sflag:s7], $0x4000  }
0x84: {  	[sflag:s7] =	ssyncset.done $0x0  }
0x85: {  	[sflag:s7] =	ssyncadd.s32 $0xFFFFC000  }
0x86: {  	[spmem:s1] =	stream.indirect.scatter.add.f32 [tilespmem:s0], [sflag:$0x7], $0x40, s31, s31, $0xb8;
	[tilespmem:$0x12820] =	vst v63  }
0x87: {  	_ =	swait.ge [sflag:s5], $0x4000  }
0x88: {  	[sflag:s5] =	ssyncset.done $0x0  }
0x89: {  	s9 =	sadd.s32 s21, s25;
	[sflag:s5] =	ssyncadd.s32 $0xFFFFC000  }
0x8a: {  	[tilespmem:s3], [sflag:$0x3] =	stream.linear.gather [hbm4b:s9+s3], $0x200, $0x38;
	[tilespmem:$0x12820] =	vst v63  }
0x8b: {  	_ =	swait.ge [sflag:s8], $0x200  }
0x8c: {  	[sflag:s8] =	ssyncset.done $0x0  }
0x8d: {  	[sflag:s8] =	ssyncadd.s32 $0xFFFFFE00  }
0x8e: {  	[tilespmem:s0], [sflag:$0x1] =	stream.indirect.gather [hbm4b:s4+s31], $0x40, s28, s31, $0xb8;
	[tilespmem:$0x12820] =	vst v63  }
0x8f: {  	_ =	swait.ge [sflag:s15], $0x4000  }
0x90: {  	[sflag:s15] =	ssyncset.done $0x0  }
0x91: {  	[sflag:s15] =	ssyncadd.s32 $0xFFFFC000  }
0x92: {  	[spmem:s1] =	stream.indirect.scatter.add.f32 [tilespmem:s2], [sflag:$0x7], $0x40, s14, s31, $0xb8;
	[tilespmem:$0x12820] =	vst v63  }
0x93: {  	_ =	swait.ge [sflag:s5], $0x4000  }
0x94: {  	[sflag:s5] =	ssyncset.done $0x0  }
0x95: {  	s9 =	sadd.s32 s21, s24;
	[sflag:s5] =	ssyncadd.s32 $0xFFFFC000  }
0x96: {  	[tilespmem:s26], [sflag:$0x4] =	stream.linear.gather [hbm4b:s9+s3], $0x200, $0x38;
	[tilespmem:$0x12820] =	vst v63  }
0x97: {  	_ =	swait.ge [sflag:s16], $0x200  }
0x98: {  	[sflag:s16] =	ssyncset.done $0x0  }
0x99: {  	[sflag:s16] =	ssyncadd.s32 $0xFFFFFE00  }
0x9a: {  	[tilespmem:s2], [sflag:$0x2] =	stream.indirect.gather [hbm4b:s4+s31], $0x40, s29, s31, $0xb8;
	[tilespmem:$0x12820] =	vst v63  }
0x9b: {  	_ =	swait.ge [sflag:s7], $0x4000  }
0x9c: {  	[sflag:s7] =	ssyncset.done $0x0  }
0x9d: {  	[sflag:s7] =	ssyncadd.s32 $0xFFFFC000  }
0x9e: {  	[spmem:s1] =	stream.indirect.scatter.add.f32 [tilespmem:s0], [sflag:$0x7], $0x40, s17, s31, $0xb8;
	[tilespmem:$0x12820] =	vst v63  }
0x9f: {  	_ =	swait.ge [sflag:s5], $0x4000  }
0xa0: {  	[sflag:s5] =	ssyncset.done $0x0  }
0xa1: {  	s9 =	sadd.s32 s21, s23;
	[sflag:s5] =	ssyncadd.s32 $0xFFFFC000  }
0xa2: {  	[tilespmem:s28], [sflag:$0x5] =	stream.linear.gather [hbm4b:s9+s3], $0x200, $0x38;
	[tilespmem:$0x12820] =	vst v63  }
0xa3: {  	_ =	swait.ge [sflag:s30], $0x200  }
0xa4: {  	[sflag:s30] =	ssyncset.done $0x0  }
0xa5: {  	[sflag:s30] =	ssyncadd.s32 $0xFFFFFE00  }
0xa6: {  	[tilespmem:s0], [sflag:$0x1] =	stream.indirect.gather [hbm4b:s4+s31], $0x40, s3, s31, $0xb8;
	[tilespmem:$0x12820] =	vst v63  }
0xa7: {  	_ =	swait.ge [sflag:s15], $0x4000  }
0xa8: {  	[sflag:s15] =	ssyncset.done $0x0  }
0xa9: {  	[sflag:s15] =	ssyncadd.s32 $0xFFFFC000  }
0xaa: {  	[spmem:s1] =	stream.indirect.scatter.add.f32 [tilespmem:s2], [sflag:$0x7], $0x40, s18, s31, $0xb8;
	[tilespmem:$0x12820] =	vst v63  }
0xab: {  	p1 =	seq.s32 s21, $0x800;
	_ =	swait.ge [sflag:s5], $0x4000  }
0xac: {  	s9 =	sadd.s32 @!p1 s21, s22;
	[sflag:s5] =	ssyncset.done $0x0  }
.Ltmp1:
0xad: {  	s21 =	simm.s32 @!p1 $0x0;
	[sflag:s5] =	ssyncadd.s32 $0xFFFFC000;
	(pc) =	sbr.rel @p0 .LBB2_4-.Ltmp1, $4  }
0xae: {  	s10 =	simm.s32 @!p1 $0x600  }
0xaf: {  	[tilespmem:s10], [sflag:$0x6] =	stream.linear.gather @!p1 [hbm4b:s9+s21], $0x200, $0x38;
	[tilespmem:$0x12820] =	vst v63  }
0xb0: {  	_ =	swait.ge [sflag:s6], $0x200  }
0xb1: {  	[sflag:s6] =	ssyncset.done $0x0  }
0xb2: {  	[sflag:s6] =	ssyncadd.s32 $0xFFFFFE00  }
0xb3: {  	[tilespmem:s2], [sflag:$0x2] =	stream.indirect.gather [hbm4b:s4+s31], $0x40, s26, s31, $0xb8;
	[tilespmem:$0x12820] =	vst v63  }
0xb4: {  	_ =	swait.ge [sflag:s7], $0x4000  }
0xb5: {  	[sflag:s7] =	ssyncset.done $0x0  }
0xb6: {  	[sflag:s7] =	ssyncadd.s32 $0xFFFFC000  }
0xb7: {  	[spmem:s1] =	stream.indirect.scatter.add.f32 [tilespmem:s0], [sflag:$0x7], $0x40, s31, s31, $0xb8;
	[tilespmem:$0x12820] =	vst v63  }
0xb8: {  	_ =	swait.ge [sflag:s5], $0x4000  }
0xb9: {  	[sflag:s5] =	ssyncset.done $0x0  }
0xba: {  	[sflag:s5] =	ssyncadd.s32 $0xFFFFC000  }
0xbb: {  	_ =	swait.ge [sflag:s8], $0x200  }
0xbc: {  	[sflag:s8] =	ssyncset.done $0x0  }
0xbd: {  	[sflag:s8] =	ssyncadd.s32 $0xFFFFFE00  }
0xbe: {  	[tilespmem:s0], [sflag:$0x1] =	stream.indirect.gather [hbm4b:s4+s31], $0x40, s28, s31, $0xb8;
	[tilespmem:$0x12820] =	vst v63  }
0xbf: {  	_ =	swait.ge [sflag:s15], $0x4000  }
0xc0: {  	[sflag:s15] =	ssyncset.done $0x0  }
0xc1: {  	[sflag:s15] =	ssyncadd.s32 $0xFFFFC000  }
0xc2: {  	[spmem:s1] =	stream.indirect.scatter.add.f32 [tilespmem:s2], [sflag:$0x7], $0x40, s14, s31, $0xb8;
	[tilespmem:$0x12820] =	vst v63  }
0xc3: {  	_ =	swait.ge [sflag:s5], $0x4000  }
0xc4: {  	[sflag:s5] =	ssyncset.done $0x0  }
0xc5: {  	[sflag:s5] =	ssyncadd.s32 $0xFFFFC000  }
0xc6: {  	_ =	swait.ge [sflag:s7], $0x4000  }
0xc7: {  	[sflag:s7] =	ssyncset.done $0x0  }
0xc8: {  	[sflag:s7] =	ssyncadd.s32 $0xFFFFC000  }
0xc9: {  	[spmem:s1] =	stream.indirect.scatter.add.f32 [tilespmem:s0], [sflag:$0x7], $0x40, s17, s31, $0xb8;
	[tilespmem:$0x12820] =	vst v63  }
0xca: {  	_ =	swait.ge [sflag:s5], $0x4000  }
0xcb: {  	[sflag:s5] =	ssyncset.done $0x0  }
0xcc: {  	s10 =	simm.s32 $0x8800;
	s9 =	rddreg [dreg:$0xa];
	[sflag:s5] =	ssyncadd.s32 $0xFFFFC000  }
0xcd: {  	[tilespmem:s10], [sflag:$0x7] =	stream.linear.gather [hbm4b:s9+s3], $0x10, $0x38;
	[tilespmem:$0x12820] =	vst v63  }
0xce: {  	_ =	swait.ge [sflag:s5], $0x10  }
0xcf: {  	[sflag:s5] =	ssyncset.done $0x0  }
0xd0: {  	s20 =	simm.s32 $0x8810;
	s21 =	rddreg [dreg:$0xb];
	[sflag:s5] =	ssyncadd.s32 $0xFFFFFFF0  }
0xd1: {  	[tilespmem:s20], [sflag:$0x7] =	stream.linear.gather [hbm4b:s21+s3], $0x10, $0x38;
	[tilespmem:$0x12820] =	vst v63  }
0xd2: {  	_ =	swait.ge [sflag:s5], $0x10  }
0xd3: {  	[sflag:s5] =	ssyncset.done $0x0  }
0xd4: {  	s21 =	simm.s32 $0x10;
	[sflag:s5] =	ssyncadd.s32 $0xFFFFFFF0  }
0xd5: {  	[tilespmem:s0], [sflag:$0x1] =	stream.indirect.gather [hbm4b:s4+s21], $0x40, s10, s21, $0xb8;
	[tilespmem:$0x12820] =	vst v63  }
0xd6: {  	_ =	swait.ge [sflag:s7], $0x400  }
0xd7: {  	[sflag:s7] =	ssyncset.done $0x0  }
0xd8: {  	[sflag:s7] =	ssyncadd.s32 $0xFFFFFC00  }
0xd9: {  	[spmem:s1] =	stream.indirect.scatter.add.f32 [tilespmem:s0], [sflag:$0x7], $0x40, s20, s21, $0xb8;
	[tilespmem:$0x12820] =	vst v63  }
0xda: {  	_ =	swait.ge [sflag:s5], $0x400  }
0xdb: {  	[sflag:s5] =	ssyncset.done $0x0  }
0xdc: {  	[sflag:s5] =	ssyncadd.s32 $0xFFFFFC00  }
0xdd: {  	s10 =	stileid.u32;
	[bflag:$0x0] =	sbarrier.arrive $0xFFFF  }
0xde: {  	s9 =	sshll.u32 s10, $0x6;
	s20 =	rddreg [dreg:$0x8]  }
0xdf: {  	s9 =	sor.u32 $0x1C07, s9;
	s21 =	rddreg [dreg:$0xc];
	s10 =	sshrl.u32 s20, $0x3  }
0xe0: {  	[hbm:s21], [sflag:s9] =	dma.local [spmem:s10], $0x400  }
0xe1: {  	_ =	swait.ge [sflag:s5], $0x400  }
0xe2: {  	[sflag:s5] =	ssyncset.done $0x0;
	s20 =	rddreg [dreg:$0x9]  }
0xe3: {  	s21 =	rddreg [dreg:$0xd];
	[sflag:s5] =	ssyncadd.s32 $0xFFFFFC00;
	s10 =	sshrl.u32 s20, $0x3  }
0xe4: {  	[hbm:s21], [sflag:s9] =	dma.local [spmem:s10], $0x400  }
0xe5: {  	_ =	swait.ge [sflag:s5], $0x400  }
0xe6: {  	[sflag:s5] =	ssyncset.done $0x0  }
0xe7: {  	s20 =	sshrl.u32 s11, $0x3;
	s21 =	rddreg [dreg:$0xe];
	[sflag:s5] =	ssyncadd.s32 $0xFFFFFC00  }
0xe8: {  	[hbm:s21], [sflag:s9] =	dma.local [spmem:s20], $0x400  }
0xe9: {  	_ =	swait.ge [sflag:s5], $0x400  }
0xea: {  	[sflag:s5] =	ssyncset.done $0x0  }
0xeb: {  	s20 =	sshrl.u32 s12, $0x3;
	s21 =	rddreg [dreg:$0xf];
	[sflag:s5] =	ssyncadd.s32 $0xFFFFFC00  }
0xec: {  	[hbm:s21], [sflag:s9] =	dma.local [spmem:s20], $0x400  }
0xed: {  	_ =	swait.ge [sflag:s5], $0x400  }
0xee: {  	[sflag:s5] =	ssyncset.done $0x0  }
0xef: {  	s20 =	sshrl.u32 s13, $0x3;
	s21 =	rddreg [dreg:$0x10];
	[sflag:s5] =	ssyncadd.s32 $0xFFFFFC00  }
0xf0: {  	[hbm:s21], [sflag:s9] =	dma.local [spmem:s20], $0x400  }
0xf1: {  	_ =	swait.ge [sflag:s5], $0x400  }
0xf2: {  	s19 =	sadd.s32 $0x1, s19;
	s21 =	rddreg [dreg:$0x11]  }
0xf3: {  	p0 =	sne.s32 s19, s21  }
.Ltmp2:
0xf4: {  	_ = 	snop;
	(pc) =	sbr.rel @p0 .LBB2_1-.Ltmp2, $3  }
0xf5: {  	_ =	sdelay $0x1  }
0xf6: {  	[sflag:s5] =	ssyncset.done $0x0  }
0xf7: {  	[sflag:s5] =	ssyncadd.s32 $0xFFFFFC00  }
0xf8: {  	_ =	sfence.sel $0x180000  }
0xf9: {  	[bflag:$0x0] =	sbarrier.arrive $0xFFFF  }
0xfa: {  	_ =	strace $0x90000050  }
0xfb: {  	s0 =	stileid.u32;
	[bflag:$0x2] =	sbarrier.arrive $0xFFFF  }
0xfc: {  	p0 =	sne.s32 s0, $0x0;
	s0 =	rddreg [dreg:$0x3]  }
0xfd: {  	s0 =	sadd.s32 @!p0 $0x100000, s0  }
0xfe: {  	[sflag:s0] =	ssyncadd.tile.s32 @!p0 $0x1;
	_ =	shalt  }
.Lfunc_end2:
_tile_overlayer_lowered:
.L_overlay_start_2:
0xff: {  	(tag) =	ssettag $0x2  }
0x100: {  	s0 =	rddreg [dreg:$0x0];
	s2 =	stileid.u32  }
0x101: {  	s1 =	rddreg [dreg:$0x1];
	p0 =	sne.s32 s2, $0x0  }
0x102: {  	s3 =	rddreg [dreg:$0x2];
	[bflag:$0x3] =	sbarrier.arrive $0xFFFF;
	s2 =	simm.s32 @!p0 $0x1C07  }
0x103: {  	[timem:s3], [sflag:s2] =	dma.local @!p0 [hbm:s0], s1  }
0x104: {  	s0 =	simm.s32 @!p0 $0x7  }
0x105: {  	_ =	swait.ge @!p0 [sflag:s0], s1  }
0x106: {  	s1 =	ssub.s32 @!p0 $0x0, s1;
	[sflag:s0] =	ssyncset.done @!p0 $0x0  }
0x107: {  	[sflag:s0] =	ssyncadd.s32 @!p0 s1  }
0x108: {  	[bflag:$0x3] =	sbarrier.arrive $0xFFFF  }
0x109: {  	_ =	shalt  }

</sc_bundles>
